<compile_context>
chip_gen: v7x
topology: tpu7x:2x2x1
jax: 0.10.2.dev20260603
libtpu: 0.0.44.dev20260713+nightly
codegen_flags: <defaults>
</compile_context>

<pallas_src>
import functools

import jax
import jax.numpy as jnp
from jax import lax
from jax.experimental import pallas as pl
from jax.experimental.pallas import tpu as pltpu
from jax.experimental.pallas import tpu_sc as plsc

N = 10000
E = 320000
D = 128
DH = D // 2

NC = 2
NS = 16
CHUNK = 64
NBUF = 8
G_AHEAD = 6
K = -(-E // (NS * CHUNK))
E_PAD = NS * K * CHUNK
ACC_ROWS = N + 8
HIST = N + 16
ROWS_A = 632
ROWS_LAST = N - 15 * ROWS_A
ZROWS_LAST = ACC_ROWS - 15 * ROWS_A


def _zero_chunks(total):
    out, off = [], 0
    while off < total:
        sz = min(CHUNK, total - off)
        out.append((off, sz))
        off += sz
    return out


_SC_PARAMS = pltpu.CompilerParams(needs_layout_passes=False,
                                  use_tc_tiling_on_sc=False)


@functools.cache
def _make_sc_scatter(with_deg: bool):
    mesh = plsc.VectorSubcoreMesh(core_axis_name="c", subcore_axis_name="s",
                                  num_cores=NC, num_subcores=NS)
    out_type = [jax.ShapeDtypeStruct((NC, N, DH), jnp.float32)]
    if with_deg:
        out_type.append(jax.ShapeDtypeStruct((NS * N,), jnp.float32))

    scratch = [
        pltpu.VMEM((K, CHUNK), jnp.int32),
        pltpu.VMEM((K, CHUNK), jnp.int32),
        pltpu.VMEM((NBUF, CHUNK, DH), jnp.float32),
    ]
    if with_deg:
        scratch.append(pltpu.VMEM((HIST,), jnp.float32))
    scratch += [
        pltpu.VMEM_SHARED((ACC_ROWS, DH), jnp.float32),
        pltpu.SemaphoreType.DMA,
        pltpu.SemaphoreType.DMA,
    ]

    def body(x_h, src_hbm, dst_hbm, *rest):
        if with_deg:
            (s_out, deg_out, src_v, dst_v, rows_v, hist_v,
             acc_sh, gsem, ssem) = rest
        else:
            (s_out, src_v, dst_v, rows_v,
             acc_sh, gsem, ssem) = rest
            deg_out = hist_v = None

        cid = lax.axis_index("c")
        sid = lax.axis_index("s")

        zeros16 = jnp.zeros((16,), jnp.float32)
        ones16 = jnp.ones((16,), jnp.float32)

        @pl.loop(0, CHUNK)
        def _(i):
            for j in range(DH // 16):
                rows_v[0, i, pl.ds(j * 16, 16)] = zeros16

        if with_deg:
            @pl.loop(0, HIST // 16)
            def _(i):
                hist_v[pl.ds(i * 16, 16)] = zeros16

        pltpu.sync_copy(src_hbm.at[sid], src_v)
        pltpu.sync_copy(dst_hbm.at[sid], dst_v)

        @pl.when(sid < NS - 1)
        def _():
            base = sid * ROWS_A
            for off, sz in _zero_chunks(ROWS_A):
                pltpu.sync_copy(rows_v.at[0, pl.ds(0, sz)],
                                acc_sh.at[pl.ds(base + off, sz)])

        @pl.when(sid == NS - 1)
        def _():
            base = (NS - 1) * ROWS_A
            for off, sz in _zero_chunks(ZROWS_LAST):
                pltpu.sync_copy(rows_v.at[0, pl.ds(0, sz)],
                                acc_sh.at[pl.ds(base + off, sz)])

        plsc.subcore_barrier()

        def edge_loop(xref, hist):
            def g_start(j, b):
                pltpu.async_copy(xref.at[src_v.at[j]], rows_v.at[b], gsem)

            def s_start(j, b):
                pltpu.async_copy(rows_v.at[b], acc_sh.at[dst_v.at[j]],
                                 ssem, add=True)

            def wait_chunk(sem):
                pltpu.make_async_copy(xref.at[pl.ds(0, CHUNK)],
                                      rows_v.at[0], sem).wait()

            W = NBUF - G_AHEAD
            for p in range(G_AHEAD):
                g_start(p, p)

            @pl.loop(0, K)
            def _(j):
                wait_chunk(gsem)
                s_start(j, lax.rem(j, NBUF))
                if hist is not None:
                    for g in range(CHUNK // 16):
                        idx = dst_v[j, pl.ds(g * 16, 16)]
                        plsc.addupdate_scatter(hist, [idx], ones16)

                jn = j + G_AHEAD
                @pl.when(jn < K)
                def _():
                    @pl.when(j >= W)
                    def _():
                        wait_chunk(ssem)
                    g_start(jn, lax.rem(jn, NBUF))

            for _i in range(NBUF):
                wait_chunk(ssem)

        @pl.when(cid == 0)
        def _():
            edge_loop(x_h.at[0], hist_v)

        @pl.when(cid == 1)
        def _():
            edge_loop(x_h.at[1], None)

        plsc.subcore_barrier()

        @pl.when(sid < NS - 1)
        def _():
            base = sid * ROWS_A
            pltpu.sync_copy(acc_sh.at[pl.ds(base, ROWS_A)],
                            s_out.at[cid, pl.ds(base, ROWS_A)])

        @pl.when(sid == NS - 1)
        def _():
            base = (NS - 1) * ROWS_A
            pltpu.sync_copy(acc_sh.at[pl.ds(base, ROWS_LAST)],
                            s_out.at[cid, pl.ds(base, ROWS_LAST)])

        if with_deg:
            @pl.when(cid == 0)
            def _():
                pltpu.sync_copy(hist_v.at[pl.ds(0, N)],
                                deg_out.at[pl.ds(sid * N, N)])

    return pl.kernel(body, out_type=tuple(out_type), mesh=mesh,
                     scratch_types=scratch, compiler_params=_SC_PARAMS,
                     name=f"sage_scatter{'_deg' if with_deg else ''}")


_TC_R = 2000
_DOT = functools.partial(jnp.dot, preferred_element_type=jnp.float32)


def _tc_self_body(full_in, x_ref, ws_ref, b_ref, o_ref):
    if full_in:
        o_ref[...] = _DOT(x_ref[...], ws_ref[...]) + b_ref[...]
    else:
        o_ref[...] = (_DOT(x_ref[0], ws_ref[0:DH, :])
                      + _DOT(x_ref[1], ws_ref[DH:D, :]) + b_ref[...])


def _tc_self(x, w_self, b, full_in):
    x_spec = (pl.BlockSpec((_TC_R, D), lambda i: (i, 0)) if full_in
              else pl.BlockSpec((NC, _TC_R, DH), lambda i: (0, i, 0)))
    return pl.pallas_call(
        functools.partial(_tc_self_body, full_in),
        grid=(N // _TC_R,),
        in_specs=[
            x_spec,
            pl.BlockSpec((D, D), lambda i: (0, 0)),
            pl.BlockSpec((1, D), lambda i: (0, 0)),
        ],
        out_specs=pl.BlockSpec((_TC_R, D), lambda i: (i, 0)),
        out_shape=jax.ShapeDtypeStruct((N, D), jnp.float32),
    )(x, w_self, b)


def _tc_neigh_body(full_out, self_ref, s_ref, deg_ref, wn_ref, o_ref):
    deg = jnp.sum(deg_ref[...], axis=1, keepdims=True)
    rinv = 1.0 / jnp.maximum(deg, 1.0)
    o = (self_ref[...]
         + _DOT(s_ref[0] * rinv, wn_ref[0:DH, :])
         + _DOT(s_ref[1] * rinv, wn_ref[DH:D, :]))
    if full_out:
        o_ref[...] = o
    else:
        o_ref[0] = o[:, 0:DH]
        o_ref[1] = o[:, DH:D]


def _tc_neigh(self_full, s_h, deg_t, w_neigh, full_out):
    if full_out:
        out_spec = pl.BlockSpec((_TC_R, D), lambda i: (i, 0))
        out_shape = jax.ShapeDtypeStruct((N, D), jnp.float32)
    else:
        out_spec = pl.BlockSpec((NC, _TC_R, DH), lambda i: (0, i, 0))
        out_shape = jax.ShapeDtypeStruct((NC, N, DH), jnp.float32)
    return pl.pallas_call(
        functools.partial(_tc_neigh_body, full_out),
        grid=(N // _TC_R,),
        in_specs=[
            pl.BlockSpec((_TC_R, D), lambda i: (i, 0)),
            pl.BlockSpec((NC, _TC_R, DH), lambda i: (0, i, 0)),
            pl.BlockSpec((_TC_R, NS), lambda i: (i, 0)),
            pl.BlockSpec((D, D), lambda i: (0, 0)),
        ],
        out_specs=out_spec,
        out_shape=out_shape,
    )(self_full, s_h, deg_t, w_neigh)


@jax.jit
def kernel(h, edge_index, W_self1, W_neigh1, b1, W_self2, W_neigh2, b2):
    src = edge_index[0].astype(jnp.int32)
    dst = edge_index[1].astype(jnp.int32)
    pad = E_PAD - E
    src_t = jnp.concatenate([src, jnp.zeros((pad,), jnp.int32)]
                            ).reshape(NS, K, CHUNK)
    dst_t = jnp.concatenate([dst, jnp.full((pad,), N, jnp.int32)]
                            ).reshape(NS, K, CHUNK)

    h_h = jnp.stack([h[:, 0:DH], h[:, DH:D]])

    s1_h, deg_flat = _make_sc_scatter(True)(h_h, src_t, dst_t)
    self1 = _tc_self(h, W_self1, b1.reshape(1, D), full_in=True)
    deg_t = deg_flat.reshape(NS, N).T
    out1_h = _tc_neigh(self1, s1_h, deg_t, W_neigh1, full_out=False)
    (s2_h,) = _make_sc_scatter(False)(out1_h, src_t, dst_t)
    self2 = _tc_self(out1_h, W_self2, b2.reshape(1, D), full_in=False)
    out2 = _tc_neigh(self2, s2_h, deg_t, W_neigh2, full_out=True)
    return out2

# --- scband reference (transcript-rebuilt; emitter-appended) ---
"""Pipeline reference for scband-graph-nsage-54640573940275 (READ-ONLY COPY).

The authoritative reference and input builder live on the scoring server;
editing this copy changes nothing except your own understanding.
"""

import jax, jax.numpy as jnp
import numpy as np

N = 10000
E = 320000
D = 128


def setup_inputs(seed: int = 0) -> dict:
    key = jax.random.key(seed)
    ks = jax.random.split(key, 9)
    h = jax.random.normal(ks[0], (N, D), dtype=jnp.float32)
    edge_index = jax.random.randint(ks[1], (2, E), 0, N)
    scale = 1.0 / np.sqrt(D)
    W_self1 = jax.random.normal(ks[2], (D, D), dtype=jnp.float32) * scale
    W_neigh1 = jax.random.normal(ks[3], (D, D), dtype=jnp.float32) * scale
    b1 = jnp.zeros((D,), dtype=jnp.float32)
    W_self2 = jax.random.normal(ks[4], (D, D), dtype=jnp.float32) * scale
    W_neigh2 = jax.random.normal(ks[5], (D, D), dtype=jnp.float32) * scale
    b2 = jnp.zeros((D,), dtype=jnp.float32)
    return {
        "h": h,
        "edge_index": edge_index,
        "W_self1": W_self1,
        "W_neigh1": W_neigh1,
        "b1": b1,
        "W_self2": W_self2,
        "W_neigh2": W_neigh2,
        "b2": b2,
    }


def _sage_conv(h, edge_index, W_self, W_neigh, b):
    # DGL SAGEConv with aggregator_type='mean':
    # rst = fc_self(h_dst) + fc_neigh(mean_{j in N(i)} h_src_j) + bias
    src = edge_index[0]
    dst = edge_index[1]
    msg = jnp.take(h, src, axis=0)                       # gather (SparseCore)
    summed = jax.ops.segment_sum(msg, dst, num_segments=N)  # scatter-add
    ones = jnp.ones((E,), dtype=h.dtype)
    deg = jax.ops.segment_sum(ones, dst, num_segments=N)
    mean = summed / jnp.clip(deg, 1.0)[:, None]
    return h @ W_self + mean @ W_neigh + b


def reference(h, edge_index, W_self1, W_neigh1, b1, W_self2, W_neigh2, b2):
    # GraphNSAGE.forward: sequentially apply each SAGEConv (no activation, drop unused)
    h = _sage_conv(h, edge_index, W_self1, W_neigh1, b1)
    h = _sage_conv(h, edge_index, W_self2, W_neigh2, b2)
    return h

if __name__ == "__main__":
    import jax
    _d = setup_inputs()
    print(jax.jit(kernel)(*tuple(_d.values())))

</pallas_src>

<mosaic_0001>
#map = affine_map<(d0, d1) -> (0, 0, 0)>
#map1 = affine_map<(d0, d1) -> (0)>
module attributes {stable_mosaic.version = 14 : i64} {
  func.func @sage_scatter_deg(%arg0: i32, %arg1: i32, %arg2: memref<2x10000x64xf32, #tpu.memory_space<hbm>>, %arg3: memref<16x313x64xi32, #tpu.memory_space<hbm>>, %arg4: memref<16x313x64xi32, #tpu.memory_space<hbm>>, %arg5: memref<2x10000x64xf32, #tpu.memory_space<hbm>>, %arg6: memref<160000xf32, #tpu.memory_space<hbm>>, %arg7: memref<313x64xi32, #tpu.memory_space<vmem>>, %arg8: memref<313x64xi32, #tpu.memory_space<vmem>>, %arg9: memref<8x64x64xf32, #tpu.memory_space<vmem>>, %arg10: memref<10016xf32, #tpu.memory_space<vmem>>, %arg11: memref<10008x64xf32, #tpu.memory_space<vmem_shared>>, %arg12: memref<!tpu.dma_semaphore, #tpu.memory_space<semaphore_mem>>, %arg13: memref<!tpu.dma_semaphore, #tpu.memory_space<semaphore_mem>>) attributes {dimension_semantics = [#tpu.dimension_semantics<core_parallel>, #tpu.dimension_semantics<subcore_parallel>], iteration_bounds = array<i64: 2, 16>, scalar_prefetch = 0 : i64, scratch_operands = 7 : i64, tpu.core_type = #tpu.core_type<sc_vector_subcore>, window_params = [{transform_indices = #map}, {transform_indices = #map}, {transform_indices = #map}, {transform_indices = #map}, {transform_indices = #map1}]} {
    %broadcast_in_dim3A = arith.constant 0.000000e+00 : f32
    %broadcast_in_dim3A_0 = vector.broadcast %broadcast_in_dim3A : f32 to vector<16xf32>
    %broadcast_in_dim3A_1 = arith.constant 1.000000e+00 : f32
    %broadcast_in_dim3A_2 = vector.broadcast %broadcast_in_dim3A_1 : f32 to vector<16xf32>
    %scan3A = arith.constant 0 : i32
    %scan3A_3 = arith.constant 64 : i32
    %scan3A_4 = arith.addi %scan3A, %scan3A_3 : i32
    %scan3A_5 = arith.constant 1 : i32
    scf.for %scan3A_44 = %scan3A to %scan3A_4 step %scan3A_5  : i32 {
      %mul3A = arith.constant 1 : i32
      %mul3A_45 = arith.muli %scan3A_44, %mul3A : i32
      %add3A = arith.constant 0 : i32
      %add3A_46 = arith.addi %add3A, %mul3A_45 : i32
      %swap3A = arith.constant 0 : i32
      %swap3A_47 = arith.index_cast %swap3A : i32 to index
      %swap3A_48 = arith.index_cast %add3A_46 : i32 to index
      %swap3A_49 = arith.constant 0 : index
      %swap3A_50 = tpu.vector_load %arg9[%swap3A_47, %swap3A_48, %swap3A_49] {strides = array<i32>} : memref<8x64x64xf32, #tpu.memory_space<vmem>>, vector<16xf32>,
      tpu.vector_store %arg9[%swap3A_47, %swap3A_48, %swap3A_49], %broadcast_in_dim3A_0 {strides = array<i32>} : memref<8x64x64xf32, #tpu.memory_space<vmem>>, vector<16xf32>,
      %swap3A_51 = arith.constant 0 : i32
      %swap3A_52 = arith.index_cast %swap3A_51 : i32 to index
      %swap3A_53 = arith.index_cast %add3A_46 : i32 to index
      %swap3A_54 = arith.constant 16 : index
      %swap3A_55 = tpu.vector_load %arg9[%swap3A_52, %swap3A_53, %swap3A_54] {strides = array<i32>} : memref<8x64x64xf32, #tpu.memory_space<vmem>>, vector<16xf32>,
      tpu.vector_store %arg9[%swap3A_52, %swap3A_53, %swap3A_54], %broadcast_in_dim3A_0 {strides = array<i32>} : memref<8x64x64xf32, #tpu.memory_space<vmem>>, vector<16xf32>,
      %swap3A_56 = arith.constant 0 : i32
      %swap3A_57 = arith.index_cast %swap3A_56 : i32 to index
      %swap3A_58 = arith.index_cast %add3A_46 : i32 to index
      %swap3A_59 = arith.constant 32 : index
      %swap3A_60 = tpu.vector_load %arg9[%swap3A_57, %swap3A_58, %swap3A_59] {strides = array<i32>} : memref<8x64x64xf32, #tpu.memory_space<vmem>>, vector<16xf32>,
      tpu.vector_store %arg9[%swap3A_57, %swap3A_58, %swap3A_59], %broadcast_in_dim3A_0 {strides = array<i32>} : memref<8x64x64xf32, #tpu.memory_space<vmem>>, vector<16xf32>,
      %swap3A_61 = arith.constant 0 : i32
      %swap3A_62 = arith.index_cast %swap3A_61 : i32 to index
      %swap3A_63 = arith.index_cast %add3A_46 : i32 to index
      %swap3A_64 = arith.constant 48 : index
      %swap3A_65 = tpu.vector_load %arg9[%swap3A_62, %swap3A_63, %swap3A_64] {strides = array<i32>} : memref<8x64x64xf32, #tpu.memory_space<vmem>>, vector<16xf32>,
      tpu.vector_store %arg9[%swap3A_62, %swap3A_63, %swap3A_64], %broadcast_in_dim3A_0 {strides = array<i32>} : memref<8x64x64xf32, #tpu.memory_space<vmem>>, vector<16xf32>,
    }
    %scan3A_6 = arith.constant 64 : i32
    %scan3A_7 = arith.constant 0 : i32
    %scan3A_8 = arith.constant 626 : i32
    %scan3A_9 = arith.addi %scan3A_7, %scan3A_8 : i32
    %scan3A_10 = arith.constant 1 : i32
    scf.for %scan3A_44 = %scan3A_7 to %scan3A_9 step %scan3A_10  : i32 {
      %mul3A = arith.constant 1 : i32
      %mul3A_45 = arith.muli %scan3A_44, %mul3A : i32
      %add3A = arith.constant 0 : i32
      %add3A_46 = arith.addi %add3A, %mul3A_45 : i32
      %mul3A_47 = arith.constant 16 : i32
      %mul3A_48 = arith.muli %add3A_46, %mul3A_47 : i32
      %swap3A = arith.index_cast %mul3A_48 : i32 to index
      %swap3A_49 = tpu.vector_load %arg10[%swap3A] {strides = array<i32>} : memref<10016xf32, #tpu.memory_space<vmem>>, vector<16xf32>,
      tpu.vector_store %arg10[%swap3A], %broadcast_in_dim3A_0 {strides = array<i32>} : memref<10016xf32, #tpu.memory_space<vmem>>, vector<16xf32>,
    }
    %scan3A_11 = arith.constant 626 : i32
    "tpu.region"() ({
      %run_scoped3A = tpu.sem_alloc : memref<!tpu.dma_semaphore, #tpu.memory_space<semaphore_mem>>
      %dma_start3A = arith.constant 0 : i32
      %dma_start3A_44 = arith.constant 0 : i32
      %dma_start3A_45 = tpu.memref_slice %arg3[%arg1, %dma_start3A, %dma_start3A_44] : memref<16x313x64xi32, #tpu.memory_space<hbm>> -> memref<1x313x64xi32, #tpu.memory_space<hbm>>
      %dma_start3A_46 = tpu.memref_squeeze %dma_start3A_45 : memref<1x313x64xi32, #tpu.memory_space<hbm>> -> memref<313x64xi32, #tpu.memory_space<hbm>>
      %dma_start3A_47 = arith.constant 0 : i32
      %dma_start3A_48 = arith.constant 0 : i32
      %dma_start3A_49 = tpu.memref_slice %arg3[%arg1, %dma_start3A_47, %dma_start3A_48] : memref<16x313x64xi32, #tpu.memory_space<hbm>> -> memref<1x313x64xi32, #tpu.memory_space<hbm>>
      %dma_start3A_50 = tpu.memref_squeeze %dma_start3A_49 : memref<1x313x64xi32, #tpu.memory_space<hbm>> -> memref<313x64xi32, #tpu.memory_space<hbm>>
      tpu.enqueue_dma source(%dma_start3A_50 : memref<313x64xi32, #tpu.memory_space<hbm>>) target(%arg7 : memref<313x64xi32, #tpu.memory_space<vmem>>) target_semaphore(%run_scoped3A : memref<!tpu.dma_semaphore, #tpu.memory_space<semaphore_mem>>)
      %dma_wait3A = arith.constant 0 : i32
      %dma_wait3A_51 = arith.constant 0 : i32
      %dma_wait3A_52 = tpu.memref_slice %arg3[%arg1, %dma_wait3A, %dma_wait3A_51] : memref<16x313x64xi32, #tpu.memory_space<hbm>> -> memref<1x313x64xi32, #tpu.memory_space<hbm>>
      %dma_wait3A_53 = tpu.memref_squeeze %dma_wait3A_52 : memref<1x313x64xi32, #tpu.memory_space<hbm>> -> memref<313x64xi32, #tpu.memory_space<hbm>>
      %dma_wait3A_54 = arith.constant 0 : i32
      %dma_wait3A_55 = arith.constant 0 : i32
      %dma_wait3A_56 = tpu.memref_slice %arg3[%arg1, %dma_wait3A_54, %dma_wait3A_55] : memref<16x313x64xi32, #tpu.memory_space<hbm>> -> memref<1x313x64xi32, #tpu.memory_space<hbm>>
      %dma_wait3A_57 = tpu.memref_squeeze %dma_wait3A_56 : memref<1x313x64xi32, #tpu.memory_space<hbm>> -> memref<313x64xi32, #tpu.memory_space<hbm>>
      tpu.wait_dma2 semaphore(%run_scoped3A : memref<!tpu.dma_semaphore, #tpu.memory_space<semaphore_mem>>) src(%dma_wait3A_57 : memref<313x64xi32, #tpu.memory_space<hbm>>) dst(%arg7 : memref<313x64xi32, #tpu.memory_space<vmem>>)
      tpu.yield
    }) : () -> ()
    "tpu.region"() ({
      %run_scoped3A = tpu.sem_alloc : memref<!tpu.dma_semaphore, #tpu.memory_space<semaphore_mem>>
      %dma_start3A = arith.constant 0 : i32
      %dma_start3A_44 = arith.constant 0 : i32
      %dma_start3A_45 = tpu.memref_slice %arg4[%arg1, %dma_start3A, %dma_start3A_44] : memref<16x313x64xi32, #tpu.memory_space<hbm>> -> memref<1x313x64xi32, #tpu.memory_space<hbm>>
      %dma_start3A_46 = tpu.memref_squeeze %dma_start3A_45 : memref<1x313x64xi32, #tpu.memory_space<hbm>> -> memref<313x64xi32, #tpu.memory_space<hbm>>
      %dma_start3A_47 = arith.constant 0 : i32
      %dma_start3A_48 = arith.constant 0 : i32
      %dma_start3A_49 = tpu.memref_slice %arg4[%arg1, %dma_start3A_47, %dma_start3A_48] : memref<16x313x64xi32, #tpu.memory_space<hbm>> -> memref<1x313x64xi32, #tpu.memory_space<hbm>>
      %dma_start3A_50 = tpu.memref_squeeze %dma_start3A_49 : memref<1x313x64xi32, #tpu.memory_space<hbm>> -> memref<313x64xi32, #tpu.memory_space<hbm>>
      tpu.enqueue_dma source(%dma_start3A_50 : memref<313x64xi32, #tpu.memory_space<hbm>>) target(%arg8 : memref<313x64xi32, #tpu.memory_space<vmem>>) target_semaphore(%run_scoped3A : memref<!tpu.dma_semaphore, #tpu.memory_space<semaphore_mem>>)
      %dma_wait3A = arith.constant 0 : i32
      %dma_wait3A_51 = arith.constant 0 : i32
      %dma_wait3A_52 = tpu.memref_slice %arg4[%arg1, %dma_wait3A, %dma_wait3A_51] : memref<16x313x64xi32, #tpu.memory_space<hbm>> -> memref<1x313x64xi32, #tpu.memory_space<hbm>>
      %dma_wait3A_53 = tpu.memref_squeeze %dma_wait3A_52 : memref<1x313x64xi32, #tpu.memory_space<hbm>> -> memref<313x64xi32, #tpu.memory_space<hbm>>
      %dma_wait3A_54 = arith.constant 0 : i32
      %dma_wait3A_55 = arith.constant 0 : i32
      %dma_wait3A_56 = tpu.memref_slice %arg4[%arg1, %dma_wait3A_54, %dma_wait3A_55] : memref<16x313x64xi32, #tpu.memory_space<hbm>> -> memref<1x313x64xi32, #tpu.memory_space<hbm>>
      %dma_wait3A_57 = tpu.memref_squeeze %dma_wait3A_56 : memref<1x313x64xi32, #tpu.memory_space<hbm>> -> memref<313x64xi32, #tpu.memory_space<hbm>>
      tpu.wait_dma2 semaphore(%run_scoped3A : memref<!tpu.dma_semaphore, #tpu.memory_space<semaphore_mem>>) src(%dma_wait3A_57 : memref<313x64xi32, #tpu.memory_space<hbm>>) dst(%arg8 : memref<313x64xi32, #tpu.memory_space<vmem>>)
      tpu.yield
    }) : () -> ()
    %lt3A = arith.constant 15 : i32
    %lt3A_12 = arith.cmpi slt, %arg1, %lt3A : i32
    %convert_element_type3A = arith.extui %lt3A_12 : i1 to i32
    %cond3A = arith.constant 0 : i32
    %cond3A_13 = arith.cmpi ne, %convert_element_type3A, %cond3A : i32
    scf.if %cond3A_13 {
      %mul3A = arith.constant 632 : i32
      %mul3A_44 = arith.muli %arg1, %mul3A : i32
      %add3A = arith.constant 0 : i32
      %add3A_45 = arith.addi %mul3A_44, %add3A : i32
      %run_scoped3A = arith.constant 0 : i32
      "tpu.region"() ({
        %run_scoped3A_73 = tpu.sem_alloc : memref<!tpu.dma_semaphore, #tpu.memory_space<semaphore_mem>>
        %dma_start3A = arith.constant 0 : i32
        %dma_start3A_74 = arith.constant 0 : i32
        %dma_start3A_75 = tpu.memref_slice %arg9[%run_scoped3A, %dma_start3A, %dma_start3A_74] : memref<8x64x64xf32, #tpu.memory_space<vmem>> -> memref<1x64x64xf32, #tpu.memory_space<vmem>>
        %dma_start3A_76 = tpu.memref_squeeze %dma_start3A_75 : memref<1x64x64xf32, #tpu.memory_space<vmem>> -> memref<64x64xf32, #tpu.memory_space<vmem>>
        %dma_start3A_77 = arith.constant 0 : i32
        %dma_start3A_78 = tpu.memref_slice %arg11[%add3A_45, %dma_start3A_77] : memref<10008x64xf32, #tpu.memory_space<vmem_shared>> -> memref<64x64xf32, #tpu.memory_space<vmem_shared>>
        %dma_start3A_79 = arith.constant 0 : i32
        %dma_start3A_80 = tpu.memref_slice %arg11[%add3A_45, %dma_start3A_79] : memref<10008x64xf32, #tpu.memory_space<vmem_shared>> -> memref<64x64xf32, #tpu.memory_space<vmem_shared>>
        %dma_start3A_81 = arith.constant 0 : i32
        %dma_start3A_82 = arith.constant 0 : i32
        %dma_start3A_83 = tpu.memref_slice %arg9[%run_scoped3A, %dma_start3A_81, %dma_start3A_82] : memref<8x64x64xf32, #tpu.memory_space<vmem>> -> memref<1x64x64xf32, #tpu.memory_space<vmem>>
        %dma_start3A_84 = tpu.memref_squeeze %dma_start3A_83 : memref<1x64x64xf32, #tpu.memory_space<vmem>> -> memref<64x64xf32, #tpu.memory_space<vmem>>
        tpu.enqueue_dma source(%dma_start3A_84 : memref<64x64xf32, #tpu.memory_space<vmem>>) target(%dma_start3A_80 : memref<64x64xf32, #tpu.memory_space<vmem_shared>>) target_semaphore(%run_scoped3A_73 : memref<!tpu.dma_semaphore, #tpu.memory_space<semaphore_mem>>)
        %dma_wait3A = arith.constant 0 : i32
        %dma_wait3A_85 = arith.constant 0 : i32
        %dma_wait3A_86 = tpu.memref_slice %arg9[%run_scoped3A, %dma_wait3A, %dma_wait3A_85] : memref<8x64x64xf32, #tpu.memory_space<vmem>> -> memref<1x64x64xf32, #tpu.memory_space<vmem>>
        %dma_wait3A_87 = tpu.memref_squeeze %dma_wait3A_86 : memref<1x64x64xf32, #tpu.memory_space<vmem>> -> memref<64x64xf32, #tpu.memory_space<vmem>>
        %dma_wait3A_88 = arith.constant 0 : i32
        %dma_wait3A_89 = tpu.memref_slice %arg11[%add3A_45, %dma_wait3A_88] : memref<10008x64xf32, #tpu.memory_space<vmem_shared>> -> memref<64x64xf32, #tpu.memory_space<vmem_shared>>
        %dma_wait3A_90 = arith.constant 0 : i32
        %dma_wait3A_91 = tpu.memref_slice %arg11[%add3A_45, %dma_wait3A_90] : memref<10008x64xf32, #tpu.memory_space<vmem_shared>> -> memref<64x64xf32, #tpu.memory_space<vmem_shared>>
        %dma_wait3A_92 = arith.constant 0 : i32
        %dma_wait3A_93 = arith.constant 0 : i32
        %dma_wait3A_94 = tpu.memref_slice %arg9[%run_scoped3A, %dma_wait3A_92, %dma_wait3A_93] : memref<8x64x64xf32, #tpu.memory_space<vmem>> -> memref<1x64x64xf32, #tpu.memory_space<vmem>>
        %dma_wait3A_95 = tpu.memref_squeeze %dma_wait3A_94 : memref<1x64x64xf32, #tpu.memory_space<vmem>> -> memref<64x64xf32, #tpu.memory_space<vmem>>
        tpu.wait_dma2 semaphore(%run_scoped3A_73 : memref<!tpu.dma_semaphore, #tpu.memory_space<semaphore_mem>>) src(%dma_wait3A_95 : memref<64x64xf32, #tpu.memory_space<vmem>>) dst(%dma_wait3A_91 : memref<64x64xf32, #tpu.memory_space<vmem_shared>>)
        tpu.yield
      }) : () -> ()
      %add3A_46 = arith.constant 64 : i32
      %add3A_47 = arith.addi %mul3A_44, %add3A_46 : i32
      %run_scoped3A_48 = arith.constant 0 : i32
      "tpu.region"() ({
        %run_scoped3A_73 = tpu.sem_alloc : memref<!tpu.dma_semaphore, #tpu.memory_space<semaphore_mem>>
        %dma_start3A = arith.constant 0 : i32
        %dma_start3A_74 = arith.constant 0 : i32
        %dma_start3A_75 = tpu.memref_slice %arg9[%run_scoped3A_48, %dma_start3A, %dma_start3A_74] : memref<8x64x64xf32, #tpu.memory_space<vmem>> -> memref<1x64x64xf32, #tpu.memory_space<vmem>>
        %dma_start3A_76 = tpu.memref_squeeze %dma_start3A_75 : memref<1x64x64xf32, #tpu.memory_space<vmem>> -> memref<64x64xf32, #tpu.memory_space<vmem>>
        %dma_start3A_77 = arith.constant 0 : i32
        %dma_start3A_78 = tpu.memref_slice %arg11[%add3A_47, %dma_start3A_77] : memref<10008x64xf32, #tpu.memory_space<vmem_shared>> -> memref<64x64xf32, #tpu.memory_space<vmem_shared>>
        %dma_start3A_79 = arith.constant 0 : i32
        %dma_start3A_80 = tpu.memref_slice %arg11[%add3A_47, %dma_start3A_79] : memref<10008x64xf32, #tpu.memory_space<vmem_shared>> -> memref<64x64xf32, #tpu.memory_space<vmem_shared>>
        %dma_start3A_81 = arith.constant 0 : i32
        %dma_start3A_82 = arith.constant 0 : i32
        %dma_start3A_83 = tpu.memref_slice %arg9[%run_scoped3A_48, %dma_start3A_81, %dma_start3A_82] : memref<8x64x64xf32, #tpu.memory_space<vmem>> -> memref<1x64x64xf32, #tpu.memory_space<vmem>>
        %dma_start3A_84 = tpu.memref_squeeze %dma_start3A_83 : memref<1x64x64xf32, #tpu.memory_space<vmem>> -> memref<64x64xf32, #tpu.memory_space<vmem>>
        tpu.enqueue_dma source(%dma_start3A_84 : memref<64x64xf32, #tpu.memory_space<vmem>>) target(%dma_start3A_80 : memref<64x64xf32, #tpu.memory_space<vmem_shared>>) target_semaphore(%run_scoped3A_73 : memref<!tpu.dma_semaphore, #tpu.memory_space<semaphore_mem>>)
        %dma_wait3A = arith.constant 0 : i32
        %dma_wait3A_85 = arith.constant 0 : i32
        %dma_wait3A_86 = tpu.memref_slice %arg9[%run_scoped3A_48, %dma_wait3A, %dma_wait3A_85] : memref<8x64x64xf32, #tpu.memory_space<vmem>> -> memref<1x64x64xf32, #tpu.memory_space<vmem>>
        %dma_wait3A_87 = tpu.memref_squeeze %dma_wait3A_86 : memref<1x64x64xf32, #tpu.memory_space<vmem>> -> memref<64x64xf32, #tpu.memory_space<vmem>>
        %dma_wait3A_88 = arith.constant 0 : i32
        %dma_wait3A_89 = tpu.memref_slice %arg11[%add3A_47, %dma_wait3A_88] : memref<10008x64xf32, #tpu.memory_space<vmem_shared>> -> memref<64x64xf32, #tpu.memory_space<vmem_shared>>
        %dma_wait3A_90 = arith.constant 0 : i32
        %dma_wait3A_91 = tpu.memref_slice %arg11[%add3A_47, %dma_wait3A_90] : memref<10008x64xf32, #tpu.memory_space<vmem_shared>> -> memref<64x64xf32, #tpu.memory_space<vmem_shared>>
        %dma_wait3A_92 = arith.constant 0 : i32
        %dma_wait3A_93 = arith.constant 0 : i32
        %dma_wait3A_94 = tpu.memref_slice %arg9[%run_scoped3A_48, %dma_wait3A_92, %dma_wait3A_93] : memref<8x64x64xf32, #tpu.memory_space<vmem>> -> memref<1x64x64xf32, #tpu.memory_space<vmem>>
        %dma_wait3A_95 = tpu.memref_squeeze %dma_wait3A_94 : memref<1x64x64xf32, #tpu.memory_space<vmem>> -> memref<64x64xf32, #tpu.memory_space<vmem>>
        tpu.wait_dma2 semaphore(%run_scoped3A_73 : memref<!tpu.dma_semaphore, #tpu.memory_space<semaphore_mem>>) src(%dma_wait3A_95 : memref<64x64xf32, #tpu.memory_space<vmem>>) dst(%dma_wait3A_91 : memref<64x64xf32, #tpu.memory_space<vmem_shared>>)
        tpu.yield
      }) : () -> ()
      %add3A_49 = arith.constant 128 : i32
      %add3A_50 = arith.addi %mul3A_44, %add3A_49 : i32
      %run_scoped3A_51 = arith.constant 0 : i32
      "tpu.region"() ({
        %run_scoped3A_73 = tpu.sem_alloc : memref<!tpu.dma_semaphore, #tpu.memory_space<semaphore_mem>>
        %dma_start3A = arith.constant 0 : i32
        %dma_start3A_74 = arith.constant 0 : i32
        %dma_start3A_75 = tpu.memref_slice %arg9[%run_scoped3A_51, %dma_start3A, %dma_start3A_74] : memref<8x64x64xf32, #tpu.memory_space<vmem>> -> memref<1x64x64xf32, #tpu.memory_space<vmem>>
        %dma_start3A_76 = tpu.memref_squeeze %dma_start3A_75 : memref<1x64x64xf32, #tpu.memory_space<vmem>> -> memref<64x64xf32, #tpu.memory_space<vmem>>
        %dma_start3A_77 = arith.constant 0 : i32
        %dma_start3A_78 = tpu.memref_slice %arg11[%add3A_50, %dma_start3A_77] : memref<10008x64xf32, #tpu.memory_space<vmem_shared>> -> memref<64x64xf32, #tpu.memory_space<vmem_shared>>
        %dma_start3A_79 = arith.constant 0 : i32
        %dma_start3A_80 = tpu.memref_slice %arg11[%add3A_50, %dma_start3A_79] : memref<10008x64xf32, #tpu.memory_space<vmem_shared>> -> memref<64x64xf32, #tpu.memory_space<vmem_shared>>
        %dma_start3A_81 = arith.constant 0 : i32
        %dma_start3A_82 = arith.constant 0 : i32
        %dma_start3A_83 = tpu.memref_slice %arg9[%run_scoped3A_51, %dma_start3A_81, %dma_start3A_82] : memref<8x64x64xf32, #tpu.memory_space<vmem>> -> memref<1x64x64xf32, #tpu.memory_space<vmem>>
        %dma_start3A_84 = tpu.memref_squeeze %dma_start3A_83 : memref<1x64x64xf32, #tpu.memory_space<vmem>> -> memref<64x64xf32, #tpu.memory_space<vmem>>
        tpu.enqueue_dma source(%dma_start3A_84 : memref<64x64xf32, #tpu.memory_space<vmem>>) target(%dma_start3A_80 : memref<64x64xf32, #tpu.memory_space<vmem_shared>>) target_semaphore(%run_scoped3A_73 : memref<!tpu.dma_semaphore, #tpu.memory_space<semaphore_mem>>)
        %dma_wait3A = arith.constant 0 : i32
        %dma_wait3A_85 = arith.constant 0 : i32
        %dma_wait3A_86 = tpu.memref_slice %arg9[%run_scoped3A_51, %dma_wait3A, %dma_wait3A_85] : memref<8x64x64xf32, #tpu.memory_space<vmem>> -> memref<1x64x64xf32, #tpu.memory_space<vmem>>
        %dma_wait3A_87 = tpu.memref_squeeze %dma_wait3A_86 : memref<1x64x64xf32, #tpu.memory_space<vmem>> -> memref<64x64xf32, #tpu.memory_space<vmem>>
        %dma_wait3A_88 = arith.constant 0 : i32
        %dma_wait3A_89 = tpu.memref_slice %arg11[%add3A_50, %dma_wait3A_88] : memref<10008x64xf32, #tpu.memory_space<vmem_shared>> -> memref<64x64xf32, #tpu.memory_space<vmem_shared>>
        %dma_wait3A_90 = arith.constant 0 : i32
        %dma_wait3A_91 = tpu.memref_slice %arg11[%add3A_50, %dma_wait3A_90] : memref<10008x64xf32, #tpu.memory_space<vmem_shared>> -> memref<64x64xf32, #tpu.memory_space<vmem_shared>>
        %dma_wait3A_92 = arith.constant 0 : i32
        %dma_wait3A_93 = arith.constant 0 : i32
        %dma_wait3A_94 = tpu.memref_slice %arg9[%run_scoped3A_51, %dma_wait3A_92, %dma_wait3A_93] : memref<8x64x64xf32, #tpu.memory_space<vmem>> -> memref<1x64x64xf32, #tpu.memory_space<vmem>>
        %dma_wait3A_95 = tpu.memref_squeeze %dma_wait3A_94 : memref<1x64x64xf32, #tpu.memory_space<vmem>> -> memref<64x64xf32, #tpu.memory_space<vmem>>
        tpu.wait_dma2 semaphore(%run_scoped3A_73 : memref<!tpu.dma_semaphore, #tpu.memory_space<semaphore_mem>>) src(%dma_wait3A_95 : memref<64x64xf32, #tpu.memory_space<vmem>>) dst(%dma_wait3A_91 : memref<64x64xf32, #tpu.memory_space<vmem_shared>>)
        tpu.yield
      }) : () -> ()
      %add3A_52 = arith.constant 192 : i32
      %add3A_53 = arith.addi %mul3A_44, %add3A_52 : i32
      %run_scoped3A_54 = arith.constant 0 : i32
      "tpu.region"() ({
        %run_scoped3A_73 = tpu.sem_alloc : memref<!tpu.dma_semaphore, #tpu.memory_space<semaphore_mem>>
        %dma_start3A = arith.constant 0 : i32
        %dma_start3A_74 = arith.constant 0 : i32
        %dma_start3A_75 = tpu.memref_slice %arg9[%run_scoped3A_54, %dma_start3A, %dma_start3A_74] : memref<8x64x64xf32, #tpu.memory_space<vmem>> -> memref<1x64x64xf32, #tpu.memory_space<vmem>>
        %dma_start3A_76 = tpu.memref_squeeze %dma_start3A_75 : memref<1x64x64xf32, #tpu.memory_space<vmem>> -> memref<64x64xf32, #tpu.memory_space<vmem>>
        %dma_start3A_77 = arith.constant 0 : i32
        %dma_start3A_78 = tpu.memref_slice %arg11[%add3A_53, %dma_start3A_77] : memref<10008x64xf32, #tpu.memory_space<vmem_shared>> -> memref<64x64xf32, #tpu.memory_space<vmem_shared>>
        %dma_start3A_79 = arith.constant 0 : i32
        %dma_start3A_80 = tpu.memref_slice %arg11[%add3A_53, %dma_start3A_79] : memref<10008x64xf32, #tpu.memory_space<vmem_shared>> -> memref<64x64xf32, #tpu.memory_space<vmem_shared>>
        %dma_start3A_81 = arith.constant 0 : i32
        %dma_start3A_82 = arith.constant 0 : i32
        %dma_start3A_83 = tpu.memref_slice %arg9[%run_scoped3A_54, %dma_start3A_81, %dma_start3A_82] : memref<8x64x64xf32, #tpu.memory_space<vmem>> -> memref<1x64x64xf32, #tpu.memory_space<vmem>>
        %dma_start3A_84 = tpu.memref_squeeze %dma_start3A_83 : memref<1x64x64xf32, #tpu.memory_space<vmem>> -> memref<64x64xf32, #tpu.memory_space<vmem>>
        tpu.enqueue_dma source(%dma_start3A_84 : memref<64x64xf32, #tpu.memory_space<vmem>>) target(%dma_start3A_80 : memref<64x64xf32, #tpu.memory_space<vmem_shared>>) target_semaphore(%run_scoped3A_73 : memref<!tpu.dma_semaphore, #tpu.memory_space<semaphore_mem>>)
        %dma_wait3A = arith.constant 0 : i32
        %dma_wait3A_85 = arith.constant 0 : i32
        %dma_wait3A_86 = tpu.memref_slice %arg9[%run_scoped3A_54, %dma_wait3A, %dma_wait3A_85] : memref<8x64x64xf32, #tpu.memory_space<vmem>> -> memref<1x64x64xf32, #tpu.memory_space<vmem>>
        %dma_wait3A_87 = tpu.memref_squeeze %dma_wait3A_86 : memref<1x64x64xf32, #tpu.memory_space<vmem>> -> memref<64x64xf32, #tpu.memory_space<vmem>>
        %dma_wait3A_88 = arith.constant 0 : i32
        %dma_wait3A_89 = tpu.memref_slice %arg11[%add3A_53, %dma_wait3A_88] : memref<10008x64xf32, #tpu.memory_space<vmem_shared>> -> memref<64x64xf32, #tpu.memory_space<vmem_shared>>
        %dma_wait3A_90 = arith.constant 0 : i32
        %dma_wait3A_91 = tpu.memref_slice %arg11[%add3A_53, %dma_wait3A_90] : memref<10008x64xf32, #tpu.memory_space<vmem_shared>> -> memref<64x64xf32, #tpu.memory_space<vmem_shared>>
        %dma_wait3A_92 = arith.constant 0 : i32
        %dma_wait3A_93 = arith.constant 0 : i32
        %dma_wait3A_94 = tpu.memref_slice %arg9[%run_scoped3A_54, %dma_wait3A_92, %dma_wait3A_93] : memref<8x64x64xf32, #tpu.memory_space<vmem>> -> memref<1x64x64xf32, #tpu.memory_space<vmem>>
        %dma_wait3A_95 = tpu.memref_squeeze %dma_wait3A_94 : memref<1x64x64xf32, #tpu.memory_space<vmem>> -> memref<64x64xf32, #tpu.memory_space<vmem>>
        tpu.wait_dma2 semaphore(%run_scoped3A_73 : memref<!tpu.dma_semaphore, #tpu.memory_space<semaphore_mem>>) src(%dma_wait3A_95 : memref<64x64xf32, #tpu.memory_space<vmem>>) dst(%dma_wait3A_91 : memref<64x64xf32, #tpu.memory_space<vmem_shared>>)
        tpu.yield
      }) : () -> ()
      %add3A_55 = arith.constant 256 : i32
      %add3A_56 = arith.addi %mul3A_44, %add3A_55 : i32
      %run_scoped3A_57 = arith.constant 0 : i32
      "tpu.region"() ({
        %run_scoped3A_73 = tpu.sem_alloc : memref<!tpu.dma_semaphore, #tpu.memory_space<semaphore_mem>>
        %dma_start3A = arith.constant 0 : i32
        %dma_start3A_74 = arith.constant 0 : i32
        %dma_start3A_75 = tpu.memref_slice %arg9[%run_scoped3A_57, %dma_start3A, %dma_start3A_74] : memref<8x64x64xf32, #tpu.memory_space<vmem>> -> memref<1x64x64xf32, #tpu.memory_space<vmem>>
        %dma_start3A_76 = tpu.memref_squeeze %dma_start3A_75 : memref<1x64x64xf32, #tpu.memory_space<vmem>> -> memref<64x64xf32, #tpu.memory_space<vmem>>
        %dma_start3A_77 = arith.constant 0 : i32
        %dma_start3A_78 = tpu.memref_slice %arg11[%add3A_56, %dma_start3A_77] : memref<10008x64xf32, #tpu.memory_space<vmem_shared>> -> memref<64x64xf32, #tpu.memory_space<vmem_shared>>
        %dma_start3A_79 = arith.constant 0 : i32
        %dma_start3A_80 = tpu.memref_slice %arg11[%add3A_56, %dma_start3A_79] : memref<10008x64xf32, #tpu.memory_space<vmem_shared>> -> memref<64x64xf32, #tpu.memory_space<vmem_shared>>
        %dma_start3A_81 = arith.constant 0 : i32
        %dma_start3A_82 = arith.constant 0 : i32
        %dma_start3A_83 = tpu.memref_slice %arg9[%run_scoped3A_57, %dma_start3A_81, %dma_start3A_82] : memref<8x64x64xf32, #tpu.memory_space<vmem>> -> memref<1x64x64xf32, #tpu.memory_space<vmem>>
        %dma_start3A_84 = tpu.memref_squeeze %dma_start3A_83 : memref<1x64x64xf32, #tpu.memory_space<vmem>> -> memref<64x64xf32, #tpu.memory_space<vmem>>
        tpu.enqueue_dma source(%dma_start3A_84 : memref<64x64xf32, #tpu.memory_space<vmem>>) target(%dma_start3A_80 : memref<64x64xf32, #tpu.memory_space<vmem_shared>>) target_semaphore(%run_scoped3A_73 : memref<!tpu.dma_semaphore, #tpu.memory_space<semaphore_mem>>)
        %dma_wait3A = arith.constant 0 : i32
        %dma_wait3A_85 = arith.constant 0 : i32
        %dma_wait3A_86 = tpu.memref_slice %arg9[%run_scoped3A_57, %dma_wait3A, %dma_wait3A_85] : memref<8x64x64xf32, #tpu.memory_space<vmem>> -> memref<1x64x64xf32, #tpu.memory_space<vmem>>
        %dma_wait3A_87 = tpu.memref_squeeze %dma_wait3A_86 : memref<1x64x64xf32, #tpu.memory_space<vmem>> -> memref<64x64xf32, #tpu.memory_space<vmem>>
        %dma_wait3A_88 = arith.constant 0 : i32
        %dma_wait3A_89 = tpu.memref_slice %arg11[%add3A_56, %dma_wait3A_88] : memref<10008x64xf32, #tpu.memory_space<vmem_shared>> -> memref<64x64xf32, #tpu.memory_space<vmem_shared>>
        %dma_wait3A_90 = arith.constant 0 : i32
        %dma_wait3A_91 = tpu.memref_slice %arg11[%add3A_56, %dma_wait3A_90] : memref<10008x64xf32, #tpu.memory_space<vmem_shared>> -> memref<64x64xf32, #tpu.memory_space<vmem_shared>>
        %dma_wait3A_92 = arith.constant 0 : i32
        %dma_wait3A_93 = arith.constant 0 : i32
        %dma_wait3A_94 = tpu.memref_slice %arg9[%run_scoped3A_57, %dma_wait3A_92, %dma_wait3A_93] : memref<8x64x64xf32, #tpu.memory_space<vmem>> -> memref<1x64x64xf32, #tpu.memory_space<vmem>>
        %dma_wait3A_95 = tpu.memref_squeeze %dma_wait3A_94 : memref<1x64x64xf32, #tpu.memory_space<vmem>> -> memref<64x64xf32, #tpu.memory_space<vmem>>
        tpu.wait_dma2 semaphore(%run_scoped3A_73 : memref<!tpu.dma_semaphore, #tpu.memory_space<semaphore_mem>>) src(%dma_wait3A_95 : memref<64x64xf32, #tpu.memory_space<vmem>>) dst(%dma_wait3A_91 : memref<64x64xf32, #tpu.memory_space<vmem_shared>>)
        tpu.yield
      }) : () -> ()
      %add3A_58 = arith.constant 320 : i32
      %add3A_59 = arith.addi %mul3A_44, %add3A_58 : i32
      %run_scoped3A_60 = arith.constant 0 : i32
      "tpu.region"() ({
        %run_scoped3A_73 = tpu.sem_alloc : memref<!tpu.dma_semaphore, #tpu.memory_space<semaphore_mem>>
        %dma_start3A = arith.constant 0 : i32
        %dma_start3A_74 = arith.constant 0 : i32
        %dma_start3A_75 = tpu.memref_slice %arg9[%run_scoped3A_60, %dma_start3A, %dma_start3A_74] : memref<8x64x64xf32, #tpu.memory_space<vmem>> -> memref<1x64x64xf32, #tpu.memory_space<vmem>>
        %dma_start3A_76 = tpu.memref_squeeze %dma_start3A_75 : memref<1x64x64xf32, #tpu.memory_space<vmem>> -> memref<64x64xf32, #tpu.memory_space<vmem>>
        %dma_start3A_77 = arith.constant 0 : i32
        %dma_start3A_78 = tpu.memref_slice %arg11[%add3A_59, %dma_start3A_77] : memref<10008x64xf32, #tpu.memory_space<vmem_shared>> -> memref<64x64xf32, #tpu.memory_space<vmem_shared>>
        %dma_start3A_79 = arith.constant 0 : i32
        %dma_start3A_80 = tpu.memref_slice %arg11[%add3A_59, %dma_start3A_79] : memref<10008x64xf32, #tpu.memory_space<vmem_shared>> -> memref<64x64xf32, #tpu.memory_space<vmem_shared>>
        %dma_start3A_81 = arith.constant 0 : i32
        %dma_start3A_82 = arith.constant 0 : i32
        %dma_start3A_83 = tpu.memref_slice %arg9[%run_scoped3A_60, %dma_start3A_81, %dma_start3A_82] : memref<8x64x64xf32, #tpu.memory_space<vmem>> -> memref<1x64x64xf32, #tpu.memory_space<vmem>>
        %dma_start3A_84 = tpu.memref_squeeze %dma_start3A_83 : memref<1x64x64xf32, #tpu.memory_space<vmem>> -> memref<64x64xf32, #tpu.memory_space<vmem>>
        tpu.enqueue_dma source(%dma_start3A_84 : memref<64x64xf32, #tpu.memory_space<vmem>>) target(%dma_start3A_80 : memref<64x64xf32, #tpu.memory_space<vmem_shared>>) target_semaphore(%run_scoped3A_73 : memref<!tpu.dma_semaphore, #tpu.memory_space<semaphore_mem>>)
        %dma_wait3A = arith.constant 0 : i32
        %dma_wait3A_85 = arith.constant 0 : i32
        %dma_wait3A_86 = tpu.memref_slice %arg9[%run_scoped3A_60, %dma_wait3A, %dma_wait3A_85] : memref<8x64x64xf32, #tpu.memory_space<vmem>> -> memref<1x64x64xf32, #tpu.memory_space<vmem>>
        %dma_wait3A_87 = tpu.memref_squeeze %dma_wait3A_86 : memref<1x64x64xf32, #tpu.memory_space<vmem>> -> memref<64x64xf32, #tpu.memory_space<vmem>>
        %dma_wait3A_88 = arith.constant 0 : i32
        %dma_wait3A_89 = tpu.memref_slice %arg11[%add3A_59, %dma_wait3A_88] : memref<10008x64xf32, #tpu.memory_space<vmem_shared>> -> memref<64x64xf32, #tpu.memory_space<vmem_shared>>
        %dma_wait3A_90 = arith.constant 0 : i32
        %dma_wait3A_91 = tpu.memref_slice %arg11[%add3A_59, %dma_wait3A_90] : memref<10008x64xf32, #tpu.memory_space<vmem_shared>> -> memref<64x64xf32, #tpu.memory_space<vmem_shared>>
        %dma_wait3A_92 = arith.constant 0 : i32
        %dma_wait3A_93 = arith.constant 0 : i32
        %dma_wait3A_94 = tpu.memref_slice %arg9[%run_scoped3A_60, %dma_wait3A_92, %dma_wait3A_93] : memref<8x64x64xf32, #tpu.memory_space<vmem>> -> memref<1x64x64xf32, #tpu.memory_space<vmem>>
        %dma_wait3A_95 = tpu.memref_squeeze %dma_wait3A_94 : memref<1x64x64xf32, #tpu.memory_space<vmem>> -> memref<64x64xf32, #tpu.memory_space<vmem>>
        tpu.wait_dma2 semaphore(%run_scoped3A_73 : memref<!tpu.dma_semaphore, #tpu.memory_space<semaphore_mem>>) src(%dma_wait3A_95 : memref<64x64xf32, #tpu.memory_space<vmem>>) dst(%dma_wait3A_91 : memref<64x64xf32, #tpu.memory_space<vmem_shared>>)
        tpu.yield
      }) : () -> ()
      %add3A_61 = arith.constant 384 : i32
      %add3A_62 = arith.addi %mul3A_44, %add3A_61 : i32
      %run_scoped3A_63 = arith.constant 0 : i32
      "tpu.region"() ({
        %run_scoped3A_73 = tpu.sem_alloc : memref<!tpu.dma_semaphore, #tpu.memory_space<semaphore_mem>>
        %dma_start3A = arith.constant 0 : i32
        %dma_start3A_74 = arith.constant 0 : i32
        %dma_start3A_75 = tpu.memref_slice %arg9[%run_scoped3A_63, %dma_start3A, %dma_start3A_74] : memref<8x64x64xf32, #tpu.memory_space<vmem>> -> memref<1x64x64xf32, #tpu.memory_space<vmem>>
        %dma_start3A_76 = tpu.memref_squeeze %dma_start3A_75 : memref<1x64x64xf32, #tpu.memory_space<vmem>> -> memref<64x64xf32, #tpu.memory_space<vmem>>
        %dma_start3A_77 = arith.constant 0 : i32
        %dma_start3A_78 = tpu.memref_slice %arg11[%add3A_62, %dma_start3A_77] : memref<10008x64xf32, #tpu.memory_space<vmem_shared>> -> memref<64x64xf32, #tpu.memory_space<vmem_shared>>
        %dma_start3A_79 = arith.constant 0 : i32
        %dma_start3A_80 = tpu.memref_slice %arg11[%add3A_62, %dma_start3A_79] : memref<10008x64xf32, #tpu.memory_space<vmem_shared>> -> memref<64x64xf32, #tpu.memory_space<vmem_shared>>
        %dma_start3A_81 = arith.constant 0 : i32
        %dma_start3A_82 = arith.constant 0 : i32
        %dma_start3A_83 = tpu.memref_slice %arg9[%run_scoped3A_63, %dma_start3A_81, %dma_start3A_82] : memref<8x64x64xf32, #tpu.memory_space<vmem>> -> memref<1x64x64xf32, #tpu.memory_space<vmem>>
        %dma_start3A_84 = tpu.memref_squeeze %dma_start3A_83 : memref<1x64x64xf32, #tpu.memory_space<vmem>> -> memref<64x64xf32, #tpu.memory_space<vmem>>
        tpu.enqueue_dma source(%dma_start3A_84 : memref<64x64xf32, #tpu.memory_space<vmem>>) target(%dma_start3A_80 : memref<64x64xf32, #tpu.memory_space<vmem_shared>>) target_semaphore(%run_scoped3A_73 : memref<!tpu.dma_semaphore, #tpu.memory_space<semaphore_mem>>)
        %dma_wait3A = arith.constant 0 : i32
        %dma_wait3A_85 = arith.constant 0 : i32
        %dma_wait3A_86 = tpu.memref_slice %arg9[%run_scoped3A_63, %dma_wait3A, %dma_wait3A_85] : memref<8x64x64xf32, #tpu.memory_space<vmem>> -> memref<1x64x64xf32, #tpu.memory_space<vmem>>
        %dma_wait3A_87 = tpu.memref_squeeze %dma_wait3A_86 : memref<1x64x64xf32, #tpu.memory_space<vmem>> -> memref<64x64xf32, #tpu.memory_space<vmem>>
        %dma_wait3A_88 = arith.constant 0 : i32
        %dma_wait3A_89 = tpu.memref_slice %arg11[%add3A_62, %dma_wait3A_88] : memref<10008x64xf32, #tpu.memory_space<vmem_shared>> -> memref<64x64xf32, #tpu.memory_space<vmem_shared>>
        %dma_wait3A_90 = arith.constant 0 : i32
        %dma_wait3A_91 = tpu.memref_slice %arg11[%add3A_62, %dma_wait3A_90] : memref<10008x64xf32, #tpu.memory_space<vmem_shared>> -> memref<64x64xf32, #tpu.memory_space<vmem_shared>>
        %dma_wait3A_92 = arith.constant 0 : i32
        %dma_wait3A_93 = arith.constant 0 : i32
        %dma_wait3A_94 = tpu.memref_slice %arg9[%run_scoped3A_63, %dma_wait3A_92, %dma_wait3A_93] : memref<8x64x64xf32, #tpu.memory_space<vmem>> -> memref<1x64x64xf32, #tpu.memory_space<vmem>>
        %dma_wait3A_95 = tpu.memref_squeeze %dma_wait3A_94 : memref<1x64x64xf32, #tpu.memory_space<vmem>> -> memref<64x64xf32, #tpu.memory_space<vmem>>
        tpu.wait_dma2 semaphore(%run_scoped3A_73 : memref<!tpu.dma_semaphore, #tpu.memory_space<semaphore_mem>>) src(%dma_wait3A_95 : memref<64x64xf32, #tpu.memory_space<vmem>>) dst(%dma_wait3A_91 : memref<64x64xf32, #tpu.memory_space<vmem_shared>>)
        tpu.yield
      }) : () -> ()
      %add3A_64 = arith.constant 448 : i32
      %add3A_65 = arith.addi %mul3A_44, %add3A_64 : i32
      %run_scoped3A_66 = arith.constant 0 : i32
      "tpu.region"() ({
        %run_scoped3A_73 = tpu.sem_alloc : memref<!tpu.dma_semaphore, #tpu.memory_space<semaphore_mem>>
        %dma_start3A = arith.constant 0 : i32
        %dma_start3A_74 = arith.constant 0 : i32
        %dma_start3A_75 = tpu.memref_slice %arg9[%run_scoped3A_66, %dma_start3A, %dma_start3A_74] : memref<8x64x64xf32, #tpu.memory_space<vmem>> -> memref<1x64x64xf32, #tpu.memory_space<vmem>>
        %dma_start3A_76 = tpu.memref_squeeze %dma_start3A_75 : memref<1x64x64xf32, #tpu.memory_space<vmem>> -> memref<64x64xf32, #tpu.memory_space<vmem>>
        %dma_start3A_77 = arith.constant 0 : i32
        %dma_start3A_78 = tpu.memref_slice %arg11[%add3A_65, %dma_start3A_77] : memref<10008x64xf32, #tpu.memory_space<vmem_shared>> -> memref<64x64xf32, #tpu.memory_space<vmem_shared>>
        %dma_start3A_79 = arith.constant 0 : i32
        %dma_start3A_80 = tpu.memref_slice %arg11[%add3A_65, %dma_start3A_79] : memref<10008x64xf32, #tpu.memory_space<vmem_shared>> -> memref<64x64xf32, #tpu.memory_space<vmem_shared>>
        %dma_start3A_81 = arith.constant 0 : i32
        %dma_start3A_82 = arith.constant 0 : i32
        %dma_start3A_83 = tpu.memref_slice %arg9[%run_scoped3A_66, %dma_start3A_81, %dma_start3A_82] : memref<8x64x64xf32, #tpu.memory_space<vmem>> -> memref<1x64x64xf32, #tpu.memory_space<vmem>>
        %dma_start3A_84 = tpu.memref_squeeze %dma_start3A_83 : memref<1x64x64xf32, #tpu.memory_space<vmem>> -> memref<64x64xf32, #tpu.memory_space<vmem>>
        tpu.enqueue_dma source(%dma_start3A_84 : memref<64x64xf32, #tpu.memory_space<vmem>>) target(%dma_start3A_80 : memref<64x64xf32, #tpu.memory_space<vmem_shared>>) target_semaphore(%run_scoped3A_73 : memref<!tpu.dma_semaphore, #tpu.memory_space<semaphore_mem>>)
        %dma_wait3A = arith.constant 0 : i32
        %dma_wait3A_85 = arith.constant 0 : i32
        %dma_wait3A_86 = tpu.memref_slice %arg9[%run_scoped3A_66, %dma_wait3A, %dma_wait3A_85] : memref<8x64x64xf32, #tpu.memory_space<vmem>> -> memref<1x64x64xf32, #tpu.memory_space<vmem>>
        %dma_wait3A_87 = tpu.memref_squeeze %dma_wait3A_86 : memref<1x64x64xf32, #tpu.memory_space<vmem>> -> memref<64x64xf32, #tpu.memory_space<vmem>>
        %dma_wait3A_88 = arith.constant 0 : i32
        %dma_wait3A_89 = tpu.memref_slice %arg11[%add3A_65, %dma_wait3A_88] : memref<10008x64xf32, #tpu.memory_space<vmem_shared>> -> memref<64x64xf32, #tpu.memory_space<vmem_shared>>
        %dma_wait3A_90 = arith.constant 0 : i32
        %dma_wait3A_91 = tpu.memref_slice %arg11[%add3A_65, %dma_wait3A_90] : memref<10008x64xf32, #tpu.memory_space<vmem_shared>> -> memref<64x64xf32, #tpu.memory_space<vmem_shared>>
        %dma_wait3A_92 = arith.constant 0 : i32
        %dma_wait3A_93 = arith.constant 0 : i32
        %dma_wait3A_94 = tpu.memref_slice %arg9[%run_scoped3A_66, %dma_wait3A_92, %dma_wait3A_93] : memref<8x64x64xf32, #tpu.memory_space<vmem>> -> memref<1x64x64xf32, #tpu.memory_space<vmem>>
        %dma_wait3A_95 = tpu.memref_squeeze %dma_wait3A_94 : memref<1x64x64xf32, #tpu.memory_space<vmem>> -> memref<64x64xf32, #tpu.memory_space<vmem>>
        tpu.wait_dma2 semaphore(%run_scoped3A_73 : memref<!tpu.dma_semaphore, #tpu.memory_space<semaphore_mem>>) src(%dma_wait3A_95 : memref<64x64xf32, #tpu.memory_space<vmem>>) dst(%dma_wait3A_91 : memref<64x64xf32, #tpu.memory_space<vmem_shared>>)
        tpu.yield
      }) : () -> ()
      %add3A_67 = arith.constant 512 : i32
      %add3A_68 = arith.addi %mul3A_44, %add3A_67 : i32
      %run_scoped3A_69 = arith.constant 0 : i32
      "tpu.region"() ({
        %run_scoped3A_73 = tpu.sem_alloc : memref<!tpu.dma_semaphore, #tpu.memory_space<semaphore_mem>>
        %dma_start3A = arith.constant 0 : i32
        %dma_start3A_74 = arith.constant 0 : i32
        %dma_start3A_75 = tpu.memref_slice %arg9[%run_scoped3A_69, %dma_start3A, %dma_start3A_74] : memref<8x64x64xf32, #tpu.memory_space<vmem>> -> memref<1x64x64xf32, #tpu.memory_space<vmem>>
        %dma_start3A_76 = tpu.memref_squeeze %dma_start3A_75 : memref<1x64x64xf32, #tpu.memory_space<vmem>> -> memref<64x64xf32, #tpu.memory_space<vmem>>
        %dma_start3A_77 = arith.constant 0 : i32
        %dma_start3A_78 = tpu.memref_slice %arg11[%add3A_68, %dma_start3A_77] : memref<10008x64xf32, #tpu.memory_space<vmem_shared>> -> memref<64x64xf32, #tpu.memory_space<vmem_shared>>
        %dma_start3A_79 = arith.constant 0 : i32
        %dma_start3A_80 = tpu.memref_slice %arg11[%add3A_68, %dma_start3A_79] : memref<10008x64xf32, #tpu.memory_space<vmem_shared>> -> memref<64x64xf32, #tpu.memory_space<vmem_shared>>
        %dma_start3A_81 = arith.constant 0 : i32
        %dma_start3A_82 = arith.constant 0 : i32
        %dma_start3A_83 = tpu.memref_slice %arg9[%run_scoped3A_69, %dma_start3A_81, %dma_start3A_82] : memref<8x64x64xf32, #tpu.memory_space<vmem>> -> memref<1x64x64xf32, #tpu.memory_space<vmem>>
        %dma_start3A_84 = tpu.memref_squeeze %dma_start3A_83 : memref<1x64x64xf32, #tpu.memory_space<vmem>> -> memref<64x64xf32, #tpu.memory_space<vmem>>
        tpu.enqueue_dma source(%dma_start3A_84 : memref<64x64xf32, #tpu.memory_space<vmem>>) target(%dma_start3A_80 : memref<64x64xf32, #tpu.memory_space<vmem_shared>>) target_semaphore(%run_scoped3A_73 : memref<!tpu.dma_semaphore, #tpu.memory_space<semaphore_mem>>)
        %dma_wait3A = arith.constant 0 : i32
        %dma_wait3A_85 = arith.constant 0 : i32
        %dma_wait3A_86 = tpu.memref_slice %arg9[%run_scoped3A_69, %dma_wait3A, %dma_wait3A_85] : memref<8x64x64xf32, #tpu.memory_space<vmem>> -> memref<1x64x64xf32, #tpu.memory_space<vmem>>
        %dma_wait3A_87 = tpu.memref_squeeze %dma_wait3A_86 : memref<1x64x64xf32, #tpu.memory_space<vmem>> -> memref<64x64xf32, #tpu.memory_space<vmem>>
        %dma_wait3A_88 = arith.constant 0 : i32
        %dma_wait3A_89 = tpu.memref_slice %arg11[%add3A_68, %dma_wait3A_88] : memref<10008x64xf32, #tpu.memory_space<vmem_shared>> -> memref<64x64xf32, #tpu.memory_space<vmem_shared>>
        %dma_wait3A_90 = arith.constant 0 : i32
        %dma_wait3A_91 = tpu.memref_slice %arg11[%add3A_68, %dma_wait3A_90] : memref<10008x64xf32, #tpu.memory_space<vmem_shared>> -> memref<64x64xf32, #tpu.memory_space<vmem_shared>>
        %dma_wait3A_92 = arith.constant 0 : i32
        %dma_wait3A_93 = arith.constant 0 : i32
        %dma_wait3A_94 = tpu.memref_slice %arg9[%run_scoped3A_69, %dma_wait3A_92, %dma_wait3A_93] : memref<8x64x64xf32, #tpu.memory_space<vmem>> -> memref<1x64x64xf32, #tpu.memory_space<vmem>>
        %dma_wait3A_95 = tpu.memref_squeeze %dma_wait3A_94 : memref<1x64x64xf32, #tpu.memory_space<vmem>> -> memref<64x64xf32, #tpu.memory_space<vmem>>
        tpu.wait_dma2 semaphore(%run_scoped3A_73 : memref<!tpu.dma_semaphore, #tpu.memory_space<semaphore_mem>>) src(%dma_wait3A_95 : memref<64x64xf32, #tpu.memory_space<vmem>>) dst(%dma_wait3A_91 : memref<64x64xf32, #tpu.memory_space<vmem_shared>>)
        tpu.yield
      }) : () -> ()
      %add3A_70 = arith.constant 576 : i32
      %add3A_71 = arith.addi %mul3A_44, %add3A_70 : i32
      %run_scoped3A_72 = arith.constant 0 : i32
      "tpu.region"() ({
        %run_scoped3A_73 = tpu.sem_alloc : memref<!tpu.dma_semaphore, #tpu.memory_space<semaphore_mem>>
        %dma_start3A = arith.constant 0 : i32
        %dma_start3A_74 = arith.constant 0 : i32
        %dma_start3A_75 = tpu.memref_slice %arg9[%run_scoped3A_72, %dma_start3A, %dma_start3A_74] : memref<8x64x64xf32, #tpu.memory_space<vmem>> -> memref<1x56x64xf32, #tpu.memory_space<vmem>>
        %dma_start3A_76 = tpu.memref_squeeze %dma_start3A_75 : memref<1x56x64xf32, #tpu.memory_space<vmem>> -> memref<56x64xf32, #tpu.memory_space<vmem>>
        %dma_start3A_77 = arith.constant 0 : i32
        %dma_start3A_78 = tpu.memref_slice %arg11[%add3A_71, %dma_start3A_77] : memref<10008x64xf32, #tpu.memory_space<vmem_shared>> -> memref<56x64xf32, #tpu.memory_space<vmem_shared>>
        %dma_start3A_79 = arith.constant 0 : i32
        %dma_start3A_80 = tpu.memref_slice %arg11[%add3A_71, %dma_start3A_79] : memref<10008x64xf32, #tpu.memory_space<vmem_shared>> -> memref<56x64xf32, #tpu.memory_space<vmem_shared>>
        %dma_start3A_81 = arith.constant 0 : i32
        %dma_start3A_82 = arith.constant 0 : i32
        %dma_start3A_83 = tpu.memref_slice %arg9[%run_scoped3A_72, %dma_start3A_81, %dma_start3A_82] : memref<8x64x64xf32, #tpu.memory_space<vmem>> -> memref<1x56x64xf32, #tpu.memory_space<vmem>>
        %dma_start3A_84 = tpu.memref_squeeze %dma_start3A_83 : memref<1x56x64xf32, #tpu.memory_space<vmem>> -> memref<56x64xf32, #tpu.memory_space<vmem>>
        tpu.enqueue_dma source(%dma_start3A_84 : memref<56x64xf32, #tpu.memory_space<vmem>>) target(%dma_start3A_80 : memref<56x64xf32, #tpu.memory_space<vmem_shared>>) target_semaphore(%run_scoped3A_73 : memref<!tpu.dma_semaphore, #tpu.memory_space<semaphore_mem>>)
        %dma_wait3A = arith.constant 0 : i32
        %dma_wait3A_85 = arith.constant 0 : i32
        %dma_wait3A_86 = tpu.memref_slice %arg9[%run_scoped3A_72, %dma_wait3A, %dma_wait3A_85] : memref<8x64x64xf32, #tpu.memory_space<vmem>> -> memref<1x56x64xf32, #tpu.memory_space<vmem>>
        %dma_wait3A_87 = tpu.memref_squeeze %dma_wait3A_86 : memref<1x56x64xf32, #tpu.memory_space<vmem>> -> memref<56x64xf32, #tpu.memory_space<vmem>>
        %dma_wait3A_88 = arith.constant 0 : i32
        %dma_wait3A_89 = tpu.memref_slice %arg11[%add3A_71, %dma_wait3A_88] : memref<10008x64xf32, #tpu.memory_space<vmem_shared>> -> memref<56x64xf32, #tpu.memory_space<vmem_shared>>
        %dma_wait3A_90 = arith.constant 0 : i32
        %dma_wait3A_91 = tpu.memref_slice %arg11[%add3A_71, %dma_wait3A_90] : memref<10008x64xf32, #tpu.memory_space<vmem_shared>> -> memref<56x64xf32, #tpu.memory_space<vmem_shared>>
        %dma_wait3A_92 = arith.constant 0 : i32
        %dma_wait3A_93 = arith.constant 0 : i32
        %dma_wait3A_94 = tpu.memref_slice %arg9[%run_scoped3A_72, %dma_wait3A_92, %dma_wait3A_93] : memref<8x64x64xf32, #tpu.memory_space<vmem>> -> memref<1x56x64xf32, #tpu.memory_space<vmem>>
        %dma_wait3A_95 = tpu.memref_squeeze %dma_wait3A_94 : memref<1x56x64xf32, #tpu.memory_space<vmem>> -> memref<56x64xf32, #tpu.memory_space<vmem>>
        tpu.wait_dma2 semaphore(%run_scoped3A_73 : memref<!tpu.dma_semaphore, #tpu.memory_space<semaphore_mem>>) src(%dma_wait3A_95 : memref<56x64xf32, #tpu.memory_space<vmem>>) dst(%dma_wait3A_91 : memref<56x64xf32, #tpu.memory_space<vmem_shared>>)
        tpu.yield
      }) : () -> ()
    } else {
    }
    %eq3A = arith.constant 15 : i32
    %eq3A_14 = arith.cmpi eq, %arg1, %eq3A : i32
    %convert_element_type3A_15 = arith.extui %eq3A_14 : i1 to i32
    %cond3A_16 = arith.constant 0 : i32
    %cond3A_17 = arith.cmpi ne, %convert_element_type3A_15, %cond3A_16 : i32
    scf.if %cond3A_17 {
      %run_scoped3A = arith.constant 0 : i32
      "tpu.region"() ({
        %run_scoped3A_52 = tpu.sem_alloc : memref<!tpu.dma_semaphore, #tpu.memory_space<semaphore_mem>>
        %dma_start3A = arith.constant 0 : i32
        %dma_start3A_53 = arith.constant 0 : i32
        %dma_start3A_54 = tpu.memref_slice %arg9[%run_scoped3A, %dma_start3A, %dma_start3A_53] : memref<8x64x64xf32, #tpu.memory_space<vmem>> -> memref<1x64x64xf32, #tpu.memory_space<vmem>>
        %dma_start3A_55 = tpu.memref_squeeze %dma_start3A_54 : memref<1x64x64xf32, #tpu.memory_space<vmem>> -> memref<64x64xf32, #tpu.memory_space<vmem>>
        %dma_start3A_56 = arith.constant 9480 : i32
        %dma_start3A_57 = arith.constant 0 : i32
        %dma_start3A_58 = tpu.memref_slice %arg11[%dma_start3A_56, %dma_start3A_57] : memref<10008x64xf32, #tpu.memory_space<vmem_shared>> -> memref<64x64xf32, #tpu.memory_space<vmem_shared>>
        %dma_start3A_59 = arith.constant 9480 : i32
        %dma_start3A_60 = arith.constant 0 : i32
        %dma_start3A_61 = tpu.memref_slice %arg11[%dma_start3A_59, %dma_start3A_60] : memref<10008x64xf32, #tpu.memory_space<vmem_shared>> -> memref<64x64xf32, #tpu.memory_space<vmem_shared>>
        %dma_start3A_62 = arith.constant 0 : i32
        %dma_start3A_63 = arith.constant 0 : i32
        %dma_start3A_64 = tpu.memref_slice %arg9[%run_scoped3A, %dma_start3A_62, %dma_start3A_63] : memref<8x64x64xf32, #tpu.memory_space<vmem>> -> memref<1x64x64xf32, #tpu.memory_space<vmem>>
        %dma_start3A_65 = tpu.memref_squeeze %dma_start3A_64 : memref<1x64x64xf32, #tpu.memory_space<vmem>> -> memref<64x64xf32, #tpu.memory_space<vmem>>
        tpu.enqueue_dma source(%dma_start3A_65 : memref<64x64xf32, #tpu.memory_space<vmem>>) target(%dma_start3A_61 : memref<64x64xf32, #tpu.memory_space<vmem_shared>>) target_semaphore(%run_scoped3A_52 : memref<!tpu.dma_semaphore, #tpu.memory_space<semaphore_mem>>)
        %dma_wait3A = arith.constant 0 : i32
        %dma_wait3A_66 = arith.constant 0 : i32
        %dma_wait3A_67 = tpu.memref_slice %arg9[%run_scoped3A, %dma_wait3A, %dma_wait3A_66] : memref<8x64x64xf32, #tpu.memory_space<vmem>> -> memref<1x64x64xf32, #tpu.memory_space<vmem>>
        %dma_wait3A_68 = tpu.memref_squeeze %dma_wait3A_67 : memref<1x64x64xf32, #tpu.memory_space<vmem>> -> memref<64x64xf32, #tpu.memory_space<vmem>>
        %dma_wait3A_69 = arith.constant 9480 : i32
        %dma_wait3A_70 = arith.constant 0 : i32
        %dma_wait3A_71 = tpu.memref_slice %arg11[%dma_wait3A_69, %dma_wait3A_70] : memref<10008x64xf32, #tpu.memory_space<vmem_shared>> -> memref<64x64xf32, #tpu.memory_space<vmem_shared>>
        %dma_wait3A_72 = arith.constant 9480 : i32
        %dma_wait3A_73 = arith.constant 0 : i32
        %dma_wait3A_74 = tpu.memref_slice %arg11[%dma_wait3A_72, %dma_wait3A_73] : memref<10008x64xf32, #tpu.memory_space<vmem_shared>> -> memref<64x64xf32, #tpu.memory_space<vmem_shared>>
        %dma_wait3A_75 = arith.constant 0 : i32
        %dma_wait3A_76 = arith.constant 0 : i32
        %dma_wait3A_77 = tpu.memref_slice %arg9[%run_scoped3A, %dma_wait3A_75, %dma_wait3A_76] : memref<8x64x64xf32, #tpu.memory_space<vmem>> -> memref<1x64x64xf32, #tpu.memory_space<vmem>>
        %dma_wait3A_78 = tpu.memref_squeeze %dma_wait3A_77 : memref<1x64x64xf32, #tpu.memory_space<vmem>> -> memref<64x64xf32, #tpu.memory_space<vmem>>
        tpu.wait_dma2 semaphore(%run_scoped3A_52 : memref<!tpu.dma_semaphore, #tpu.memory_space<semaphore_mem>>) src(%dma_wait3A_78 : memref<64x64xf32, #tpu.memory_space<vmem>>) dst(%dma_wait3A_74 : memref<64x64xf32, #tpu.memory_space<vmem_shared>>)
        tpu.yield
      }) : () -> ()
      %run_scoped3A_44 = arith.constant 0 : i32
      "tpu.region"() ({
        %run_scoped3A_52 = tpu.sem_alloc : memref<!tpu.dma_semaphore, #tpu.memory_space<semaphore_mem>>
        %dma_start3A = arith.constant 0 : i32
        %dma_start3A_53 = arith.constant 0 : i32
        %dma_start3A_54 = tpu.memref_slice %arg9[%run_scoped3A_44, %dma_start3A, %dma_start3A_53] : memref<8x64x64xf32, #tpu.memory_space<vmem>> -> memref<1x64x64xf32, #tpu.memory_space<vmem>>
        %dma_start3A_55 = tpu.memref_squeeze %dma_start3A_54 : memref<1x64x64xf32, #tpu.memory_space<vmem>> -> memref<64x64xf32, #tpu.memory_space<vmem>>
        %dma_start3A_56 = arith.constant 9544 : i32
        %dma_start3A_57 = arith.constant 0 : i32
        %dma_start3A_58 = tpu.memref_slice %arg11[%dma_start3A_56, %dma_start3A_57] : memref<10008x64xf32, #tpu.memory_space<vmem_shared>> -> memref<64x64xf32, #tpu.memory_space<vmem_shared>>
        %dma_start3A_59 = arith.constant 9544 : i32
        %dma_start3A_60 = arith.constant 0 : i32
        %dma_start3A_61 = tpu.memref_slice %arg11[%dma_start3A_59, %dma_start3A_60] : memref<10008x64xf32, #tpu.memory_space<vmem_shared>> -> memref<64x64xf32, #tpu.memory_space<vmem_shared>>
        %dma_start3A_62 = arith.constant 0 : i32
        %dma_start3A_63 = arith.constant 0 : i32
        %dma_start3A_64 = tpu.memref_slice %arg9[%run_scoped3A_44, %dma_start3A_62, %dma_start3A_63] : memref<8x64x64xf32, #tpu.memory_space<vmem>> -> memref<1x64x64xf32, #tpu.memory_space<vmem>>
        %dma_start3A_65 = tpu.memref_squeeze %dma_start3A_64 : memref<1x64x64xf32, #tpu.memory_space<vmem>> -> memref<64x64xf32, #tpu.memory_space<vmem>>
        tpu.enqueue_dma source(%dma_start3A_65 : memref<64x64xf32, #tpu.memory_space<vmem>>) target(%dma_start3A_61 : memref<64x64xf32, #tpu.memory_space<vmem_shared>>) target_semaphore(%run_scoped3A_52 : memref<!tpu.dma_semaphore, #tpu.memory_space<semaphore_mem>>)
        %dma_wait3A = arith.constant 0 : i32
        %dma_wait3A_66 = arith.constant 0 : i32
        %dma_wait3A_67 = tpu.memref_slice %arg9[%run_scoped3A_44, %dma_wait3A, %dma_wait3A_66] : memref<8x64x64xf32, #tpu.memory_space<vmem>> -> memref<1x64x64xf32, #tpu.memory_space<vmem>>
        %dma_wait3A_68 = tpu.memref_squeeze %dma_wait3A_67 : memref<1x64x64xf32, #tpu.memory_space<vmem>> -> memref<64x64xf32, #tpu.memory_space<vmem>>
        %dma_wait3A_69 = arith.constant 9544 : i32
        %dma_wait3A_70 = arith.constant 0 : i32
        %dma_wait3A_71 = tpu.memref_slice %arg11[%dma_wait3A_69, %dma_wait3A_70] : memref<10008x64xf32, #tpu.memory_space<vmem_shared>> -> memref<64x64xf32, #tpu.memory_space<vmem_shared>>
        %dma_wait3A_72 = arith.constant 9544 : i32
        %dma_wait3A_73 = arith.constant 0 : i32
        %dma_wait3A_74 = tpu.memref_slice %arg11[%dma_wait3A_72, %dma_wait3A_73] : memref<10008x64xf32, #tpu.memory_space<vmem_shared>> -> memref<64x64xf32, #tpu.memory_space<vmem_shared>>
        %dma_wait3A_75 = arith.constant 0 : i32
        %dma_wait3A_76 = arith.constant 0 : i32
        %dma_wait3A_77 = tpu.memref_slice %arg9[%run_scoped3A_44, %dma_wait3A_75, %dma_wait3A_76] : memref<8x64x64xf32, #tpu.memory_space<vmem>> -> memref<1x64x64xf32, #tpu.memory_space<vmem>>
        %dma_wait3A_78 = tpu.memref_squeeze %dma_wait3A_77 : memref<1x64x64xf32, #tpu.memory_space<vmem>> -> memref<64x64xf32, #tpu.memory_space<vmem>>
        tpu.wait_dma2 semaphore(%run_scoped3A_52 : memref<!tpu.dma_semaphore, #tpu.memory_space<semaphore_mem>>) src(%dma_wait3A_78 : memref<64x64xf32, #tpu.memory_space<vmem>>) dst(%dma_wait3A_74 : memref<64x64xf32, #tpu.memory_space<vmem_shared>>)
        tpu.yield
      }) : () -> ()
      %run_scoped3A_45 = arith.constant 0 : i32
      "tpu.region"() ({
        %run_scoped3A_52 = tpu.sem_alloc : memref<!tpu.dma_semaphore, #tpu.memory_space<semaphore_mem>>
        %dma_start3A = arith.constant 0 : i32
        %dma_start3A_53 = arith.constant 0 : i32
        %dma_start3A_54 = tpu.memref_slice %arg9[%run_scoped3A_45, %dma_start3A, %dma_start3A_53] : memref<8x64x64xf32, #tpu.memory_space<vmem>> -> memref<1x64x64xf32, #tpu.memory_space<vmem>>
        %dma_start3A_55 = tpu.memref_squeeze %dma_start3A_54 : memref<1x64x64xf32, #tpu.memory_space<vmem>> -> memref<64x64xf32, #tpu.memory_space<vmem>>
        %dma_start3A_56 = arith.constant 9608 : i32
        %dma_start3A_57 = arith.constant 0 : i32
        %dma_start3A_58 = tpu.memref_slice %arg11[%dma_start3A_56, %dma_start3A_57] : memref<10008x64xf32, #tpu.memory_space<vmem_shared>> -> memref<64x64xf32, #tpu.memory_space<vmem_shared>>
        %dma_start3A_59 = arith.constant 9608 : i32
        %dma_start3A_60 = arith.constant 0 : i32
        %dma_start3A_61 = tpu.memref_slice %arg11[%dma_start3A_59, %dma_start3A_60] : memref<10008x64xf32, #tpu.memory_space<vmem_shared>> -> memref<64x64xf32, #tpu.memory_space<vmem_shared>>
        %dma_start3A_62 = arith.constant 0 : i32
        %dma_start3A_63 = arith.constant 0 : i32
        %dma_start3A_64 = tpu.memref_slice %arg9[%run_scoped3A_45, %dma_start3A_62, %dma_start3A_63] : memref<8x64x64xf32, #tpu.memory_space<vmem>> -> memref<1x64x64xf32, #tpu.memory_space<vmem>>
        %dma_start3A_65 = tpu.memref_squeeze %dma_start3A_64 : memref<1x64x64xf32, #tpu.memory_space<vmem>> -> memref<64x64xf32, #tpu.memory_space<vmem>>
        tpu.enqueue_dma source(%dma_start3A_65 : memref<64x64xf32, #tpu.memory_space<vmem>>) target(%dma_start3A_61 : memref<64x64xf32, #tpu.memory_space<vmem_shared>>) target_semaphore(%run_scoped3A_52 : memref<!tpu.dma_semaphore, #tpu.memory_space<semaphore_mem>>)
        %dma_wait3A = arith.constant 0 : i32
        %dma_wait3A_66 = arith.constant 0 : i32
        %dma_wait3A_67 = tpu.memref_slice %arg9[%run_scoped3A_45, %dma_wait3A, %dma_wait3A_66] : memref<8x64x64xf32, #tpu.memory_space<vmem>> -> memref<1x64x64xf32, #tpu.memory_space<vmem>>
        %dma_wait3A_68 = tpu.memref_squeeze %dma_wait3A_67 : memref<1x64x64xf32, #tpu.memory_space<vmem>> -> memref<64x64xf32, #tpu.memory_space<vmem>>
        %dma_wait3A_69 = arith.constant 9608 : i32
        %dma_wait3A_70 = arith.constant 0 : i32
        %dma_wait3A_71 = tpu.memref_slice %arg11[%dma_wait3A_69, %dma_wait3A_70] : memref<10008x64xf32, #tpu.memory_space<vmem_shared>> -> memref<64x64xf32, #tpu.memory_space<vmem_shared>>
        %dma_wait3A_72 = arith.constant 9608 : i32
        %dma_wait3A_73 = arith.constant 0 : i32
        %dma_wait3A_74 = tpu.memref_slice %arg11[%dma_wait3A_72, %dma_wait3A_73] : memref<10008x64xf32, #tpu.memory_space<vmem_shared>> -> memref<64x64xf32, #tpu.memory_space<vmem_shared>>
        %dma_wait3A_75 = arith.constant 0 : i32
        %dma_wait3A_76 = arith.constant 0 : i32
        %dma_wait3A_77 = tpu.memref_slice %arg9[%run_scoped3A_45, %dma_wait3A_75, %dma_wait3A_76] : memref<8x64x64xf32, #tpu.memory_space<vmem>> -> memref<1x64x64xf32, #tpu.memory_space<vmem>>
        %dma_wait3A_78 = tpu.memref_squeeze %dma_wait3A_77 : memref<1x64x64xf32, #tpu.memory_space<vmem>> -> memref<64x64xf32, #tpu.memory_space<vmem>>
        tpu.wait_dma2 semaphore(%run_scoped3A_52 : memref<!tpu.dma_semaphore, #tpu.memory_space<semaphore_mem>>) src(%dma_wait3A_78 : memref<64x64xf32, #tpu.memory_space<vmem>>) dst(%dma_wait3A_74 : memref<64x64xf32, #tpu.memory_space<vmem_shared>>)
        tpu.yield
      }) : () -> ()
      %run_scoped3A_46 = arith.constant 0 : i32
      "tpu.region"() ({
        %run_scoped3A_52 = tpu.sem_alloc : memref<!tpu.dma_semaphore, #tpu.memory_space<semaphore_mem>>
        %dma_start3A = arith.constant 0 : i32
        %dma_start3A_53 = arith.constant 0 : i32
        %dma_start3A_54 = tpu.memref_slice %arg9[%run_scoped3A_46, %dma_start3A, %dma_start3A_53] : memref<8x64x64xf32, #tpu.memory_space<vmem>> -> memref<1x64x64xf32, #tpu.memory_space<vmem>>
        %dma_start3A_55 = tpu.memref_squeeze %dma_start3A_54 : memref<1x64x64xf32, #tpu.memory_space<vmem>> -> memref<64x64xf32, #tpu.memory_space<vmem>>
        %dma_start3A_56 = arith.constant 9672 : i32
        %dma_start3A_57 = arith.constant 0 : i32
        %dma_start3A_58 = tpu.memref_slice %arg11[%dma_start3A_56, %dma_start3A_57] : memref<10008x64xf32, #tpu.memory_space<vmem_shared>> -> memref<64x64xf32, #tpu.memory_space<vmem_shared>>
        %dma_start3A_59 = arith.constant 9672 : i32
        %dma_start3A_60 = arith.constant 0 : i32
        %dma_start3A_61 = tpu.memref_slice %arg11[%dma_start3A_59, %dma_start3A_60] : memref<10008x64xf32, #tpu.memory_space<vmem_shared>> -> memref<64x64xf32, #tpu.memory_space<vmem_shared>>
        %dma_start3A_62 = arith.constant 0 : i32
        %dma_start3A_63 = arith.constant 0 : i32
        %dma_start3A_64 = tpu.memref_slice %arg9[%run_scoped3A_46, %dma_start3A_62, %dma_start3A_63] : memref<8x64x64xf32, #tpu.memory_space<vmem>> -> memref<1x64x64xf32, #tpu.memory_space<vmem>>
        %dma_start3A_65 = tpu.memref_squeeze %dma_start3A_64 : memref<1x64x64xf32, #tpu.memory_space<vmem>> -> memref<64x64xf32, #tpu.memory_space<vmem>>
        tpu.enqueue_dma source(%dma_start3A_65 : memref<64x64xf32, #tpu.memory_space<vmem>>) target(%dma_start3A_61 : memref<64x64xf32, #tpu.memory_space<vmem_shared>>) target_semaphore(%run_scoped3A_52 : memref<!tpu.dma_semaphore, #tpu.memory_space<semaphore_mem>>)
        %dma_wait3A = arith.constant 0 : i32
        %dma_wait3A_66 = arith.constant 0 : i32
        %dma_wait3A_67 = tpu.memref_slice %arg9[%run_scoped3A_46, %dma_wait3A, %dma_wait3A_66] : memref<8x64x64xf32, #tpu.memory_space<vmem>> -> memref<1x64x64xf32, #tpu.memory_space<vmem>>
        %dma_wait3A_68 = tpu.memref_squeeze %dma_wait3A_67 : memref<1x64x64xf32, #tpu.memory_space<vmem>> -> memref<64x64xf32, #tpu.memory_space<vmem>>
        %dma_wait3A_69 = arith.constant 9672 : i32
        %dma_wait3A_70 = arith.constant 0 : i32
        %dma_wait3A_71 = tpu.memref_slice %arg11[%dma_wait3A_69, %dma_wait3A_70] : memref<10008x64xf32, #tpu.memory_space<vmem_shared>> -> memref<64x64xf32, #tpu.memory_space<vmem_shared>>
        %dma_wait3A_72 = arith.constant 9672 : i32
        %dma_wait3A_73 = arith.constant 0 : i32
        %dma_wait3A_74 = tpu.memref_slice %arg11[%dma_wait3A_72, %dma_wait3A_73] : memref<10008x64xf32, #tpu.memory_space<vmem_shared>> -> memref<64x64xf32, #tpu.memory_space<vmem_shared>>
        %dma_wait3A_75 = arith.constant 0 : i32
        %dma_wait3A_76 = arith.constant 0 : i32
        %dma_wait3A_77 = tpu.memref_slice %arg9[%run_scoped3A_46, %dma_wait3A_75, %dma_wait3A_76] : memref<8x64x64xf32, #tpu.memory_space<vmem>> -> memref<1x64x64xf32, #tpu.memory_space<vmem>>
        %dma_wait3A_78 = tpu.memref_squeeze %dma_wait3A_77 : memref<1x64x64xf32, #tpu.memory_space<vmem>> -> memref<64x64xf32, #tpu.memory_space<vmem>>
        tpu.wait_dma2 semaphore(%run_scoped3A_52 : memref<!tpu.dma_semaphore, #tpu.memory_space<semaphore_mem>>) src(%dma_wait3A_78 : memref<64x64xf32, #tpu.memory_space<vmem>>) dst(%dma_wait3A_74 : memref<64x64xf32, #tpu.memory_space<vmem_shared>>)
        tpu.yield
      }) : () -> ()
      %run_scoped3A_47 = arith.constant 0 : i32
      "tpu.region"() ({
        %run_scoped3A_52 = tpu.sem_alloc : memref<!tpu.dma_semaphore, #tpu.memory_space<semaphore_mem>>
        %dma_start3A = arith.constant 0 : i32
        %dma_start3A_53 = arith.constant 0 : i32
        %dma_start3A_54 = tpu.memref_slice %arg9[%run_scoped3A_47, %dma_start3A, %dma_start3A_53] : memref<8x64x64xf32, #tpu.memory_space<vmem>> -> memref<1x64x64xf32, #tpu.memory_space<vmem>>
        %dma_start3A_55 = tpu.memref_squeeze %dma_start3A_54 : memref<1x64x64xf32, #tpu.memory_space<vmem>> -> memref<64x64xf32, #tpu.memory_space<vmem>>
        %dma_start3A_56 = arith.constant 9736 : i32
        %dma_start3A_57 = arith.constant 0 : i32
        %dma_start3A_58 = tpu.memref_slice %arg11[%dma_start3A_56, %dma_start3A_57] : memref<10008x64xf32, #tpu.memory_space<vmem_shared>> -> memref<64x64xf32, #tpu.memory_space<vmem_shared>>
        %dma_start3A_59 = arith.constant 9736 : i32
        %dma_start3A_60 = arith.constant 0 : i32
        %dma_start3A_61 = tpu.memref_slice %arg11[%dma_start3A_59, %dma_start3A_60] : memref<10008x64xf32, #tpu.memory_space<vmem_shared>> -> memref<64x64xf32, #tpu.memory_space<vmem_shared>>
        %dma_start3A_62 = arith.constant 0 : i32
        %dma_start3A_63 = arith.constant 0 : i32
        %dma_start3A_64 = tpu.memref_slice %arg9[%run_scoped3A_47, %dma_start3A_62, %dma_start3A_63] : memref<8x64x64xf32, #tpu.memory_space<vmem>> -> memref<1x64x64xf32, #tpu.memory_space<vmem>>
        %dma_start3A_65 = tpu.memref_squeeze %dma_start3A_64 : memref<1x64x64xf32, #tpu.memory_space<vmem>> -> memref<64x64xf32, #tpu.memory_space<vmem>>
        tpu.enqueue_dma source(%dma_start3A_65 : memref<64x64xf32, #tpu.memory_space<vmem>>) target(%dma_start3A_61 : memref<64x64xf32, #tpu.memory_space<vmem_shared>>) target_semaphore(%run_scoped3A_52 : memref<!tpu.dma_semaphore, #tpu.memory_space<semaphore_mem>>)
        %dma_wait3A = arith.constant 0 : i32
        %dma_wait3A_66 = arith.constant 0 : i32
        %dma_wait3A_67 = tpu.memref_slice %arg9[%run_scoped3A_47, %dma_wait3A, %dma_wait3A_66] : memref<8x64x64xf32, #tpu.memory_space<vmem>> -> memref<1x64x64xf32, #tpu.memory_space<vmem>>
        %dma_wait3A_68 = tpu.memref_squeeze %dma_wait3A_67 : memref<1x64x64xf32, #tpu.memory_space<vmem>> -> memref<64x64xf32, #tpu.memory_space<vmem>>
        %dma_wait3A_69 = arith.constant 9736 : i32
        %dma_wait3A_70 = arith.constant 0 : i32
        %dma_wait3A_71 = tpu.memref_slice %arg11[%dma_wait3A_69, %dma_wait3A_70] : memref<10008x64xf32, #tpu.memory_space<vmem_shared>> -> memref<64x64xf32, #tpu.memory_space<vmem_shared>>
        %dma_wait3A_72 = arith.constant 9736 : i32
        %dma_wait3A_73 = arith.constant 0 : i32
        %dma_wait3A_74 = tpu.memref_slice %arg11[%dma_wait3A_72, %dma_wait3A_73] : memref<10008x64xf32, #tpu.memory_space<vmem_shared>> -> memref<64x64xf32, #tpu.memory_space<vmem_shared>>
        %dma_wait3A_75 = arith.constant 0 : i32
        %dma_wait3A_76 = arith.constant 0 : i32
        %dma_wait3A_77 = tpu.memref_slice %arg9[%run_scoped3A_47, %dma_wait3A_75, %dma_wait3A_76] : memref<8x64x64xf32, #tpu.memory_space<vmem>> -> memref<1x64x64xf32, #tpu.memory_space<vmem>>
        %dma_wait3A_78 = tpu.memref_squeeze %dma_wait3A_77 : memref<1x64x64xf32, #tpu.memory_space<vmem>> -> memref<64x64xf32, #tpu.memory_space<vmem>>
        tpu.wait_dma2 semaphore(%run_scoped3A_52 : memref<!tpu.dma_semaphore, #tpu.memory_space<semaphore_mem>>) src(%dma_wait3A_78 : memref<64x64xf32, #tpu.memory_space<vmem>>) dst(%dma_wait3A_74 : memref<64x64xf32, #tpu.memory_space<vmem_shared>>)
        tpu.yield
      }) : () -> ()
      %run_scoped3A_48 = arith.constant 0 : i32
      "tpu.region"() ({
        %run_scoped3A_52 = tpu.sem_alloc : memref<!tpu.dma_semaphore, #tpu.memory_space<semaphore_mem>>
        %dma_start3A = arith.constant 0 : i32
        %dma_start3A_53 = arith.constant 0 : i32
        %dma_start3A_54 = tpu.memref_slice %arg9[%run_scoped3A_48, %dma_start3A, %dma_start3A_53] : memref<8x64x64xf32, #tpu.memory_space<vmem>> -> memref<1x64x64xf32, #tpu.memory_space<vmem>>
        %dma_start3A_55 = tpu.memref_squeeze %dma_start3A_54 : memref<1x64x64xf32, #tpu.memory_space<vmem>> -> memref<64x64xf32, #tpu.memory_space<vmem>>
        %dma_start3A_56 = arith.constant 9800 : i32
        %dma_start3A_57 = arith.constant 0 : i32
        %dma_start3A_58 = tpu.memref_slice %arg11[%dma_start3A_56, %dma_start3A_57] : memref<10008x64xf32, #tpu.memory_space<vmem_shared>> -> memref<64x64xf32, #tpu.memory_space<vmem_shared>>
        %dma_start3A_59 = arith.constant 9800 : i32
        %dma_start3A_60 = arith.constant 0 : i32
        %dma_start3A_61 = tpu.memref_slice %arg11[%dma_start3A_59, %dma_start3A_60] : memref<10008x64xf32, #tpu.memory_space<vmem_shared>> -> memref<64x64xf32, #tpu.memory_space<vmem_shared>>
        %dma_start3A_62 = arith.constant 0 : i32
        %dma_start3A_63 = arith.constant 0 : i32
        %dma_start3A_64 = tpu.memref_slice %arg9[%run_scoped3A_48, %dma_start3A_62, %dma_start3A_63] : memref<8x64x64xf32, #tpu.memory_space<vmem>> -> memref<1x64x64xf32, #tpu.memory_space<vmem>>
        %dma_start3A_65 = tpu.memref_squeeze %dma_start3A_64 : memref<1x64x64xf32, #tpu.memory_space<vmem>> -> memref<64x64xf32, #tpu.memory_space<vmem>>
        tpu.enqueue_dma source(%dma_start3A_65 : memref<64x64xf32, #tpu.memory_space<vmem>>) target(%dma_start3A_61 : memref<64x64xf32, #tpu.memory_space<vmem_shared>>) target_semaphore(%run_scoped3A_52 : memref<!tpu.dma_semaphore, #tpu.memory_space<semaphore_mem>>)
        %dma_wait3A = arith.constant 0 : i32
        %dma_wait3A_66 = arith.constant 0 : i32
        %dma_wait3A_67 = tpu.memref_slice %arg9[%run_scoped3A_48, %dma_wait3A, %dma_wait3A_66] : memref<8x64x64xf32, #tpu.memory_space<vmem>> -> memref<1x64x64xf32, #tpu.memory_space<vmem>>
        %dma_wait3A_68 = tpu.memref_squeeze %dma_wait3A_67 : memref<1x64x64xf32, #tpu.memory_space<vmem>> -> memref<64x64xf32, #tpu.memory_space<vmem>>
        %dma_wait3A_69 = arith.constant 9800 : i32
        %dma_wait3A_70 = arith.constant 0 : i32
        %dma_wait3A_71 = tpu.memref_slice %arg11[%dma_wait3A_69, %dma_wait3A_70] : memref<10008x64xf32, #tpu.memory_space<vmem_shared>> -> memref<64x64xf32, #tpu.memory_space<vmem_shared>>
        %dma_wait3A_72 = arith.constant 9800 : i32
        %dma_wait3A_73 = arith.constant 0 : i32
        %dma_wait3A_74 = tpu.memref_slice %arg11[%dma_wait3A_72, %dma_wait3A_73] : memref<10008x64xf32, #tpu.memory_space<vmem_shared>> -> memref<64x64xf32, #tpu.memory_space<vmem_shared>>
        %dma_wait3A_75 = arith.constant 0 : i32
        %dma_wait3A_76 = arith.constant 0 : i32
        %dma_wait3A_77 = tpu.memref_slice %arg9[%run_scoped3A_48, %dma_wait3A_75, %dma_wait3A_76] : memref<8x64x64xf32, #tpu.memory_space<vmem>> -> memref<1x64x64xf32, #tpu.memory_space<vmem>>
        %dma_wait3A_78 = tpu.memref_squeeze %dma_wait3A_77 : memref<1x64x64xf32, #tpu.memory_space<vmem>> -> memref<64x64xf32, #tpu.memory_space<vmem>>
        tpu.wait_dma2 semaphore(%run_scoped3A_52 : memref<!tpu.dma_semaphore, #tpu.memory_space<semaphore_mem>>) src(%dma_wait3A_78 : memref<64x64xf32, #tpu.memory_space<vmem>>) dst(%dma_wait3A_74 : memref<64x64xf32, #tpu.memory_space<vmem_shared>>)
        tpu.yield
      }) : () -> ()
      %run_scoped3A_49 = arith.constant 0 : i32
      "tpu.region"() ({
        %run_scoped3A_52 = tpu.sem_alloc : memref<!tpu.dma_semaphore, #tpu.memory_space<semaphore_mem>>
        %dma_start3A = arith.constant 0 : i32
        %dma_start3A_53 = arith.constant 0 : i32
        %dma_start3A_54 = tpu.memref_slice %arg9[%run_scoped3A_49, %dma_start3A, %dma_start3A_53] : memref<8x64x64xf32, #tpu.memory_space<vmem>> -> memref<1x64x64xf32, #tpu.memory_space<vmem>>
        %dma_start3A_55 = tpu.memref_squeeze %dma_start3A_54 : memref<1x64x64xf32, #tpu.memory_space<vmem>> -> memref<64x64xf32, #tpu.memory_space<vmem>>
        %dma_start3A_56 = arith.constant 9864 : i32
        %dma_start3A_57 = arith.constant 0 : i32
        %dma_start3A_58 = tpu.memref_slice %arg11[%dma_start3A_56, %dma_start3A_57] : memref<10008x64xf32, #tpu.memory_space<vmem_shared>> -> memref<64x64xf32, #tpu.memory_space<vmem_shared>>
        %dma_start3A_59 = arith.constant 9864 : i32
        %dma_start3A_60 = arith.constant 0 : i32
        %dma_start3A_61 = tpu.memref_slice %arg11[%dma_start3A_59, %dma_start3A_60] : memref<10008x64xf32, #tpu.memory_space<vmem_shared>> -> memref<64x64xf32, #tpu.memory_space<vmem_shared>>
        %dma_start3A_62 = arith.constant 0 : i32
        %dma_start3A_63 = arith.constant 0 : i32
        %dma_start3A_64 = tpu.memref_slice %arg9[%run_scoped3A_49, %dma_start3A_62, %dma_start3A_63] : memref<8x64x64xf32, #tpu.memory_space<vmem>> -> memref<1x64x64xf32, #tpu.memory_space<vmem>>
        %dma_start3A_65 = tpu.memref_squeeze %dma_start3A_64 : memref<1x64x64xf32, #tpu.memory_space<vmem>> -> memref<64x64xf32, #tpu.memory_space<vmem>>
        tpu.enqueue_dma source(%dma_start3A_65 : memref<64x64xf32, #tpu.memory_space<vmem>>) target(%dma_start3A_61 : memref<64x64xf32, #tpu.memory_space<vmem_shared>>) target_semaphore(%run_scoped3A_52 : memref<!tpu.dma_semaphore, #tpu.memory_space<semaphore_mem>>)
        %dma_wait3A = arith.constant 0 : i32
        %dma_wait3A_66 = arith.constant 0 : i32
        %dma_wait3A_67 = tpu.memref_slice %arg9[%run_scoped3A_49, %dma_wait3A, %dma_wait3A_66] : memref<8x64x64xf32, #tpu.memory_space<vmem>> -> memref<1x64x64xf32, #tpu.memory_space<vmem>>
        %dma_wait3A_68 = tpu.memref_squeeze %dma_wait3A_67 : memref<1x64x64xf32, #tpu.memory_space<vmem>> -> memref<64x64xf32, #tpu.memory_space<vmem>>
        %dma_wait3A_69 = arith.constant 9864 : i32
        %dma_wait3A_70 = arith.constant 0 : i32
        %dma_wait3A_71 = tpu.memref_slice %arg11[%dma_wait3A_69, %dma_wait3A_70] : memref<10008x64xf32, #tpu.memory_space<vmem_shared>> -> memref<64x64xf32, #tpu.memory_space<vmem_shared>>
        %dma_wait3A_72 = arith.constant 9864 : i32
        %dma_wait3A_73 = arith.constant 0 : i32
        %dma_wait3A_74 = tpu.memref_slice %arg11[%dma_wait3A_72, %dma_wait3A_73] : memref<10008x64xf32, #tpu.memory_space<vmem_shared>> -> memref<64x64xf32, #tpu.memory_space<vmem_shared>>
        %dma_wait3A_75 = arith.constant 0 : i32
        %dma_wait3A_76 = arith.constant 0 : i32
        %dma_wait3A_77 = tpu.memref_slice %arg9[%run_scoped3A_49, %dma_wait3A_75, %dma_wait3A_76] : memref<8x64x64xf32, #tpu.memory_space<vmem>> -> memref<1x64x64xf32, #tpu.memory_space<vmem>>
        %dma_wait3A_78 = tpu.memref_squeeze %dma_wait3A_77 : memref<1x64x64xf32, #tpu.memory_space<vmem>> -> memref<64x64xf32, #tpu.memory_space<vmem>>
        tpu.wait_dma2 semaphore(%run_scoped3A_52 : memref<!tpu.dma_semaphore, #tpu.memory_space<semaphore_mem>>) src(%dma_wait3A_78 : memref<64x64xf32, #tpu.memory_space<vmem>>) dst(%dma_wait3A_74 : memref<64x64xf32, #tpu.memory_space<vmem_shared>>)
        tpu.yield
      }) : () -> ()
      %run_scoped3A_50 = arith.constant 0 : i32
      "tpu.region"() ({
        %run_scoped3A_52 = tpu.sem_alloc : memref<!tpu.dma_semaphore, #tpu.memory_space<semaphore_mem>>
        %dma_start3A = arith.constant 0 : i32
        %dma_start3A_53 = arith.constant 0 : i32
        %dma_start3A_54 = tpu.memref_slice %arg9[%run_scoped3A_50, %dma_start3A, %dma_start3A_53] : memref<8x64x64xf32, #tpu.memory_space<vmem>> -> memref<1x64x64xf32, #tpu.memory_space<vmem>>
        %dma_start3A_55 = tpu.memref_squeeze %dma_start3A_54 : memref<1x64x64xf32, #tpu.memory_space<vmem>> -> memref<64x64xf32, #tpu.memory_space<vmem>>
        %dma_start3A_56 = arith.constant 9928 : i32
        %dma_start3A_57 = arith.constant 0 : i32
        %dma_start3A_58 = tpu.memref_slice %arg11[%dma_start3A_56, %dma_start3A_57] : memref<10008x64xf32, #tpu.memory_space<vmem_shared>> -> memref<64x64xf32, #tpu.memory_space<vmem_shared>>
        %dma_start3A_59 = arith.constant 9928 : i32
        %dma_start3A_60 = arith.constant 0 : i32
        %dma_start3A_61 = tpu.memref_slice %arg11[%dma_start3A_59, %dma_start3A_60] : memref<10008x64xf32, #tpu.memory_space<vmem_shared>> -> memref<64x64xf32, #tpu.memory_space<vmem_shared>>
        %dma_start3A_62 = arith.constant 0 : i32
        %dma_start3A_63 = arith.constant 0 : i32
        %dma_start3A_64 = tpu.memref_slice %arg9[%run_scoped3A_50, %dma_start3A_62, %dma_start3A_63] : memref<8x64x64xf32, #tpu.memory_space<vmem>> -> memref<1x64x64xf32, #tpu.memory_space<vmem>>
        %dma_start3A_65 = tpu.memref_squeeze %dma_start3A_64 : memref<1x64x64xf32, #tpu.memory_space<vmem>> -> memref<64x64xf32, #tpu.memory_space<vmem>>
        tpu.enqueue_dma source(%dma_start3A_65 : memref<64x64xf32, #tpu.memory_space<vmem>>) target(%dma_start3A_61 : memref<64x64xf32, #tpu.memory_space<vmem_shared>>) target_semaphore(%run_scoped3A_52 : memref<!tpu.dma_semaphore, #tpu.memory_space<semaphore_mem>>)
        %dma_wait3A = arith.constant 0 : i32
        %dma_wait3A_66 = arith.constant 0 : i32
        %dma_wait3A_67 = tpu.memref_slice %arg9[%run_scoped3A_50, %dma_wait3A, %dma_wait3A_66] : memref<8x64x64xf32, #tpu.memory_space<vmem>> -> memref<1x64x64xf32, #tpu.memory_space<vmem>>
        %dma_wait3A_68 = tpu.memref_squeeze %dma_wait3A_67 : memref<1x64x64xf32, #tpu.memory_space<vmem>> -> memref<64x64xf32, #tpu.memory_space<vmem>>
        %dma_wait3A_69 = arith.constant 9928 : i32
        %dma_wait3A_70 = arith.constant 0 : i32
        %dma_wait3A_71 = tpu.memref_slice %arg11[%dma_wait3A_69, %dma_wait3A_70] : memref<10008x64xf32, #tpu.memory_space<vmem_shared>> -> memref<64x64xf32, #tpu.memory_space<vmem_shared>>
        %dma_wait3A_72 = arith.constant 9928 : i32
        %dma_wait3A_73 = arith.constant 0 : i32
        %dma_wait3A_74 = tpu.memref_slice %arg11[%dma_wait3A_72, %dma_wait3A_73] : memref<10008x64xf32, #tpu.memory_space<vmem_shared>> -> memref<64x64xf32, #tpu.memory_space<vmem_shared>>
        %dma_wait3A_75 = arith.constant 0 : i32
        %dma_wait3A_76 = arith.constant 0 : i32
        %dma_wait3A_77 = tpu.memref_slice %arg9[%run_scoped3A_50, %dma_wait3A_75, %dma_wait3A_76] : memref<8x64x64xf32, #tpu.memory_space<vmem>> -> memref<1x64x64xf32, #tpu.memory_space<vmem>>
        %dma_wait3A_78 = tpu.memref_squeeze %dma_wait3A_77 : memref<1x64x64xf32, #tpu.memory_space<vmem>> -> memref<64x64xf32, #tpu.memory_space<vmem>>
        tpu.wait_dma2 semaphore(%run_scoped3A_52 : memref<!tpu.dma_semaphore, #tpu.memory_space<semaphore_mem>>) src(%dma_wait3A_78 : memref<64x64xf32, #tpu.memory_space<vmem>>) dst(%dma_wait3A_74 : memref<64x64xf32, #tpu.memory_space<vmem_shared>>)
        tpu.yield
      }) : () -> ()
      %run_scoped3A_51 = arith.constant 0 : i32
      "tpu.region"() ({
        %run_scoped3A_52 = tpu.sem_alloc : memref<!tpu.dma_semaphore, #tpu.memory_space<semaphore_mem>>
        %dma_start3A = arith.constant 0 : i32
        %dma_start3A_53 = arith.constant 0 : i32
        %dma_start3A_54 = tpu.memref_slice %arg9[%run_scoped3A_51, %dma_start3A, %dma_start3A_53] : memref<8x64x64xf32, #tpu.memory_space<vmem>> -> memref<1x16x64xf32, #tpu.memory_space<vmem>>
        %dma_start3A_55 = tpu.memref_squeeze %dma_start3A_54 : memref<1x16x64xf32, #tpu.memory_space<vmem>> -> memref<16x64xf32, #tpu.memory_space<vmem>>
        %dma_start3A_56 = arith.constant 9992 : i32
        %dma_start3A_57 = arith.constant 0 : i32
        %dma_start3A_58 = tpu.memref_slice %arg11[%dma_start3A_56, %dma_start3A_57] : memref<10008x64xf32, #tpu.memory_space<vmem_shared>> -> memref<16x64xf32, #tpu.memory_space<vmem_shared>>
        %dma_start3A_59 = arith.constant 9992 : i32
        %dma_start3A_60 = arith.constant 0 : i32
        %dma_start3A_61 = tpu.memref_slice %arg11[%dma_start3A_59, %dma_start3A_60] : memref<10008x64xf32, #tpu.memory_space<vmem_shared>> -> memref<16x64xf32, #tpu.memory_space<vmem_shared>>
        %dma_start3A_62 = arith.constant 0 : i32
        %dma_start3A_63 = arith.constant 0 : i32
        %dma_start3A_64 = tpu.memref_slice %arg9[%run_scoped3A_51, %dma_start3A_62, %dma_start3A_63] : memref<8x64x64xf32, #tpu.memory_space<vmem>> -> memref<1x16x64xf32, #tpu.memory_space<vmem>>
        %dma_start3A_65 = tpu.memref_squeeze %dma_start3A_64 : memref<1x16x64xf32, #tpu.memory_space<vmem>> -> memref<16x64xf32, #tpu.memory_space<vmem>>
        tpu.enqueue_dma source(%dma_start3A_65 : memref<16x64xf32, #tpu.memory_space<vmem>>) target(%dma_start3A_61 : memref<16x64xf32, #tpu.memory_space<vmem_shared>>) target_semaphore(%run_scoped3A_52 : memref<!tpu.dma_semaphore, #tpu.memory_space<semaphore_mem>>)
        %dma_wait3A = arith.constant 0 : i32
        %dma_wait3A_66 = arith.constant 0 : i32
        %dma_wait3A_67 = tpu.memref_slice %arg9[%run_scoped3A_51, %dma_wait3A, %dma_wait3A_66] : memref<8x64x64xf32, #tpu.memory_space<vmem>> -> memref<1x16x64xf32, #tpu.memory_space<vmem>>
        %dma_wait3A_68 = tpu.memref_squeeze %dma_wait3A_67 : memref<1x16x64xf32, #tpu.memory_space<vmem>> -> memref<16x64xf32, #tpu.memory_space<vmem>>
        %dma_wait3A_69 = arith.constant 9992 : i32
        %dma_wait3A_70 = arith.constant 0 : i32
        %dma_wait3A_71 = tpu.memref_slice %arg11[%dma_wait3A_69, %dma_wait3A_70] : memref<10008x64xf32, #tpu.memory_space<vmem_shared>> -> memref<16x64xf32, #tpu.memory_space<vmem_shared>>
        %dma_wait3A_72 = arith.constant 9992 : i32
        %dma_wait3A_73 = arith.constant 0 : i32
        %dma_wait3A_74 = tpu.memref_slice %arg11[%dma_wait3A_72, %dma_wait3A_73] : memref<10008x64xf32, #tpu.memory_space<vmem_shared>> -> memref<16x64xf32, #tpu.memory_space<vmem_shared>>
        %dma_wait3A_75 = arith.constant 0 : i32
        %dma_wait3A_76 = arith.constant 0 : i32
        %dma_wait3A_77 = tpu.memref_slice %arg9[%run_scoped3A_51, %dma_wait3A_75, %dma_wait3A_76] : memref<8x64x64xf32, #tpu.memory_space<vmem>> -> memref<1x16x64xf32, #tpu.memory_space<vmem>>
        %dma_wait3A_78 = tpu.memref_squeeze %dma_wait3A_77 : memref<1x16x64xf32, #tpu.memory_space<vmem>> -> memref<16x64xf32, #tpu.memory_space<vmem>>
        tpu.wait_dma2 semaphore(%run_scoped3A_52 : memref<!tpu.dma_semaphore, #tpu.memory_space<semaphore_mem>>) src(%dma_wait3A_78 : memref<16x64xf32, #tpu.memory_space<vmem>>) dst(%dma_wait3A_74 : memref<16x64xf32, #tpu.memory_space<vmem_shared>>)
        tpu.yield
      }) : () -> ()
    } else {
    }
    %barrier3A = arith.constant 0 : index
    tpu.barrier barrier_id(%barrier3A)
    %eq3A_18 = arith.constant 0 : i32
    %eq3A_19 = arith.cmpi eq, %arg0, %eq3A_18 : i32
    %convert_element_type3A_20 = arith.extui %eq3A_19 : i1 to i32
    %cond3A_21 = arith.constant 0 : i32
    %cond3A_22 = arith.cmpi ne, %convert_element_type3A_20, %cond3A_21 : i32
    scf.if %cond3A_22 {
      %dma_start3A = arith.constant 0 : i32
      %dma_start3A_44 = arith.constant 0 : i32
      %dma_start3A_45 = arith.constant 0 : i32
      %dma_start3A_46 = arith.constant 0 : i32
      %dma_start3A_47 = arith.constant 0 : i32
      %dma_start3A_48 = tpu.memref_slice %arg9[%dma_start3A_45, %dma_start3A_46, %dma_start3A_47] : memref<8x64x64xf32, #tpu.memory_space<vmem>> -> memref<1x64x64xf32, #tpu.memory_space<vmem>>
      %dma_start3A_49 = tpu.memref_squeeze %dma_start3A_48 : memref<1x64x64xf32, #tpu.memory_space<vmem>> -> memref<64x64xf32, #tpu.memory_space<vmem>>
      %dma_start3A_50 = arith.constant 0 : i32
      %dma_start3A_51 = tpu.memref_slice %arg7[%dma_start3A_44, %dma_start3A_50] : memref<313x64xi32, #tpu.memory_space<vmem>> -> memref<1x64xi32, #tpu.memory_space<vmem>>
      %dma_start3A_52 = tpu.memref_squeeze %dma_start3A_51 : memref<1x64xi32, #tpu.memory_space<vmem>> -> memref<64xi32, #tpu.memory_space<vmem>>
      %dma_start3A_53 = arith.constant 0 : i32
      %dma_start3A_54 = arith.constant 0 : i32
      %dma_start3A_55 = tpu.memref_slice %arg2[%dma_start3A, %dma_start3A_53, %dma_start3A_54] : memref<2x10000x64xf32, #tpu.memory_space<hbm>> -> memref<1x10000x64xf32, #tpu.memory_space<hbm>>
      %dma_start3A_56 = tpu.memref_squeeze %dma_start3A_55 : memref<1x10000x64xf32, #tpu.memory_space<hbm>> -> memref<10000x64xf32, #tpu.memory_space<hbm>>
      %dma_start3A_57 = arith.constant 0 : i32
      %dma_start3A_58 = arith.constant 0 : i32
      %dma_start3A_59 = tpu.memref_slice %dma_start3A_56[%dma_start3A_57, %dma_start3A_58] : memref<10000x64xf32, #tpu.memory_space<hbm>> -> memref<10000x64xf32, #tpu.memory_space<hbm>>
      tpu.enqueue_indirect_dma source(%dma_start3A_59 : memref<10000x64xf32, #tpu.memory_space<hbm>>) target(%dma_start3A_49 : memref<64x64xf32, #tpu.memory_space<vmem>>) offsets(%dma_start3A_52 : memref<64xi32, #tpu.memory_space<vmem>>) semaphore(%arg12 : memref<!tpu.dma_semaphore, #tpu.memory_space<semaphore_mem>>)
      %dma_start3A_60 = arith.constant 0 : i32
      %dma_start3A_61 = arith.constant 1 : i32
      %dma_start3A_62 = arith.constant 1 : i32
      %dma_start3A_63 = arith.constant 0 : i32
      %dma_start3A_64 = arith.constant 0 : i32
      %dma_start3A_65 = tpu.memref_slice %arg9[%dma_start3A_62, %dma_start3A_63, %dma_start3A_64] : memref<8x64x64xf32, #tpu.memory_space<vmem>> -> memref<1x64x64xf32, #tpu.memory_space<vmem>>
      %dma_start3A_66 = tpu.memref_squeeze %dma_start3A_65 : memref<1x64x64xf32, #tpu.memory_space<vmem>> -> memref<64x64xf32, #tpu.memory_space<vmem>>
      %dma_start3A_67 = arith.constant 0 : i32
      %dma_start3A_68 = tpu.memref_slice %arg7[%dma_start3A_61, %dma_start3A_67] : memref<313x64xi32, #tpu.memory_space<vmem>> -> memref<1x64xi32, #tpu.memory_space<vmem>>
      %dma_start3A_69 = tpu.memref_squeeze %dma_start3A_68 : memref<1x64xi32, #tpu.memory_space<vmem>> -> memref<64xi32, #tpu.memory_space<vmem>>
      %dma_start3A_70 = arith.constant 0 : i32
      %dma_start3A_71 = arith.constant 0 : i32
      %dma_start3A_72 = tpu.memref_slice %arg2[%dma_start3A_60, %dma_start3A_70, %dma_start3A_71] : memref<2x10000x64xf32, #tpu.memory_space<hbm>> -> memref<1x10000x64xf32, #tpu.memory_space<hbm>>
      %dma_start3A_73 = tpu.memref_squeeze %dma_start3A_72 : memref<1x10000x64xf32, #tpu.memory_space<hbm>> -> memref<10000x64xf32, #tpu.memory_space<hbm>>
      %dma_start3A_74 = arith.constant 0 : i32
      %dma_start3A_75 = arith.constant 0 : i32
      %dma_start3A_76 = tpu.memref_slice %dma_start3A_73[%dma_start3A_74, %dma_start3A_75] : memref<10000x64xf32, #tpu.memory_space<hbm>> -> memref<10000x64xf32, #tpu.memory_space<hbm>>
      tpu.enqueue_indirect_dma source(%dma_start3A_76 : memref<10000x64xf32, #tpu.memory_space<hbm>>) target(%dma_start3A_66 : memref<64x64xf32, #tpu.memory_space<vmem>>) offsets(%dma_start3A_69 : memref<64xi32, #tpu.memory_space<vmem>>) semaphore(%arg12 : memref<!tpu.dma_semaphore, #tpu.memory_space<semaphore_mem>>)
      %dma_start3A_77 = arith.constant 0 : i32
      %dma_start3A_78 = arith.constant 2 : i32
      %dma_start3A_79 = arith.constant 2 : i32
      %dma_start3A_80 = arith.constant 0 : i32
      %dma_start3A_81 = arith.constant 0 : i32
      %dma_start3A_82 = tpu.memref_slice %arg9[%dma_start3A_79, %dma_start3A_80, %dma_start3A_81] : memref<8x64x64xf32, #tpu.memory_space<vmem>> -> memref<1x64x64xf32, #tpu.memory_space<vmem>>
      %dma_start3A_83 = tpu.memref_squeeze %dma_start3A_82 : memref<1x64x64xf32, #tpu.memory_space<vmem>> -> memref<64x64xf32, #tpu.memory_space<vmem>>
      %dma_start3A_84 = arith.constant 0 : i32
      %dma_start3A_85 = tpu.memref_slice %arg7[%dma_start3A_78, %dma_start3A_84] : memref<313x64xi32, #tpu.memory_space<vmem>> -> memref<1x64xi32, #tpu.memory_space<vmem>>
      %dma_start3A_86 = tpu.memref_squeeze %dma_start3A_85 : memref<1x64xi32, #tpu.memory_space<vmem>> -> memref<64xi32, #tpu.memory_space<vmem>>
      %dma_start3A_87 = arith.constant 0 : i32
      %dma_start3A_88 = arith.constant 0 : i32
      %dma_start3A_89 = tpu.memref_slice %arg2[%dma_start3A_77, %dma_start3A_87, %dma_start3A_88] : memref<2x10000x64xf32, #tpu.memory_space<hbm>> -> memref<1x10000x64xf32, #tpu.memory_space<hbm>>
      %dma_start3A_90 = tpu.memref_squeeze %dma_start3A_89 : memref<1x10000x64xf32, #tpu.memory_space<hbm>> -> memref<10000x64xf32, #tpu.memory_space<hbm>>
      %dma_start3A_91 = arith.constant 0 : i32
      %dma_start3A_92 = arith.constant 0 : i32
      %dma_start3A_93 = tpu.memref_slice %dma_start3A_90[%dma_start3A_91, %dma_start3A_92] : memref<10000x64xf32, #tpu.memory_space<hbm>> -> memref<10000x64xf32, #tpu.memory_space<hbm>>
      tpu.enqueue_indirect_dma source(%dma_start3A_93 : memref<10000x64xf32, #tpu.memory_space<hbm>>) target(%dma_start3A_83 : memref<64x64xf32, #tpu.memory_space<vmem>>) offsets(%dma_start3A_86 : memref<64xi32, #tpu.memory_space<vmem>>) semaphore(%arg12 : memref<!tpu.dma_semaphore, #tpu.memory_space<semaphore_mem>>)
      %dma_start3A_94 = arith.constant 0 : i32
      %dma_start3A_95 = arith.constant 3 : i32
      %dma_start3A_96 = arith.constant 3 : i32
      %dma_start3A_97 = arith.constant 0 : i32
      %dma_start3A_98 = arith.constant 0 : i32
      %dma_start3A_99 = tpu.memref_slice %arg9[%dma_start3A_96, %dma_start3A_97, %dma_start3A_98] : memref<8x64x64xf32, #tpu.memory_space<vmem>> -> memref<1x64x64xf32, #tpu.memory_space<vmem>>
      %dma_start3A_100 = tpu.memref_squeeze %dma_start3A_99 : memref<1x64x64xf32, #tpu.memory_space<vmem>> -> memref<64x64xf32, #tpu.memory_space<vmem>>
      %dma_start3A_101 = arith.constant 0 : i32
      %dma_start3A_102 = tpu.memref_slice %arg7[%dma_start3A_95, %dma_start3A_101] : memref<313x64xi32, #tpu.memory_space<vmem>> -> memref<1x64xi32, #tpu.memory_space<vmem>>
      %dma_start3A_103 = tpu.memref_squeeze %dma_start3A_102 : memref<1x64xi32, #tpu.memory_space<vmem>> -> memref<64xi32, #tpu.memory_space<vmem>>
      %dma_start3A_104 = arith.constant 0 : i32
      %dma_start3A_105 = arith.constant 0 : i32
      %dma_start3A_106 = tpu.memref_slice %arg2[%dma_start3A_94, %dma_start3A_104, %dma_start3A_105] : memref<2x10000x64xf32, #tpu.memory_space<hbm>> -> memref<1x10000x64xf32, #tpu.memory_space<hbm>>
      %dma_start3A_107 = tpu.memref_squeeze %dma_start3A_106 : memref<1x10000x64xf32, #tpu.memory_space<hbm>> -> memref<10000x64xf32, #tpu.memory_space<hbm>>
      %dma_start3A_108 = arith.constant 0 : i32
      %dma_start3A_109 = arith.constant 0 : i32
      %dma_start3A_110 = tpu.memref_slice %dma_start3A_107[%dma_start3A_108, %dma_start3A_109] : memref<10000x64xf32, #tpu.memory_space<hbm>> -> memref<10000x64xf32, #tpu.memory_space<hbm>>
      tpu.enqueue_indirect_dma source(%dma_start3A_110 : memref<10000x64xf32, #tpu.memory_space<hbm>>) target(%dma_start3A_100 : memref<64x64xf32, #tpu.memory_space<vmem>>) offsets(%dma_start3A_103 : memref<64xi32, #tpu.memory_space<vmem>>) semaphore(%arg12 : memref<!tpu.dma_semaphore, #tpu.memory_space<semaphore_mem>>)
      %dma_start3A_111 = arith.constant 0 : i32
      %dma_start3A_112 = arith.constant 4 : i32
      %dma_start3A_113 = arith.constant 4 : i32
      %dma_start3A_114 = arith.constant 0 : i32
      %dma_start3A_115 = arith.constant 0 : i32
      %dma_start3A_116 = tpu.memref_slice %arg9[%dma_start3A_113, %dma_start3A_114, %dma_start3A_115] : memref<8x64x64xf32, #tpu.memory_space<vmem>> -> memref<1x64x64xf32, #tpu.memory_space<vmem>>
      %dma_start3A_117 = tpu.memref_squeeze %dma_start3A_116 : memref<1x64x64xf32, #tpu.memory_space<vmem>> -> memref<64x64xf32, #tpu.memory_space<vmem>>
      %dma_start3A_118 = arith.constant 0 : i32
      %dma_start3A_119 = tpu.memref_slice %arg7[%dma_start3A_112, %dma_start3A_118] : memref<313x64xi32, #tpu.memory_space<vmem>> -> memref<1x64xi32, #tpu.memory_space<vmem>>
      %dma_start3A_120 = tpu.memref_squeeze %dma_start3A_119 : memref<1x64xi32, #tpu.memory_space<vmem>> -> memref<64xi32, #tpu.memory_space<vmem>>
      %dma_start3A_121 = arith.constant 0 : i32
      %dma_start3A_122 = arith.constant 0 : i32
      %dma_start3A_123 = tpu.memref_slice %arg2[%dma_start3A_111, %dma_start3A_121, %dma_start3A_122] : memref<2x10000x64xf32, #tpu.memory_space<hbm>> -> memref<1x10000x64xf32, #tpu.memory_space<hbm>>
      %dma_start3A_124 = tpu.memref_squeeze %dma_start3A_123 : memref<1x10000x64xf32, #tpu.memory_space<hbm>> -> memref<10000x64xf32, #tpu.memory_space<hbm>>
      %dma_start3A_125 = arith.constant 0 : i32
      %dma_start3A_126 = arith.constant 0 : i32
      %dma_start3A_127 = tpu.memref_slice %dma_start3A_124[%dma_start3A_125, %dma_start3A_126] : memref<10000x64xf32, #tpu.memory_space<hbm>> -> memref<10000x64xf32, #tpu.memory_space<hbm>>
      tpu.enqueue_indirect_dma source(%dma_start3A_127 : memref<10000x64xf32, #tpu.memory_space<hbm>>) target(%dma_start3A_117 : memref<64x64xf32, #tpu.memory_space<vmem>>) offsets(%dma_start3A_120 : memref<64xi32, #tpu.memory_space<vmem>>) semaphore(%arg12 : memref<!tpu.dma_semaphore, #tpu.memory_space<semaphore_mem>>)
      %dma_start3A_128 = arith.constant 0 : i32
      %dma_start3A_129 = arith.constant 5 : i32
      %dma_start3A_130 = arith.constant 5 : i32
      %dma_start3A_131 = arith.constant 0 : i32
      %dma_start3A_132 = arith.constant 0 : i32
      %dma_start3A_133 = tpu.memref_slice %arg9[%dma_start3A_130, %dma_start3A_131, %dma_start3A_132] : memref<8x64x64xf32, #tpu.memory_space<vmem>> -> memref<1x64x64xf32, #tpu.memory_space<vmem>>
      %dma_start3A_134 = tpu.memref_squeeze %dma_start3A_133 : memref<1x64x64xf32, #tpu.memory_space<vmem>> -> memref<64x64xf32, #tpu.memory_space<vmem>>
      %dma_start3A_135 = arith.constant 0 : i32
      %dma_start3A_136 = tpu.memref_slice %arg7[%dma_start3A_129, %dma_start3A_135] : memref<313x64xi32, #tpu.memory_space<vmem>> -> memref<1x64xi32, #tpu.memory_space<vmem>>
      %dma_start3A_137 = tpu.memref_squeeze %dma_start3A_136 : memref<1x64xi32, #tpu.memory_space<vmem>> -> memref<64xi32, #tpu.memory_space<vmem>>
      %dma_start3A_138 = arith.constant 0 : i32
      %dma_start3A_139 = arith.constant 0 : i32
      %dma_start3A_140 = tpu.memref_slice %arg2[%dma_start3A_128, %dma_start3A_138, %dma_start3A_139] : memref<2x10000x64xf32, #tpu.memory_space<hbm>> -> memref<1x10000x64xf32, #tpu.memory_space<hbm>>
      %dma_start3A_141 = tpu.memref_squeeze %dma_start3A_140 : memref<1x10000x64xf32, #tpu.memory_space<hbm>> -> memref<10000x64xf32, #tpu.memory_space<hbm>>
      %dma_start3A_142 = arith.constant 0 : i32
      %dma_start3A_143 = arith.constant 0 : i32
      %dma_start3A_144 = tpu.memref_slice %dma_start3A_141[%dma_start3A_142, %dma_start3A_143] : memref<10000x64xf32, #tpu.memory_space<hbm>> -> memref<10000x64xf32, #tpu.memory_space<hbm>>
      tpu.enqueue_indirect_dma source(%dma_start3A_144 : memref<10000x64xf32, #tpu.memory_space<hbm>>) target(%dma_start3A_134 : memref<64x64xf32, #tpu.memory_space<vmem>>) offsets(%dma_start3A_137 : memref<64xi32, #tpu.memory_space<vmem>>) semaphore(%arg12 : memref<!tpu.dma_semaphore, #tpu.memory_space<semaphore_mem>>)
      %scan3A_145 = arith.constant 0 : i32
      %scan3A_146 = arith.constant 0 : i32
      %scan3A_147 = arith.constant 313 : i32
      %scan3A_148 = arith.addi %scan3A_146, %scan3A_147 : i32
      %scan3A_149 = arith.constant 1 : i32
      scf.for %scan3A_342 = %scan3A_146 to %scan3A_148 step %scan3A_149  : i32 {
        %mul3A = arith.constant 1 : i32
        %mul3A_343 = arith.muli %scan3A_342, %mul3A : i32
        %add3A = arith.constant 0 : i32
        %add3A_344 = arith.addi %add3A, %mul3A_343 : i32
        %dma_wait3A_345 = arith.constant 0 : i32
        %dma_wait3A_346 = arith.constant 0 : i32
        %dma_wait3A_347 = arith.constant 0 : i32
        %dma_wait3A_348 = tpu.memref_slice %arg9[%dma_wait3A_345, %dma_wait3A_346, %dma_wait3A_347] : memref<8x64x64xf32, #tpu.memory_space<vmem>> -> memref<1x64x64xf32, #tpu.memory_space<vmem>>
        %dma_wait3A_349 = tpu.memref_squeeze %dma_wait3A_348 : memref<1x64x64xf32, #tpu.memory_space<vmem>> -> memref<64x64xf32, #tpu.memory_space<vmem>>
        %dma_wait3A_350 = arith.constant 0 : i32
        %dma_wait3A_351 = arith.constant 0 : i32
        %dma_wait3A_352 = tpu.memref_slice %arg2[%scan3A_145, %dma_wait3A_350, %dma_wait3A_351] : memref<2x10000x64xf32, #tpu.memory_space<hbm>> -> memref<1x10000x64xf32, #tpu.memory_space<hbm>>
        %dma_wait3A_353 = tpu.memref_squeeze %dma_wait3A_352 : memref<1x10000x64xf32, #tpu.memory_space<hbm>> -> memref<10000x64xf32, #tpu.memory_space<hbm>>
        %dma_wait3A_354 = arith.constant 0 : i32
        %dma_wait3A_355 = arith.constant 0 : i32
        %dma_wait3A_356 = tpu.memref_slice %dma_wait3A_353[%dma_wait3A_354, %dma_wait3A_355] : memref<10000x64xf32, #tpu.memory_space<hbm>> -> memref<64x64xf32, #tpu.memory_space<hbm>>
        %dma_wait3A_357 = arith.constant 0 : i32
        %dma_wait3A_358 = arith.constant 0 : i32
        %dma_wait3A_359 = tpu.memref_slice %arg9[%dma_wait3A_345, %dma_wait3A_357, %dma_wait3A_358] : memref<8x64x64xf32, #tpu.memory_space<vmem>> -> memref<1x64x64xf32, #tpu.memory_space<vmem>>
        %dma_wait3A_360 = tpu.memref_squeeze %dma_wait3A_359 : memref<1x64x64xf32, #tpu.memory_space<vmem>> -> memref<64x64xf32, #tpu.memory_space<vmem>>
        %dma_wait3A_361 = arith.constant 0 : i32
        %dma_wait3A_362 = arith.constant 0 : i32
        %dma_wait3A_363 = tpu.memref_slice %arg2[%scan3A_145, %dma_wait3A_361, %dma_wait3A_362] : memref<2x10000x64xf32, #tpu.memory_space<hbm>> -> memref<1x10000x64xf32, #tpu.memory_space<hbm>>
        %dma_wait3A_364 = tpu.memref_squeeze %dma_wait3A_363 : memref<1x10000x64xf32, #tpu.memory_space<hbm>> -> memref<10000x64xf32, #tpu.memory_space<hbm>>
        %dma_wait3A_365 = arith.constant 0 : i32
        %dma_wait3A_366 = arith.constant 0 : i32
        %dma_wait3A_367 = tpu.memref_slice %dma_wait3A_364[%dma_wait3A_365, %dma_wait3A_366] : memref<10000x64xf32, #tpu.memory_space<hbm>> -> memref<64x64xf32, #tpu.memory_space<hbm>>
        tpu.wait_dma2 semaphore(%arg12 : memref<!tpu.dma_semaphore, #tpu.memory_space<semaphore_mem>>) src(%dma_wait3A_367 : memref<64x64xf32, #tpu.memory_space<hbm>>) dst(%dma_wait3A_360 : memref<64x64xf32, #tpu.memory_space<vmem>>)
        %rem3A = arith.constant 8 : i32
        %rem3A_368 = arith.remsi %add3A_344, %rem3A : i32
        %dma_start3A_369 = arith.constant 0 : i32
        %dma_start3A_370 = arith.constant 0 : i32
        %dma_start3A_371 = tpu.memref_slice %arg9[%rem3A_368, %dma_start3A_369, %dma_start3A_370] : memref<8x64x64xf32, #tpu.memory_space<vmem>> -> memref<1x64x64xf32, #tpu.memory_space<vmem>>
        %dma_start3A_372 = tpu.memref_squeeze %dma_start3A_371 : memref<1x64x64xf32, #tpu.memory_space<vmem>> -> memref<64x64xf32, #tpu.memory_space<vmem>>
        %dma_start3A_373 = arith.constant 0 : i32
        %dma_start3A_374 = tpu.memref_slice %arg8[%add3A_344, %dma_start3A_373] : memref<313x64xi32, #tpu.memory_space<vmem>> -> memref<1x64xi32, #tpu.memory_space<vmem>>
        %dma_start3A_375 = tpu.memref_squeeze %dma_start3A_374 : memref<1x64xi32, #tpu.memory_space<vmem>> -> memref<64xi32, #tpu.memory_space<vmem>>
        %dma_start3A_376 = arith.constant 0 : i32
        %dma_start3A_377 = arith.constant 0 : i32
        %dma_start3A_378 = tpu.memref_slice %arg11[%dma_start3A_376, %dma_start3A_377] : memref<10008x64xf32, #tpu.memory_space<vmem_shared>> -> memref<10008x64xf32, #tpu.memory_space<vmem_shared>>
        tpu.enqueue_indirect_dma source(%dma_start3A_372 : memref<64x64xf32, #tpu.memory_space<vmem>>) target(%dma_start3A_378 : memref<10008x64xf32, #tpu.memory_space<vmem_shared>>) offsets(%dma_start3A_375 : memref<64xi32, #tpu.memory_space<vmem>>) semaphore(%arg13 : memref<!tpu.dma_semaphore, #tpu.memory_space<semaphore_mem>>) {add = true}
        %get3A = arith.index_cast %add3A_344 : i32 to index
        %get3A_379 = arith.constant 0 : index
        %get3A_380 = tpu.vector_load %arg8[%get3A, %get3A_379] {strides = array<i32>} : memref<313x64xi32, #tpu.memory_space<vmem>>, vector<16xi32>,
        tpu.vector_store_idx %arg10[%get3A_380], %broadcast_in_dim3A_2 {add = true} : memref<10016xf32, #tpu.memory_space<vmem>>[vector<16xi32>], vector<16xf32>,
        %get3A_381 = arith.index_cast %add3A_344 : i32 to index
        %get3A_382 = arith.constant 16 : index
        %get3A_383 = tpu.vector_load %arg8[%get3A_381, %get3A_382] {strides = array<i32>} : memref<313x64xi32, #tpu.memory_space<vmem>>, vector<16xi32>,
        tpu.vector_store_idx %arg10[%get3A_383], %broadcast_in_dim3A_2 {add = true} : memref<10016xf32, #tpu.memory_space<vmem>>[vector<16xi32>], vector<16xf32>,
        %get3A_384 = arith.index_cast %add3A_344 : i32 to index
        %get3A_385 = arith.constant 32 : index
        %get3A_386 = tpu.vector_load %arg8[%get3A_384, %get3A_385] {strides = array<i32>} : memref<313x64xi32, #tpu.memory_space<vmem>>, vector<16xi32>,
        tpu.vector_store_idx %arg10[%get3A_386], %broadcast_in_dim3A_2 {add = true} : memref<10016xf32, #tpu.memory_space<vmem>>[vector<16xi32>], vector<16xf32>,
        %get3A_387 = arith.index_cast %add3A_344 : i32 to index
        %get3A_388 = arith.constant 48 : index
        %get3A_389 = tpu.vector_load %arg8[%get3A_387, %get3A_388] {strides = array<i32>} : memref<313x64xi32, #tpu.memory_space<vmem>>, vector<16xi32>,
        tpu.vector_store_idx %arg10[%get3A_389], %broadcast_in_dim3A_2 {add = true} : memref<10016xf32, #tpu.memory_space<vmem>>[vector<16xi32>], vector<16xf32>,
        %add3A_390 = arith.constant 6 : i32
        %add3A_391 = arith.addi %add3A_344, %add3A_390 : i32
        %lt3A_392 = arith.constant 313 : i32
        %lt3A_393 = arith.cmpi slt, %add3A_391, %lt3A_392 : i32
        %convert_element_type3A_394 = arith.extui %lt3A_393 : i1 to i32
        %cond3A_395 = arith.constant 0 : i32
        %cond3A_396 = arith.cmpi ne, %convert_element_type3A_394, %cond3A_395 : i32
        scf.if %cond3A_396 {
          %ge3A = arith.constant 2 : i32
          %ge3A_397 = arith.cmpi sge, %add3A_344, %ge3A : i32
          %convert_element_type3A_398 = arith.extui %ge3A_397 : i1 to i32
          %cond3A_399 = arith.constant 0 : i32
          %cond3A_400 = arith.cmpi ne, %convert_element_type3A_398, %cond3A_399 : i32
          scf.if %cond3A_400 {
            %dma_wait3A_417 = arith.constant 0 : i32
            %dma_wait3A_418 = arith.constant 0 : i32
            %dma_wait3A_419 = arith.constant 0 : i32
            %dma_wait3A_420 = tpu.memref_slice %arg9[%dma_wait3A_417, %dma_wait3A_418, %dma_wait3A_419] : memref<8x64x64xf32, #tpu.memory_space<vmem>> -> memref<1x64x64xf32, #tpu.memory_space<vmem>>
            %dma_wait3A_421 = tpu.memref_squeeze %dma_wait3A_420 : memref<1x64x64xf32, #tpu.memory_space<vmem>> -> memref<64x64xf32, #tpu.memory_space<vmem>>
            %dma_wait3A_422 = arith.constant 0 : i32
            %dma_wait3A_423 = arith.constant 0 : i32
            %dma_wait3A_424 = tpu.memref_slice %arg2[%scan3A_145, %dma_wait3A_422, %dma_wait3A_423] : memref<2x10000x64xf32, #tpu.memory_space<hbm>> -> memref<1x10000x64xf32, #tpu.memory_space<hbm>>
            %dma_wait3A_425 = tpu.memref_squeeze %dma_wait3A_424 : memref<1x10000x64xf32, #tpu.memory_space<hbm>> -> memref<10000x64xf32, #tpu.memory_space<hbm>>
            %dma_wait3A_426 = arith.constant 0 : i32
            %dma_wait3A_427 = arith.constant 0 : i32
            %dma_wait3A_428 = tpu.memref_slice %dma_wait3A_425[%dma_wait3A_426, %dma_wait3A_427] : memref<10000x64xf32, #tpu.memory_space<hbm>> -> memref<64x64xf32, #tpu.memory_space<hbm>>
            %dma_wait3A_429 = arith.constant 0 : i32
            %dma_wait3A_430 = arith.constant 0 : i32
            %dma_wait3A_431 = tpu.memref_slice %arg9[%dma_wait3A_417, %dma_wait3A_429, %dma_wait3A_430] : memref<8x64x64xf32, #tpu.memory_space<vmem>> -> memref<1x64x64xf32, #tpu.memory_space<vmem>>
            %dma_wait3A_432 = tpu.memref_squeeze %dma_wait3A_431 : memref<1x64x64xf32, #tpu.memory_space<vmem>> -> memref<64x64xf32, #tpu.memory_space<vmem>>
            %dma_wait3A_433 = arith.constant 0 : i32
            %dma_wait3A_434 = arith.constant 0 : i32
            %dma_wait3A_435 = tpu.memref_slice %arg2[%scan3A_145, %dma_wait3A_433, %dma_wait3A_434] : memref<2x10000x64xf32, #tpu.memory_space<hbm>> -> memref<1x10000x64xf32, #tpu.memory_space<hbm>>
            %dma_wait3A_436 = tpu.memref_squeeze %dma_wait3A_435 : memref<1x10000x64xf32, #tpu.memory_space<hbm>> -> memref<10000x64xf32, #tpu.memory_space<hbm>>
            %dma_wait3A_437 = arith.constant 0 : i32
            %dma_wait3A_438 = arith.constant 0 : i32
            %dma_wait3A_439 = tpu.memref_slice %dma_wait3A_436[%dma_wait3A_437, %dma_wait3A_438] : memref<10000x64xf32, #tpu.memory_space<hbm>> -> memref<64x64xf32, #tpu.memory_space<hbm>>
            tpu.wait_dma2 semaphore(%arg13 : memref<!tpu.dma_semaphore, #tpu.memory_space<semaphore_mem>>) src(%dma_wait3A_439 : memref<64x64xf32, #tpu.memory_space<hbm>>) dst(%dma_wait3A_432 : memref<64x64xf32, #tpu.memory_space<vmem>>)
          } else {
          }
          %rem3A_401 = arith.constant 8 : i32
          %rem3A_402 = arith.remsi %add3A_391, %rem3A_401 : i32
          %dma_start3A_403 = arith.constant 0 : i32
          %dma_start3A_404 = arith.constant 0 : i32
          %dma_start3A_405 = tpu.memref_slice %arg9[%rem3A_402, %dma_start3A_403, %dma_start3A_404] : memref<8x64x64xf32, #tpu.memory_space<vmem>> -> memref<1x64x64xf32, #tpu.memory_space<vmem>>
          %dma_start3A_406 = tpu.memref_squeeze %dma_start3A_405 : memref<1x64x64xf32, #tpu.memory_space<vmem>> -> memref<64x64xf32, #tpu.memory_space<vmem>>
          %dma_start3A_407 = arith.constant 0 : i32
          %dma_start3A_408 = tpu.memref_slice %arg7[%add3A_391, %dma_start3A_407] : memref<313x64xi32, #tpu.memory_space<vmem>> -> memref<1x64xi32, #tpu.memory_space<vmem>>
          %dma_start3A_409 = tpu.memref_squeeze %dma_start3A_408 : memref<1x64xi32, #tpu.memory_space<vmem>> -> memref<64xi32, #tpu.memory_space<vmem>>
          %dma_start3A_410 = arith.constant 0 : i32
          %dma_start3A_411 = arith.constant 0 : i32
          %dma_start3A_412 = tpu.memref_slice %arg2[%scan3A_145, %dma_start3A_410, %dma_start3A_411] : memref<2x10000x64xf32, #tpu.memory_space<hbm>> -> memref<1x10000x64xf32, #tpu.memory_space<hbm>>
          %dma_start3A_413 = tpu.memref_squeeze %dma_start3A_412 : memref<1x10000x64xf32, #tpu.memory_space<hbm>> -> memref<10000x64xf32, #tpu.memory_space<hbm>>
          %dma_start3A_414 = arith.constant 0 : i32
          %dma_start3A_415 = arith.constant 0 : i32
          %dma_start3A_416 = tpu.memref_slice %dma_start3A_413[%dma_start3A_414, %dma_start3A_415] : memref<10000x64xf32, #tpu.memory_space<hbm>> -> memref<10000x64xf32, #tpu.memory_space<hbm>>
          tpu.enqueue_indirect_dma source(%dma_start3A_416 : memref<10000x64xf32, #tpu.memory_space<hbm>>) target(%dma_start3A_406 : memref<64x64xf32, #tpu.memory_space<vmem>>) offsets(%dma_start3A_409 : memref<64xi32, #tpu.memory_space<vmem>>) semaphore(%arg12 : memref<!tpu.dma_semaphore, #tpu.memory_space<semaphore_mem>>)
        } else {
        }
      }
      %scan3A_150 = arith.constant 313 : i32
      %dma_wait3A = arith.constant 0 : i32
      %dma_wait3A_151 = arith.constant 0 : i32
      %dma_wait3A_152 = arith.constant 0 : i32
      %dma_wait3A_153 = arith.constant 0 : i32
      %dma_wait3A_154 = tpu.memref_slice %arg9[%dma_wait3A_151, %dma_wait3A_152, %dma_wait3A_153] : memref<8x64x64xf32, #tpu.memory_space<vmem>> -> memref<1x64x64xf32, #tpu.memory_space<vmem>>
      %dma_wait3A_155 = tpu.memref_squeeze %dma_wait3A_154 : memref<1x64x64xf32, #tpu.memory_space<vmem>> -> memref<64x64xf32, #tpu.memory_space<vmem>>
      %dma_wait3A_156 = arith.constant 0 : i32
      %dma_wait3A_157 = arith.constant 0 : i32
      %dma_wait3A_158 = tpu.memref_slice %arg2[%dma_wait3A, %dma_wait3A_156, %dma_wait3A_157] : memref<2x10000x64xf32, #tpu.memory_space<hbm>> -> memref<1x10000x64xf32, #tpu.memory_space<hbm>>
      %dma_wait3A_159 = tpu.memref_squeeze %dma_wait3A_158 : memref<1x10000x64xf32, #tpu.memory_space<hbm>> -> memref<10000x64xf32, #tpu.memory_space<hbm>>
      %dma_wait3A_160 = arith.constant 0 : i32
      %dma_wait3A_161 = arith.constant 0 : i32
      %dma_wait3A_162 = tpu.memref_slice %dma_wait3A_159[%dma_wait3A_160, %dma_wait3A_161] : memref<10000x64xf32, #tpu.memory_space<hbm>> -> memref<64x64xf32, #tpu.memory_space<hbm>>
      %dma_wait3A_163 = arith.constant 0 : i32
      %dma_wait3A_164 = arith.constant 0 : i32
      %dma_wait3A_165 = tpu.memref_slice %arg9[%dma_wait3A_151, %dma_wait3A_163, %dma_wait3A_164] : memref<8x64x64xf32, #tpu.memory_space<vmem>> -> memref<1x64x64xf32, #tpu.memory_space<vmem>>
      %dma_wait3A_166 = tpu.memref_squeeze %dma_wait3A_165 : memref<1x64x64xf32, #tpu.memory_space<vmem>> -> memref<64x64xf32, #tpu.memory_space<vmem>>
      %dma_wait3A_167 = arith.constant 0 : i32
      %dma_wait3A_168 = arith.constant 0 : i32
      %dma_wait3A_169 = tpu.memref_slice %arg2[%dma_wait3A, %dma_wait3A_167, %dma_wait3A_168] : memref<2x10000x64xf32, #tpu.memory_space<hbm>> -> memref<1x10000x64xf32, #tpu.memory_space<hbm>>
      %dma_wait3A_170 = tpu.memref_squeeze %dma_wait3A_169 : memref<1x10000x64xf32, #tpu.memory_space<hbm>> -> memref<10000x64xf32, #tpu.memory_space<hbm>>
      %dma_wait3A_171 = arith.constant 0 : i32
      %dma_wait3A_172 = arith.constant 0 : i32
      %dma_wait3A_173 = tpu.memref_slice %dma_wait3A_170[%dma_wait3A_171, %dma_wait3A_172] : memref<10000x64xf32, #tpu.memory_space<hbm>> -> memref<64x64xf32, #tpu.memory_space<hbm>>
      tpu.wait_dma2 semaphore(%arg13 : memref<!tpu.dma_semaphore, #tpu.memory_space<semaphore_mem>>) src(%dma_wait3A_173 : memref<64x64xf32, #tpu.memory_space<hbm>>) dst(%dma_wait3A_166 : memref<64x64xf32, #tpu.memory_space<vmem>>)
      %dma_wait3A_174 = arith.constant 0 : i32
      %dma_wait3A_175 = arith.constant 0 : i32
      %dma_wait3A_176 = arith.constant 0 : i32
      %dma_wait3A_177 = arith.constant 0 : i32
      %dma_wait3A_178 = tpu.memref_slice %arg9[%dma_wait3A_175, %dma_wait3A_176, %dma_wait3A_177] : memref<8x64x64xf32, #tpu.memory_space<vmem>> -> memref<1x64x64xf32, #tpu.memory_space<vmem>>
      %dma_wait3A_179 = tpu.memref_squeeze %dma_wait3A_178 : memref<1x64x64xf32, #tpu.memory_space<vmem>> -> memref<64x64xf32, #tpu.memory_space<vmem>>
      %dma_wait3A_180 = arith.constant 0 : i32
      %dma_wait3A_181 = arith.constant 0 : i32
      %dma_wait3A_182 = tpu.memref_slice %arg2[%dma_wait3A_174, %dma_wait3A_180, %dma_wait3A_181] : memref<2x10000x64xf32, #tpu.memory_space<hbm>> -> memref<1x10000x64xf32, #tpu.memory_space<hbm>>
      %dma_wait3A_183 = tpu.memref_squeeze %dma_wait3A_182 : memref<1x10000x64xf32, #tpu.memory_space<hbm>> -> memref<10000x64xf32, #tpu.memory_space<hbm>>
      %dma_wait3A_184 = arith.constant 0 : i32
      %dma_wait3A_185 = arith.constant 0 : i32
      %dma_wait3A_186 = tpu.memref_slice %dma_wait3A_183[%dma_wait3A_184, %dma_wait3A_185] : memref<10000x64xf32, #tpu.memory_space<hbm>> -> memref<64x64xf32, #tpu.memory_space<hbm>>
      %dma_wait3A_187 = arith.constant 0 : i32
      %dma_wait3A_188 = arith.constant 0 : i32
      %dma_wait3A_189 = tpu.memref_slice %arg9[%dma_wait3A_175, %dma_wait3A_187, %dma_wait3A_188] : memref<8x64x64xf32, #tpu.memory_space<vmem>> -> memref<1x64x64xf32, #tpu.memory_space<vmem>>
      %dma_wait3A_190 = tpu.memref_squeeze %dma_wait3A_189 : memref<1x64x64xf32, #tpu.memory_space<vmem>> -> memref<64x64xf32, #tpu.memory_space<vmem>>
      %dma_wait3A_191 = arith.constant 0 : i32
      %dma_wait3A_192 = arith.constant 0 : i32
      %dma_wait3A_193 = tpu.memref_slice %arg2[%dma_wait3A_174, %dma_wait3A_191, %dma_wait3A_192] : memref<2x10000x64xf32, #tpu.memory_space<hbm>> -> memref<1x10000x64xf32, #tpu.memory_space<hbm>>
      %dma_wait3A_194 = tpu.memref_squeeze %dma_wait3A_193 : memref<1x10000x64xf32, #tpu.memory_space<hbm>> -> memref<10000x64xf32, #tpu.memory_space<hbm>>
      %dma_wait3A_195 = arith.constant 0 : i32
      %dma_wait3A_196 = arith.constant 0 : i32
      %dma_wait3A_197 = tpu.memref_slice %dma_wait3A_194[%dma_wait3A_195, %dma_wait3A_196] : memref<10000x64xf32, #tpu.memory_space<hbm>> -> memref<64x64xf32, #tpu.memory_space<hbm>>
      tpu.wait_dma2 semaphore(%arg13 : memref<!tpu.dma_semaphore, #tpu.memory_space<semaphore_mem>>) src(%dma_wait3A_197 : memref<64x64xf32, #tpu.memory_space<hbm>>) dst(%dma_wait3A_190 : memref<64x64xf32, #tpu.memory_space<vmem>>)
      %dma_wait3A_198 = arith.constant 0 : i32
      %dma_wait3A_199 = arith.constant 0 : i32
      %dma_wait3A_200 = arith.constant 0 : i32
      %dma_wait3A_201 = arith.constant 0 : i32
      %dma_wait3A_202 = tpu.memref_slice %arg9[%dma_wait3A_199, %dma_wait3A_200, %dma_wait3A_201] : memref<8x64x64xf32, #tpu.memory_space<vmem>> -> memref<1x64x64xf32, #tpu.memory_space<vmem>>
      %dma_wait3A_203 = tpu.memref_squeeze %dma_wait3A_202 : memref<1x64x64xf32, #tpu.memory_space<vmem>> -> memref<64x64xf32, #tpu.memory_space<vmem>>
      %dma_wait3A_204 = arith.constant 0 : i32
      %dma_wait3A_205 = arith.constant 0 : i32
      %dma_wait3A_206 = tpu.memref_slice %arg2[%dma_wait3A_198, %dma_wait3A_204, %dma_wait3A_205] : memref<2x10000x64xf32, #tpu.memory_space<hbm>> -> memref<1x10000x64xf32, #tpu.memory_space<hbm>>
      %dma_wait3A_207 = tpu.memref_squeeze %dma_wait3A_206 : memref<1x10000x64xf32, #tpu.memory_space<hbm>> -> memref<10000x64xf32, #tpu.memory_space<hbm>>
      %dma_wait3A_208 = arith.constant 0 : i32
      %dma_wait3A_209 = arith.constant 0 : i32
      %dma_wait3A_210 = tpu.memref_slice %dma_wait3A_207[%dma_wait3A_208, %dma_wait3A_209] : memref<10000x64xf32, #tpu.memory_space<hbm>> -> memref<64x64xf32, #tpu.memory_space<hbm>>
      %dma_wait3A_211 = arith.constant 0 : i32
      %dma_wait3A_212 = arith.constant 0 : i32
      %dma_wait3A_213 = tpu.memref_slice %arg9[%dma_wait3A_199, %dma_wait3A_211, %dma_wait3A_212] : memref<8x64x64xf32, #tpu.memory_space<vmem>> -> memref<1x64x64xf32, #tpu.memory_space<vmem>>
      %dma_wait3A_214 = tpu.memref_squeeze %dma_wait3A_213 : memref<1x64x64xf32, #tpu.memory_space<vmem>> -> memref<64x64xf32, #tpu.memory_space<vmem>>
      %dma_wait3A_215 = arith.constant 0 : i32
      %dma_wait3A_216 = arith.constant 0 : i32
      %dma_wait3A_217 = tpu.memref_slice %arg2[%dma_wait3A_198, %dma_wait3A_215, %dma_wait3A_216] : memref<2x10000x64xf32, #tpu.memory_space<hbm>> -> memref<1x10000x64xf32, #tpu.memory_space<hbm>>
      %dma_wait3A_218 = tpu.memref_squeeze %dma_wait3A_217 : memref<1x10000x64xf32, #tpu.memory_space<hbm>> -> memref<10000x64xf32, #tpu.memory_space<hbm>>
      %dma_wait3A_219 = arith.constant 0 : i32
      %dma_wait3A_220 = arith.constant 0 : i32
      %dma_wait3A_221 = tpu.memref_slice %dma_wait3A_218[%dma_wait3A_219, %dma_wait3A_220] : memref<10000x64xf32, #tpu.memory_space<hbm>> -> memref<64x64xf32, #tpu.memory_space<hbm>>
      tpu.wait_dma2 semaphore(%arg13 : memref<!tpu.dma_semaphore, #tpu.memory_space<semaphore_mem>>) src(%dma_wait3A_221 : memref<64x64xf32, #tpu.memory_space<hbm>>) dst(%dma_wait3A_214 : memref<64x64xf32, #tpu.memory_space<vmem>>)
      %dma_wait3A_222 = arith.constant 0 : i32
      %dma_wait3A_223 = arith.constant 0 : i32
      %dma_wait3A_224 = arith.constant 0 : i32
      %dma_wait3A_225 = arith.constant 0 : i32
      %dma_wait3A_226 = tpu.memref_slice %arg9[%dma_wait3A_223, %dma_wait3A_224, %dma_wait3A_225] : memref<8x64x64xf32, #tpu.memory_space<vmem>> -> memref<1x64x64xf32, #tpu.memory_space<vmem>>
      %dma_wait3A_227 = tpu.memref_squeeze %dma_wait3A_226 : memref<1x64x64xf32, #tpu.memory_space<vmem>> -> memref<64x64xf32, #tpu.memory_space<vmem>>
      %dma_wait3A_228 = arith.constant 0 : i32
      %dma_wait3A_229 = arith.constant 0 : i32
      %dma_wait3A_230 = tpu.memref_slice %arg2[%dma_wait3A_222, %dma_wait3A_228, %dma_wait3A_229] : memref<2x10000x64xf32, #tpu.memory_space<hbm>> -> memref<1x10000x64xf32, #tpu.memory_space<hbm>>
      %dma_wait3A_231 = tpu.memref_squeeze %dma_wait3A_230 : memref<1x10000x64xf32, #tpu.memory_space<hbm>> -> memref<10000x64xf32, #tpu.memory_space<hbm>>
      %dma_wait3A_232 = arith.constant 0 : i32
      %dma_wait3A_233 = arith.constant 0 : i32
      %dma_wait3A_234 = tpu.memref_slice %dma_wait3A_231[%dma_wait3A_232, %dma_wait3A_233] : memref<10000x64xf32, #tpu.memory_space<hbm>> -> memref<64x64xf32, #tpu.memory_space<hbm>>
      %dma_wait3A_235 = arith.constant 0 : i32
      %dma_wait3A_236 = arith.constant 0 : i32
      %dma_wait3A_237 = tpu.memref_slice %arg9[%dma_wait3A_223, %dma_wait3A_235, %dma_wait3A_236] : memref<8x64x64xf32, #tpu.memory_space<vmem>> -> memref<1x64x64xf32, #tpu.memory_space<vmem>>
      %dma_wait3A_238 = tpu.memref_squeeze %dma_wait3A_237 : memref<1x64x64xf32, #tpu.memory_space<vmem>> -> memref<64x64xf32, #tpu.memory_space<vmem>>
      %dma_wait3A_239 = arith.constant 0 : i32
      %dma_wait3A_240 = arith.constant 0 : i32
      %dma_wait3A_241 = tpu.memref_slice %arg2[%dma_wait3A_222, %dma_wait3A_239, %dma_wait3A_240] : memref<2x10000x64xf32, #tpu.memory_space<hbm>> -> memref<1x10000x64xf32, #tpu.memory_space<hbm>>
      %dma_wait3A_242 = tpu.memref_squeeze %dma_wait3A_241 : memref<1x10000x64xf32, #tpu.memory_space<hbm>> -> memref<10000x64xf32, #tpu.memory_space<hbm>>
      %dma_wait3A_243 = arith.constant 0 : i32
      %dma_wait3A_244 = arith.constant 0 : i32
      %dma_wait3A_245 = tpu.memref_slice %dma_wait3A_242[%dma_wait3A_243, %dma_wait3A_244] : memref<10000x64xf32, #tpu.memory_space<hbm>> -> memref<64x64xf32, #tpu.memory_space<hbm>>
      tpu.wait_dma2 semaphore(%arg13 : memref<!tpu.dma_semaphore, #tpu.memory_space<semaphore_mem>>) src(%dma_wait3A_245 : memref<64x64xf32, #tpu.memory_space<hbm>>) dst(%dma_wait3A_238 : memref<64x64xf32, #tpu.memory_space<vmem>>)
      %dma_wait3A_246 = arith.constant 0 : i32
      %dma_wait3A_247 = arith.constant 0 : i32
      %dma_wait3A_248 = arith.constant 0 : i32
      %dma_wait3A_249 = arith.constant 0 : i32
      %dma_wait3A_250 = tpu.memref_slice %arg9[%dma_wait3A_247, %dma_wait3A_248, %dma_wait3A_249] : memref<8x64x64xf32, #tpu.memory_space<vmem>> -> memref<1x64x64xf32, #tpu.memory_space<vmem>>
      %dma_wait3A_251 = tpu.memref_squeeze %dma_wait3A_250 : memref<1x64x64xf32, #tpu.memory_space<vmem>> -> memref<64x64xf32, #tpu.memory_space<vmem>>
      %dma_wait3A_252 = arith.constant 0 : i32
      %dma_wait3A_253 = arith.constant 0 : i32
      %dma_wait3A_254 = tpu.memref_slice %arg2[%dma_wait3A_246, %dma_wait3A_252, %dma_wait3A_253] : memref<2x10000x64xf32, #tpu.memory_space<hbm>> -> memref<1x10000x64xf32, #tpu.memory_space<hbm>>
      %dma_wait3A_255 = tpu.memref_squeeze %dma_wait3A_254 : memref<1x10000x64xf32, #tpu.memory_space<hbm>> -> memref<10000x64xf32, #tpu.memory_space<hbm>>
      %dma_wait3A_256 = arith.constant 0 : i32
      %dma_wait3A_257 = arith.constant 0 : i32
      %dma_wait3A_258 = tpu.memref_slice %dma_wait3A_255[%dma_wait3A_256, %dma_wait3A_257] : memref<10000x64xf32, #tpu.memory_space<hbm>> -> memref<64x64xf32, #tpu.memory_space<hbm>>
      %dma_wait3A_259 = arith.constant 0 : i32
      %dma_wait3A_260 = arith.constant 0 : i32
      %dma_wait3A_261 = tpu.memref_slice %arg9[%dma_wait3A_247, %dma_wait3A_259, %dma_wait3A_260] : memref<8x64x64xf32, #tpu.memory_space<vmem>> -> memref<1x64x64xf32, #tpu.memory_space<vmem>>
      %dma_wait3A_262 = tpu.memref_squeeze %dma_wait3A_261 : memref<1x64x64xf32, #tpu.memory_space<vmem>> -> memref<64x64xf32, #tpu.memory_space<vmem>>
      %dma_wait3A_263 = arith.constant 0 : i32
      %dma_wait3A_264 = arith.constant 0 : i32
      %dma_wait3A_265 = tpu.memref_slice %arg2[%dma_wait3A_246, %dma_wait3A_263, %dma_wait3A_264] : memref<2x10000x64xf32, #tpu.memory_space<hbm>> -> memref<1x10000x64xf32, #tpu.memory_space<hbm>>
      %dma_wait3A_266 = tpu.memref_squeeze %dma_wait3A_265 : memref<1x10000x64xf32, #tpu.memory_space<hbm>> -> memref<10000x64xf32, #tpu.memory_space<hbm>>
      %dma_wait3A_267 = arith.constant 0 : i32
      %dma_wait3A_268 = arith.constant 0 : i32
      %dma_wait3A_269 = tpu.memref_slice %dma_wait3A_266[%dma_wait3A_267, %dma_wait3A_268] : memref<10000x64xf32, #tpu.memory_space<hbm>> -> memref<64x64xf32, #tpu.memory_space<hbm>>
      tpu.wait_dma2 semaphore(%arg13 : memref<!tpu.dma_semaphore, #tpu.memory_space<semaphore_mem>>) src(%dma_wait3A_269 : memref<64x64xf32, #tpu.memory_space<hbm>>) dst(%dma_wait3A_262 : memref<64x64xf32, #tpu.memory_space<vmem>>)
      %dma_wait3A_270 = arith.constant 0 : i32
      %dma_wait3A_271 = arith.constant 0 : i32
      %dma_wait3A_272 = arith.constant 0 : i32
      %dma_wait3A_273 = arith.constant 0 : i32
      %dma_wait3A_274 = tpu.memref_slice %arg9[%dma_wait3A_271, %dma_wait3A_272, %dma_wait3A_273] : memref<8x64x64xf32, #tpu.memory_space<vmem>> -> memref<1x64x64xf32, #tpu.memory_space<vmem>>
      %dma_wait3A_275 = tpu.memref_squeeze %dma_wait3A_274 : memref<1x64x64xf32, #tpu.memory_space<vmem>> -> memref<64x64xf32, #tpu.memory_space<vmem>>
      %dma_wait3A_276 = arith.constant 0 : i32
      %dma_wait3A_277 = arith.constant 0 : i32
      %dma_wait3A_278 = tpu.memref_slice %arg2[%dma_wait3A_270, %dma_wait3A_276, %dma_wait3A_277] : memref<2x10000x64xf32, #tpu.memory_space<hbm>> -> memref<1x10000x64xf32, #tpu.memory_space<hbm>>
      %dma_wait3A_279 = tpu.memref_squeeze %dma_wait3A_278 : memref<1x10000x64xf32, #tpu.memory_space<hbm>> -> memref<10000x64xf32, #tpu.memory_space<hbm>>
      %dma_wait3A_280 = arith.constant 0 : i32
      %dma_wait3A_281 = arith.constant 0 : i32
      %dma_wait3A_282 = tpu.memref_slice %dma_wait3A_279[%dma_wait3A_280, %dma_wait3A_281] : memref<10000x64xf32, #tpu.memory_space<hbm>> -> memref<64x64xf32, #tpu.memory_space<hbm>>
      %dma_wait3A_283 = arith.constant 0 : i32
      %dma_wait3A_284 = arith.constant 0 : i32
      %dma_wait3A_285 = tpu.memref_slice %arg9[%dma_wait3A_271, %dma_wait3A_283, %dma_wait3A_284] : memref<8x64x64xf32, #tpu.memory_space<vmem>> -> memref<1x64x64xf32, #tpu.memory_space<vmem>>
      %dma_wait3A_286 = tpu.memref_squeeze %dma_wait3A_285 : memref<1x64x64xf32, #tpu.memory_space<vmem>> -> memref<64x64xf32, #tpu.memory_space<vmem>>
      %dma_wait3A_287 = arith.constant 0 : i32
      %dma_wait3A_288 = arith.constant 0 : i32
      %dma_wait3A_289 = tpu.memref_slice %arg2[%dma_wait3A_270, %dma_wait3A_287, %dma_wait3A_288] : memref<2x10000x64xf32, #tpu.memory_space<hbm>> -> memref<1x10000x64xf32, #tpu.memory_space<hbm>>
      %dma_wait3A_290 = tpu.memref_squeeze %dma_wait3A_289 : memref<1x10000x64xf32, #tpu.memory_space<hbm>> -> memref<10000x64xf32, #tpu.memory_space<hbm>>
      %dma_wait3A_291 = arith.constant 0 : i32
      %dma_wait3A_292 = arith.constant 0 : i32
      %dma_wait3A_293 = tpu.memref_slice %dma_wait3A_290[%dma_wait3A_291, %dma_wait3A_292] : memref<10000x64xf32, #tpu.memory_space<hbm>> -> memref<64x64xf32, #tpu.memory_space<hbm>>
      tpu.wait_dma2 semaphore(%arg13 : memref<!tpu.dma_semaphore, #tpu.memory_space<semaphore_mem>>) src(%dma_wait3A_293 : memref<64x64xf32, #tpu.memory_space<hbm>>) dst(%dma_wait3A_286 : memref<64x64xf32, #tpu.memory_space<vmem>>)
      %dma_wait3A_294 = arith.constant 0 : i32
      %dma_wait3A_295 = arith.constant 0 : i32
      %dma_wait3A_296 = arith.constant 0 : i32
      %dma_wait3A_297 = arith.constant 0 : i32
      %dma_wait3A_298 = tpu.memref_slice %arg9[%dma_wait3A_295, %dma_wait3A_296, %dma_wait3A_297] : memref<8x64x64xf32, #tpu.memory_space<vmem>> -> memref<1x64x64xf32, #tpu.memory_space<vmem>>
      %dma_wait3A_299 = tpu.memref_squeeze %dma_wait3A_298 : memref<1x64x64xf32, #tpu.memory_space<vmem>> -> memref<64x64xf32, #tpu.memory_space<vmem>>
      %dma_wait3A_300 = arith.constant 0 : i32
      %dma_wait3A_301 = arith.constant 0 : i32
      %dma_wait3A_302 = tpu.memref_slice %arg2[%dma_wait3A_294, %dma_wait3A_300, %dma_wait3A_301] : memref<2x10000x64xf32, #tpu.memory_space<hbm>> -> memref<1x10000x64xf32, #tpu.memory_space<hbm>>
      %dma_wait3A_303 = tpu.memref_squeeze %dma_wait3A_302 : memref<1x10000x64xf32, #tpu.memory_space<hbm>> -> memref<10000x64xf32, #tpu.memory_space<hbm>>
      %dma_wait3A_304 = arith.constant 0 : i32
      %dma_wait3A_305 = arith.constant 0 : i32
      %dma_wait3A_306 = tpu.memref_slice %dma_wait3A_303[%dma_wait3A_304, %dma_wait3A_305] : memref<10000x64xf32, #tpu.memory_space<hbm>> -> memref<64x64xf32, #tpu.memory_space<hbm>>
      %dma_wait3A_307 = arith.constant 0 : i32
      %dma_wait3A_308 = arith.constant 0 : i32
      %dma_wait3A_309 = tpu.memref_slice %arg9[%dma_wait3A_295, %dma_wait3A_307, %dma_wait3A_308] : memref<8x64x64xf32, #tpu.memory_space<vmem>> -> memref<1x64x64xf32, #tpu.memory_space<vmem>>
      %dma_wait3A_310 = tpu.memref_squeeze %dma_wait3A_309 : memref<1x64x64xf32, #tpu.memory_space<vmem>> -> memref<64x64xf32, #tpu.memory_space<vmem>>
      %dma_wait3A_311 = arith.constant 0 : i32
      %dma_wait3A_312 = arith.constant 0 : i32
      %dma_wait3A_313 = tpu.memref_slice %arg2[%dma_wait3A_294, %dma_wait3A_311, %dma_wait3A_312] : memref<2x10000x64xf32, #tpu.memory_space<hbm>> -> memref<1x10000x64xf32, #tpu.memory_space<hbm>>
      %dma_wait3A_314 = tpu.memref_squeeze %dma_wait3A_313 : memref<1x10000x64xf32, #tpu.memory_space<hbm>> -> memref<10000x64xf32, #tpu.memory_space<hbm>>
      %dma_wait3A_315 = arith.constant 0 : i32
      %dma_wait3A_316 = arith.constant 0 : i32
      %dma_wait3A_317 = tpu.memref_slice %dma_wait3A_314[%dma_wait3A_315, %dma_wait3A_316] : memref<10000x64xf32, #tpu.memory_space<hbm>> -> memref<64x64xf32, #tpu.memory_space<hbm>>
      tpu.wait_dma2 semaphore(%arg13 : memref<!tpu.dma_semaphore, #tpu.memory_space<semaphore_mem>>) src(%dma_wait3A_317 : memref<64x64xf32, #tpu.memory_space<hbm>>) dst(%dma_wait3A_310 : memref<64x64xf32, #tpu.memory_space<vmem>>)
      %dma_wait3A_318 = arith.constant 0 : i32
      %dma_wait3A_319 = arith.constant 0 : i32
      %dma_wait3A_320 = arith.constant 0 : i32
      %dma_wait3A_321 = arith.constant 0 : i32
      %dma_wait3A_322 = tpu.memref_slice %arg9[%dma_wait3A_319, %dma_wait3A_320, %dma_wait3A_321] : memref<8x64x64xf32, #tpu.memory_space<vmem>> -> memref<1x64x64xf32, #tpu.memory_space<vmem>>
      %dma_wait3A_323 = tpu.memref_squeeze %dma_wait3A_322 : memref<1x64x64xf32, #tpu.memory_space<vmem>> -> memref<64x64xf32, #tpu.memory_space<vmem>>
      %dma_wait3A_324 = arith.constant 0 : i32
      %dma_wait3A_325 = arith.constant 0 : i32
      %dma_wait3A_326 = tpu.memref_slice %arg2[%dma_wait3A_318, %dma_wait3A_324, %dma_wait3A_325] : memref<2x10000x64xf32, #tpu.memory_space<hbm>> -> memref<1x10000x64xf32, #tpu.memory_space<hbm>>
      %dma_wait3A_327 = tpu.memref_squeeze %dma_wait3A_326 : memref<1x10000x64xf32, #tpu.memory_space<hbm>> -> memref<10000x64xf32, #tpu.memory_space<hbm>>
      %dma_wait3A_328 = arith.constant 0 : i32
      %dma_wait3A_329 = arith.constant 0 : i32
      %dma_wait3A_330 = tpu.memref_slice %dma_wait3A_327[%dma_wait3A_328, %dma_wait3A_329] : memref<10000x64xf32, #tpu.memory_space<hbm>> -> memref<64x64xf32, #tpu.memory_space<hbm>>
      %dma_wait3A_331 = arith.constant 0 : i32
      %dma_wait3A_332 = arith.constant 0 : i32
      %dma_wait3A_333 = tpu.memref_slice %arg9[%dma_wait3A_319, %dma_wait3A_331, %dma_wait3A_332] : memref<8x64x64xf32, #tpu.memory_space<vmem>> -> memref<1x64x64xf32, #tpu.memory_space<vmem>>
      %dma_wait3A_334 = tpu.memref_squeeze %dma_wait3A_333 : memref<1x64x64xf32, #tpu.memory_space<vmem>> -> memref<64x64xf32, #tpu.memory_space<vmem>>
      %dma_wait3A_335 = arith.constant 0 : i32
      %dma_wait3A_336 = arith.constant 0 : i32
      %dma_wait3A_337 = tpu.memref_slice %arg2[%dma_wait3A_318, %dma_wait3A_335, %dma_wait3A_336] : memref<2x10000x64xf32, #tpu.memory_space<hbm>> -> memref<1x10000x64xf32, #tpu.memory_space<hbm>>
      %dma_wait3A_338 = tpu.memref_squeeze %dma_wait3A_337 : memref<1x10000x64xf32, #tpu.memory_space<hbm>> -> memref<10000x64xf32, #tpu.memory_space<hbm>>
      %dma_wait3A_339 = arith.constant 0 : i32
      %dma_wait3A_340 = arith.constant 0 : i32
      %dma_wait3A_341 = tpu.memref_slice %dma_wait3A_338[%dma_wait3A_339, %dma_wait3A_340] : memref<10000x64xf32, #tpu.memory_space<hbm>> -> memref<64x64xf32, #tpu.memory_space<hbm>>
      tpu.wait_dma2 semaphore(%arg13 : memref<!tpu.dma_semaphore, #tpu.memory_space<semaphore_mem>>) src(%dma_wait3A_341 : memref<64x64xf32, #tpu.memory_space<hbm>>) dst(%dma_wait3A_334 : memref<64x64xf32, #tpu.memory_space<vmem>>)
    } else {
    }
    %eq3A_23 = arith.constant 1 : i32
    %eq3A_24 = arith.cmpi eq, %arg0, %eq3A_23 : i32
    %convert_element_type3A_25 = arith.extui %eq3A_24 : i1 to i32
    %cond3A_26 = arith.constant 0 : i32
    %cond3A_27 = arith.cmpi ne, %convert_element_type3A_25, %cond3A_26 : i32
    scf.if %cond3A_27 {
      %dma_start3A = arith.constant 1 : i32
      %dma_start3A_44 = arith.constant 0 : i32
      %dma_start3A_45 = arith.constant 0 : i32
      %dma_start3A_46 = arith.constant 0 : i32
      %dma_start3A_47 = arith.constant 0 : i32
      %dma_start3A_48 = tpu.memref_slice %arg9[%dma_start3A_45, %dma_start3A_46, %dma_start3A_47] : memref<8x64x64xf32, #tpu.memory_space<vmem>> -> memref<1x64x64xf32, #tpu.memory_space<vmem>>
      %dma_start3A_49 = tpu.memref_squeeze %dma_start3A_48 : memref<1x64x64xf32, #tpu.memory_space<vmem>> -> memref<64x64xf32, #tpu.memory_space<vmem>>
      %dma_start3A_50 = arith.constant 0 : i32
      %dma_start3A_51 = tpu.memref_slice %arg7[%dma_start3A_44, %dma_start3A_50] : memref<313x64xi32, #tpu.memory_space<vmem>> -> memref<1x64xi32, #tpu.memory_space<vmem>>
      %dma_start3A_52 = tpu.memref_squeeze %dma_start3A_51 : memref<1x64xi32, #tpu.memory_space<vmem>> -> memref<64xi32, #tpu.memory_space<vmem>>
      %dma_start3A_53 = arith.constant 0 : i32
      %dma_start3A_54 = arith.constant 0 : i32
      %dma_start3A_55 = tpu.memref_slice %arg2[%dma_start3A, %dma_start3A_53, %dma_start3A_54] : memref<2x10000x64xf32, #tpu.memory_space<hbm>> -> memref<1x10000x64xf32, #tpu.memory_space<hbm>>
      %dma_start3A_56 = tpu.memref_squeeze %dma_start3A_55 : memref<1x10000x64xf32, #tpu.memory_space<hbm>> -> memref<10000x64xf32, #tpu.memory_space<hbm>>
      %dma_start3A_57 = arith.constant 0 : i32
      %dma_start3A_58 = arith.constant 0 : i32
      %dma_start3A_59 = tpu.memref_slice %dma_start3A_56[%dma_start3A_57, %dma_start3A_58] : memref<10000x64xf32, #tpu.memory_space<hbm>> -> memref<10000x64xf32, #tpu.memory_space<hbm>>
      tpu.enqueue_indirect_dma source(%dma_start3A_59 : memref<10000x64xf32, #tpu.memory_space<hbm>>) target(%dma_start3A_49 : memref<64x64xf32, #tpu.memory_space<vmem>>) offsets(%dma_start3A_52 : memref<64xi32, #tpu.memory_space<vmem>>) semaphore(%arg12 : memref<!tpu.dma_semaphore, #tpu.memory_space<semaphore_mem>>)
      %dma_start3A_60 = arith.constant 1 : i32
      %dma_start3A_61 = arith.constant 1 : i32
      %dma_start3A_62 = arith.constant 1 : i32
      %dma_start3A_63 = arith.constant 0 : i32
      %dma_start3A_64 = arith.constant 0 : i32
      %dma_start3A_65 = tpu.memref_slice %arg9[%dma_start3A_62, %dma_start3A_63, %dma_start3A_64] : memref<8x64x64xf32, #tpu.memory_space<vmem>> -> memref<1x64x64xf32, #tpu.memory_space<vmem>>
      %dma_start3A_66 = tpu.memref_squeeze %dma_start3A_65 : memref<1x64x64xf32, #tpu.memory_space<vmem>> -> memref<64x64xf32, #tpu.memory_space<vmem>>
      %dma_start3A_67 = arith.constant 0 : i32
      %dma_start3A_68 = tpu.memref_slice %arg7[%dma_start3A_61, %dma_start3A_67] : memref<313x64xi32, #tpu.memory_space<vmem>> -> memref<1x64xi32, #tpu.memory_space<vmem>>
      %dma_start3A_69 = tpu.memref_squeeze %dma_start3A_68 : memref<1x64xi32, #tpu.memory_space<vmem>> -> memref<64xi32, #tpu.memory_space<vmem>>
      %dma_start3A_70 = arith.constant 0 : i32
      %dma_start3A_71 = arith.constant 0 : i32
      %dma_start3A_72 = tpu.memref_slice %arg2[%dma_start3A_60, %dma_start3A_70, %dma_start3A_71] : memref<2x10000x64xf32, #tpu.memory_space<hbm>> -> memref<1x10000x64xf32, #tpu.memory_space<hbm>>
      %dma_start3A_73 = tpu.memref_squeeze %dma_start3A_72 : memref<1x10000x64xf32, #tpu.memory_space<hbm>> -> memref<10000x64xf32, #tpu.memory_space<hbm>>
      %dma_start3A_74 = arith.constant 0 : i32
      %dma_start3A_75 = arith.constant 0 : i32
      %dma_start3A_76 = tpu.memref_slice %dma_start3A_73[%dma_start3A_74, %dma_start3A_75] : memref<10000x64xf32, #tpu.memory_space<hbm>> -> memref<10000x64xf32, #tpu.memory_space<hbm>>
      tpu.enqueue_indirect_dma source(%dma_start3A_76 : memref<10000x64xf32, #tpu.memory_space<hbm>>) target(%dma_start3A_66 : memref<64x64xf32, #tpu.memory_space<vmem>>) offsets(%dma_start3A_69 : memref<64xi32, #tpu.memory_space<vmem>>) semaphore(%arg12 : memref<!tpu.dma_semaphore, #tpu.memory_space<semaphore_mem>>)
      %dma_start3A_77 = arith.constant 1 : i32
      %dma_start3A_78 = arith.constant 2 : i32
      %dma_start3A_79 = arith.constant 2 : i32
      %dma_start3A_80 = arith.constant 0 : i32
      %dma_start3A_81 = arith.constant 0 : i32
      %dma_start3A_82 = tpu.memref_slice %arg9[%dma_start3A_79, %dma_start3A_80, %dma_start3A_81] : memref<8x64x64xf32, #tpu.memory_space<vmem>> -> memref<1x64x64xf32, #tpu.memory_space<vmem>>
      %dma_start3A_83 = tpu.memref_squeeze %dma_start3A_82 : memref<1x64x64xf32, #tpu.memory_space<vmem>> -> memref<64x64xf32, #tpu.memory_space<vmem>>
      %dma_start3A_84 = arith.constant 0 : i32
      %dma_start3A_85 = tpu.memref_slice %arg7[%dma_start3A_78, %dma_start3A_84] : memref<313x64xi32, #tpu.memory_space<vmem>> -> memref<1x64xi32, #tpu.memory_space<vmem>>
      %dma_start3A_86 = tpu.memref_squeeze %dma_start3A_85 : memref<1x64xi32, #tpu.memory_space<vmem>> -> memref<64xi32, #tpu.memory_space<vmem>>
      %dma_start3A_87 = arith.constant 0 : i32
      %dma_start3A_88 = arith.constant 0 : i32
      %dma_start3A_89 = tpu.memref_slice %arg2[%dma_start3A_77, %dma_start3A_87, %dma_start3A_88] : memref<2x10000x64xf32, #tpu.memory_space<hbm>> -> memref<1x10000x64xf32, #tpu.memory_space<hbm>>
      %dma_start3A_90 = tpu.memref_squeeze %dma_start3A_89 : memref<1x10000x64xf32, #tpu.memory_space<hbm>> -> memref<10000x64xf32, #tpu.memory_space<hbm>>
      %dma_start3A_91 = arith.constant 0 : i32
      %dma_start3A_92 = arith.constant 0 : i32
      %dma_start3A_93 = tpu.memref_slice %dma_start3A_90[%dma_start3A_91, %dma_start3A_92] : memref<10000x64xf32, #tpu.memory_space<hbm>> -> memref<10000x64xf32, #tpu.memory_space<hbm>>
      tpu.enqueue_indirect_dma source(%dma_start3A_93 : memref<10000x64xf32, #tpu.memory_space<hbm>>) target(%dma_start3A_83 : memref<64x64xf32, #tpu.memory_space<vmem>>) offsets(%dma_start3A_86 : memref<64xi32, #tpu.memory_space<vmem>>) semaphore(%arg12 : memref<!tpu.dma_semaphore, #tpu.memory_space<semaphore_mem>>)
      %dma_start3A_94 = arith.constant 1 : i32
      %dma_start3A_95 = arith.constant 3 : i32
      %dma_start3A_96 = arith.constant 3 : i32
      %dma_start3A_97 = arith.constant 0 : i32
      %dma_start3A_98 = arith.constant 0 : i32
      %dma_start3A_99 = tpu.memref_slice %arg9[%dma_start3A_96, %dma_start3A_97, %dma_start3A_98] : memref<8x64x64xf32, #tpu.memory_space<vmem>> -> memref<1x64x64xf32, #tpu.memory_space<vmem>>
      %dma_start3A_100 = tpu.memref_squeeze %dma_start3A_99 : memref<1x64x64xf32, #tpu.memory_space<vmem>> -> memref<64x64xf32, #tpu.memory_space<vmem>>
      %dma_start3A_101 = arith.constant 0 : i32
      %dma_start3A_102 = tpu.memref_slice %arg7[%dma_start3A_95, %dma_start3A_101] : memref<313x64xi32, #tpu.memory_space<vmem>> -> memref<1x64xi32, #tpu.memory_space<vmem>>
      %dma_start3A_103 = tpu.memref_squeeze %dma_start3A_102 : memref<1x64xi32, #tpu.memory_space<vmem>> -> memref<64xi32, #tpu.memory_space<vmem>>
      %dma_start3A_104 = arith.constant 0 : i32
      %dma_start3A_105 = arith.constant 0 : i32
      %dma_start3A_106 = tpu.memref_slice %arg2[%dma_start3A_94, %dma_start3A_104, %dma_start3A_105] : memref<2x10000x64xf32, #tpu.memory_space<hbm>> -> memref<1x10000x64xf32, #tpu.memory_space<hbm>>
      %dma_start3A_107 = tpu.memref_squeeze %dma_start3A_106 : memref<1x10000x64xf32, #tpu.memory_space<hbm>> -> memref<10000x64xf32, #tpu.memory_space<hbm>>
      %dma_start3A_108 = arith.constant 0 : i32
      %dma_start3A_109 = arith.constant 0 : i32
      %dma_start3A_110 = tpu.memref_slice %dma_start3A_107[%dma_start3A_108, %dma_start3A_109] : memref<10000x64xf32, #tpu.memory_space<hbm>> -> memref<10000x64xf32, #tpu.memory_space<hbm>>
      tpu.enqueue_indirect_dma source(%dma_start3A_110 : memref<10000x64xf32, #tpu.memory_space<hbm>>) target(%dma_start3A_100 : memref<64x64xf32, #tpu.memory_space<vmem>>) offsets(%dma_start3A_103 : memref<64xi32, #tpu.memory_space<vmem>>) semaphore(%arg12 : memref<!tpu.dma_semaphore, #tpu.memory_space<semaphore_mem>>)
      %dma_start3A_111 = arith.constant 1 : i32
      %dma_start3A_112 = arith.constant 4 : i32
      %dma_start3A_113 = arith.constant 4 : i32
      %dma_start3A_114 = arith.constant 0 : i32
      %dma_start3A_115 = arith.constant 0 : i32
      %dma_start3A_116 = tpu.memref_slice %arg9[%dma_start3A_113, %dma_start3A_114, %dma_start3A_115] : memref<8x64x64xf32, #tpu.memory_space<vmem>> -> memref<1x64x64xf32, #tpu.memory_space<vmem>>
      %dma_start3A_117 = tpu.memref_squeeze %dma_start3A_116 : memref<1x64x64xf32, #tpu.memory_space<vmem>> -> memref<64x64xf32, #tpu.memory_space<vmem>>
      %dma_start3A_118 = arith.constant 0 : i32
      %dma_start3A_119 = tpu.memref_slice %arg7[%dma_start3A_112, %dma_start3A_118] : memref<313x64xi32, #tpu.memory_space<vmem>> -> memref<1x64xi32, #tpu.memory_space<vmem>>
      %dma_start3A_120 = tpu.memref_squeeze %dma_start3A_119 : memref<1x64xi32, #tpu.memory_space<vmem>> -> memref<64xi32, #tpu.memory_space<vmem>>
      %dma_start3A_121 = arith.constant 0 : i32
      %dma_start3A_122 = arith.constant 0 : i32
      %dma_start3A_123 = tpu.memref_slice %arg2[%dma_start3A_111, %dma_start3A_121, %dma_start3A_122] : memref<2x10000x64xf32, #tpu.memory_space<hbm>> -> memref<1x10000x64xf32, #tpu.memory_space<hbm>>
      %dma_start3A_124 = tpu.memref_squeeze %dma_start3A_123 : memref<1x10000x64xf32, #tpu.memory_space<hbm>> -> memref<10000x64xf32, #tpu.memory_space<hbm>>
      %dma_start3A_125 = arith.constant 0 : i32
      %dma_start3A_126 = arith.constant 0 : i32
      %dma_start3A_127 = tpu.memref_slice %dma_start3A_124[%dma_start3A_125, %dma_start3A_126] : memref<10000x64xf32, #tpu.memory_space<hbm>> -> memref<10000x64xf32, #tpu.memory_space<hbm>>
      tpu.enqueue_indirect_dma source(%dma_start3A_127 : memref<10000x64xf32, #tpu.memory_space<hbm>>) target(%dma_start3A_117 : memref<64x64xf32, #tpu.memory_space<vmem>>) offsets(%dma_start3A_120 : memref<64xi32, #tpu.memory_space<vmem>>) semaphore(%arg12 : memref<!tpu.dma_semaphore, #tpu.memory_space<semaphore_mem>>)
      %dma_start3A_128 = arith.constant 1 : i32
      %dma_start3A_129 = arith.constant 5 : i32
      %dma_start3A_130 = arith.constant 5 : i32
      %dma_start3A_131 = arith.constant 0 : i32
      %dma_start3A_132 = arith.constant 0 : i32
      %dma_start3A_133 = tpu.memref_slice %arg9[%dma_start3A_130, %dma_start3A_131, %dma_start3A_132] : memref<8x64x64xf32, #tpu.memory_space<vmem>> -> memref<1x64x64xf32, #tpu.memory_space<vmem>>
      %dma_start3A_134 = tpu.memref_squeeze %dma_start3A_133 : memref<1x64x64xf32, #tpu.memory_space<vmem>> -> memref<64x64xf32, #tpu.memory_space<vmem>>
      %dma_start3A_135 = arith.constant 0 : i32
      %dma_start3A_136 = tpu.memref_slice %arg7[%dma_start3A_129, %dma_start3A_135] : memref<313x64xi32, #tpu.memory_space<vmem>> -> memref<1x64xi32, #tpu.memory_space<vmem>>
      %dma_start3A_137 = tpu.memref_squeeze %dma_start3A_136 : memref<1x64xi32, #tpu.memory_space<vmem>> -> memref<64xi32, #tpu.memory_space<vmem>>
      %dma_start3A_138 = arith.constant 0 : i32
      %dma_start3A_139 = arith.constant 0 : i32
      %dma_start3A_140 = tpu.memref_slice %arg2[%dma_start3A_128, %dma_start3A_138, %dma_start3A_139] : memref<2x10000x64xf32, #tpu.memory_space<hbm>> -> memref<1x10000x64xf32, #tpu.memory_space<hbm>>
      %dma_start3A_141 = tpu.memref_squeeze %dma_start3A_140 : memref<1x10000x64xf32, #tpu.memory_space<hbm>> -> memref<10000x64xf32, #tpu.memory_space<hbm>>
      %dma_start3A_142 = arith.constant 0 : i32
      %dma_start3A_143 = arith.constant 0 : i32
      %dma_start3A_144 = tpu.memref_slice %dma_start3A_141[%dma_start3A_142, %dma_start3A_143] : memref<10000x64xf32, #tpu.memory_space<hbm>> -> memref<10000x64xf32, #tpu.memory_space<hbm>>
      tpu.enqueue_indirect_dma source(%dma_start3A_144 : memref<10000x64xf32, #tpu.memory_space<hbm>>) target(%dma_start3A_134 : memref<64x64xf32, #tpu.memory_space<vmem>>) offsets(%dma_start3A_137 : memref<64xi32, #tpu.memory_space<vmem>>) semaphore(%arg12 : memref<!tpu.dma_semaphore, #tpu.memory_space<semaphore_mem>>)
      %scan3A_145 = arith.constant 1 : i32
      %scan3A_146 = arith.constant 0 : i32
      %scan3A_147 = arith.constant 313 : i32
      %scan3A_148 = arith.addi %scan3A_146, %scan3A_147 : i32
      %scan3A_149 = arith.constant 1 : i32
      scf.for %scan3A_342 = %scan3A_146 to %scan3A_148 step %scan3A_149  : i32 {
        %mul3A = arith.constant 1 : i32
        %mul3A_343 = arith.muli %scan3A_342, %mul3A : i32
        %add3A = arith.constant 0 : i32
        %add3A_344 = arith.addi %add3A, %mul3A_343 : i32
        %dma_wait3A_345 = arith.constant 0 : i32
        %dma_wait3A_346 = arith.constant 0 : i32
        %dma_wait3A_347 = arith.constant 0 : i32
        %dma_wait3A_348 = tpu.memref_slice %arg9[%dma_wait3A_345, %dma_wait3A_346, %dma_wait3A_347] : memref<8x64x64xf32, #tpu.memory_space<vmem>> -> memref<1x64x64xf32, #tpu.memory_space<vmem>>
        %dma_wait3A_349 = tpu.memref_squeeze %dma_wait3A_348 : memref<1x64x64xf32, #tpu.memory_space<vmem>> -> memref<64x64xf32, #tpu.memory_space<vmem>>
        %dma_wait3A_350 = arith.constant 0 : i32
        %dma_wait3A_351 = arith.constant 0 : i32
        %dma_wait3A_352 = tpu.memref_slice %arg2[%scan3A_145, %dma_wait3A_350, %dma_wait3A_351] : memref<2x10000x64xf32, #tpu.memory_space<hbm>> -> memref<1x10000x64xf32, #tpu.memory_space<hbm>>
        %dma_wait3A_353 = tpu.memref_squeeze %dma_wait3A_352 : memref<1x10000x64xf32, #tpu.memory_space<hbm>> -> memref<10000x64xf32, #tpu.memory_space<hbm>>
        %dma_wait3A_354 = arith.constant 0 : i32
        %dma_wait3A_355 = arith.constant 0 : i32
        %dma_wait3A_356 = tpu.memref_slice %dma_wait3A_353[%dma_wait3A_354, %dma_wait3A_355] : memref<10000x64xf32, #tpu.memory_space<hbm>> -> memref<64x64xf32, #tpu.memory_space<hbm>>
        %dma_wait3A_357 = arith.constant 0 : i32
        %dma_wait3A_358 = arith.constant 0 : i32
        %dma_wait3A_359 = tpu.memref_slice %arg9[%dma_wait3A_345, %dma_wait3A_357, %dma_wait3A_358] : memref<8x64x64xf32, #tpu.memory_space<vmem>> -> memref<1x64x64xf32, #tpu.memory_space<vmem>>
        %dma_wait3A_360 = tpu.memref_squeeze %dma_wait3A_359 : memref<1x64x64xf32, #tpu.memory_space<vmem>> -> memref<64x64xf32, #tpu.memory_space<vmem>>
        %dma_wait3A_361 = arith.constant 0 : i32
        %dma_wait3A_362 = arith.constant 0 : i32
        %dma_wait3A_363 = tpu.memref_slice %arg2[%scan3A_145, %dma_wait3A_361, %dma_wait3A_362] : memref<2x10000x64xf32, #tpu.memory_space<hbm>> -> memref<1x10000x64xf32, #tpu.memory_space<hbm>>
        %dma_wait3A_364 = tpu.memref_squeeze %dma_wait3A_363 : memref<1x10000x64xf32, #tpu.memory_space<hbm>> -> memref<10000x64xf32, #tpu.memory_space<hbm>>
        %dma_wait3A_365 = arith.constant 0 : i32
        %dma_wait3A_366 = arith.constant 0 : i32
        %dma_wait3A_367 = tpu.memref_slice %dma_wait3A_364[%dma_wait3A_365, %dma_wait3A_366] : memref<10000x64xf32, #tpu.memory_space<hbm>> -> memref<64x64xf32, #tpu.memory_space<hbm>>
        tpu.wait_dma2 semaphore(%arg12 : memref<!tpu.dma_semaphore, #tpu.memory_space<semaphore_mem>>) src(%dma_wait3A_367 : memref<64x64xf32, #tpu.memory_space<hbm>>) dst(%dma_wait3A_360 : memref<64x64xf32, #tpu.memory_space<vmem>>)
        %rem3A = arith.constant 8 : i32
        %rem3A_368 = arith.remsi %add3A_344, %rem3A : i32
        %dma_start3A_369 = arith.constant 0 : i32
        %dma_start3A_370 = arith.constant 0 : i32
        %dma_start3A_371 = tpu.memref_slice %arg9[%rem3A_368, %dma_start3A_369, %dma_start3A_370] : memref<8x64x64xf32, #tpu.memory_space<vmem>> -> memref<1x64x64xf32, #tpu.memory_space<vmem>>
        %dma_start3A_372 = tpu.memref_squeeze %dma_start3A_371 : memref<1x64x64xf32, #tpu.memory_space<vmem>> -> memref<64x64xf32, #tpu.memory_space<vmem>>
        %dma_start3A_373 = arith.constant 0 : i32
        %dma_start3A_374 = tpu.memref_slice %arg8[%add3A_344, %dma_start3A_373] : memref<313x64xi32, #tpu.memory_space<vmem>> -> memref<1x64xi32, #tpu.memory_space<vmem>>
        %dma_start3A_375 = tpu.memref_squeeze %dma_start3A_374 : memref<1x64xi32, #tpu.memory_space<vmem>> -> memref<64xi32, #tpu.memory_space<vmem>>
        %dma_start3A_376 = arith.constant 0 : i32
        %dma_start3A_377 = arith.constant 0 : i32
        %dma_start3A_378 = tpu.memref_slice %arg11[%dma_start3A_376, %dma_start3A_377] : memref<10008x64xf32, #tpu.memory_space<vmem_shared>> -> memref<10008x64xf32, #tpu.memory_space<vmem_shared>>
        tpu.enqueue_indirect_dma source(%dma_start3A_372 : memref<64x64xf32, #tpu.memory_space<vmem>>) target(%dma_start3A_378 : memref<10008x64xf32, #tpu.memory_space<vmem_shared>>) offsets(%dma_start3A_375 : memref<64xi32, #tpu.memory_space<vmem>>) semaphore(%arg13 : memref<!tpu.dma_semaphore, #tpu.memory_space<semaphore_mem>>) {add = true}
        %add3A_379 = arith.constant 6 : i32
        %add3A_380 = arith.addi %add3A_344, %add3A_379 : i32
        %lt3A_381 = arith.constant 313 : i32
        %lt3A_382 = arith.cmpi slt, %add3A_380, %lt3A_381 : i32
        %convert_element_type3A_383 = arith.extui %lt3A_382 : i1 to i32
        %cond3A_384 = arith.constant 0 : i32
        %cond3A_385 = arith.cmpi ne, %convert_element_type3A_383, %cond3A_384 : i32
        scf.if %cond3A_385 {
          %ge3A = arith.constant 2 : i32
          %ge3A_386 = arith.cmpi sge, %add3A_344, %ge3A : i32
          %convert_element_type3A_387 = arith.extui %ge3A_386 : i1 to i32
          %cond3A_388 = arith.constant 0 : i32
          %cond3A_389 = arith.cmpi ne, %convert_element_type3A_387, %cond3A_388 : i32
          scf.if %cond3A_389 {
            %dma_wait3A_406 = arith.constant 0 : i32
            %dma_wait3A_407 = arith.constant 0 : i32
            %dma_wait3A_408 = arith.constant 0 : i32
            %dma_wait3A_409 = tpu.memref_slice %arg9[%dma_wait3A_406, %dma_wait3A_407, %dma_wait3A_408] : memref<8x64x64xf32, #tpu.memory_space<vmem>> -> memref<1x64x64xf32, #tpu.memory_space<vmem>>
            %dma_wait3A_410 = tpu.memref_squeeze %dma_wait3A_409 : memref<1x64x64xf32, #tpu.memory_space<vmem>> -> memref<64x64xf32, #tpu.memory_space<vmem>>
            %dma_wait3A_411 = arith.constant 0 : i32
            %dma_wait3A_412 = arith.constant 0 : i32
            %dma_wait3A_413 = tpu.memref_slice %arg2[%scan3A_145, %dma_wait3A_411, %dma_wait3A_412] : memref<2x10000x64xf32, #tpu.memory_space<hbm>> -> memref<1x10000x64xf32, #tpu.memory_space<hbm>>
            %dma_wait3A_414 = tpu.memref_squeeze %dma_wait3A_413 : memref<1x10000x64xf32, #tpu.memory_space<hbm>> -> memref<10000x64xf32, #tpu.memory_space<hbm>>
            %dma_wait3A_415 = arith.constant 0 : i32
            %dma_wait3A_416 = arith.constant 0 : i32
            %dma_wait3A_417 = tpu.memref_slice %dma_wait3A_414[%dma_wait3A_415, %dma_wait3A_416] : memref<10000x64xf32, #tpu.memory_space<hbm>> -> memref<64x64xf32, #tpu.memory_space<hbm>>
            %dma_wait3A_418 = arith.constant 0 : i32
            %dma_wait3A_419 = arith.constant 0 : i32
            %dma_wait3A_420 = tpu.memref_slice %arg9[%dma_wait3A_406, %dma_wait3A_418, %dma_wait3A_419] : memref<8x64x64xf32, #tpu.memory_space<vmem>> -> memref<1x64x64xf32, #tpu.memory_space<vmem>>
            %dma_wait3A_421 = tpu.memref_squeeze %dma_wait3A_420 : memref<1x64x64xf32, #tpu.memory_space<vmem>> -> memref<64x64xf32, #tpu.memory_space<vmem>>
            %dma_wait3A_422 = arith.constant 0 : i32
            %dma_wait3A_423 = arith.constant 0 : i32
            %dma_wait3A_424 = tpu.memref_slice %arg2[%scan3A_145, %dma_wait3A_422, %dma_wait3A_423] : memref<2x10000x64xf32, #tpu.memory_space<hbm>> -> memref<1x10000x64xf32, #tpu.memory_space<hbm>>
            %dma_wait3A_425 = tpu.memref_squeeze %dma_wait3A_424 : memref<1x10000x64xf32, #tpu.memory_space<hbm>> -> memref<10000x64xf32, #tpu.memory_space<hbm>>
            %dma_wait3A_426 = arith.constant 0 : i32
            %dma_wait3A_427 = arith.constant 0 : i32
            %dma_wait3A_428 = tpu.memref_slice %dma_wait3A_425[%dma_wait3A_426, %dma_wait3A_427] : memref<10000x64xf32, #tpu.memory_space<hbm>> -> memref<64x64xf32, #tpu.memory_space<hbm>>
            tpu.wait_dma2 semaphore(%arg13 : memref<!tpu.dma_semaphore, #tpu.memory_space<semaphore_mem>>) src(%dma_wait3A_428 : memref<64x64xf32, #tpu.memory_space<hbm>>) dst(%dma_wait3A_421 : memref<64x64xf32, #tpu.memory_space<vmem>>)
          } else {
          }
          %rem3A_390 = arith.constant 8 : i32
          %rem3A_391 = arith.remsi %add3A_380, %rem3A_390 : i32
          %dma_start3A_392 = arith.constant 0 : i32
          %dma_start3A_393 = arith.constant 0 : i32
          %dma_start3A_394 = tpu.memref_slice %arg9[%rem3A_391, %dma_start3A_392, %dma_start3A_393] : memref<8x64x64xf32, #tpu.memory_space<vmem>> -> memref<1x64x64xf32, #tpu.memory_space<vmem>>
          %dma_start3A_395 = tpu.memref_squeeze %dma_start3A_394 : memref<1x64x64xf32, #tpu.memory_space<vmem>> -> memref<64x64xf32, #tpu.memory_space<vmem>>
          %dma_start3A_396 = arith.constant 0 : i32
          %dma_start3A_397 = tpu.memref_slice %arg7[%add3A_380, %dma_start3A_396] : memref<313x64xi32, #tpu.memory_space<vmem>> -> memref<1x64xi32, #tpu.memory_space<vmem>>
          %dma_start3A_398 = tpu.memref_squeeze %dma_start3A_397 : memref<1x64xi32, #tpu.memory_space<vmem>> -> memref<64xi32, #tpu.memory_space<vmem>>
          %dma_start3A_399 = arith.constant 0 : i32
          %dma_start3A_400 = arith.constant 0 : i32
          %dma_start3A_401 = tpu.memref_slice %arg2[%scan3A_145, %dma_start3A_399, %dma_start3A_400] : memref<2x10000x64xf32, #tpu.memory_space<hbm>> -> memref<1x10000x64xf32, #tpu.memory_space<hbm>>
          %dma_start3A_402 = tpu.memref_squeeze %dma_start3A_401 : memref<1x10000x64xf32, #tpu.memory_space<hbm>> -> memref<10000x64xf32, #tpu.memory_space<hbm>>
          %dma_start3A_403 = arith.constant 0 : i32
          %dma_start3A_404 = arith.constant 0 : i32
          %dma_start3A_405 = tpu.memref_slice %dma_start3A_402[%dma_start3A_403, %dma_start3A_404] : memref<10000x64xf32, #tpu.memory_space<hbm>> -> memref<10000x64xf32, #tpu.memory_space<hbm>>
          tpu.enqueue_indirect_dma source(%dma_start3A_405 : memref<10000x64xf32, #tpu.memory_space<hbm>>) target(%dma_start3A_395 : memref<64x64xf32, #tpu.memory_space<vmem>>) offsets(%dma_start3A_398 : memref<64xi32, #tpu.memory_space<vmem>>) semaphore(%arg12 : memref<!tpu.dma_semaphore, #tpu.memory_space<semaphore_mem>>)
        } else {
        }
      }
      %scan3A_150 = arith.constant 313 : i32
      %dma_wait3A = arith.constant 1 : i32
      %dma_wait3A_151 = arith.constant 0 : i32
      %dma_wait3A_152 = arith.constant 0 : i32
      %dma_wait3A_153 = arith.constant 0 : i32
      %dma_wait3A_154 = tpu.memref_slice %arg9[%dma_wait3A_151, %dma_wait3A_152, %dma_wait3A_153] : memref<8x64x64xf32, #tpu.memory_space<vmem>> -> memref<1x64x64xf32, #tpu.memory_space<vmem>>
      %dma_wait3A_155 = tpu.memref_squeeze %dma_wait3A_154 : memref<1x64x64xf32, #tpu.memory_space<vmem>> -> memref<64x64xf32, #tpu.memory_space<vmem>>
      %dma_wait3A_156 = arith.constant 0 : i32
      %dma_wait3A_157 = arith.constant 0 : i32
      %dma_wait3A_158 = tpu.memref_slice %arg2[%dma_wait3A, %dma_wait3A_156, %dma_wait3A_157] : memref<2x10000x64xf32, #tpu.memory_space<hbm>> -> memref<1x10000x64xf32, #tpu.memory_space<hbm>>
      %dma_wait3A_159 = tpu.memref_squeeze %dma_wait3A_158 : memref<1x10000x64xf32, #tpu.memory_space<hbm>> -> memref<10000x64xf32, #tpu.memory_space<hbm>>
      %dma_wait3A_160 = arith.constant 0 : i32
      %dma_wait3A_161 = arith.constant 0 : i32
      %dma_wait3A_162 = tpu.memref_slice %dma_wait3A_159[%dma_wait3A_160, %dma_wait3A_161] : memref<10000x64xf32, #tpu.memory_space<hbm>> -> memref<64x64xf32, #tpu.memory_space<hbm>>
      %dma_wait3A_163 = arith.constant 0 : i32
      %dma_wait3A_164 = arith.constant 0 : i32
      %dma_wait3A_165 = tpu.memref_slice %arg9[%dma_wait3A_151, %dma_wait3A_163, %dma_wait3A_164] : memref<8x64x64xf32, #tpu.memory_space<vmem>> -> memref<1x64x64xf32, #tpu.memory_space<vmem>>
      %dma_wait3A_166 = tpu.memref_squeeze %dma_wait3A_165 : memref<1x64x64xf32, #tpu.memory_space<vmem>> -> memref<64x64xf32, #tpu.memory_space<vmem>>
      %dma_wait3A_167 = arith.constant 0 : i32
      %dma_wait3A_168 = arith.constant 0 : i32
      %dma_wait3A_169 = tpu.memref_slice %arg2[%dma_wait3A, %dma_wait3A_167, %dma_wait3A_168] : memref<2x10000x64xf32, #tpu.memory_space<hbm>> -> memref<1x10000x64xf32, #tpu.memory_space<hbm>>
      %dma_wait3A_170 = tpu.memref_squeeze %dma_wait3A_169 : memref<1x10000x64xf32, #tpu.memory_space<hbm>> -> memref<10000x64xf32, #tpu.memory_space<hbm>>
      %dma_wait3A_171 = arith.constant 0 : i32
      %dma_wait3A_172 = arith.constant 0 : i32
      %dma_wait3A_173 = tpu.memref_slice %dma_wait3A_170[%dma_wait3A_171, %dma_wait3A_172] : memref<10000x64xf32, #tpu.memory_space<hbm>> -> memref<64x64xf32, #tpu.memory_space<hbm>>
      tpu.wait_dma2 semaphore(%arg13 : memref<!tpu.dma_semaphore, #tpu.memory_space<semaphore_mem>>) src(%dma_wait3A_173 : memref<64x64xf32, #tpu.memory_space<hbm>>) dst(%dma_wait3A_166 : memref<64x64xf32, #tpu.memory_space<vmem>>)
      %dma_wait3A_174 = arith.constant 1 : i32
      %dma_wait3A_175 = arith.constant 0 : i32
      %dma_wait3A_176 = arith.constant 0 : i32
      %dma_wait3A_177 = arith.constant 0 : i32
      %dma_wait3A_178 = tpu.memref_slice %arg9[%dma_wait3A_175, %dma_wait3A_176, %dma_wait3A_177] : memref<8x64x64xf32, #tpu.memory_space<vmem>> -> memref<1x64x64xf32, #tpu.memory_space<vmem>>
      %dma_wait3A_179 = tpu.memref_squeeze %dma_wait3A_178 : memref<1x64x64xf32, #tpu.memory_space<vmem>> -> memref<64x64xf32, #tpu.memory_space<vmem>>
      %dma_wait3A_180 = arith.constant 0 : i32
      %dma_wait3A_181 = arith.constant 0 : i32
      %dma_wait3A_182 = tpu.memref_slice %arg2[%dma_wait3A_174, %dma_wait3A_180, %dma_wait3A_181] : memref<2x10000x64xf32, #tpu.memory_space<hbm>> -> memref<1x10000x64xf32, #tpu.memory_space<hbm>>
      %dma_wait3A_183 = tpu.memref_squeeze %dma_wait3A_182 : memref<1x10000x64xf32, #tpu.memory_space<hbm>> -> memref<10000x64xf32, #tpu.memory_space<hbm>>
      %dma_wait3A_184 = arith.constant 0 : i32
      %dma_wait3A_185 = arith.constant 0 : i32
      %dma_wait3A_186 = tpu.memref_slice %dma_wait3A_183[%dma_wait3A_184, %dma_wait3A_185] : memref<10000x64xf32, #tpu.memory_space<hbm>> -> memref<64x64xf32, #tpu.memory_space<hbm>>
      %dma_wait3A_187 = arith.constant 0 : i32
      %dma_wait3A_188 = arith.constant 0 : i32
      %dma_wait3A_189 = tpu.memref_slice %arg9[%dma_wait3A_175, %dma_wait3A_187, %dma_wait3A_188] : memref<8x64x64xf32, #tpu.memory_space<vmem>> -> memref<1x64x64xf32, #tpu.memory_space<vmem>>
      %dma_wait3A_190 = tpu.memref_squeeze %dma_wait3A_189 : memref<1x64x64xf32, #tpu.memory_space<vmem>> -> memref<64x64xf32, #tpu.memory_space<vmem>>
      %dma_wait3A_191 = arith.constant 0 : i32
      %dma_wait3A_192 = arith.constant 0 : i32
      %dma_wait3A_193 = tpu.memref_slice %arg2[%dma_wait3A_174, %dma_wait3A_191, %dma_wait3A_192] : memref<2x10000x64xf32, #tpu.memory_space<hbm>> -> memref<1x10000x64xf32, #tpu.memory_space<hbm>>
      %dma_wait3A_194 = tpu.memref_squeeze %dma_wait3A_193 : memref<1x10000x64xf32, #tpu.memory_space<hbm>> -> memref<10000x64xf32, #tpu.memory_space<hbm>>
      %dma_wait3A_195 = arith.constant 0 : i32
      %dma_wait3A_196 = arith.constant 0 : i32
      %dma_wait3A_197 = tpu.memref_slice %dma_wait3A_194[%dma_wait3A_195, %dma_wait3A_196] : memref<10000x64xf32, #tpu.memory_space<hbm>> -> memref<64x64xf32, #tpu.memory_space<hbm>>
      tpu.wait_dma2 semaphore(%arg13 : memref<!tpu.dma_semaphore, #tpu.memory_space<semaphore_mem>>) src(%dma_wait3A_197 : memref<64x64xf32, #tpu.memory_space<hbm>>) dst(%dma_wait3A_190 : memref<64x64xf32, #tpu.memory_space<vmem>>)
      %dma_wait3A_198 = arith.constant 1 : i32
      %dma_wait3A_199 = arith.constant 0 : i32
      %dma_wait3A_200 = arith.constant 0 : i32
      %dma_wait3A_201 = arith.constant 0 : i32
      %dma_wait3A_202 = tpu.memref_slice %arg9[%dma_wait3A_199, %dma_wait3A_200, %dma_wait3A_201] : memref<8x64x64xf32, #tpu.memory_space<vmem>> -> memref<1x64x64xf32, #tpu.memory_space<vmem>>
      %dma_wait3A_203 = tpu.memref_squeeze %dma_wait3A_202 : memref<1x64x64xf32, #tpu.memory_space<vmem>> -> memref<64x64xf32, #tpu.memory_space<vmem>>
      %dma_wait3A_204 = arith.constant 0 : i32
      %dma_wait3A_205 = arith.constant 0 : i32
      %dma_wait3A_206 = tpu.memref_slice %arg2[%dma_wait3A_198, %dma_wait3A_204, %dma_wait3A_205] : memref<2x10000x64xf32, #tpu.memory_space<hbm>> -> memref<1x10000x64xf32, #tpu.memory_space<hbm>>
      %dma_wait3A_207 = tpu.memref_squeeze %dma_wait3A_206 : memref<1x10000x64xf32, #tpu.memory_space<hbm>> -> memref<10000x64xf32, #tpu.memory_space<hbm>>
      %dma_wait3A_208 = arith.constant 0 : i32
      %dma_wait3A_209 = arith.constant 0 : i32
      %dma_wait3A_210 = tpu.memref_slice %dma_wait3A_207[%dma_wait3A_208, %dma_wait3A_209] : memref<10000x64xf32, #tpu.memory_space<hbm>> -> memref<64x64xf32, #tpu.memory_space<hbm>>
      %dma_wait3A_211 = arith.constant 0 : i32
      %dma_wait3A_212 = arith.constant 0 : i32
      %dma_wait3A_213 = tpu.memref_slice %arg9[%dma_wait3A_199, %dma_wait3A_211, %dma_wait3A_212] : memref<8x64x64xf32, #tpu.memory_space<vmem>> -> memref<1x64x64xf32, #tpu.memory_space<vmem>>
      %dma_wait3A_214 = tpu.memref_squeeze %dma_wait3A_213 : memref<1x64x64xf32, #tpu.memory_space<vmem>> -> memref<64x64xf32, #tpu.memory_space<vmem>>
      %dma_wait3A_215 = arith.constant 0 : i32
      %dma_wait3A_216 = arith.constant 0 : i32
      %dma_wait3A_217 = tpu.memref_slice %arg2[%dma_wait3A_198, %dma_wait3A_215, %dma_wait3A_216] : memref<2x10000x64xf32, #tpu.memory_space<hbm>> -> memref<1x10000x64xf32, #tpu.memory_space<hbm>>
      %dma_wait3A_218 = tpu.memref_squeeze %dma_wait3A_217 : memref<1x10000x64xf32, #tpu.memory_space<hbm>> -> memref<10000x64xf32, #tpu.memory_space<hbm>>
      %dma_wait3A_219 = arith.constant 0 : i32
      %dma_wait3A_220 = arith.constant 0 : i32
      %dma_wait3A_221 = tpu.memref_slice %dma_wait3A_218[%dma_wait3A_219, %dma_wait3A_220] : memref<10000x64xf32, #tpu.memory_space<hbm>> -> memref<64x64xf32, #tpu.memory_space<hbm>>
      tpu.wait_dma2 semaphore(%arg13 : memref<!tpu.dma_semaphore, #tpu.memory_space<semaphore_mem>>) src(%dma_wait3A_221 : memref<64x64xf32, #tpu.memory_space<hbm>>) dst(%dma_wait3A_214 : memref<64x64xf32, #tpu.memory_space<vmem>>)
      %dma_wait3A_222 = arith.constant 1 : i32
      %dma_wait3A_223 = arith.constant 0 : i32
      %dma_wait3A_224 = arith.constant 0 : i32
      %dma_wait3A_225 = arith.constant 0 : i32
      %dma_wait3A_226 = tpu.memref_slice %arg9[%dma_wait3A_223, %dma_wait3A_224, %dma_wait3A_225] : memref<8x64x64xf32, #tpu.memory_space<vmem>> -> memref<1x64x64xf32, #tpu.memory_space<vmem>>
      %dma_wait3A_227 = tpu.memref_squeeze %dma_wait3A_226 : memref<1x64x64xf32, #tpu.memory_space<vmem>> -> memref<64x64xf32, #tpu.memory_space<vmem>>
      %dma_wait3A_228 = arith.constant 0 : i32
      %dma_wait3A_229 = arith.constant 0 : i32
      %dma_wait3A_230 = tpu.memref_slice %arg2[%dma_wait3A_222, %dma_wait3A_228, %dma_wait3A_229] : memref<2x10000x64xf32, #tpu.memory_space<hbm>> -> memref<1x10000x64xf32, #tpu.memory_space<hbm>>
      %dma_wait3A_231 = tpu.memref_squeeze %dma_wait3A_230 : memref<1x10000x64xf32, #tpu.memory_space<hbm>> -> memref<10000x64xf32, #tpu.memory_space<hbm>>
      %dma_wait3A_232 = arith.constant 0 : i32
      %dma_wait3A_233 = arith.constant 0 : i32
      %dma_wait3A_234 = tpu.memref_slice %dma_wait3A_231[%dma_wait3A_232, %dma_wait3A_233] : memref<10000x64xf32, #tpu.memory_space<hbm>> -> memref<64x64xf32, #tpu.memory_space<hbm>>
      %dma_wait3A_235 = arith.constant 0 : i32
      %dma_wait3A_236 = arith.constant 0 : i32
      %dma_wait3A_237 = tpu.memref_slice %arg9[%dma_wait3A_223, %dma_wait3A_235, %dma_wait3A_236] : memref<8x64x64xf32, #tpu.memory_space<vmem>> -> memref<1x64x64xf32, #tpu.memory_space<vmem>>
      %dma_wait3A_238 = tpu.memref_squeeze %dma_wait3A_237 : memref<1x64x64xf32, #tpu.memory_space<vmem>> -> memref<64x64xf32, #tpu.memory_space<vmem>>
      %dma_wait3A_239 = arith.constant 0 : i32
      %dma_wait3A_240 = arith.constant 0 : i32
      %dma_wait3A_241 = tpu.memref_slice %arg2[%dma_wait3A_222, %dma_wait3A_239, %dma_wait3A_240] : memref<2x10000x64xf32, #tpu.memory_space<hbm>> -> memref<1x10000x64xf32, #tpu.memory_space<hbm>>
      %dma_wait3A_242 = tpu.memref_squeeze %dma_wait3A_241 : memref<1x10000x64xf32, #tpu.memory_space<hbm>> -> memref<10000x64xf32, #tpu.memory_space<hbm>>
      %dma_wait3A_243 = arith.constant 0 : i32
      %dma_wait3A_244 = arith.constant 0 : i32
      %dma_wait3A_245 = tpu.memref_slice %dma_wait3A_242[%dma_wait3A_243, %dma_wait3A_244] : memref<10000x64xf32, #tpu.memory_space<hbm>> -> memref<64x64xf32, #tpu.memory_space<hbm>>
      tpu.wait_dma2 semaphore(%arg13 : memref<!tpu.dma_semaphore, #tpu.memory_space<semaphore_mem>>) src(%dma_wait3A_245 : memref<64x64xf32, #tpu.memory_space<hbm>>) dst(%dma_wait3A_238 : memref<64x64xf32, #tpu.memory_space<vmem>>)
      %dma_wait3A_246 = arith.constant 1 : i32
      %dma_wait3A_247 = arith.constant 0 : i32
      %dma_wait3A_248 = arith.constant 0 : i32
      %dma_wait3A_249 = arith.constant 0 : i32
      %dma_wait3A_250 = tpu.memref_slice %arg9[%dma_wait3A_247, %dma_wait3A_248, %dma_wait3A_249] : memref<8x64x64xf32, #tpu.memory_space<vmem>> -> memref<1x64x64xf32, #tpu.memory_space<vmem>>
      %dma_wait3A_251 = tpu.memref_squeeze %dma_wait3A_250 : memref<1x64x64xf32, #tpu.memory_space<vmem>> -> memref<64x64xf32, #tpu.memory_space<vmem>>
      %dma_wait3A_252 = arith.constant 0 : i32
      %dma_wait3A_253 = arith.constant 0 : i32
      %dma_wait3A_254 = tpu.memref_slice %arg2[%dma_wait3A_246, %dma_wait3A_252, %dma_wait3A_253] : memref<2x10000x64xf32, #tpu.memory_space<hbm>> -> memref<1x10000x64xf32, #tpu.memory_space<hbm>>
      %dma_wait3A_255 = tpu.memref_squeeze %dma_wait3A_254 : memref<1x10000x64xf32, #tpu.memory_space<hbm>> -> memref<10000x64xf32, #tpu.memory_space<hbm>>
      %dma_wait3A_256 = arith.constant 0 : i32
      %dma_wait3A_257 = arith.constant 0 : i32
      %dma_wait3A_258 = tpu.memref_slice %dma_wait3A_255[%dma_wait3A_256, %dma_wait3A_257] : memref<10000x64xf32, #tpu.memory_space<hbm>> -> memref<64x64xf32, #tpu.memory_space<hbm>>
      %dma_wait3A_259 = arith.constant 0 : i32
      %dma_wait3A_260 = arith.constant 0 : i32
      %dma_wait3A_261 = tpu.memref_slice %arg9[%dma_wait3A_247, %dma_wait3A_259, %dma_wait3A_260] : memref<8x64x64xf32, #tpu.memory_space<vmem>> -> memref<1x64x64xf32, #tpu.memory_space<vmem>>
      %dma_wait3A_262 = tpu.memref_squeeze %dma_wait3A_261 : memref<1x64x64xf32, #tpu.memory_space<vmem>> -> memref<64x64xf32, #tpu.memory_space<vmem>>
      %dma_wait3A_263 = arith.constant 0 : i32
      %dma_wait3A_264 = arith.constant 0 : i32
      %dma_wait3A_265 = tpu.memref_slice %arg2[%dma_wait3A_246, %dma_wait3A_263, %dma_wait3A_264] : memref<2x10000x64xf32, #tpu.memory_space<hbm>> -> memref<1x10000x64xf32, #tpu.memory_space<hbm>>
      %dma_wait3A_266 = tpu.memref_squeeze %dma_wait3A_265 : memref<1x10000x64xf32, #tpu.memory_space<hbm>> -> memref<10000x64xf32, #tpu.memory_space<hbm>>
      %dma_wait3A_267 = arith.constant 0 : i32
      %dma_wait3A_268 = arith.constant 0 : i32
      %dma_wait3A_269 = tpu.memref_slice %dma_wait3A_266[%dma_wait3A_267, %dma_wait3A_268] : memref<10000x64xf32, #tpu.memory_space<hbm>> -> memref<64x64xf32, #tpu.memory_space<hbm>>
      tpu.wait_dma2 semaphore(%arg13 : memref<!tpu.dma_semaphore, #tpu.memory_space<semaphore_mem>>) src(%dma_wait3A_269 : memref<64x64xf32, #tpu.memory_space<hbm>>) dst(%dma_wait3A_262 : memref<64x64xf32, #tpu.memory_space<vmem>>)
      %dma_wait3A_270 = arith.constant 1 : i32
      %dma_wait3A_271 = arith.constant 0 : i32
      %dma_wait3A_272 = arith.constant 0 : i32
      %dma_wait3A_273 = arith.constant 0 : i32
      %dma_wait3A_274 = tpu.memref_slice %arg9[%dma_wait3A_271, %dma_wait3A_272, %dma_wait3A_273] : memref<8x64x64xf32, #tpu.memory_space<vmem>> -> memref<1x64x64xf32, #tpu.memory_space<vmem>>
      %dma_wait3A_275 = tpu.memref_squeeze %dma_wait3A_274 : memref<1x64x64xf32, #tpu.memory_space<vmem>> -> memref<64x64xf32, #tpu.memory_space<vmem>>
      %dma_wait3A_276 = arith.constant 0 : i32
      %dma_wait3A_277 = arith.constant 0 : i32
      %dma_wait3A_278 = tpu.memref_slice %arg2[%dma_wait3A_270, %dma_wait3A_276, %dma_wait3A_277] : memref<2x10000x64xf32, #tpu.memory_space<hbm>> -> memref<1x10000x64xf32, #tpu.memory_space<hbm>>
      %dma_wait3A_279 = tpu.memref_squeeze %dma_wait3A_278 : memref<1x10000x64xf32, #tpu.memory_space<hbm>> -> memref<10000x64xf32, #tpu.memory_space<hbm>>
      %dma_wait3A_280 = arith.constant 0 : i32
      %dma_wait3A_281 = arith.constant 0 : i32
      %dma_wait3A_282 = tpu.memref_slice %dma_wait3A_279[%dma_wait3A_280, %dma_wait3A_281] : memref<10000x64xf32, #tpu.memory_space<hbm>> -> memref<64x64xf32, #tpu.memory_space<hbm>>
      %dma_wait3A_283 = arith.constant 0 : i32
      %dma_wait3A_284 = arith.constant 0 : i32
      %dma_wait3A_285 = tpu.memref_slice %arg9[%dma_wait3A_271, %dma_wait3A_283, %dma_wait3A_284] : memref<8x64x64xf32, #tpu.memory_space<vmem>> -> memref<1x64x64xf32, #tpu.memory_space<vmem>>
      %dma_wait3A_286 = tpu.memref_squeeze %dma_wait3A_285 : memref<1x64x64xf32, #tpu.memory_space<vmem>> -> memref<64x64xf32, #tpu.memory_space<vmem>>
      %dma_wait3A_287 = arith.constant 0 : i32
      %dma_wait3A_288 = arith.constant 0 : i32
      %dma_wait3A_289 = tpu.memref_slice %arg2[%dma_wait3A_270, %dma_wait3A_287, %dma_wait3A_288] : memref<2x10000x64xf32, #tpu.memory_space<hbm>> -> memref<1x10000x64xf32, #tpu.memory_space<hbm>>
      %dma_wait3A_290 = tpu.memref_squeeze %dma_wait3A_289 : memref<1x10000x64xf32, #tpu.memory_space<hbm>> -> memref<10000x64xf32, #tpu.memory_space<hbm>>
      %dma_wait3A_291 = arith.constant 0 : i32
      %dma_wait3A_292 = arith.constant 0 : i32
      %dma_wait3A_293 = tpu.memref_slice %dma_wait3A_290[%dma_wait3A_291, %dma_wait3A_292] : memref<10000x64xf32, #tpu.memory_space<hbm>> -> memref<64x64xf32, #tpu.memory_space<hbm>>
      tpu.wait_dma2 semaphore(%arg13 : memref<!tpu.dma_semaphore, #tpu.memory_space<semaphore_mem>>) src(%dma_wait3A_293 : memref<64x64xf32, #tpu.memory_space<hbm>>) dst(%dma_wait3A_286 : memref<64x64xf32, #tpu.memory_space<vmem>>)
      %dma_wait3A_294 = arith.constant 1 : i32
      %dma_wait3A_295 = arith.constant 0 : i32
      %dma_wait3A_296 = arith.constant 0 : i32
      %dma_wait3A_297 = arith.constant 0 : i32
      %dma_wait3A_298 = tpu.memref_slice %arg9[%dma_wait3A_295, %dma_wait3A_296, %dma_wait3A_297] : memref<8x64x64xf32, #tpu.memory_space<vmem>> -> memref<1x64x64xf32, #tpu.memory_space<vmem>>
      %dma_wait3A_299 = tpu.memref_squeeze %dma_wait3A_298 : memref<1x64x64xf32, #tpu.memory_space<vmem>> -> memref<64x64xf32, #tpu.memory_space<vmem>>
      %dma_wait3A_300 = arith.constant 0 : i32
      %dma_wait3A_301 = arith.constant 0 : i32
      %dma_wait3A_302 = tpu.memref_slice %arg2[%dma_wait3A_294, %dma_wait3A_300, %dma_wait3A_301] : memref<2x10000x64xf32, #tpu.memory_space<hbm>> -> memref<1x10000x64xf32, #tpu.memory_space<hbm>>
      %dma_wait3A_303 = tpu.memref_squeeze %dma_wait3A_302 : memref<1x10000x64xf32, #tpu.memory_space<hbm>> -> memref<10000x64xf32, #tpu.memory_space<hbm>>
      %dma_wait3A_304 = arith.constant 0 : i32
      %dma_wait3A_305 = arith.constant 0 : i32
      %dma_wait3A_306 = tpu.memref_slice %dma_wait3A_303[%dma_wait3A_304, %dma_wait3A_305] : memref<10000x64xf32, #tpu.memory_space<hbm>> -> memref<64x64xf32, #tpu.memory_space<hbm>>
      %dma_wait3A_307 = arith.constant 0 : i32
      %dma_wait3A_308 = arith.constant 0 : i32
      %dma_wait3A_309 = tpu.memref_slice %arg9[%dma_wait3A_295, %dma_wait3A_307, %dma_wait3A_308] : memref<8x64x64xf32, #tpu.memory_space<vmem>> -> memref<1x64x64xf32, #tpu.memory_space<vmem>>
      %dma_wait3A_310 = tpu.memref_squeeze %dma_wait3A_309 : memref<1x64x64xf32, #tpu.memory_space<vmem>> -> memref<64x64xf32, #tpu.memory_space<vmem>>
      %dma_wait3A_311 = arith.constant 0 : i32
      %dma_wait3A_312 = arith.constant 0 : i32
      %dma_wait3A_313 = tpu.memref_slice %arg2[%dma_wait3A_294, %dma_wait3A_311, %dma_wait3A_312] : memref<2x10000x64xf32, #tpu.memory_space<hbm>> -> memref<1x10000x64xf32, #tpu.memory_space<hbm>>
      %dma_wait3A_314 = tpu.memref_squeeze %dma_wait3A_313 : memref<1x10000x64xf32, #tpu.memory_space<hbm>> -> memref<10000x64xf32, #tpu.memory_space<hbm>>
      %dma_wait3A_315 = arith.constant 0 : i32
      %dma_wait3A_316 = arith.constant 0 : i32
      %dma_wait3A_317 = tpu.memref_slice %dma_wait3A_314[%dma_wait3A_315, %dma_wait3A_316] : memref<10000x64xf32, #tpu.memory_space<hbm>> -> memref<64x64xf32, #tpu.memory_space<hbm>>
      tpu.wait_dma2 semaphore(%arg13 : memref<!tpu.dma_semaphore, #tpu.memory_space<semaphore_mem>>) src(%dma_wait3A_317 : memref<64x64xf32, #tpu.memory_space<hbm>>) dst(%dma_wait3A_310 : memref<64x64xf32, #tpu.memory_space<vmem>>)
      %dma_wait3A_318 = arith.constant 1 : i32
      %dma_wait3A_319 = arith.constant 0 : i32
      %dma_wait3A_320 = arith.constant 0 : i32
      %dma_wait3A_321 = arith.constant 0 : i32
      %dma_wait3A_322 = tpu.memref_slice %arg9[%dma_wait3A_319, %dma_wait3A_320, %dma_wait3A_321] : memref<8x64x64xf32, #tpu.memory_space<vmem>> -> memref<1x64x64xf32, #tpu.memory_space<vmem>>
      %dma_wait3A_323 = tpu.memref_squeeze %dma_wait3A_322 : memref<1x64x64xf32, #tpu.memory_space<vmem>> -> memref<64x64xf32, #tpu.memory_space<vmem>>
      %dma_wait3A_324 = arith.constant 0 : i32
      %dma_wait3A_325 = arith.constant 0 : i32
      %dma_wait3A_326 = tpu.memref_slice %arg2[%dma_wait3A_318, %dma_wait3A_324, %dma_wait3A_325] : memref<2x10000x64xf32, #tpu.memory_space<hbm>> -> memref<1x10000x64xf32, #tpu.memory_space<hbm>>
      %dma_wait3A_327 = tpu.memref_squeeze %dma_wait3A_326 : memref<1x10000x64xf32, #tpu.memory_space<hbm>> -> memref<10000x64xf32, #tpu.memory_space<hbm>>
      %dma_wait3A_328 = arith.constant 0 : i32
      %dma_wait3A_329 = arith.constant 0 : i32
      %dma_wait3A_330 = tpu.memref_slice %dma_wait3A_327[%dma_wait3A_328, %dma_wait3A_329] : memref<10000x64xf32, #tpu.memory_space<hbm>> -> memref<64x64xf32, #tpu.memory_space<hbm>>
      %dma_wait3A_331 = arith.constant 0 : i32
      %dma_wait3A_332 = arith.constant 0 : i32
      %dma_wait3A_333 = tpu.memref_slice %arg9[%dma_wait3A_319, %dma_wait3A_331, %dma_wait3A_332] : memref<8x64x64xf32, #tpu.memory_space<vmem>> -> memref<1x64x64xf32, #tpu.memory_space<vmem>>
      %dma_wait3A_334 = tpu.memref_squeeze %dma_wait3A_333 : memref<1x64x64xf32, #tpu.memory_space<vmem>> -> memref<64x64xf32, #tpu.memory_space<vmem>>
      %dma_wait3A_335 = arith.constant 0 : i32
      %dma_wait3A_336 = arith.constant 0 : i32
      %dma_wait3A_337 = tpu.memref_slice %arg2[%dma_wait3A_318, %dma_wait3A_335, %dma_wait3A_336] : memref<2x10000x64xf32, #tpu.memory_space<hbm>> -> memref<1x10000x64xf32, #tpu.memory_space<hbm>>
      %dma_wait3A_338 = tpu.memref_squeeze %dma_wait3A_337 : memref<1x10000x64xf32, #tpu.memory_space<hbm>> -> memref<10000x64xf32, #tpu.memory_space<hbm>>
      %dma_wait3A_339 = arith.constant 0 : i32
      %dma_wait3A_340 = arith.constant 0 : i32
      %dma_wait3A_341 = tpu.memref_slice %dma_wait3A_338[%dma_wait3A_339, %dma_wait3A_340] : memref<10000x64xf32, #tpu.memory_space<hbm>> -> memref<64x64xf32, #tpu.memory_space<hbm>>
      tpu.wait_dma2 semaphore(%arg13 : memref<!tpu.dma_semaphore, #tpu.memory_space<semaphore_mem>>) src(%dma_wait3A_341 : memref<64x64xf32, #tpu.memory_space<hbm>>) dst(%dma_wait3A_334 : memref<64x64xf32, #tpu.memory_space<vmem>>)
    } else {
    }
    %barrier3A_28 = arith.constant 0 : index
    tpu.barrier barrier_id(%barrier3A_28)
    %lt3A_29 = arith.constant 15 : i32
    %lt3A_30 = arith.cmpi slt, %arg1, %lt3A_29 : i32
    %convert_element_type3A_31 = arith.extui %lt3A_30 : i1 to i32
    %cond3A_32 = arith.constant 0 : i32
    %cond3A_33 = arith.cmpi ne, %convert_element_type3A_31, %cond3A_32 : i32
    scf.if %cond3A_33 {
      %mul3A = arith.constant 632 : i32
      %mul3A_44 = arith.muli %arg1, %mul3A : i32
      "tpu.region"() ({
        %run_scoped3A = tpu.sem_alloc : memref<!tpu.dma_semaphore, #tpu.memory_space<semaphore_mem>>
        %dma_start3A = arith.constant 0 : i32
        %dma_start3A_45 = tpu.memref_slice %arg5[%arg0, %mul3A_44, %dma_start3A] : memref<2x10000x64xf32, #tpu.memory_space<hbm>> -> memref<1x632x64xf32, #tpu.memory_space<hbm>>
        %dma_start3A_46 = tpu.memref_squeeze %dma_start3A_45 : memref<1x632x64xf32, #tpu.memory_space<hbm>> -> memref<632x64xf32, #tpu.memory_space<hbm>>
        %dma_start3A_47 = arith.constant 0 : i32
        %dma_start3A_48 = tpu.memref_slice %arg11[%mul3A_44, %dma_start3A_47] : memref<10008x64xf32, #tpu.memory_space<vmem_shared>> -> memref<632x64xf32, #tpu.memory_space<vmem_shared>>
        tpu.enqueue_dma source(%dma_start3A_48 : memref<632x64xf32, #tpu.memory_space<vmem_shared>>) target(%dma_start3A_46 : memref<632x64xf32, #tpu.memory_space<hbm>>) target_semaphore(%run_scoped3A : memref<!tpu.dma_semaphore, #tpu.memory_space<semaphore_mem>>)
        %dma_wait3A = arith.constant 0 : i32
        %dma_wait3A_49 = tpu.memref_slice %arg5[%arg0, %mul3A_44, %dma_wait3A] : memref<2x10000x64xf32, #tpu.memory_space<hbm>> -> memref<1x632x64xf32, #tpu.memory_space<hbm>>
        %dma_wait3A_50 = tpu.memref_squeeze %dma_wait3A_49 : memref<1x632x64xf32, #tpu.memory_space<hbm>> -> memref<632x64xf32, #tpu.memory_space<hbm>>
        %dma_wait3A_51 = arith.constant 0 : i32
        %dma_wait3A_52 = tpu.memref_slice %arg11[%mul3A_44, %dma_wait3A_51] : memref<10008x64xf32, #tpu.memory_space<vmem_shared>> -> memref<632x64xf32, #tpu.memory_space<vmem_shared>>
        tpu.wait_dma2 semaphore(%run_scoped3A : memref<!tpu.dma_semaphore, #tpu.memory_space<semaphore_mem>>) src(%dma_wait3A_52 : memref<632x64xf32, #tpu.memory_space<vmem_shared>>) dst(%dma_wait3A_50 : memref<632x64xf32, #tpu.memory_space<hbm>>)
        tpu.yield
      }) : () -> ()
    } else {
    }
    %eq3A_34 = arith.constant 15 : i32
    %eq3A_35 = arith.cmpi eq, %arg1, %eq3A_34 : i32
    %convert_element_type3A_36 = arith.extui %eq3A_35 : i1 to i32
    %cond3A_37 = arith.constant 0 : i32
    %cond3A_38 = arith.cmpi ne, %convert_element_type3A_36, %cond3A_37 : i32
    scf.if %cond3A_38 {
      "tpu.region"() ({
        %run_scoped3A = tpu.sem_alloc : memref<!tpu.dma_semaphore, #tpu.memory_space<semaphore_mem>>
        %dma_start3A = arith.constant 9480 : i32
        %dma_start3A_44 = arith.constant 0 : i32
        %dma_start3A_45 = tpu.memref_slice %arg5[%arg0, %dma_start3A, %dma_start3A_44] : memref<2x10000x64xf32, #tpu.memory_space<hbm>> -> memref<1x520x64xf32, #tpu.memory_space<hbm>>
        %dma_start3A_46 = tpu.memref_squeeze %dma_start3A_45 : memref<1x520x64xf32, #tpu.memory_space<hbm>> -> memref<520x64xf32, #tpu.memory_space<hbm>>
        %dma_start3A_47 = arith.constant 9480 : i32
        %dma_start3A_48 = arith.constant 0 : i32
        %dma_start3A_49 = tpu.memref_slice %arg11[%dma_start3A_47, %dma_start3A_48] : memref<10008x64xf32, #tpu.memory_space<vmem_shared>> -> memref<520x64xf32, #tpu.memory_space<vmem_shared>>
        tpu.enqueue_dma source(%dma_start3A_49 : memref<520x64xf32, #tpu.memory_space<vmem_shared>>) target(%dma_start3A_46 : memref<520x64xf32, #tpu.memory_space<hbm>>) target_semaphore(%run_scoped3A : memref<!tpu.dma_semaphore, #tpu.memory_space<semaphore_mem>>)
        %dma_wait3A = arith.constant 9480 : i32
        %dma_wait3A_50 = arith.constant 0 : i32
        %dma_wait3A_51 = tpu.memref_slice %arg5[%arg0, %dma_wait3A, %dma_wait3A_50] : memref<2x10000x64xf32, #tpu.memory_space<hbm>> -> memref<1x520x64xf32, #tpu.memory_space<hbm>>
        %dma_wait3A_52 = tpu.memref_squeeze %dma_wait3A_51 : memref<1x520x64xf32, #tpu.memory_space<hbm>> -> memref<520x64xf32, #tpu.memory_space<hbm>>
        %dma_wait3A_53 = arith.constant 9480 : i32
        %dma_wait3A_54 = arith.constant 0 : i32
        %dma_wait3A_55 = tpu.memref_slice %arg11[%dma_wait3A_53, %dma_wait3A_54] : memref<10008x64xf32, #tpu.memory_space<vmem_shared>> -> memref<520x64xf32, #tpu.memory_space<vmem_shared>>
        tpu.wait_dma2 semaphore(%run_scoped3A : memref<!tpu.dma_semaphore, #tpu.memory_space<semaphore_mem>>) src(%dma_wait3A_55 : memref<520x64xf32, #tpu.memory_space<vmem_shared>>) dst(%dma_wait3A_52 : memref<520x64xf32, #tpu.memory_space<hbm>>)
        tpu.yield
      }) : () -> ()
    } else {
    }
    %eq3A_39 = arith.constant 0 : i32
    %eq3A_40 = arith.cmpi eq, %arg0, %eq3A_39 : i32
    %convert_element_type3A_41 = arith.extui %eq3A_40 : i1 to i32
    %cond3A_42 = arith.constant 0 : i32
    %cond3A_43 = arith.cmpi ne, %convert_element_type3A_41, %cond3A_42 : i32
    scf.if %cond3A_43 {
      %mul3A = arith.constant 10000 : i32
      %mul3A_44 = arith.muli %arg1, %mul3A : i32
      "tpu.region"() ({
        %run_scoped3A = tpu.sem_alloc : memref<!tpu.dma_semaphore, #tpu.memory_space<semaphore_mem>>
        %dma_start3A = arith.constant 0 : i32
        %dma_start3A_45 = tpu.memref_slice %arg10[%dma_start3A] : memref<10016xf32, #tpu.memory_space<vmem>> -> memref<10000xf32, #tpu.memory_space<vmem>>
        %dma_start3A_46 = tpu.memref_slice %arg6[%mul3A_44] : memref<160000xf32, #tpu.memory_space<hbm>> -> memref<10000xf32, #tpu.memory_space<hbm>>
        %dma_start3A_47 = tpu.memref_slice %arg6[%mul3A_44] : memref<160000xf32, #tpu.memory_space<hbm>> -> memref<10000xf32, #tpu.memory_space<hbm>>
        %dma_start3A_48 = arith.constant 0 : i32
        %dma_start3A_49 = tpu.memref_slice %arg10[%dma_start3A_48] : memref<10016xf32, #tpu.memory_space<vmem>> -> memref<10000xf32, #tpu.memory_space<vmem>>
        tpu.enqueue_dma source(%dma_start3A_49 : memref<10000xf32, #tpu.memory_space<vmem>>) target(%dma_start3A_47 : memref<10000xf32, #tpu.memory_space<hbm>>) target_semaphore(%run_scoped3A : memref<!tpu.dma_semaphore, #tpu.memory_space<semaphore_mem>>)
        %dma_wait3A = arith.constant 0 : i32
        %dma_wait3A_50 = tpu.memref_slice %arg10[%dma_wait3A] : memref<10016xf32, #tpu.memory_space<vmem>> -> memref<10000xf32, #tpu.memory_space<vmem>>
        %dma_wait3A_51 = tpu.memref_slice %arg6[%mul3A_44] : memref<160000xf32, #tpu.memory_space<hbm>> -> memref<10000xf32, #tpu.memory_space<hbm>>
        %dma_wait3A_52 = tpu.memref_slice %arg6[%mul3A_44] : memref<160000xf32, #tpu.memory_space<hbm>> -> memref<10000xf32, #tpu.memory_space<hbm>>
        %dma_wait3A_53 = arith.constant 0 : i32
        %dma_wait3A_54 = tpu.memref_slice %arg10[%dma_wait3A_53] : memref<10016xf32, #tpu.memory_space<vmem>> -> memref<10000xf32, #tpu.memory_space<vmem>>
        tpu.wait_dma2 semaphore(%run_scoped3A : memref<!tpu.dma_semaphore, #tpu.memory_space<semaphore_mem>>) src(%dma_wait3A_54 : memref<10000xf32, #tpu.memory_space<vmem>>) dst(%dma_wait3A_52 : memref<10000xf32, #tpu.memory_space<hbm>>)
        tpu.yield
      }) : () -> ()
    } else {
    }
    return
  }
}

#map = affine_map<(d0, d1) -> (0, 0, 0)>
module attributes {stable_mosaic.version = 14 : i64} {
  func.func @sage_scatter(%arg0: i32, %arg1: i32, %arg2: memref<2x10000x64xf32, #tpu.memory_space<hbm>>, %arg3: memref<16x313x64xi32, #tpu.memory_space<hbm>>, %arg4: memref<16x313x64xi32, #tpu.memory_space<hbm>>, %arg5: memref<2x10000x64xf32, #tpu.memory_space<hbm>>, %arg6: memref<313x64xi32, #tpu.memory_space<vmem>>, %arg7: memref<313x64xi32, #tpu.memory_space<vmem>>, %arg8: memref<8x64x64xf32, #tpu.memory_space<vmem>>, %arg9: memref<10008x64xf32, #tpu.memory_space<vmem_shared>>, %arg10: memref<!tpu.dma_semaphore, #tpu.memory_space<semaphore_mem>>, %arg11: memref<!tpu.dma_semaphore, #tpu.memory_space<semaphore_mem>>) attributes {dimension_semantics = [#tpu.dimension_semantics<core_parallel>, #tpu.dimension_semantics<subcore_parallel>], iteration_bounds = array<i64: 2, 16>, scalar_prefetch = 0 : i64, scratch_operands = 6 : i64, tpu.core_type = #tpu.core_type<sc_vector_subcore>, window_params = [{transform_indices = #map}, {transform_indices = #map}, {transform_indices = #map}, {transform_indices = #map}]} {
    %broadcast_in_dim3A = arith.constant 0.000000e+00 : f32
    %broadcast_in_dim3A_0 = vector.broadcast %broadcast_in_dim3A : f32 to vector<16xf32>
    %broadcast_in_dim3A_1 = arith.constant 1.000000e+00 : f32
    %broadcast_in_dim3A_2 = vector.broadcast %broadcast_in_dim3A_1 : f32 to vector<16xf32>
    %scan3A = arith.constant 0 : i32
    %scan3A_3 = arith.constant 64 : i32
    %scan3A_4 = arith.addi %scan3A, %scan3A_3 : i32
    %scan3A_5 = arith.constant 1 : i32
    scf.for %scan3A_34 = %scan3A to %scan3A_4 step %scan3A_5  : i32 {
      %mul3A = arith.constant 1 : i32
      %mul3A_35 = arith.muli %scan3A_34, %mul3A : i32
      %add3A = arith.constant 0 : i32
      %add3A_36 = arith.addi %add3A, %mul3A_35 : i32
      %swap3A = arith.constant 0 : i32
      %swap3A_37 = arith.index_cast %swap3A : i32 to index
      %swap3A_38 = arith.index_cast %add3A_36 : i32 to index
      %swap3A_39 = arith.constant 0 : index
      %swap3A_40 = tpu.vector_load %arg8[%swap3A_37, %swap3A_38, %swap3A_39] {strides = array<i32>} : memref<8x64x64xf32, #tpu.memory_space<vmem>>, vector<16xf32>,
      tpu.vector_store %arg8[%swap3A_37, %swap3A_38, %swap3A_39], %broadcast_in_dim3A_0 {strides = array<i32>} : memref<8x64x64xf32, #tpu.memory_space<vmem>>, vector<16xf32>,
      %swap3A_41 = arith.constant 0 : i32
      %swap3A_42 = arith.index_cast %swap3A_41 : i32 to index
      %swap3A_43 = arith.index_cast %add3A_36 : i32 to index
      %swap3A_44 = arith.constant 16 : index
      %swap3A_45 = tpu.vector_load %arg8[%swap3A_42, %swap3A_43, %swap3A_44] {strides = array<i32>} : memref<8x64x64xf32, #tpu.memory_space<vmem>>, vector<16xf32>,
      tpu.vector_store %arg8[%swap3A_42, %swap3A_43, %swap3A_44], %broadcast_in_dim3A_0 {strides = array<i32>} : memref<8x64x64xf32, #tpu.memory_space<vmem>>, vector<16xf32>,
      %swap3A_46 = arith.constant 0 : i32
      %swap3A_47 = arith.index_cast %swap3A_46 : i32 to index
      %swap3A_48 = arith.index_cast %add3A_36 : i32 to index
      %swap3A_49 = arith.constant 32 : index
      %swap3A_50 = tpu.vector_load %arg8[%swap3A_47, %swap3A_48, %swap3A_49] {strides = array<i32>} : memref<8x64x64xf32, #tpu.memory_space<vmem>>, vector<16xf32>,
      tpu.vector_store %arg8[%swap3A_47, %swap3A_48, %swap3A_49], %broadcast_in_dim3A_0 {strides = array<i32>} : memref<8x64x64xf32, #tpu.memory_space<vmem>>, vector<16xf32>,
      %swap3A_51 = arith.constant 0 : i32
      %swap3A_52 = arith.index_cast %swap3A_51 : i32 to index
      %swap3A_53 = arith.index_cast %add3A_36 : i32 to index
      %swap3A_54 = arith.constant 48 : index
      %swap3A_55 = tpu.vector_load %arg8[%swap3A_52, %swap3A_53, %swap3A_54] {strides = array<i32>} : memref<8x64x64xf32, #tpu.memory_space<vmem>>, vector<16xf32>,
      tpu.vector_store %arg8[%swap3A_52, %swap3A_53, %swap3A_54], %broadcast_in_dim3A_0 {strides = array<i32>} : memref<8x64x64xf32, #tpu.memory_space<vmem>>, vector<16xf32>,
    }
    %scan3A_6 = arith.constant 64 : i32
    "tpu.region"() ({
      %run_scoped3A = tpu.sem_alloc : memref<!tpu.dma_semaphore, #tpu.memory_space<semaphore_mem>>
      %dma_start3A = arith.constant 0 : i32
      %dma_start3A_34 = arith.constant 0 : i32
      %dma_start3A_35 = tpu.memref_slice %arg3[%arg1, %dma_start3A, %dma_start3A_34] : memref<16x313x64xi32, #tpu.memory_space<hbm>> -> memref<1x313x64xi32, #tpu.memory_space<hbm>>
      %dma_start3A_36 = tpu.memref_squeeze %dma_start3A_35 : memref<1x313x64xi32, #tpu.memory_space<hbm>> -> memref<313x64xi32, #tpu.memory_space<hbm>>
      %dma_start3A_37 = arith.constant 0 : i32
      %dma_start3A_38 = arith.constant 0 : i32
      %dma_start3A_39 = tpu.memref_slice %arg3[%arg1, %dma_start3A_37, %dma_start3A_38] : memref<16x313x64xi32, #tpu.memory_space<hbm>> -> memref<1x313x64xi32, #tpu.memory_space<hbm>>
      %dma_start3A_40 = tpu.memref_squeeze %dma_start3A_39 : memref<1x313x64xi32, #tpu.memory_space<hbm>> -> memref<313x64xi32, #tpu.memory_space<hbm>>
      tpu.enqueue_dma source(%dma_start3A_40 : memref<313x64xi32, #tpu.memory_space<hbm>>) target(%arg6 : memref<313x64xi32, #tpu.memory_space<vmem>>) target_semaphore(%run_scoped3A : memref<!tpu.dma_semaphore, #tpu.memory_space<semaphore_mem>>)
      %dma_wait3A = arith.constant 0 : i32
      %dma_wait3A_41 = arith.constant 0 : i32
      %dma_wait3A_42 = tpu.memref_slice %arg3[%arg1, %dma_wait3A, %dma_wait3A_41] : memref<16x313x64xi32, #tpu.memory_space<hbm>> -> memref<1x313x64xi32, #tpu.memory_space<hbm>>
      %dma_wait3A_43 = tpu.memref_squeeze %dma_wait3A_42 : memref<1x313x64xi32, #tpu.memory_space<hbm>> -> memref<313x64xi32, #tpu.memory_space<hbm>>
      %dma_wait3A_44 = arith.constant 0 : i32
      %dma_wait3A_45 = arith.constant 0 : i32
      %dma_wait3A_46 = tpu.memref_slice %arg3[%arg1, %dma_wait3A_44, %dma_wait3A_45] : memref<16x313x64xi32, #tpu.memory_space<hbm>> -> memref<1x313x64xi32, #tpu.memory_space<hbm>>
      %dma_wait3A_47 = tpu.memref_squeeze %dma_wait3A_46 : memref<1x313x64xi32, #tpu.memory_space<hbm>> -> memref<313x64xi32, #tpu.memory_space<hbm>>
      tpu.wait_dma2 semaphore(%run_scoped3A : memref<!tpu.dma_semaphore, #tpu.memory_space<semaphore_mem>>) src(%dma_wait3A_47 : memref<313x64xi32, #tpu.memory_space<hbm>>) dst(%arg6 : memref<313x64xi32, #tpu.memory_space<vmem>>)
      tpu.yield
    }) : () -> ()
    "tpu.region"() ({
      %run_scoped3A = tpu.sem_alloc : memref<!tpu.dma_semaphore, #tpu.memory_space<semaphore_mem>>
      %dma_start3A = arith.constant 0 : i32
      %dma_start3A_34 = arith.constant 0 : i32
      %dma_start3A_35 = tpu.memref_slice %arg4[%arg1, %dma_start3A, %dma_start3A_34] : memref<16x313x64xi32, #tpu.memory_space<hbm>> -> memref<1x313x64xi32, #tpu.memory_space<hbm>>
      %dma_start3A_36 = tpu.memref_squeeze %dma_start3A_35 : memref<1x313x64xi32, #tpu.memory_space<hbm>> -> memref<313x64xi32, #tpu.memory_space<hbm>>
      %dma_start3A_37 = arith.constant 0 : i32
      %dma_start3A_38 = arith.constant 0 : i32
      %dma_start3A_39 = tpu.memref_slice %arg4[%arg1, %dma_start3A_37, %dma_start3A_38] : memref<16x313x64xi32, #tpu.memory_space<hbm>> -> memref<1x313x64xi32, #tpu.memory_space<hbm>>
      %dma_start3A_40 = tpu.memref_squeeze %dma_start3A_39 : memref<1x313x64xi32, #tpu.memory_space<hbm>> -> memref<313x64xi32, #tpu.memory_space<hbm>>
      tpu.enqueue_dma source(%dma_start3A_40 : memref<313x64xi32, #tpu.memory_space<hbm>>) target(%arg7 : memref<313x64xi32, #tpu.memory_space<vmem>>) target_semaphore(%run_scoped3A : memref<!tpu.dma_semaphore, #tpu.memory_space<semaphore_mem>>)
      %dma_wait3A = arith.constant 0 : i32
      %dma_wait3A_41 = arith.constant 0 : i32
      %dma_wait3A_42 = tpu.memref_slice %arg4[%arg1, %dma_wait3A, %dma_wait3A_41] : memref<16x313x64xi32, #tpu.memory_space<hbm>> -> memref<1x313x64xi32, #tpu.memory_space<hbm>>
      %dma_wait3A_43 = tpu.memref_squeeze %dma_wait3A_42 : memref<1x313x64xi32, #tpu.memory_space<hbm>> -> memref<313x64xi32, #tpu.memory_space<hbm>>
      %dma_wait3A_44 = arith.constant 0 : i32
      %dma_wait3A_45 = arith.constant 0 : i32
      %dma_wait3A_46 = tpu.memref_slice %arg4[%arg1, %dma_wait3A_44, %dma_wait3A_45] : memref<16x313x64xi32, #tpu.memory_space<hbm>> -> memref<1x313x64xi32, #tpu.memory_space<hbm>>
      %dma_wait3A_47 = tpu.memref_squeeze %dma_wait3A_46 : memref<1x313x64xi32, #tpu.memory_space<hbm>> -> memref<313x64xi32, #tpu.memory_space<hbm>>
      tpu.wait_dma2 semaphore(%run_scoped3A : memref<!tpu.dma_semaphore, #tpu.memory_space<semaphore_mem>>) src(%dma_wait3A_47 : memref<313x64xi32, #tpu.memory_space<hbm>>) dst(%arg7 : memref<313x64xi32, #tpu.memory_space<vmem>>)
      tpu.yield
    }) : () -> ()
    %lt3A = arith.constant 15 : i32
    %lt3A_7 = arith.cmpi slt, %arg1, %lt3A : i32
    %convert_element_type3A = arith.extui %lt3A_7 : i1 to i32
    %cond3A = arith.constant 0 : i32
    %cond3A_8 = arith.cmpi ne, %convert_element_type3A, %cond3A : i32
    scf.if %cond3A_8 {
      %mul3A = arith.constant 632 : i32
      %mul3A_34 = arith.muli %arg1, %mul3A : i32
      %add3A = arith.constant 0 : i32
      %add3A_35 = arith.addi %mul3A_34, %add3A : i32
      %run_scoped3A = arith.constant 0 : i32
      "tpu.region"() ({
        %run_scoped3A_63 = tpu.sem_alloc : memref<!tpu.dma_semaphore, #tpu.memory_space<semaphore_mem>>
        %dma_start3A = arith.constant 0 : i32
        %dma_start3A_64 = arith.constant 0 : i32
        %dma_start3A_65 = tpu.memref_slice %arg8[%run_scoped3A, %dma_start3A, %dma_start3A_64] : memref<8x64x64xf32, #tpu.memory_space<vmem>> -> memref<1x64x64xf32, #tpu.memory_space<vmem>>
        %dma_start3A_66 = tpu.memref_squeeze %dma_start3A_65 : memref<1x64x64xf32, #tpu.memory_space<vmem>> -> memref<64x64xf32, #tpu.memory_space<vmem>>
        %dma_start3A_67 = arith.constant 0 : i32
        %dma_start3A_68 = tpu.memref_slice %arg9[%add3A_35, %dma_start3A_67] : memref<10008x64xf32, #tpu.memory_space<vmem_shared>> -> memref<64x64xf32, #tpu.memory_space<vmem_shared>>
        %dma_start3A_69 = arith.constant 0 : i32
        %dma_start3A_70 = tpu.memref_slice %arg9[%add3A_35, %dma_start3A_69] : memref<10008x64xf32, #tpu.memory_space<vmem_shared>> -> memref<64x64xf32, #tpu.memory_space<vmem_shared>>
        %dma_start3A_71 = arith.constant 0 : i32
        %dma_start3A_72 = arith.constant 0 : i32
        %dma_start3A_73 = tpu.memref_slice %arg8[%run_scoped3A, %dma_start3A_71, %dma_start3A_72] : memref<8x64x64xf32, #tpu.memory_space<vmem>> -> memref<1x64x64xf32, #tpu.memory_space<vmem>>
        %dma_start3A_74 = tpu.memref_squeeze %dma_start3A_73 : memref<1x64x64xf32, #tpu.memory_space<vmem>> -> memref<64x64xf32, #tpu.memory_space<vmem>>
        tpu.enqueue_dma source(%dma_start3A_74 : memref<64x64xf32, #tpu.memory_space<vmem>>) target(%dma_start3A_70 : memref<64x64xf32, #tpu.memory_space<vmem_shared>>) target_semaphore(%run_scoped3A_63 : memref<!tpu.dma_semaphore, #tpu.memory_space<semaphore_mem>>)
        %dma_wait3A = arith.constant 0 : i32
        %dma_wait3A_75 = arith.constant 0 : i32
        %dma_wait3A_76 = tpu.memref_slice %arg8[%run_scoped3A, %dma_wait3A, %dma_wait3A_75] : memref<8x64x64xf32, #tpu.memory_space<vmem>> -> memref<1x64x64xf32, #tpu.memory_space<vmem>>
        %dma_wait3A_77 = tpu.memref_squeeze %dma_wait3A_76 : memref<1x64x64xf32, #tpu.memory_space<vmem>> -> memref<64x64xf32, #tpu.memory_space<vmem>>
        %dma_wait3A_78 = arith.constant 0 : i32
        %dma_wait3A_79 = tpu.memref_slice %arg9[%add3A_35, %dma_wait3A_78] : memref<10008x64xf32, #tpu.memory_space<vmem_shared>> -> memref<64x64xf32, #tpu.memory_space<vmem_shared>>
        %dma_wait3A_80 = arith.constant 0 : i32
        %dma_wait3A_81 = tpu.memref_slice %arg9[%add3A_35, %dma_wait3A_80] : memref<10008x64xf32, #tpu.memory_space<vmem_shared>> -> memref<64x64xf32, #tpu.memory_space<vmem_shared>>
        %dma_wait3A_82 = arith.constant 0 : i32
        %dma_wait3A_83 = arith.constant 0 : i32
        %dma_wait3A_84 = tpu.memref_slice %arg8[%run_scoped3A, %dma_wait3A_82, %dma_wait3A_83] : memref<8x64x64xf32, #tpu.memory_space<vmem>> -> memref<1x64x64xf32, #tpu.memory_space<vmem>>
        %dma_wait3A_85 = tpu.memref_squeeze %dma_wait3A_84 : memref<1x64x64xf32, #tpu.memory_space<vmem>> -> memref<64x64xf32, #tpu.memory_space<vmem>>
        tpu.wait_dma2 semaphore(%run_scoped3A_63 : memref<!tpu.dma_semaphore, #tpu.memory_space<semaphore_mem>>) src(%dma_wait3A_85 : memref<64x64xf32, #tpu.memory_space<vmem>>) dst(%dma_wait3A_81 : memref<64x64xf32, #tpu.memory_space<vmem_shared>>)
        tpu.yield
      }) : () -> ()
      %add3A_36 = arith.constant 64 : i32
      %add3A_37 = arith.addi %mul3A_34, %add3A_36 : i32
      %run_scoped3A_38 = arith.constant 0 : i32
      "tpu.region"() ({
        %run_scoped3A_63 = tpu.sem_alloc : memref<!tpu.dma_semaphore, #tpu.memory_space<semaphore_mem>>
        %dma_start3A = arith.constant 0 : i32
        %dma_start3A_64 = arith.constant 0 : i32
        %dma_start3A_65 = tpu.memref_slice %arg8[%run_scoped3A_38, %dma_start3A, %dma_start3A_64] : memref<8x64x64xf32, #tpu.memory_space<vmem>> -> memref<1x64x64xf32, #tpu.memory_space<vmem>>
        %dma_start3A_66 = tpu.memref_squeeze %dma_start3A_65 : memref<1x64x64xf32, #tpu.memory_space<vmem>> -> memref<64x64xf32, #tpu.memory_space<vmem>>
        %dma_start3A_67 = arith.constant 0 : i32
        %dma_start3A_68 = tpu.memref_slice %arg9[%add3A_37, %dma_start3A_67] : memref<10008x64xf32, #tpu.memory_space<vmem_shared>> -> memref<64x64xf32, #tpu.memory_space<vmem_shared>>
        %dma_start3A_69 = arith.constant 0 : i32
        %dma_start3A_70 = tpu.memref_slice %arg9[%add3A_37, %dma_start3A_69] : memref<10008x64xf32, #tpu.memory_space<vmem_shared>> -> memref<64x64xf32, #tpu.memory_space<vmem_shared>>
        %dma_start3A_71 = arith.constant 0 : i32
        %dma_start3A_72 = arith.constant 0 : i32
        %dma_start3A_73 = tpu.memref_slice %arg8[%run_scoped3A_38, %dma_start3A_71, %dma_start3A_72] : memref<8x64x64xf32, #tpu.memory_space<vmem>> -> memref<1x64x64xf32, #tpu.memory_space<vmem>>
        %dma_start3A_74 = tpu.memref_squeeze %dma_start3A_73 : memref<1x64x64xf32, #tpu.memory_space<vmem>> -> memref<64x64xf32, #tpu.memory_space<vmem>>
        tpu.enqueue_dma source(%dma_start3A_74 : memref<64x64xf32, #tpu.memory_space<vmem>>) target(%dma_start3A_70 : memref<64x64xf32, #tpu.memory_space<vmem_shared>>) target_semaphore(%run_scoped3A_63 : memref<!tpu.dma_semaphore, #tpu.memory_space<semaphore_mem>>)
        %dma_wait3A = arith.constant 0 : i32
        %dma_wait3A_75 = arith.constant 0 : i32
        %dma_wait3A_76 = tpu.memref_slice %arg8[%run_scoped3A_38, %dma_wait3A, %dma_wait3A_75] : memref<8x64x64xf32, #tpu.memory_space<vmem>> -> memref<1x64x64xf32, #tpu.memory_space<vmem>>
        %dma_wait3A_77 = tpu.memref_squeeze %dma_wait3A_76 : memref<1x64x64xf32, #tpu.memory_space<vmem>> -> memref<64x64xf32, #tpu.memory_space<vmem>>
        %dma_wait3A_78 = arith.constant 0 : i32
        %dma_wait3A_79 = tpu.memref_slice %arg9[%add3A_37, %dma_wait3A_78] : memref<10008x64xf32, #tpu.memory_space<vmem_shared>> -> memref<64x64xf32, #tpu.memory_space<vmem_shared>>
        %dma_wait3A_80 = arith.constant 0 : i32
        %dma_wait3A_81 = tpu.memref_slice %arg9[%add3A_37, %dma_wait3A_80] : memref<10008x64xf32, #tpu.memory_space<vmem_shared>> -> memref<64x64xf32, #tpu.memory_space<vmem_shared>>
        %dma_wait3A_82 = arith.constant 0 : i32
        %dma_wait3A_83 = arith.constant 0 : i32
        %dma_wait3A_84 = tpu.memref_slice %arg8[%run_scoped3A_38, %dma_wait3A_82, %dma_wait3A_83] : memref<8x64x64xf32, #tpu.memory_space<vmem>> -> memref<1x64x64xf32, #tpu.memory_space<vmem>>
        %dma_wait3A_85 = tpu.memref_squeeze %dma_wait3A_84 : memref<1x64x64xf32, #tpu.memory_space<vmem>> -> memref<64x64xf32, #tpu.memory_space<vmem>>
        tpu.wait_dma2 semaphore(%run_scoped3A_63 : memref<!tpu.dma_semaphore, #tpu.memory_space<semaphore_mem>>) src(%dma_wait3A_85 : memref<64x64xf32, #tpu.memory_space<vmem>>) dst(%dma_wait3A_81 : memref<64x64xf32, #tpu.memory_space<vmem_shared>>)
        tpu.yield
      }) : () -> ()
      %add3A_39 = arith.constant 128 : i32
      %add3A_40 = arith.addi %mul3A_34, %add3A_39 : i32
      %run_scoped3A_41 = arith.constant 0 : i32
      "tpu.region"() ({
        %run_scoped3A_63 = tpu.sem_alloc : memref<!tpu.dma_semaphore, #tpu.memory_space<semaphore_mem>>
        %dma_start3A = arith.constant 0 : i32
        %dma_start3A_64 = arith.constant 0 : i32
        %dma_start3A_65 = tpu.memref_slice %arg8[%run_scoped3A_41, %dma_start3A, %dma_start3A_64] : memref<8x64x64xf32, #tpu.memory_space<vmem>> -> memref<1x64x64xf32, #tpu.memory_space<vmem>>
        %dma_start3A_66 = tpu.memref_squeeze %dma_start3A_65 : memref<1x64x64xf32, #tpu.memory_space<vmem>> -> memref<64x64xf32, #tpu.memory_space<vmem>>
        %dma_start3A_67 = arith.constant 0 : i32
        %dma_start3A_68 = tpu.memref_slice %arg9[%add3A_40, %dma_start3A_67] : memref<10008x64xf32, #tpu.memory_space<vmem_shared>> -> memref<64x64xf32, #tpu.memory_space<vmem_shared>>
        %dma_start3A_69 = arith.constant 0 : i32
        %dma_start3A_70 = tpu.memref_slice %arg9[%add3A_40, %dma_start3A_69] : memref<10008x64xf32, #tpu.memory_space<vmem_shared>> -> memref<64x64xf32, #tpu.memory_space<vmem_shared>>
        %dma_start3A_71 = arith.constant 0 : i32
        %dma_start3A_72 = arith.constant 0 : i32
        %dma_start3A_73 = tpu.memref_slice %arg8[%run_scoped3A_41, %dma_start3A_71, %dma_start3A_72] : memref<8x64x64xf32, #tpu.memory_space<vmem>> -> memref<1x64x64xf32, #tpu.memory_space<vmem>>
        %dma_start3A_74 = tpu.memref_squeeze %dma_start3A_73 : memref<1x64x64xf32, #tpu.memory_space<vmem>> -> memref<64x64xf32, #tpu.memory_space<vmem>>
        tpu.enqueue_dma source(%dma_start3A_74 : memref<64x64xf32, #tpu.memory_space<vmem>>) target(%dma_start3A_70 : memref<64x64xf32, #tpu.memory_space<vmem_shared>>) target_semaphore(%run_scoped3A_63 : memref<!tpu.dma_semaphore, #tpu.memory_space<semaphore_mem>>)
        %dma_wait3A = arith.constant 0 : i32
        %dma_wait3A_75 = arith.constant 0 : i32
        %dma_wait3A_76 = tpu.memref_slice %arg8[%run_scoped3A_41, %dma_wait3A, %dma_wait3A_75] : memref<8x64x64xf32, #tpu.memory_space<vmem>> -> memref<1x64x64xf32, #tpu.memory_space<vmem>>
        %dma_wait3A_77 = tpu.memref_squeeze %dma_wait3A_76 : memref<1x64x64xf32, #tpu.memory_space<vmem>> -> memref<64x64xf32, #tpu.memory_space<vmem>>
        %dma_wait3A_78 = arith.constant 0 : i32
        %dma_wait3A_79 = tpu.memref_slice %arg9[%add3A_40, %dma_wait3A_78] : memref<10008x64xf32, #tpu.memory_space<vmem_shared>> -> memref<64x64xf32, #tpu.memory_space<vmem_shared>>
        %dma_wait3A_80 = arith.constant 0 : i32
        %dma_wait3A_81 = tpu.memref_slice %arg9[%add3A_40, %dma_wait3A_80] : memref<10008x64xf32, #tpu.memory_space<vmem_shared>> -> memref<64x64xf32, #tpu.memory_space<vmem_shared>>
        %dma_wait3A_82 = arith.constant 0 : i32
        %dma_wait3A_83 = arith.constant 0 : i32
        %dma_wait3A_84 = tpu.memref_slice %arg8[%run_scoped3A_41, %dma_wait3A_82, %dma_wait3A_83] : memref<8x64x64xf32, #tpu.memory_space<vmem>> -> memref<1x64x64xf32, #tpu.memory_space<vmem>>
        %dma_wait3A_85 = tpu.memref_squeeze %dma_wait3A_84 : memref<1x64x64xf32, #tpu.memory_space<vmem>> -> memref<64x64xf32, #tpu.memory_space<vmem>>
        tpu.wait_dma2 semaphore(%run_scoped3A_63 : memref<!tpu.dma_semaphore, #tpu.memory_space<semaphore_mem>>) src(%dma_wait3A_85 : memref<64x64xf32, #tpu.memory_space<vmem>>) dst(%dma_wait3A_81 : memref<64x64xf32, #tpu.memory_space<vmem_shared>>)
        tpu.yield
      }) : () -> ()
      %add3A_42 = arith.constant 192 : i32
      %add3A_43 = arith.addi %mul3A_34, %add3A_42 : i32
      %run_scoped3A_44 = arith.constant 0 : i32
      "tpu.region"() ({
        %run_scoped3A_63 = tpu.sem_alloc : memref<!tpu.dma_semaphore, #tpu.memory_space<semaphore_mem>>
        %dma_start3A = arith.constant 0 : i32
        %dma_start3A_64 = arith.constant 0 : i32
        %dma_start3A_65 = tpu.memref_slice %arg8[%run_scoped3A_44, %dma_start3A, %dma_start3A_64] : memref<8x64x64xf32, #tpu.memory_space<vmem>> -> memref<1x64x64xf32, #tpu.memory_space<vmem>>
        %dma_start3A_66 = tpu.memref_squeeze %dma_start3A_65 : memref<1x64x64xf32, #tpu.memory_space<vmem>> -> memref<64x64xf32, #tpu.memory_space<vmem>>
        %dma_start3A_67 = arith.constant 0 : i32
        %dma_start3A_68 = tpu.memref_slice %arg9[%add3A_43, %dma_start3A_67] : memref<10008x64xf32, #tpu.memory_space<vmem_shared>> -> memref<64x64xf32, #tpu.memory_space<vmem_shared>>
        %dma_start3A_69 = arith.constant 0 : i32
        %dma_start3A_70 = tpu.memref_slice %arg9[%add3A_43, %dma_start3A_69] : memref<10008x64xf32, #tpu.memory_space<vmem_shared>> -> memref<64x64xf32, #tpu.memory_space<vmem_shared>>
        %dma_start3A_71 = arith.constant 0 : i32
        %dma_start3A_72 = arith.constant 0 : i32
        %dma_start3A_73 = tpu.memref_slice %arg8[%run_scoped3A_44, %dma_start3A_71, %dma_start3A_72] : memref<8x64x64xf32, #tpu.memory_space<vmem>> -> memref<1x64x64xf32, #tpu.memory_space<vmem>>
        %dma_start3A_74 = tpu.memref_squeeze %dma_start3A_73 : memref<1x64x64xf32, #tpu.memory_space<vmem>> -> memref<64x64xf32, #tpu.memory_space<vmem>>
        tpu.enqueue_dma source(%dma_start3A_74 : memref<64x64xf32, #tpu.memory_space<vmem>>) target(%dma_start3A_70 : memref<64x64xf32, #tpu.memory_space<vmem_shared>>) target_semaphore(%run_scoped3A_63 : memref<!tpu.dma_semaphore, #tpu.memory_space<semaphore_mem>>)
        %dma_wait3A = arith.constant 0 : i32
        %dma_wait3A_75 = arith.constant 0 : i32
        %dma_wait3A_76 = tpu.memref_slice %arg8[%run_scoped3A_44, %dma_wait3A, %dma_wait3A_75] : memref<8x64x64xf32, #tpu.memory_space<vmem>> -> memref<1x64x64xf32, #tpu.memory_space<vmem>>
        %dma_wait3A_77 = tpu.memref_squeeze %dma_wait3A_76 : memref<1x64x64xf32, #tpu.memory_space<vmem>> -> memref<64x64xf32, #tpu.memory_space<vmem>>
        %dma_wait3A_78 = arith.constant 0 : i32
        %dma_wait3A_79 = tpu.memref_slice %arg9[%add3A_43, %dma_wait3A_78] : memref<10008x64xf32, #tpu.memory_space<vmem_shared>> -> memref<64x64xf32, #tpu.memory_space<vmem_shared>>
        %dma_wait3A_80 = arith.constant 0 : i32
        %dma_wait3A_81 = tpu.memref_slice %arg9[%add3A_43, %dma_wait3A_80] : memref<10008x64xf32, #tpu.memory_space<vmem_shared>> -> memref<64x64xf32, #tpu.memory_space<vmem_shared>>
        %dma_wait3A_82 = arith.constant 0 : i32
        %dma_wait3A_83 = arith.constant 0 : i32
        %dma_wait3A_84 = tpu.memref_slice %arg8[%run_scoped3A_44, %dma_wait3A_82, %dma_wait3A_83] : memref<8x64x64xf32, #tpu.memory_space<vmem>> -> memref<1x64x64xf32, #tpu.memory_space<vmem>>
        %dma_wait3A_85 = tpu.memref_squeeze %dma_wait3A_84 : memref<1x64x64xf32, #tpu.memory_space<vmem>> -> memref<64x64xf32, #tpu.memory_space<vmem>>
        tpu.wait_dma2 semaphore(%run_scoped3A_63 : memref<!tpu.dma_semaphore, #tpu.memory_space<semaphore_mem>>) src(%dma_wait3A_85 : memref<64x64xf32, #tpu.memory_space<vmem>>) dst(%dma_wait3A_81 : memref<64x64xf32, #tpu.memory_space<vmem_shared>>)
        tpu.yield
      }) : () -> ()
      %add3A_45 = arith.constant 256 : i32
      %add3A_46 = arith.addi %mul3A_34, %add3A_45 : i32
      %run_scoped3A_47 = arith.constant 0 : i32
      "tpu.region"() ({
        %run_scoped3A_63 = tpu.sem_alloc : memref<!tpu.dma_semaphore, #tpu.memory_space<semaphore_mem>>
        %dma_start3A = arith.constant 0 : i32
        %dma_start3A_64 = arith.constant 0 : i32
        %dma_start3A_65 = tpu.memref_slice %arg8[%run_scoped3A_47, %dma_start3A, %dma_start3A_64] : memref<8x64x64xf32, #tpu.memory_space<vmem>> -> memref<1x64x64xf32, #tpu.memory_space<vmem>>
        %dma_start3A_66 = tpu.memref_squeeze %dma_start3A_65 : memref<1x64x64xf32, #tpu.memory_space<vmem>> -> memref<64x64xf32, #tpu.memory_space<vmem>>
        %dma_start3A_67 = arith.constant 0 : i32
        %dma_start3A_68 = tpu.memref_slice %arg9[%add3A_46, %dma_start3A_67] : memref<10008x64xf32, #tpu.memory_space<vmem_shared>> -> memref<64x64xf32, #tpu.memory_space<vmem_shared>>
        %dma_start3A_69 = arith.constant 0 : i32
        %dma_start3A_70 = tpu.memref_slice %arg9[%add3A_46, %dma_start3A_69] : memref<10008x64xf32, #tpu.memory_space<vmem_shared>> -> memref<64x64xf32, #tpu.memory_space<vmem_shared>>
        %dma_start3A_71 = arith.constant 0 : i32
        %dma_start3A_72 = arith.constant 0 : i32
        %dma_start3A_73 = tpu.memref_slice %arg8[%run_scoped3A_47, %dma_start3A_71, %dma_start3A_72] : memref<8x64x64xf32, #tpu.memory_space<vmem>> -> memref<1x64x64xf32, #tpu.memory_space<vmem>>
        %dma_start3A_74 = tpu.memref_squeeze %dma_start3A_73 : memref<1x64x64xf32, #tpu.memory_space<vmem>> -> memref<64x64xf32, #tpu.memory_space<vmem>>
        tpu.enqueue_dma source(%dma_start3A_74 : memref<64x64xf32, #tpu.memory_space<vmem>>) target(%dma_start3A_70 : memref<64x64xf32, #tpu.memory_space<vmem_shared>>) target_semaphore(%run_scoped3A_63 : memref<!tpu.dma_semaphore, #tpu.memory_space<semaphore_mem>>)
        %dma_wait3A = arith.constant 0 : i32
        %dma_wait3A_75 = arith.constant 0 : i32
        %dma_wait3A_76 = tpu.memref_slice %arg8[%run_scoped3A_47, %dma_wait3A, %dma_wait3A_75] : memref<8x64x64xf32, #tpu.memory_space<vmem>> -> memref<1x64x64xf32, #tpu.memory_space<vmem>>
        %dma_wait3A_77 = tpu.memref_squeeze %dma_wait3A_76 : memref<1x64x64xf32, #tpu.memory_space<vmem>> -> memref<64x64xf32, #tpu.memory_space<vmem>>
        %dma_wait3A_78 = arith.constant 0 : i32
        %dma_wait3A_79 = tpu.memref_slice %arg9[%add3A_46, %dma_wait3A_78] : memref<10008x64xf32, #tpu.memory_space<vmem_shared>> -> memref<64x64xf32, #tpu.memory_space<vmem_shared>>
        %dma_wait3A_80 = arith.constant 0 : i32
        %dma_wait3A_81 = tpu.memref_slice %arg9[%add3A_46, %dma_wait3A_80] : memref<10008x64xf32, #tpu.memory_space<vmem_shared>> -> memref<64x64xf32, #tpu.memory_space<vmem_shared>>
        %dma_wait3A_82 = arith.constant 0 : i32
        %dma_wait3A_83 = arith.constant 0 : i32
        %dma_wait3A_84 = tpu.memref_slice %arg8[%run_scoped3A_47, %dma_wait3A_82, %dma_wait3A_83] : memref<8x64x64xf32, #tpu.memory_space<vmem>> -> memref<1x64x64xf32, #tpu.memory_space<vmem>>
        %dma_wait3A_85 = tpu.memref_squeeze %dma_wait3A_84 : memref<1x64x64xf32, #tpu.memory_space<vmem>> -> memref<64x64xf32, #tpu.memory_space<vmem>>
        tpu.wait_dma2 semaphore(%run_scoped3A_63 : memref<!tpu.dma_semaphore, #tpu.memory_space<semaphore_mem>>) src(%dma_wait3A_85 : memref<64x64xf32, #tpu.memory_space<vmem>>) dst(%dma_wait3A_81 : memref<64x64xf32, #tpu.memory_space<vmem_shared>>)
        tpu.yield
      }) : () -> ()
      %add3A_48 = arith.constant 320 : i32
      %add3A_49 = arith.addi %mul3A_34, %add3A_48 : i32
      %run_scoped3A_50 = arith.constant 0 : i32
      "tpu.region"() ({
        %run_scoped3A_63 = tpu.sem_alloc : memref<!tpu.dma_semaphore, #tpu.memory_space<semaphore_mem>>
        %dma_start3A = arith.constant 0 : i32
        %dma_start3A_64 = arith.constant 0 : i32
        %dma_start3A_65 = tpu.memref_slice %arg8[%run_scoped3A_50, %dma_start3A, %dma_start3A_64] : memref<8x64x64xf32, #tpu.memory_space<vmem>> -> memref<1x64x64xf32, #tpu.memory_space<vmem>>
        %dma_start3A_66 = tpu.memref_squeeze %dma_start3A_65 : memref<1x64x64xf32, #tpu.memory_space<vmem>> -> memref<64x64xf32, #tpu.memory_space<vmem>>
        %dma_start3A_67 = arith.constant 0 : i32
        %dma_start3A_68 = tpu.memref_slice %arg9[%add3A_49, %dma_start3A_67] : memref<10008x64xf32, #tpu.memory_space<vmem_shared>> -> memref<64x64xf32, #tpu.memory_space<vmem_shared>>
        %dma_start3A_69 = arith.constant 0 : i32
        %dma_start3A_70 = tpu.memref_slice %arg9[%add3A_49, %dma_start3A_69] : memref<10008x64xf32, #tpu.memory_space<vmem_shared>> -> memref<64x64xf32, #tpu.memory_space<vmem_shared>>
        %dma_start3A_71 = arith.constant 0 : i32
        %dma_start3A_72 = arith.constant 0 : i32
        %dma_start3A_73 = tpu.memref_slice %arg8[%run_scoped3A_50, %dma_start3A_71, %dma_start3A_72] : memref<8x64x64xf32, #tpu.memory_space<vmem>> -> memref<1x64x64xf32, #tpu.memory_space<vmem>>
        %dma_start3A_74 = tpu.memref_squeeze %dma_start3A_73 : memref<1x64x64xf32, #tpu.memory_space<vmem>> -> memref<64x64xf32, #tpu.memory_space<vmem>>
        tpu.enqueue_dma source(%dma_start3A_74 : memref<64x64xf32, #tpu.memory_space<vmem>>) target(%dma_start3A_70 : memref<64x64xf32, #tpu.memory_space<vmem_shared>>) target_semaphore(%run_scoped3A_63 : memref<!tpu.dma_semaphore, #tpu.memory_space<semaphore_mem>>)
        %dma_wait3A = arith.constant 0 : i32
        %dma_wait3A_75 = arith.constant 0 : i32
        %dma_wait3A_76 = tpu.memref_slice %arg8[%run_scoped3A_50, %dma_wait3A, %dma_wait3A_75] : memref<8x64x64xf32, #tpu.memory_space<vmem>> -> memref<1x64x64xf32, #tpu.memory_space<vmem>>
        %dma_wait3A_77 = tpu.memref_squeeze %dma_wait3A_76 : memref<1x64x64xf32, #tpu.memory_space<vmem>> -> memref<64x64xf32, #tpu.memory_space<vmem>>
        %dma_wait3A_78 = arith.constant 0 : i32
        %dma_wait3A_79 = tpu.memref_slice %arg9[%add3A_49, %dma_wait3A_78] : memref<10008x64xf32, #tpu.memory_space<vmem_shared>> -> memref<64x64xf32, #tpu.memory_space<vmem_shared>>
        %dma_wait3A_80 = arith.constant 0 : i32
        %dma_wait3A_81 = tpu.memref_slice %arg9[%add3A_49, %dma_wait3A_80] : memref<10008x64xf32, #tpu.memory_space<vmem_shared>> -> memref<64x64xf32, #tpu.memory_space<vmem_shared>>
        %dma_wait3A_82 = arith.constant 0 : i32
        %dma_wait3A_83 = arith.constant 0 : i32
        %dma_wait3A_84 = tpu.memref_slice %arg8[%run_scoped3A_50, %dma_wait3A_82, %dma_wait3A_83] : memref<8x64x64xf32, #tpu.memory_space<vmem>> -> memref<1x64x64xf32, #tpu.memory_space<vmem>>
        %dma_wait3A_85 = tpu.memref_squeeze %dma_wait3A_84 : memref<1x64x64xf32, #tpu.memory_space<vmem>> -> memref<64x64xf32, #tpu.memory_space<vmem>>
        tpu.wait_dma2 semaphore(%run_scoped3A_63 : memref<!tpu.dma_semaphore, #tpu.memory_space<semaphore_mem>>) src(%dma_wait3A_85 : memref<64x64xf32, #tpu.memory_space<vmem>>) dst(%dma_wait3A_81 : memref<64x64xf32, #tpu.memory_space<vmem_shared>>)
        tpu.yield
      }) : () -> ()
      %add3A_51 = arith.constant 384 : i32
      %add3A_52 = arith.addi %mul3A_34, %add3A_51 : i32
      %run_scoped3A_53 = arith.constant 0 : i32
      "tpu.region"() ({
        %run_scoped3A_63 = tpu.sem_alloc : memref<!tpu.dma_semaphore, #tpu.memory_space<semaphore_mem>>
        %dma_start3A = arith.constant 0 : i32
        %dma_start3A_64 = arith.constant 0 : i32
        %dma_start3A_65 = tpu.memref_slice %arg8[%run_scoped3A_53, %dma_start3A, %dma_start3A_64] : memref<8x64x64xf32, #tpu.memory_space<vmem>> -> memref<1x64x64xf32, #tpu.memory_space<vmem>>
        %dma_start3A_66 = tpu.memref_squeeze %dma_start3A_65 : memref<1x64x64xf32, #tpu.memory_space<vmem>> -> memref<64x64xf32, #tpu.memory_space<vmem>>
        %dma_start3A_67 = arith.constant 0 : i32
        %dma_start3A_68 = tpu.memref_slice %arg9[%add3A_52, %dma_start3A_67] : memref<10008x64xf32, #tpu.memory_space<vmem_shared>> -> memref<64x64xf32, #tpu.memory_space<vmem_shared>>
        %dma_start3A_69 = arith.constant 0 : i32
        %dma_start3A_70 = tpu.memref_slice %arg9[%add3A_52, %dma_start3A_69] : memref<10008x64xf32, #tpu.memory_space<vmem_shared>> -> memref<64x64xf32, #tpu.memory_space<vmem_shared>>
        %dma_start3A_71 = arith.constant 0 : i32
        %dma_start3A_72 = arith.constant 0 : i32
        %dma_start3A_73 = tpu.memref_slice %arg8[%run_scoped3A_53, %dma_start3A_71, %dma_start3A_72] : memref<8x64x64xf32, #tpu.memory_space<vmem>> -> memref<1x64x64xf32, #tpu.memory_space<vmem>>
        %dma_start3A_74 = tpu.memref_squeeze %dma_start3A_73 : memref<1x64x64xf32, #tpu.memory_space<vmem>> -> memref<64x64xf32, #tpu.memory_space<vmem>>
        tpu.enqueue_dma source(%dma_start3A_74 : memref<64x64xf32, #tpu.memory_space<vmem>>) target(%dma_start3A_70 : memref<64x64xf32, #tpu.memory_space<vmem_shared>>) target_semaphore(%run_scoped3A_63 : memref<!tpu.dma_semaphore, #tpu.memory_space<semaphore_mem>>)
        %dma_wait3A = arith.constant 0 : i32
        %dma_wait3A_75 = arith.constant 0 : i32
        %dma_wait3A_76 = tpu.memref_slice %arg8[%run_scoped3A_53, %dma_wait3A, %dma_wait3A_75] : memref<8x64x64xf32, #tpu.memory_space<vmem>> -> memref<1x64x64xf32, #tpu.memory_space<vmem>>
        %dma_wait3A_77 = tpu.memref_squeeze %dma_wait3A_76 : memref<1x64x64xf32, #tpu.memory_space<vmem>> -> memref<64x64xf32, #tpu.memory_space<vmem>>
        %dma_wait3A_78 = arith.constant 0 : i32
        %dma_wait3A_79 = tpu.memref_slice %arg9[%add3A_52, %dma_wait3A_78] : memref<10008x64xf32, #tpu.memory_space<vmem_shared>> -> memref<64x64xf32, #tpu.memory_space<vmem_shared>>
        %dma_wait3A_80 = arith.constant 0 : i32
        %dma_wait3A_81 = tpu.memref_slice %arg9[%add3A_52, %dma_wait3A_80] : memref<10008x64xf32, #tpu.memory_space<vmem_shared>> -> memref<64x64xf32, #tpu.memory_space<vmem_shared>>
        %dma_wait3A_82 = arith.constant 0 : i32
        %dma_wait3A_83 = arith.constant 0 : i32
        %dma_wait3A_84 = tpu.memref_slice %arg8[%run_scoped3A_53, %dma_wait3A_82, %dma_wait3A_83] : memref<8x64x64xf32, #tpu.memory_space<vmem>> -> memref<1x64x64xf32, #tpu.memory_space<vmem>>
        %dma_wait3A_85 = tpu.memref_squeeze %dma_wait3A_84 : memref<1x64x64xf32, #tpu.memory_space<vmem>> -> memref<64x64xf32, #tpu.memory_space<vmem>>
        tpu.wait_dma2 semaphore(%run_scoped3A_63 : memref<!tpu.dma_semaphore, #tpu.memory_space<semaphore_mem>>) src(%dma_wait3A_85 : memref<64x64xf32, #tpu.memory_space<vmem>>) dst(%dma_wait3A_81 : memref<64x64xf32, #tpu.memory_space<vmem_shared>>)
        tpu.yield
      }) : () -> ()
      %add3A_54 = arith.constant 448 : i32
      %add3A_55 = arith.addi %mul3A_34, %add3A_54 : i32
      %run_scoped3A_56 = arith.constant 0 : i32
      "tpu.region"() ({
        %run_scoped3A_63 = tpu.sem_alloc : memref<!tpu.dma_semaphore, #tpu.memory_space<semaphore_mem>>
        %dma_start3A = arith.constant 0 : i32
        %dma_start3A_64 = arith.constant 0 : i32
        %dma_start3A_65 = tpu.memref_slice %arg8[%run_scoped3A_56, %dma_start3A, %dma_start3A_64] : memref<8x64x64xf32, #tpu.memory_space<vmem>> -> memref<1x64x64xf32, #tpu.memory_space<vmem>>
        %dma_start3A_66 = tpu.memref_squeeze %dma_start3A_65 : memref<1x64x64xf32, #tpu.memory_space<vmem>> -> memref<64x64xf32, #tpu.memory_space<vmem>>
        %dma_start3A_67 = arith.constant 0 : i32
        %dma_start3A_68 = tpu.memref_slice %arg9[%add3A_55, %dma_start3A_67] : memref<10008x64xf32, #tpu.memory_space<vmem_shared>> -> memref<64x64xf32, #tpu.memory_space<vmem_shared>>
        %dma_start3A_69 = arith.constant 0 : i32
        %dma_start3A_70 = tpu.memref_slice %arg9[%add3A_55, %dma_start3A_69] : memref<10008x64xf32, #tpu.memory_space<vmem_shared>> -> memref<64x64xf32, #tpu.memory_space<vmem_shared>>
        %dma_start3A_71 = arith.constant 0 : i32
        %dma_start3A_72 = arith.constant 0 : i32
        %dma_start3A_73 = tpu.memref_slice %arg8[%run_scoped3A_56, %dma_start3A_71, %dma_start3A_72] : memref<8x64x64xf32, #tpu.memory_space<vmem>> -> memref<1x64x64xf32, #tpu.memory_space<vmem>>
        %dma_start3A_74 = tpu.memref_squeeze %dma_start3A_73 : memref<1x64x64xf32, #tpu.memory_space<vmem>> -> memref<64x64xf32, #tpu.memory_space<vmem>>
        tpu.enqueue_dma source(%dma_start3A_74 : memref<64x64xf32, #tpu.memory_space<vmem>>) target(%dma_start3A_70 : memref<64x64xf32, #tpu.memory_space<vmem_shared>>) target_semaphore(%run_scoped3A_63 : memref<!tpu.dma_semaphore, #tpu.memory_space<semaphore_mem>>)
        %dma_wait3A = arith.constant 0 : i32
        %dma_wait3A_75 = arith.constant 0 : i32
        %dma_wait3A_76 = tpu.memref_slice %arg8[%run_scoped3A_56, %dma_wait3A, %dma_wait3A_75] : memref<8x64x64xf32, #tpu.memory_space<vmem>> -> memref<1x64x64xf32, #tpu.memory_space<vmem>>
        %dma_wait3A_77 = tpu.memref_squeeze %dma_wait3A_76 : memref<1x64x64xf32, #tpu.memory_space<vmem>> -> memref<64x64xf32, #tpu.memory_space<vmem>>
        %dma_wait3A_78 = arith.constant 0 : i32
        %dma_wait3A_79 = tpu.memref_slice %arg9[%add3A_55, %dma_wait3A_78] : memref<10008x64xf32, #tpu.memory_space<vmem_shared>> -> memref<64x64xf32, #tpu.memory_space<vmem_shared>>
        %dma_wait3A_80 = arith.constant 0 : i32
        %dma_wait3A_81 = tpu.memref_slice %arg9[%add3A_55, %dma_wait3A_80] : memref<10008x64xf32, #tpu.memory_space<vmem_shared>> -> memref<64x64xf32, #tpu.memory_space<vmem_shared>>
        %dma_wait3A_82 = arith.constant 0 : i32
        %dma_wait3A_83 = arith.constant 0 : i32
        %dma_wait3A_84 = tpu.memref_slice %arg8[%run_scoped3A_56, %dma_wait3A_82, %dma_wait3A_83] : memref<8x64x64xf32, #tpu.memory_space<vmem>> -> memref<1x64x64xf32, #tpu.memory_space<vmem>>
        %dma_wait3A_85 = tpu.memref_squeeze %dma_wait3A_84 : memref<1x64x64xf32, #tpu.memory_space<vmem>> -> memref<64x64xf32, #tpu.memory_space<vmem>>
        tpu.wait_dma2 semaphore(%run_scoped3A_63 : memref<!tpu.dma_semaphore, #tpu.memory_space<semaphore_mem>>) src(%dma_wait3A_85 : memref<64x64xf32, #tpu.memory_space<vmem>>) dst(%dma_wait3A_81 : memref<64x64xf32, #tpu.memory_space<vmem_shared>>)
        tpu.yield
      }) : () -> ()
      %add3A_57 = arith.constant 512 : i32
      %add3A_58 = arith.addi %mul3A_34, %add3A_57 : i32
      %run_scoped3A_59 = arith.constant 0 : i32
      "tpu.region"() ({
        %run_scoped3A_63 = tpu.sem_alloc : memref<!tpu.dma_semaphore, #tpu.memory_space<semaphore_mem>>
        %dma_start3A = arith.constant 0 : i32
        %dma_start3A_64 = arith.constant 0 : i32
        %dma_start3A_65 = tpu.memref_slice %arg8[%run_scoped3A_59, %dma_start3A, %dma_start3A_64] : memref<8x64x64xf32, #tpu.memory_space<vmem>> -> memref<1x64x64xf32, #tpu.memory_space<vmem>>
        %dma_start3A_66 = tpu.memref_squeeze %dma_start3A_65 : memref<1x64x64xf32, #tpu.memory_space<vmem>> -> memref<64x64xf32, #tpu.memory_space<vmem>>
        %dma_start3A_67 = arith.constant 0 : i32
        %dma_start3A_68 = tpu.memref_slice %arg9[%add3A_58, %dma_start3A_67] : memref<10008x64xf32, #tpu.memory_space<vmem_shared>> -> memref<64x64xf32, #tpu.memory_space<vmem_shared>>
        %dma_start3A_69 = arith.constant 0 : i32
        %dma_start3A_70 = tpu.memref_slice %arg9[%add3A_58, %dma_start3A_69] : memref<10008x64xf32, #tpu.memory_space<vmem_shared>> -> memref<64x64xf32, #tpu.memory_space<vmem_shared>>
        %dma_start3A_71 = arith.constant 0 : i32
        %dma_start3A_72 = arith.constant 0 : i32
        %dma_start3A_73 = tpu.memref_slice %arg8[%run_scoped3A_59, %dma_start3A_71, %dma_start3A_72] : memref<8x64x64xf32, #tpu.memory_space<vmem>> -> memref<1x64x64xf32, #tpu.memory_space<vmem>>
        %dma_start3A_74 = tpu.memref_squeeze %dma_start3A_73 : memref<1x64x64xf32, #tpu.memory_space<vmem>> -> memref<64x64xf32, #tpu.memory_space<vmem>>
        tpu.enqueue_dma source(%dma_start3A_74 : memref<64x64xf32, #tpu.memory_space<vmem>>) target(%dma_start3A_70 : memref<64x64xf32, #tpu.memory_space<vmem_shared>>) target_semaphore(%run_scoped3A_63 : memref<!tpu.dma_semaphore, #tpu.memory_space<semaphore_mem>>)
        %dma_wait3A = arith.constant 0 : i32
        %dma_wait3A_75 = arith.constant 0 : i32
        %dma_wait3A_76 = tpu.memref_slice %arg8[%run_scoped3A_59, %dma_wait3A, %dma_wait3A_75] : memref<8x64x64xf32, #tpu.memory_space<vmem>> -> memref<1x64x64xf32, #tpu.memory_space<vmem>>
        %dma_wait3A_77 = tpu.memref_squeeze %dma_wait3A_76 : memref<1x64x64xf32, #tpu.memory_space<vmem>> -> memref<64x64xf32, #tpu.memory_space<vmem>>
        %dma_wait3A_78 = arith.constant 0 : i32
        %dma_wait3A_79 = tpu.memref_slice %arg9[%add3A_58, %dma_wait3A_78] : memref<10008x64xf32, #tpu.memory_space<vmem_shared>> -> memref<64x64xf32, #tpu.memory_space<vmem_shared>>
        %dma_wait3A_80 = arith.constant 0 : i32
        %dma_wait3A_81 = tpu.memref_slice %arg9[%add3A_58, %dma_wait3A_80] : memref<10008x64xf32, #tpu.memory_space<vmem_shared>> -> memref<64x64xf32, #tpu.memory_space<vmem_shared>>
        %dma_wait3A_82 = arith.constant 0 : i32
        %dma_wait3A_83 = arith.constant 0 : i32
        %dma_wait3A_84 = tpu.memref_slice %arg8[%run_scoped3A_59, %dma_wait3A_82, %dma_wait3A_83] : memref<8x64x64xf32, #tpu.memory_space<vmem>> -> memref<1x64x64xf32, #tpu.memory_space<vmem>>
        %dma_wait3A_85 = tpu.memref_squeeze %dma_wait3A_84 : memref<1x64x64xf32, #tpu.memory_space<vmem>> -> memref<64x64xf32, #tpu.memory_space<vmem>>
        tpu.wait_dma2 semaphore(%run_scoped3A_63 : memref<!tpu.dma_semaphore, #tpu.memory_space<semaphore_mem>>) src(%dma_wait3A_85 : memref<64x64xf32, #tpu.memory_space<vmem>>) dst(%dma_wait3A_81 : memref<64x64xf32, #tpu.memory_space<vmem_shared>>)
        tpu.yield
      }) : () -> ()
      %add3A_60 = arith.constant 576 : i32
      %add3A_61 = arith.addi %mul3A_34, %add3A_60 : i32
      %run_scoped3A_62 = arith.constant 0 : i32
      "tpu.region"() ({
        %run_scoped3A_63 = tpu.sem_alloc : memref<!tpu.dma_semaphore, #tpu.memory_space<semaphore_mem>>
        %dma_start3A = arith.constant 0 : i32
        %dma_start3A_64 = arith.constant 0 : i32
        %dma_start3A_65 = tpu.memref_slice %arg8[%run_scoped3A_62, %dma_start3A, %dma_start3A_64] : memref<8x64x64xf32, #tpu.memory_space<vmem>> -> memref<1x56x64xf32, #tpu.memory_space<vmem>>
        %dma_start3A_66 = tpu.memref_squeeze %dma_start3A_65 : memref<1x56x64xf32, #tpu.memory_space<vmem>> -> memref<56x64xf32, #tpu.memory_space<vmem>>
        %dma_start3A_67 = arith.constant 0 : i32
        %dma_start3A_68 = tpu.memref_slice %arg9[%add3A_61, %dma_start3A_67] : memref<10008x64xf32, #tpu.memory_space<vmem_shared>> -> memref<56x64xf32, #tpu.memory_space<vmem_shared>>
        %dma_start3A_69 = arith.constant 0 : i32
        %dma_start3A_70 = tpu.memref_slice %arg9[%add3A_61, %dma_start3A_69] : memref<10008x64xf32, #tpu.memory_space<vmem_shared>> -> memref<56x64xf32, #tpu.memory_space<vmem_shared>>
        %dma_start3A_71 = arith.constant 0 : i32
        %dma_start3A_72 = arith.constant 0 : i32
        %dma_start3A_73 = tpu.memref_slice %arg8[%run_scoped3A_62, %dma_start3A_71, %dma_start3A_72] : memref<8x64x64xf32, #tpu.memory_space<vmem>> -> memref<1x56x64xf32, #tpu.memory_space<vmem>>
        %dma_start3A_74 = tpu.memref_squeeze %dma_start3A_73 : memref<1x56x64xf32, #tpu.memory_space<vmem>> -> memref<56x64xf32, #tpu.memory_space<vmem>>
        tpu.enqueue_dma source(%dma_start3A_74 : memref<56x64xf32, #tpu.memory_space<vmem>>) target(%dma_start3A_70 : memref<56x64xf32, #tpu.memory_space<vmem_shared>>) target_semaphore(%run_scoped3A_63 : memref<!tpu.dma_semaphore, #tpu.memory_space<semaphore_mem>>)
        %dma_wait3A = arith.constant 0 : i32
        %dma_wait3A_75 = arith.constant 0 : i32
        %dma_wait3A_76 = tpu.memref_slice %arg8[%run_scoped3A_62, %dma_wait3A, %dma_wait3A_75] : memref<8x64x64xf32, #tpu.memory_space<vmem>> -> memref<1x56x64xf32, #tpu.memory_space<vmem>>
        %dma_wait3A_77 = tpu.memref_squeeze %dma_wait3A_76 : memref<1x56x64xf32, #tpu.memory_space<vmem>> -> memref<56x64xf32, #tpu.memory_space<vmem>>
        %dma_wait3A_78 = arith.constant 0 : i32
        %dma_wait3A_79 = tpu.memref_slice %arg9[%add3A_61, %dma_wait3A_78] : memref<10008x64xf32, #tpu.memory_space<vmem_shared>> -> memref<56x64xf32, #tpu.memory_space<vmem_shared>>
        %dma_wait3A_80 = arith.constant 0 : i32
        %dma_wait3A_81 = tpu.memref_slice %arg9[%add3A_61, %dma_wait3A_80] : memref<10008x64xf32, #tpu.memory_space<vmem_shared>> -> memref<56x64xf32, #tpu.memory_space<vmem_shared>>
        %dma_wait3A_82 = arith.constant 0 : i32
        %dma_wait3A_83 = arith.constant 0 : i32
        %dma_wait3A_84 = tpu.memref_slice %arg8[%run_scoped3A_62, %dma_wait3A_82, %dma_wait3A_83] : memref<8x64x64xf32, #tpu.memory_space<vmem>> -> memref<1x56x64xf32, #tpu.memory_space<vmem>>
        %dma_wait3A_85 = tpu.memref_squeeze %dma_wait3A_84 : memref<1x56x64xf32, #tpu.memory_space<vmem>> -> memref<56x64xf32, #tpu.memory_space<vmem>>
        tpu.wait_dma2 semaphore(%run_scoped3A_63 : memref<!tpu.dma_semaphore, #tpu.memory_space<semaphore_mem>>) src(%dma_wait3A_85 : memref<56x64xf32, #tpu.memory_space<vmem>>) dst(%dma_wait3A_81 : memref<56x64xf32, #tpu.memory_space<vmem_shared>>)
        tpu.yield
      }) : () -> ()
    } else {
    }
    %eq3A = arith.constant 15 : i32
    %eq3A_9 = arith.cmpi eq, %arg1, %eq3A : i32
    %convert_element_type3A_10 = arith.extui %eq3A_9 : i1 to i32
    %cond3A_11 = arith.constant 0 : i32
    %cond3A_12 = arith.cmpi ne, %convert_element_type3A_10, %cond3A_11 : i32
    scf.if %cond3A_12 {
      %run_scoped3A = arith.constant 0 : i32
      "tpu.region"() ({
        %run_scoped3A_42 = tpu.sem_alloc : memref<!tpu.dma_semaphore, #tpu.memory_space<semaphore_mem>>
        %dma_start3A = arith.constant 0 : i32
        %dma_start3A_43 = arith.constant 0 : i32
        %dma_start3A_44 = tpu.memref_slice %arg8[%run_scoped3A, %dma_start3A, %dma_start3A_43] : memref<8x64x64xf32, #tpu.memory_space<vmem>> -> memref<1x64x64xf32, #tpu.memory_space<vmem>>
        %dma_start3A_45 = tpu.memref_squeeze %dma_start3A_44 : memref<1x64x64xf32, #tpu.memory_space<vmem>> -> memref<64x64xf32, #tpu.memory_space<vmem>>
        %dma_start3A_46 = arith.constant 9480 : i32
        %dma_start3A_47 = arith.constant 0 : i32
        %dma_start3A_48 = tpu.memref_slice %arg9[%dma_start3A_46, %dma_start3A_47] : memref<10008x64xf32, #tpu.memory_space<vmem_shared>> -> memref<64x64xf32, #tpu.memory_space<vmem_shared>>
        %dma_start3A_49 = arith.constant 9480 : i32
        %dma_start3A_50 = arith.constant 0 : i32
        %dma_start3A_51 = tpu.memref_slice %arg9[%dma_start3A_49, %dma_start3A_50] : memref<10008x64xf32, #tpu.memory_space<vmem_shared>> -> memref<64x64xf32, #tpu.memory_space<vmem_shared>>
        %dma_start3A_52 = arith.constant 0 : i32
        %dma_start3A_53 = arith.constant 0 : i32
        %dma_start3A_54 = tpu.memref_slice %arg8[%run_scoped3A, %dma_start3A_52, %dma_start3A_53] : memref<8x64x64xf32, #tpu.memory_space<vmem>> -> memref<1x64x64xf32, #tpu.memory_space<vmem>>
        %dma_start3A_55 = tpu.memref_squeeze %dma_start3A_54 : memref<1x64x64xf32, #tpu.memory_space<vmem>> -> memref<64x64xf32, #tpu.memory_space<vmem>>
        tpu.enqueue_dma source(%dma_start3A_55 : memref<64x64xf32, #tpu.memory_space<vmem>>) target(%dma_start3A_51 : memref<64x64xf32, #tpu.memory_space<vmem_shared>>) target_semaphore(%run_scoped3A_42 : memref<!tpu.dma_semaphore, #tpu.memory_space<semaphore_mem>>)
        %dma_wait3A = arith.constant 0 : i32
        %dma_wait3A_56 = arith.constant 0 : i32
        %dma_wait3A_57 = tpu.memref_slice %arg8[%run_scoped3A, %dma_wait3A, %dma_wait3A_56] : memref<8x64x64xf32, #tpu.memory_space<vmem>> -> memref<1x64x64xf32, #tpu.memory_space<vmem>>
        %dma_wait3A_58 = tpu.memref_squeeze %dma_wait3A_57 : memref<1x64x64xf32, #tpu.memory_space<vmem>> -> memref<64x64xf32, #tpu.memory_space<vmem>>
        %dma_wait3A_59 = arith.constant 9480 : i32
        %dma_wait3A_60 = arith.constant 0 : i32
        %dma_wait3A_61 = tpu.memref_slice %arg9[%dma_wait3A_59, %dma_wait3A_60] : memref<10008x64xf32, #tpu.memory_space<vmem_shared>> -> memref<64x64xf32, #tpu.memory_space<vmem_shared>>
        %dma_wait3A_62 = arith.constant 9480 : i32
        %dma_wait3A_63 = arith.constant 0 : i32
        %dma_wait3A_64 = tpu.memref_slice %arg9[%dma_wait3A_62, %dma_wait3A_63] : memref<10008x64xf32, #tpu.memory_space<vmem_shared>> -> memref<64x64xf32, #tpu.memory_space<vmem_shared>>
        %dma_wait3A_65 = arith.constant 0 : i32
        %dma_wait3A_66 = arith.constant 0 : i32
        %dma_wait3A_67 = tpu.memref_slice %arg8[%run_scoped3A, %dma_wait3A_65, %dma_wait3A_66] : memref<8x64x64xf32, #tpu.memory_space<vmem>> -> memref<1x64x64xf32, #tpu.memory_space<vmem>>
        %dma_wait3A_68 = tpu.memref_squeeze %dma_wait3A_67 : memref<1x64x64xf32, #tpu.memory_space<vmem>> -> memref<64x64xf32, #tpu.memory_space<vmem>>
        tpu.wait_dma2 semaphore(%run_scoped3A_42 : memref<!tpu.dma_semaphore, #tpu.memory_space<semaphore_mem>>) src(%dma_wait3A_68 : memref<64x64xf32, #tpu.memory_space<vmem>>) dst(%dma_wait3A_64 : memref<64x64xf32, #tpu.memory_space<vmem_shared>>)
        tpu.yield
      }) : () -> ()
      %run_scoped3A_34 = arith.constant 0 : i32
      "tpu.region"() ({
        %run_scoped3A_42 = tpu.sem_alloc : memref<!tpu.dma_semaphore, #tpu.memory_space<semaphore_mem>>
        %dma_start3A = arith.constant 0 : i32
        %dma_start3A_43 = arith.constant 0 : i32
        %dma_start3A_44 = tpu.memref_slice %arg8[%run_scoped3A_34, %dma_start3A, %dma_start3A_43] : memref<8x64x64xf32, #tpu.memory_space<vmem>> -> memref<1x64x64xf32, #tpu.memory_space<vmem>>
        %dma_start3A_45 = tpu.memref_squeeze %dma_start3A_44 : memref<1x64x64xf32, #tpu.memory_space<vmem>> -> memref<64x64xf32, #tpu.memory_space<vmem>>
        %dma_start3A_46 = arith.constant 9544 : i32
        %dma_start3A_47 = arith.constant 0 : i32
        %dma_start3A_48 = tpu.memref_slice %arg9[%dma_start3A_46, %dma_start3A_47] : memref<10008x64xf32, #tpu.memory_space<vmem_shared>> -> memref<64x64xf32, #tpu.memory_space<vmem_shared>>
        %dma_start3A_49 = arith.constant 9544 : i32
        %dma_start3A_50 = arith.constant 0 : i32
        %dma_start3A_51 = tpu.memref_slice %arg9[%dma_start3A_49, %dma_start3A_50] : memref<10008x64xf32, #tpu.memory_space<vmem_shared>> -> memref<64x64xf32, #tpu.memory_space<vmem_shared>>
        %dma_start3A_52 = arith.constant 0 : i32
        %dma_start3A_53 = arith.constant 0 : i32
        %dma_start3A_54 = tpu.memref_slice %arg8[%run_scoped3A_34, %dma_start3A_52, %dma_start3A_53] : memref<8x64x64xf32, #tpu.memory_space<vmem>> -> memref<1x64x64xf32, #tpu.memory_space<vmem>>
        %dma_start3A_55 = tpu.memref_squeeze %dma_start3A_54 : memref<1x64x64xf32, #tpu.memory_space<vmem>> -> memref<64x64xf32, #tpu.memory_space<vmem>>
        tpu.enqueue_dma source(%dma_start3A_55 : memref<64x64xf32, #tpu.memory_space<vmem>>) target(%dma_start3A_51 : memref<64x64xf32, #tpu.memory_space<vmem_shared>>) target_semaphore(%run_scoped3A_42 : memref<!tpu.dma_semaphore, #tpu.memory_space<semaphore_mem>>)
        %dma_wait3A = arith.constant 0 : i32
        %dma_wait3A_56 = arith.constant 0 : i32
        %dma_wait3A_57 = tpu.memref_slice %arg8[%run_scoped3A_34, %dma_wait3A, %dma_wait3A_56] : memref<8x64x64xf32, #tpu.memory_space<vmem>> -> memref<1x64x64xf32, #tpu.memory_space<vmem>>
        %dma_wait3A_58 = tpu.memref_squeeze %dma_wait3A_57 : memref<1x64x64xf32, #tpu.memory_space<vmem>> -> memref<64x64xf32, #tpu.memory_space<vmem>>
        %dma_wait3A_59 = arith.constant 9544 : i32
        %dma_wait3A_60 = arith.constant 0 : i32
        %dma_wait3A_61 = tpu.memref_slice %arg9[%dma_wait3A_59, %dma_wait3A_60] : memref<10008x64xf32, #tpu.memory_space<vmem_shared>> -> memref<64x64xf32, #tpu.memory_space<vmem_shared>>
        %dma_wait3A_62 = arith.constant 9544 : i32
        %dma_wait3A_63 = arith.constant 0 : i32
        %dma_wait3A_64 = tpu.memref_slice %arg9[%dma_wait3A_62, %dma_wait3A_63] : memref<10008x64xf32, #tpu.memory_space<vmem_shared>> -> memref<64x64xf32, #tpu.memory_space<vmem_shared>>
        %dma_wait3A_65 = arith.constant 0 : i32
        %dma_wait3A_66 = arith.constant 0 : i32
        %dma_wait3A_67 = tpu.memref_slice %arg8[%run_scoped3A_34, %dma_wait3A_65, %dma_wait3A_66] : memref<8x64x64xf32, #tpu.memory_space<vmem>> -> memref<1x64x64xf32, #tpu.memory_space<vmem>>
        %dma_wait3A_68 = tpu.memref_squeeze %dma_wait3A_67 : memref<1x64x64xf32, #tpu.memory_space<vmem>> -> memref<64x64xf32, #tpu.memory_space<vmem>>
        tpu.wait_dma2 semaphore(%run_scoped3A_42 : memref<!tpu.dma_semaphore, #tpu.memory_space<semaphore_mem>>) src(%dma_wait3A_68 : memref<64x64xf32, #tpu.memory_space<vmem>>) dst(%dma_wait3A_64 : memref<64x64xf32, #tpu.memory_space<vmem_shared>>)
        tpu.yield
      }) : () -> ()
      %run_scoped3A_35 = arith.constant 0 : i32
      "tpu.region"() ({
        %run_scoped3A_42 = tpu.sem_alloc : memref<!tpu.dma_semaphore, #tpu.memory_space<semaphore_mem>>
        %dma_start3A = arith.constant 0 : i32
        %dma_start3A_43 = arith.constant 0 : i32
        %dma_start3A_44 = tpu.memref_slice %arg8[%run_scoped3A_35, %dma_start3A, %dma_start3A_43] : memref<8x64x64xf32, #tpu.memory_space<vmem>> -> memref<1x64x64xf32, #tpu.memory_space<vmem>>
        %dma_start3A_45 = tpu.memref_squeeze %dma_start3A_44 : memref<1x64x64xf32, #tpu.memory_space<vmem>> -> memref<64x64xf32, #tpu.memory_space<vmem>>
        %dma_start3A_46 = arith.constant 9608 : i32
        %dma_start3A_47 = arith.constant 0 : i32
        %dma_start3A_48 = tpu.memref_slice %arg9[%dma_start3A_46, %dma_start3A_47] : memref<10008x64xf32, #tpu.memory_space<vmem_shared>> -> memref<64x64xf32, #tpu.memory_space<vmem_shared>>
        %dma_start3A_49 = arith.constant 9608 : i32
        %dma_start3A_50 = arith.constant 0 : i32
        %dma_start3A_51 = tpu.memref_slice %arg9[%dma_start3A_49, %dma_start3A_50] : memref<10008x64xf32, #tpu.memory_space<vmem_shared>> -> memref<64x64xf32, #tpu.memory_space<vmem_shared>>
        %dma_start3A_52 = arith.constant 0 : i32
        %dma_start3A_53 = arith.constant 0 : i32
        %dma_start3A_54 = tpu.memref_slice %arg8[%run_scoped3A_35, %dma_start3A_52, %dma_start3A_53] : memref<8x64x64xf32, #tpu.memory_space<vmem>> -> memref<1x64x64xf32, #tpu.memory_space<vmem>>
        %dma_start3A_55 = tpu.memref_squeeze %dma_start3A_54 : memref<1x64x64xf32, #tpu.memory_space<vmem>> -> memref<64x64xf32, #tpu.memory_space<vmem>>
        tpu.enqueue_dma source(%dma_start3A_55 : memref<64x64xf32, #tpu.memory_space<vmem>>) target(%dma_start3A_51 : memref<64x64xf32, #tpu.memory_space<vmem_shared>>) target_semaphore(%run_scoped3A_42 : memref<!tpu.dma_semaphore, #tpu.memory_space<semaphore_mem>>)
        %dma_wait3A = arith.constant 0 : i32
        %dma_wait3A_56 = arith.constant 0 : i32
        %dma_wait3A_57 = tpu.memref_slice %arg8[%run_scoped3A_35, %dma_wait3A, %dma_wait3A_56] : memref<8x64x64xf32, #tpu.memory_space<vmem>> -> memref<1x64x64xf32, #tpu.memory_space<vmem>>
        %dma_wait3A_58 = tpu.memref_squeeze %dma_wait3A_57 : memref<1x64x64xf32, #tpu.memory_space<vmem>> -> memref<64x64xf32, #tpu.memory_space<vmem>>
        %dma_wait3A_59 = arith.constant 9608 : i32
        %dma_wait3A_60 = arith.constant 0 : i32
        %dma_wait3A_61 = tpu.memref_slice %arg9[%dma_wait3A_59, %dma_wait3A_60] : memref<10008x64xf32, #tpu.memory_space<vmem_shared>> -> memref<64x64xf32, #tpu.memory_space<vmem_shared>>
        %dma_wait3A_62 = arith.constant 9608 : i32
        %dma_wait3A_63 = arith.constant 0 : i32
        %dma_wait3A_64 = tpu.memref_slice %arg9[%dma_wait3A_62, %dma_wait3A_63] : memref<10008x64xf32, #tpu.memory_space<vmem_shared>> -> memref<64x64xf32, #tpu.memory_space<vmem_shared>>
        %dma_wait3A_65 = arith.constant 0 : i32
        %dma_wait3A_66 = arith.constant 0 : i32
        %dma_wait3A_67 = tpu.memref_slice %arg8[%run_scoped3A_35, %dma_wait3A_65, %dma_wait3A_66] : memref<8x64x64xf32, #tpu.memory_space<vmem>> -> memref<1x64x64xf32, #tpu.memory_space<vmem>>
        %dma_wait3A_68 = tpu.memref_squeeze %dma_wait3A_67 : memref<1x64x64xf32, #tpu.memory_space<vmem>> -> memref<64x64xf32, #tpu.memory_space<vmem>>
        tpu.wait_dma2 semaphore(%run_scoped3A_42 : memref<!tpu.dma_semaphore, #tpu.memory_space<semaphore_mem>>) src(%dma_wait3A_68 : memref<64x64xf32, #tpu.memory_space<vmem>>) dst(%dma_wait3A_64 : memref<64x64xf32, #tpu.memory_space<vmem_shared>>)
        tpu.yield
      }) : () -> ()
      %run_scoped3A_36 = arith.constant 0 : i32
      "tpu.region"() ({
        %run_scoped3A_42 = tpu.sem_alloc : memref<!tpu.dma_semaphore, #tpu.memory_space<semaphore_mem>>
        %dma_start3A = arith.constant 0 : i32
        %dma_start3A_43 = arith.constant 0 : i32
        %dma_start3A_44 = tpu.memref_slice %arg8[%run_scoped3A_36, %dma_start3A, %dma_start3A_43] : memref<8x64x64xf32, #tpu.memory_space<vmem>> -> memref<1x64x64xf32, #tpu.memory_space<vmem>>
        %dma_start3A_45 = tpu.memref_squeeze %dma_start3A_44 : memref<1x64x64xf32, #tpu.memory_space<vmem>> -> memref<64x64xf32, #tpu.memory_space<vmem>>
        %dma_start3A_46 = arith.constant 9672 : i32
        %dma_start3A_47 = arith.constant 0 : i32
        %dma_start3A_48 = tpu.memref_slice %arg9[%dma_start3A_46, %dma_start3A_47] : memref<10008x64xf32, #tpu.memory_space<vmem_shared>> -> memref<64x64xf32, #tpu.memory_space<vmem_shared>>
        %dma_start3A_49 = arith.constant 9672 : i32
        %dma_start3A_50 = arith.constant 0 : i32
        %dma_start3A_51 = tpu.memref_slice %arg9[%dma_start3A_49, %dma_start3A_50] : memref<10008x64xf32, #tpu.memory_space<vmem_shared>> -> memref<64x64xf32, #tpu.memory_space<vmem_shared>>
        %dma_start3A_52 = arith.constant 0 : i32
        %dma_start3A_53 = arith.constant 0 : i32
        %dma_start3A_54 = tpu.memref_slice %arg8[%run_scoped3A_36, %dma_start3A_52, %dma_start3A_53] : memref<8x64x64xf32, #tpu.memory_space<vmem>> -> memref<1x64x64xf32, #tpu.memory_space<vmem>>
        %dma_start3A_55 = tpu.memref_squeeze %dma_start3A_54 : memref<1x64x64xf32, #tpu.memory_space<vmem>> -> memref<64x64xf32, #tpu.memory_space<vmem>>
        tpu.enqueue_dma source(%dma_start3A_55 : memref<64x64xf32, #tpu.memory_space<vmem>>) target(%dma_start3A_51 : memref<64x64xf32, #tpu.memory_space<vmem_shared>>) target_semaphore(%run_scoped3A_42 : memref<!tpu.dma_semaphore, #tpu.memory_space<semaphore_mem>>)
        %dma_wait3A = arith.constant 0 : i32
        %dma_wait3A_56 = arith.constant 0 : i32
        %dma_wait3A_57 = tpu.memref_slice %arg8[%run_scoped3A_36, %dma_wait3A, %dma_wait3A_56] : memref<8x64x64xf32, #tpu.memory_space<vmem>> -> memref<1x64x64xf32, #tpu.memory_space<vmem>>
        %dma_wait3A_58 = tpu.memref_squeeze %dma_wait3A_57 : memref<1x64x64xf32, #tpu.memory_space<vmem>> -> memref<64x64xf32, #tpu.memory_space<vmem>>
        %dma_wait3A_59 = arith.constant 9672 : i32
        %dma_wait3A_60 = arith.constant 0 : i32
        %dma_wait3A_61 = tpu.memref_slice %arg9[%dma_wait3A_59, %dma_wait3A_60] : memref<10008x64xf32, #tpu.memory_space<vmem_shared>> -> memref<64x64xf32, #tpu.memory_space<vmem_shared>>
        %dma_wait3A_62 = arith.constant 9672 : i32
        %dma_wait3A_63 = arith.constant 0 : i32
        %dma_wait3A_64 = tpu.memref_slice %arg9[%dma_wait3A_62, %dma_wait3A_63] : memref<10008x64xf32, #tpu.memory_space<vmem_shared>> -> memref<64x64xf32, #tpu.memory_space<vmem_shared>>
        %dma_wait3A_65 = arith.constant 0 : i32
        %dma_wait3A_66 = arith.constant 0 : i32
        %dma_wait3A_67 = tpu.memref_slice %arg8[%run_scoped3A_36, %dma_wait3A_65, %dma_wait3A_66] : memref<8x64x64xf32, #tpu.memory_space<vmem>> -> memref<1x64x64xf32, #tpu.memory_space<vmem>>
        %dma_wait3A_68 = tpu.memref_squeeze %dma_wait3A_67 : memref<1x64x64xf32, #tpu.memory_space<vmem>> -> memref<64x64xf32, #tpu.memory_space<vmem>>
        tpu.wait_dma2 semaphore(%run_scoped3A_42 : memref<!tpu.dma_semaphore, #tpu.memory_space<semaphore_mem>>) src(%dma_wait3A_68 : memref<64x64xf32, #tpu.memory_space<vmem>>) dst(%dma_wait3A_64 : memref<64x64xf32, #tpu.memory_space<vmem_shared>>)
        tpu.yield
      }) : () -> ()
      %run_scoped3A_37 = arith.constant 0 : i32
      "tpu.region"() ({
        %run_scoped3A_42 = tpu.sem_alloc : memref<!tpu.dma_semaphore, #tpu.memory_space<semaphore_mem>>
        %dma_start3A = arith.constant 0 : i32
        %dma_start3A_43 = arith.constant 0 : i32
        %dma_start3A_44 = tpu.memref_slice %arg8[%run_scoped3A_37, %dma_start3A, %dma_start3A_43] : memref<8x64x64xf32, #tpu.memory_space<vmem>> -> memref<1x64x64xf32, #tpu.memory_space<vmem>>
        %dma_start3A_45 = tpu.memref_squeeze %dma_start3A_44 : memref<1x64x64xf32, #tpu.memory_space<vmem>> -> memref<64x64xf32, #tpu.memory_space<vmem>>
        %dma_start3A_46 = arith.constant 9736 : i32
        %dma_start3A_47 = arith.constant 0 : i32
        %dma_start3A_48 = tpu.memref_slice %arg9[%dma_start3A_46, %dma_start3A_47] : memref<10008x64xf32, #tpu.memory_space<vmem_shared>> -> memref<64x64xf32, #tpu.memory_space<vmem_shared>>
        %dma_start3A_49 = arith.constant 9736 : i32
        %dma_start3A_50 = arith.constant 0 : i32
        %dma_start3A_51 = tpu.memref_slice %arg9[%dma_start3A_49, %dma_start3A_50] : memref<10008x64xf32, #tpu.memory_space<vmem_shared>> -> memref<64x64xf32, #tpu.memory_space<vmem_shared>>
        %dma_start3A_52 = arith.constant 0 : i32
        %dma_start3A_53 = arith.constant 0 : i32
        %dma_start3A_54 = tpu.memref_slice %arg8[%run_scoped3A_37, %dma_start3A_52, %dma_start3A_53] : memref<8x64x64xf32, #tpu.memory_space<vmem>> -> memref<1x64x64xf32, #tpu.memory_space<vmem>>
        %dma_start3A_55 = tpu.memref_squeeze %dma_start3A_54 : memref<1x64x64xf32, #tpu.memory_space<vmem>> -> memref<64x64xf32, #tpu.memory_space<vmem>>
        tpu.enqueue_dma source(%dma_start3A_55 : memref<64x64xf32, #tpu.memory_space<vmem>>) target(%dma_start3A_51 : memref<64x64xf32, #tpu.memory_space<vmem_shared>>) target_semaphore(%run_scoped3A_42 : memref<!tpu.dma_semaphore, #tpu.memory_space<semaphore_mem>>)
        %dma_wait3A = arith.constant 0 : i32
        %dma_wait3A_56 = arith.constant 0 : i32
        %dma_wait3A_57 = tpu.memref_slice %arg8[%run_scoped3A_37, %dma_wait3A, %dma_wait3A_56] : memref<8x64x64xf32, #tpu.memory_space<vmem>> -> memref<1x64x64xf32, #tpu.memory_space<vmem>>
        %dma_wait3A_58 = tpu.memref_squeeze %dma_wait3A_57 : memref<1x64x64xf32, #tpu.memory_space<vmem>> -> memref<64x64xf32, #tpu.memory_space<vmem>>
        %dma_wait3A_59 = arith.constant 9736 : i32
        %dma_wait3A_60 = arith.constant 0 : i32
        %dma_wait3A_61 = tpu.memref_slice %arg9[%dma_wait3A_59, %dma_wait3A_60] : memref<10008x64xf32, #tpu.memory_space<vmem_shared>> -> memref<64x64xf32, #tpu.memory_space<vmem_shared>>
        %dma_wait3A_62 = arith.constant 9736 : i32
        %dma_wait3A_63 = arith.constant 0 : i32
        %dma_wait3A_64 = tpu.memref_slice %arg9[%dma_wait3A_62, %dma_wait3A_63] : memref<10008x64xf32, #tpu.memory_space<vmem_shared>> -> memref<64x64xf32, #tpu.memory_space<vmem_shared>>
        %dma_wait3A_65 = arith.constant 0 : i32
        %dma_wait3A_66 = arith.constant 0 : i32
        %dma_wait3A_67 = tpu.memref_slice %arg8[%run_scoped3A_37, %dma_wait3A_65, %dma_wait3A_66] : memref<8x64x64xf32, #tpu.memory_space<vmem>> -> memref<1x64x64xf32, #tpu.memory_space<vmem>>
        %dma_wait3A_68 = tpu.memref_squeeze %dma_wait3A_67 : memref<1x64x64xf32, #tpu.memory_space<vmem>> -> memref<64x64xf32, #tpu.memory_space<vmem>>
        tpu.wait_dma2 semaphore(%run_scoped3A_42 : memref<!tpu.dma_semaphore, #tpu.memory_space<semaphore_mem>>) src(%dma_wait3A_68 : memref<64x64xf32, #tpu.memory_space<vmem>>) dst(%dma_wait3A_64 : memref<64x64xf32, #tpu.memory_space<vmem_shared>>)
        tpu.yield
      }) : () -> ()
      %run_scoped3A_38 = arith.constant 0 : i32
      "tpu.region"() ({
        %run_scoped3A_42 = tpu.sem_alloc : memref<!tpu.dma_semaphore, #tpu.memory_space<semaphore_mem>>
        %dma_start3A = arith.constant 0 : i32
        %dma_start3A_43 = arith.constant 0 : i32
        %dma_start3A_44 = tpu.memref_slice %arg8[%run_scoped3A_38, %dma_start3A, %dma_start3A_43] : memref<8x64x64xf32, #tpu.memory_space<vmem>> -> memref<1x64x64xf32, #tpu.memory_space<vmem>>
        %dma_start3A_45 = tpu.memref_squeeze %dma_start3A_44 : memref<1x64x64xf32, #tpu.memory_space<vmem>> -> memref<64x64xf32, #tpu.memory_space<vmem>>
        %dma_start3A_46 = arith.constant 9800 : i32
        %dma_start3A_47 = arith.constant 0 : i32
        %dma_start3A_48 = tpu.memref_slice %arg9[%dma_start3A_46, %dma_start3A_47] : memref<10008x64xf32, #tpu.memory_space<vmem_shared>> -> memref<64x64xf32, #tpu.memory_space<vmem_shared>>
        %dma_start3A_49 = arith.constant 9800 : i32
        %dma_start3A_50 = arith.constant 0 : i32
        %dma_start3A_51 = tpu.memref_slice %arg9[%dma_start3A_49, %dma_start3A_50] : memref<10008x64xf32, #tpu.memory_space<vmem_shared>> -> memref<64x64xf32, #tpu.memory_space<vmem_shared>>
        %dma_start3A_52 = arith.constant 0 : i32
        %dma_start3A_53 = arith.constant 0 : i32
        %dma_start3A_54 = tpu.memref_slice %arg8[%run_scoped3A_38, %dma_start3A_52, %dma_start3A_53] : memref<8x64x64xf32, #tpu.memory_space<vmem>> -> memref<1x64x64xf32, #tpu.memory_space<vmem>>
        %dma_start3A_55 = tpu.memref_squeeze %dma_start3A_54 : memref<1x64x64xf32, #tpu.memory_space<vmem>> -> memref<64x64xf32, #tpu.memory_space<vmem>>
        tpu.enqueue_dma source(%dma_start3A_55 : memref<64x64xf32, #tpu.memory_space<vmem>>) target(%dma_start3A_51 : memref<64x64xf32, #tpu.memory_space<vmem_shared>>) target_semaphore(%run_scoped3A_42 : memref<!tpu.dma_semaphore, #tpu.memory_space<semaphore_mem>>)
        %dma_wait3A = arith.constant 0 : i32
        %dma_wait3A_56 = arith.constant 0 : i32
        %dma_wait3A_57 = tpu.memref_slice %arg8[%run_scoped3A_38, %dma_wait3A, %dma_wait3A_56] : memref<8x64x64xf32, #tpu.memory_space<vmem>> -> memref<1x64x64xf32, #tpu.memory_space<vmem>>
        %dma_wait3A_58 = tpu.memref_squeeze %dma_wait3A_57 : memref<1x64x64xf32, #tpu.memory_space<vmem>> -> memref<64x64xf32, #tpu.memory_space<vmem>>
        %dma_wait3A_59 = arith.constant 9800 : i32
        %dma_wait3A_60 = arith.constant 0 : i32
        %dma_wait3A_61 = tpu.memref_slice %arg9[%dma_wait3A_59, %dma_wait3A_60] : memref<10008x64xf32, #tpu.memory_space<vmem_shared>> -> memref<64x64xf32, #tpu.memory_space<vmem_shared>>
        %dma_wait3A_62 = arith.constant 9800 : i32
        %dma_wait3A_63 = arith.constant 0 : i32
        %dma_wait3A_64 = tpu.memref_slice %arg9[%dma_wait3A_62, %dma_wait3A_63] : memref<10008x64xf32, #tpu.memory_space<vmem_shared>> -> memref<64x64xf32, #tpu.memory_space<vmem_shared>>
        %dma_wait3A_65 = arith.constant 0 : i32
        %dma_wait3A_66 = arith.constant 0 : i32
        %dma_wait3A_67 = tpu.memref_slice %arg8[%run_scoped3A_38, %dma_wait3A_65, %dma_wait3A_66] : memref<8x64x64xf32, #tpu.memory_space<vmem>> -> memref<1x64x64xf32, #tpu.memory_space<vmem>>
        %dma_wait3A_68 = tpu.memref_squeeze %dma_wait3A_67 : memref<1x64x64xf32, #tpu.memory_space<vmem>> -> memref<64x64xf32, #tpu.memory_space<vmem>>
        tpu.wait_dma2 semaphore(%run_scoped3A_42 : memref<!tpu.dma_semaphore, #tpu.memory_space<semaphore_mem>>) src(%dma_wait3A_68 : memref<64x64xf32, #tpu.memory_space<vmem>>) dst(%dma_wait3A_64 : memref<64x64xf32, #tpu.memory_space<vmem_shared>>)
        tpu.yield
      }) : () -> ()
      %run_scoped3A_39 = arith.constant 0 : i32
      "tpu.region"() ({
        %run_scoped3A_42 = tpu.sem_alloc : memref<!tpu.dma_semaphore, #tpu.memory_space<semaphore_mem>>
        %dma_start3A = arith.constant 0 : i32
        %dma_start3A_43 = arith.constant 0 : i32
        %dma_start3A_44 = tpu.memref_slice %arg8[%run_scoped3A_39, %dma_start3A, %dma_start3A_43] : memref<8x64x64xf32, #tpu.memory_space<vmem>> -> memref<1x64x64xf32, #tpu.memory_space<vmem>>
        %dma_start3A_45 = tpu.memref_squeeze %dma_start3A_44 : memref<1x64x64xf32, #tpu.memory_space<vmem>> -> memref<64x64xf32, #tpu.memory_space<vmem>>
        %dma_start3A_46 = arith.constant 9864 : i32
        %dma_start3A_47 = arith.constant 0 : i32
        %dma_start3A_48 = tpu.memref_slice %arg9[%dma_start3A_46, %dma_start3A_47] : memref<10008x64xf32, #tpu.memory_space<vmem_shared>> -> memref<64x64xf32, #tpu.memory_space<vmem_shared>>
        %dma_start3A_49 = arith.constant 9864 : i32
        %dma_start3A_50 = arith.constant 0 : i32
        %dma_start3A_51 = tpu.memref_slice %arg9[%dma_start3A_49, %dma_start3A_50] : memref<10008x64xf32, #tpu.memory_space<vmem_shared>> -> memref<64x64xf32, #tpu.memory_space<vmem_shared>>
        %dma_start3A_52 = arith.constant 0 : i32
        %dma_start3A_53 = arith.constant 0 : i32
        %dma_start3A_54 = tpu.memref_slice %arg8[%run_scoped3A_39, %dma_start3A_52, %dma_start3A_53] : memref<8x64x64xf32, #tpu.memory_space<vmem>> -> memref<1x64x64xf32, #tpu.memory_space<vmem>>
        %dma_start3A_55 = tpu.memref_squeeze %dma_start3A_54 : memref<1x64x64xf32, #tpu.memory_space<vmem>> -> memref<64x64xf32, #tpu.memory_space<vmem>>
        tpu.enqueue_dma source(%dma_start3A_55 : memref<64x64xf32, #tpu.memory_space<vmem>>) target(%dma_start3A_51 : memref<64x64xf32, #tpu.memory_space<vmem_shared>>) target_semaphore(%run_scoped3A_42 : memref<!tpu.dma_semaphore, #tpu.memory_space<semaphore_mem>>)
        %dma_wait3A = arith.constant 0 : i32
        %dma_wait3A_56 = arith.constant 0 : i32
        %dma_wait3A_57 = tpu.memref_slice %arg8[%run_scoped3A_39, %dma_wait3A, %dma_wait3A_56] : memref<8x64x64xf32, #tpu.memory_space<vmem>> -> memref<1x64x64xf32, #tpu.memory_space<vmem>>
        %dma_wait3A_58 = tpu.memref_squeeze %dma_wait3A_57 : memref<1x64x64xf32, #tpu.memory_space<vmem>> -> memref<64x64xf32, #tpu.memory_space<vmem>>
        %dma_wait3A_59 = arith.constant 9864 : i32
        %dma_wait3A_60 = arith.constant 0 : i32
        %dma_wait3A_61 = tpu.memref_slice %arg9[%dma_wait3A_59, %dma_wait3A_60] : memref<10008x64xf32, #tpu.memory_space<vmem_shared>> -> memref<64x64xf32, #tpu.memory_space<vmem_shared>>
        %dma_wait3A_62 = arith.constant 9864 : i32
        %dma_wait3A_63 = arith.constant 0 : i32
        %dma_wait3A_64 = tpu.memref_slice %arg9[%dma_wait3A_62, %dma_wait3A_63] : memref<10008x64xf32, #tpu.memory_space<vmem_shared>> -> memref<64x64xf32, #tpu.memory_space<vmem_shared>>
        %dma_wait3A_65 = arith.constant 0 : i32
        %dma_wait3A_66 = arith.constant 0 : i32
        %dma_wait3A_67 = tpu.memref_slice %arg8[%run_scoped3A_39, %dma_wait3A_65, %dma_wait3A_66] : memref<8x64x64xf32, #tpu.memory_space<vmem>> -> memref<1x64x64xf32, #tpu.memory_space<vmem>>
        %dma_wait3A_68 = tpu.memref_squeeze %dma_wait3A_67 : memref<1x64x64xf32, #tpu.memory_space<vmem>> -> memref<64x64xf32, #tpu.memory_space<vmem>>
        tpu.wait_dma2 semaphore(%run_scoped3A_42 : memref<!tpu.dma_semaphore, #tpu.memory_space<semaphore_mem>>) src(%dma_wait3A_68 : memref<64x64xf32, #tpu.memory_space<vmem>>) dst(%dma_wait3A_64 : memref<64x64xf32, #tpu.memory_space<vmem_shared>>)
        tpu.yield
      }) : () -> ()
      %run_scoped3A_40 = arith.constant 0 : i32
      "tpu.region"() ({
        %run_scoped3A_42 = tpu.sem_alloc : memref<!tpu.dma_semaphore, #tpu.memory_space<semaphore_mem>>
        %dma_start3A = arith.constant 0 : i32
        %dma_start3A_43 = arith.constant 0 : i32
        %dma_start3A_44 = tpu.memref_slice %arg8[%run_scoped3A_40, %dma_start3A, %dma_start3A_43] : memref<8x64x64xf32, #tpu.memory_space<vmem>> -> memref<1x64x64xf32, #tpu.memory_space<vmem>>
        %dma_start3A_45 = tpu.memref_squeeze %dma_start3A_44 : memref<1x64x64xf32, #tpu.memory_space<vmem>> -> memref<64x64xf32, #tpu.memory_space<vmem>>
        %dma_start3A_46 = arith.constant 9928 : i32
        %dma_start3A_47 = arith.constant 0 : i32
        %dma_start3A_48 = tpu.memref_slice %arg9[%dma_start3A_46, %dma_start3A_47] : memref<10008x64xf32, #tpu.memory_space<vmem_shared>> -> memref<64x64xf32, #tpu.memory_space<vmem_shared>>
        %dma_start3A_49 = arith.constant 9928 : i32
        %dma_start3A_50 = arith.constant 0 : i32
        %dma_start3A_51 = tpu.memref_slice %arg9[%dma_start3A_49, %dma_start3A_50] : memref<10008x64xf32, #tpu.memory_space<vmem_shared>> -> memref<64x64xf32, #tpu.memory_space<vmem_shared>>
        %dma_start3A_52 = arith.constant 0 : i32
        %dma_start3A_53 = arith.constant 0 : i32
        %dma_start3A_54 = tpu.memref_slice %arg8[%run_scoped3A_40, %dma_start3A_52, %dma_start3A_53] : memref<8x64x64xf32, #tpu.memory_space<vmem>> -> memref<1x64x64xf32, #tpu.memory_space<vmem>>
        %dma_start3A_55 = tpu.memref_squeeze %dma_start3A_54 : memref<1x64x64xf32, #tpu.memory_space<vmem>> -> memref<64x64xf32, #tpu.memory_space<vmem>>
        tpu.enqueue_dma source(%dma_start3A_55 : memref<64x64xf32, #tpu.memory_space<vmem>>) target(%dma_start3A_51 : memref<64x64xf32, #tpu.memory_space<vmem_shared>>) target_semaphore(%run_scoped3A_42 : memref<!tpu.dma_semaphore, #tpu.memory_space<semaphore_mem>>)
        %dma_wait3A = arith.constant 0 : i32
        %dma_wait3A_56 = arith.constant 0 : i32
        %dma_wait3A_57 = tpu.memref_slice %arg8[%run_scoped3A_40, %dma_wait3A, %dma_wait3A_56] : memref<8x64x64xf32, #tpu.memory_space<vmem>> -> memref<1x64x64xf32, #tpu.memory_space<vmem>>
        %dma_wait3A_58 = tpu.memref_squeeze %dma_wait3A_57 : memref<1x64x64xf32, #tpu.memory_space<vmem>> -> memref<64x64xf32, #tpu.memory_space<vmem>>
        %dma_wait3A_59 = arith.constant 9928 : i32
        %dma_wait3A_60 = arith.constant 0 : i32
        %dma_wait3A_61 = tpu.memref_slice %arg9[%dma_wait3A_59, %dma_wait3A_60] : memref<10008x64xf32, #tpu.memory_space<vmem_shared>> -> memref<64x64xf32, #tpu.memory_space<vmem_shared>>
        %dma_wait3A_62 = arith.constant 9928 : i32
        %dma_wait3A_63 = arith.constant 0 : i32
        %dma_wait3A_64 = tpu.memref_slice %arg9[%dma_wait3A_62, %dma_wait3A_63] : memref<10008x64xf32, #tpu.memory_space<vmem_shared>> -> memref<64x64xf32, #tpu.memory_space<vmem_shared>>
        %dma_wait3A_65 = arith.constant 0 : i32
        %dma_wait3A_66 = arith.constant 0 : i32
        %dma_wait3A_67 = tpu.memref_slice %arg8[%run_scoped3A_40, %dma_wait3A_65, %dma_wait3A_66] : memref<8x64x64xf32, #tpu.memory_space<vmem>> -> memref<1x64x64xf32, #tpu.memory_space<vmem>>
        %dma_wait3A_68 = tpu.memref_squeeze %dma_wait3A_67 : memref<1x64x64xf32, #tpu.memory_space<vmem>> -> memref<64x64xf32, #tpu.memory_space<vmem>>
        tpu.wait_dma2 semaphore(%run_scoped3A_42 : memref<!tpu.dma_semaphore, #tpu.memory_space<semaphore_mem>>) src(%dma_wait3A_68 : memref<64x64xf32, #tpu.memory_space<vmem>>) dst(%dma_wait3A_64 : memref<64x64xf32, #tpu.memory_space<vmem_shared>>)
        tpu.yield
      }) : () -> ()
      %run_scoped3A_41 = arith.constant 0 : i32
      "tpu.region"() ({
        %run_scoped3A_42 = tpu.sem_alloc : memref<!tpu.dma_semaphore, #tpu.memory_space<semaphore_mem>>
        %dma_start3A = arith.constant 0 : i32
        %dma_start3A_43 = arith.constant 0 : i32
        %dma_start3A_44 = tpu.memref_slice %arg8[%run_scoped3A_41, %dma_start3A, %dma_start3A_43] : memref<8x64x64xf32, #tpu.memory_space<vmem>> -> memref<1x16x64xf32, #tpu.memory_space<vmem>>
        %dma_start3A_45 = tpu.memref_squeeze %dma_start3A_44 : memref<1x16x64xf32, #tpu.memory_space<vmem>> -> memref<16x64xf32, #tpu.memory_space<vmem>>
        %dma_start3A_46 = arith.constant 9992 : i32
        %dma_start3A_47 = arith.constant 0 : i32
        %dma_start3A_48 = tpu.memref_slice %arg9[%dma_start3A_46, %dma_start3A_47] : memref<10008x64xf32, #tpu.memory_space<vmem_shared>> -> memref<16x64xf32, #tpu.memory_space<vmem_shared>>
        %dma_start3A_49 = arith.constant 9992 : i32
        %dma_start3A_50 = arith.constant 0 : i32
        %dma_start3A_51 = tpu.memref_slice %arg9[%dma_start3A_49, %dma_start3A_50] : memref<10008x64xf32, #tpu.memory_space<vmem_shared>> -> memref<16x64xf32, #tpu.memory_space<vmem_shared>>
        %dma_start3A_52 = arith.constant 0 : i32
        %dma_start3A_53 = arith.constant 0 : i32
        %dma_start3A_54 = tpu.memref_slice %arg8[%run_scoped3A_41, %dma_start3A_52, %dma_start3A_53] : memref<8x64x64xf32, #tpu.memory_space<vmem>> -> memref<1x16x64xf32, #tpu.memory_space<vmem>>
        %dma_start3A_55 = tpu.memref_squeeze %dma_start3A_54 : memref<1x16x64xf32, #tpu.memory_space<vmem>> -> memref<16x64xf32, #tpu.memory_space<vmem>>
        tpu.enqueue_dma source(%dma_start3A_55 : memref<16x64xf32, #tpu.memory_space<vmem>>) target(%dma_start3A_51 : memref<16x64xf32, #tpu.memory_space<vmem_shared>>) target_semaphore(%run_scoped3A_42 : memref<!tpu.dma_semaphore, #tpu.memory_space<semaphore_mem>>)
        %dma_wait3A = arith.constant 0 : i32
        %dma_wait3A_56 = arith.constant 0 : i32
        %dma_wait3A_57 = tpu.memref_slice %arg8[%run_scoped3A_41, %dma_wait3A, %dma_wait3A_56] : memref<8x64x64xf32, #tpu.memory_space<vmem>> -> memref<1x16x64xf32, #tpu.memory_space<vmem>>
        %dma_wait3A_58 = tpu.memref_squeeze %dma_wait3A_57 : memref<1x16x64xf32, #tpu.memory_space<vmem>> -> memref<16x64xf32, #tpu.memory_space<vmem>>
        %dma_wait3A_59 = arith.constant 9992 : i32
        %dma_wait3A_60 = arith.constant 0 : i32
        %dma_wait3A_61 = tpu.memref_slice %arg9[%dma_wait3A_59, %dma_wait3A_60] : memref<10008x64xf32, #tpu.memory_space<vmem_shared>> -> memref<16x64xf32, #tpu.memory_space<vmem_shared>>
        %dma_wait3A_62 = arith.constant 9992 : i32
        %dma_wait3A_63 = arith.constant 0 : i32
        %dma_wait3A_64 = tpu.memref_slice %arg9[%dma_wait3A_62, %dma_wait3A_63] : memref<10008x64xf32, #tpu.memory_space<vmem_shared>> -> memref<16x64xf32, #tpu.memory_space<vmem_shared>>
        %dma_wait3A_65 = arith.constant 0 : i32
        %dma_wait3A_66 = arith.constant 0 : i32
        %dma_wait3A_67 = tpu.memref_slice %arg8[%run_scoped3A_41, %dma_wait3A_65, %dma_wait3A_66] : memref<8x64x64xf32, #tpu.memory_space<vmem>> -> memref<1x16x64xf32, #tpu.memory_space<vmem>>
        %dma_wait3A_68 = tpu.memref_squeeze %dma_wait3A_67 : memref<1x16x64xf32, #tpu.memory_space<vmem>> -> memref<16x64xf32, #tpu.memory_space<vmem>>
        tpu.wait_dma2 semaphore(%run_scoped3A_42 : memref<!tpu.dma_semaphore, #tpu.memory_space<semaphore_mem>>) src(%dma_wait3A_68 : memref<16x64xf32, #tpu.memory_space<vmem>>) dst(%dma_wait3A_64 : memref<16x64xf32, #tpu.memory_space<vmem_shared>>)
        tpu.yield
      }) : () -> ()
    } else {
    }
    %barrier3A = arith.constant 0 : index
    tpu.barrier barrier_id(%barrier3A)
    %eq3A_13 = arith.constant 0 : i32
    %eq3A_14 = arith.cmpi eq, %arg0, %eq3A_13 : i32
    %convert_element_type3A_15 = arith.extui %eq3A_14 : i1 to i32
    %cond3A_16 = arith.constant 0 : i32
    %cond3A_17 = arith.cmpi ne, %convert_element_type3A_15, %cond3A_16 : i32
    scf.if %cond3A_17 {
      %dma_start3A = arith.constant 0 : i32
      %dma_start3A_34 = arith.constant 0 : i32
      %dma_start3A_35 = arith.constant 0 : i32
      %dma_start3A_36 = arith.constant 0 : i32
      %dma_start3A_37 = arith.constant 0 : i32
      %dma_start3A_38 = tpu.memref_slice %arg8[%dma_start3A_35, %dma_start3A_36, %dma_start3A_37] : memref<8x64x64xf32, #tpu.memory_space<vmem>> -> memref<1x64x64xf32, #tpu.memory_space<vmem>>
      %dma_start3A_39 = tpu.memref_squeeze %dma_start3A_38 : memref<1x64x64xf32, #tpu.memory_space<vmem>> -> memref<64x64xf32, #tpu.memory_space<vmem>>
      %dma_start3A_40 = arith.constant 0 : i32
      %dma_start3A_41 = tpu.memref_slice %arg6[%dma_start3A_34, %dma_start3A_40] : memref<313x64xi32, #tpu.memory_space<vmem>> -> memref<1x64xi32, #tpu.memory_space<vmem>>
      %dma_start3A_42 = tpu.memref_squeeze %dma_start3A_41 : memref<1x64xi32, #tpu.memory_space<vmem>> -> memref<64xi32, #tpu.memory_space<vmem>>
      %dma_start3A_43 = arith.constant 0 : i32
      %dma_start3A_44 = arith.constant 0 : i32
      %dma_start3A_45 = tpu.memref_slice %arg2[%dma_start3A, %dma_start3A_43, %dma_start3A_44] : memref<2x10000x64xf32, #tpu.memory_space<hbm>> -> memref<1x10000x64xf32, #tpu.memory_space<hbm>>
      %dma_start3A_46 = tpu.memref_squeeze %dma_start3A_45 : memref<1x10000x64xf32, #tpu.memory_space<hbm>> -> memref<10000x64xf32, #tpu.memory_space<hbm>>
      %dma_start3A_47 = arith.constant 0 : i32
      %dma_start3A_48 = arith.constant 0 : i32
      %dma_start3A_49 = tpu.memref_slice %dma_start3A_46[%dma_start3A_47, %dma_start3A_48] : memref<10000x64xf32, #tpu.memory_space<hbm>> -> memref<10000x64xf32, #tpu.memory_space<hbm>>
      tpu.enqueue_indirect_dma source(%dma_start3A_49 : memref<10000x64xf32, #tpu.memory_space<hbm>>) target(%dma_start3A_39 : memref<64x64xf32, #tpu.memory_space<vmem>>) offsets(%dma_start3A_42 : memref<64xi32, #tpu.memory_space<vmem>>) semaphore(%arg10 : memref<!tpu.dma_semaphore, #tpu.memory_space<semaphore_mem>>)
      %dma_start3A_50 = arith.constant 0 : i32
      %dma_start3A_51 = arith.constant 1 : i32
      %dma_start3A_52 = arith.constant 1 : i32
      %dma_start3A_53 = arith.constant 0 : i32
      %dma_start3A_54 = arith.constant 0 : i32
      %dma_start3A_55 = tpu.memref_slice %arg8[%dma_start3A_52, %dma_start3A_53, %dma_start3A_54] : memref<8x64x64xf32, #tpu.memory_space<vmem>> -> memref<1x64x64xf32, #tpu.memory_space<vmem>>
      %dma_start3A_56 = tpu.memref_squeeze %dma_start3A_55 : memref<1x64x64xf32, #tpu.memory_space<vmem>> -> memref<64x64xf32, #tpu.memory_space<vmem>>
      %dma_start3A_57 = arith.constant 0 : i32
      %dma_start3A_58 = tpu.memref_slice %arg6[%dma_start3A_51, %dma_start3A_57] : memref<313x64xi32, #tpu.memory_space<vmem>> -> memref<1x64xi32, #tpu.memory_space<vmem>>
      %dma_start3A_59 = tpu.memref_squeeze %dma_start3A_58 : memref<1x64xi32, #tpu.memory_space<vmem>> -> memref<64xi32, #tpu.memory_space<vmem>>
      %dma_start3A_60 = arith.constant 0 : i32
      %dma_start3A_61 = arith.constant 0 : i32
      %dma_start3A_62 = tpu.memref_slice %arg2[%dma_start3A_50, %dma_start3A_60, %dma_start3A_61] : memref<2x10000x64xf32, #tpu.memory_space<hbm>> -> memref<1x10000x64xf32, #tpu.memory_space<hbm>>
      %dma_start3A_63 = tpu.memref_squeeze %dma_start3A_62 : memref<1x10000x64xf32, #tpu.memory_space<hbm>> -> memref<10000x64xf32, #tpu.memory_space<hbm>>
      %dma_start3A_64 = arith.constant 0 : i32
      %dma_start3A_65 = arith.constant 0 : i32
      %dma_start3A_66 = tpu.memref_slice %dma_start3A_63[%dma_start3A_64, %dma_start3A_65] : memref<10000x64xf32, #tpu.memory_space<hbm>> -> memref<10000x64xf32, #tpu.memory_space<hbm>>
      tpu.enqueue_indirect_dma source(%dma_start3A_66 : memref<10000x64xf32, #tpu.memory_space<hbm>>) target(%dma_start3A_56 : memref<64x64xf32, #tpu.memory_space<vmem>>) offsets(%dma_start3A_59 : memref<64xi32, #tpu.memory_space<vmem>>) semaphore(%arg10 : memref<!tpu.dma_semaphore, #tpu.memory_space<semaphore_mem>>)
      %dma_start3A_67 = arith.constant 0 : i32
      %dma_start3A_68 = arith.constant 2 : i32
      %dma_start3A_69 = arith.constant 2 : i32
      %dma_start3A_70 = arith.constant 0 : i32
      %dma_start3A_71 = arith.constant 0 : i32
      %dma_start3A_72 = tpu.memref_slice %arg8[%dma_start3A_69, %dma_start3A_70, %dma_start3A_71] : memref<8x64x64xf32, #tpu.memory_space<vmem>> -> memref<1x64x64xf32, #tpu.memory_space<vmem>>
      %dma_start3A_73 = tpu.memref_squeeze %dma_start3A_72 : memref<1x64x64xf32, #tpu.memory_space<vmem>> -> memref<64x64xf32, #tpu.memory_space<vmem>>
      %dma_start3A_74 = arith.constant 0 : i32
      %dma_start3A_75 = tpu.memref_slice %arg6[%dma_start3A_68, %dma_start3A_74] : memref<313x64xi32, #tpu.memory_space<vmem>> -> memref<1x64xi32, #tpu.memory_space<vmem>>
      %dma_start3A_76 = tpu.memref_squeeze %dma_start3A_75 : memref<1x64xi32, #tpu.memory_space<vmem>> -> memref<64xi32, #tpu.memory_space<vmem>>
      %dma_start3A_77 = arith.constant 0 : i32
      %dma_start3A_78 = arith.constant 0 : i32
      %dma_start3A_79 = tpu.memref_slice %arg2[%dma_start3A_67, %dma_start3A_77, %dma_start3A_78] : memref<2x10000x64xf32, #tpu.memory_space<hbm>> -> memref<1x10000x64xf32, #tpu.memory_space<hbm>>
      %dma_start3A_80 = tpu.memref_squeeze %dma_start3A_79 : memref<1x10000x64xf32, #tpu.memory_space<hbm>> -> memref<10000x64xf32, #tpu.memory_space<hbm>>
      %dma_start3A_81 = arith.constant 0 : i32
      %dma_start3A_82 = arith.constant 0 : i32
      %dma_start3A_83 = tpu.memref_slice %dma_start3A_80[%dma_start3A_81, %dma_start3A_82] : memref<10000x64xf32, #tpu.memory_space<hbm>> -> memref<10000x64xf32, #tpu.memory_space<hbm>>
      tpu.enqueue_indirect_dma source(%dma_start3A_83 : memref<10000x64xf32, #tpu.memory_space<hbm>>) target(%dma_start3A_73 : memref<64x64xf32, #tpu.memory_space<vmem>>) offsets(%dma_start3A_76 : memref<64xi32, #tpu.memory_space<vmem>>) semaphore(%arg10 : memref<!tpu.dma_semaphore, #tpu.memory_space<semaphore_mem>>)
      %dma_start3A_84 = arith.constant 0 : i32
      %dma_start3A_85 = arith.constant 3 : i32
      %dma_start3A_86 = arith.constant 3 : i32
      %dma_start3A_87 = arith.constant 0 : i32
      %dma_start3A_88 = arith.constant 0 : i32
      %dma_start3A_89 = tpu.memref_slice %arg8[%dma_start3A_86, %dma_start3A_87, %dma_start3A_88] : memref<8x64x64xf32, #tpu.memory_space<vmem>> -> memref<1x64x64xf32, #tpu.memory_space<vmem>>
      %dma_start3A_90 = tpu.memref_squeeze %dma_start3A_89 : memref<1x64x64xf32, #tpu.memory_space<vmem>> -> memref<64x64xf32, #tpu.memory_space<vmem>>
      %dma_start3A_91 = arith.constant 0 : i32
      %dma_start3A_92 = tpu.memref_slice %arg6[%dma_start3A_85, %dma_start3A_91] : memref<313x64xi32, #tpu.memory_space<vmem>> -> memref<1x64xi32, #tpu.memory_space<vmem>>
      %dma_start3A_93 = tpu.memref_squeeze %dma_start3A_92 : memref<1x64xi32, #tpu.memory_space<vmem>> -> memref<64xi32, #tpu.memory_space<vmem>>
      %dma_start3A_94 = arith.constant 0 : i32
      %dma_start3A_95 = arith.constant 0 : i32
      %dma_start3A_96 = tpu.memref_slice %arg2[%dma_start3A_84, %dma_start3A_94, %dma_start3A_95] : memref<2x10000x64xf32, #tpu.memory_space<hbm>> -> memref<1x10000x64xf32, #tpu.memory_space<hbm>>
      %dma_start3A_97 = tpu.memref_squeeze %dma_start3A_96 : memref<1x10000x64xf32, #tpu.memory_space<hbm>> -> memref<10000x64xf32, #tpu.memory_space<hbm>>
      %dma_start3A_98 = arith.constant 0 : i32
      %dma_start3A_99 = arith.constant 0 : i32
      %dma_start3A_100 = tpu.memref_slice %dma_start3A_97[%dma_start3A_98, %dma_start3A_99] : memref<10000x64xf32, #tpu.memory_space<hbm>> -> memref<10000x64xf32, #tpu.memory_space<hbm>>
      tpu.enqueue_indirect_dma source(%dma_start3A_100 : memref<10000x64xf32, #tpu.memory_space<hbm>>) target(%dma_start3A_90 : memref<64x64xf32, #tpu.memory_space<vmem>>) offsets(%dma_start3A_93 : memref<64xi32, #tpu.memory_space<vmem>>) semaphore(%arg10 : memref<!tpu.dma_semaphore, #tpu.memory_space<semaphore_mem>>)
      %dma_start3A_101 = arith.constant 0 : i32
      %dma_start3A_102 = arith.constant 4 : i32
      %dma_start3A_103 = arith.constant 4 : i32
      %dma_start3A_104 = arith.constant 0 : i32
      %dma_start3A_105 = arith.constant 0 : i32
      %dma_start3A_106 = tpu.memref_slice %arg8[%dma_start3A_103, %dma_start3A_104, %dma_start3A_105] : memref<8x64x64xf32, #tpu.memory_space<vmem>> -> memref<1x64x64xf32, #tpu.memory_space<vmem>>
      %dma_start3A_107 = tpu.memref_squeeze %dma_start3A_106 : memref<1x64x64xf32, #tpu.memory_space<vmem>> -> memref<64x64xf32, #tpu.memory_space<vmem>>
      %dma_start3A_108 = arith.constant 0 : i32
      %dma_start3A_109 = tpu.memref_slice %arg6[%dma_start3A_102, %dma_start3A_108] : memref<313x64xi32, #tpu.memory_space<vmem>> -> memref<1x64xi32, #tpu.memory_space<vmem>>
      %dma_start3A_110 = tpu.memref_squeeze %dma_start3A_109 : memref<1x64xi32, #tpu.memory_space<vmem>> -> memref<64xi32, #tpu.memory_space<vmem>>
      %dma_start3A_111 = arith.constant 0 : i32
      %dma_start3A_112 = arith.constant 0 : i32
      %dma_start3A_113 = tpu.memref_slice %arg2[%dma_start3A_101, %dma_start3A_111, %dma_start3A_112] : memref<2x10000x64xf32, #tpu.memory_space<hbm>> -> memref<1x10000x64xf32, #tpu.memory_space<hbm>>
      %dma_start3A_114 = tpu.memref_squeeze %dma_start3A_113 : memref<1x10000x64xf32, #tpu.memory_space<hbm>> -> memref<10000x64xf32, #tpu.memory_space<hbm>>
      %dma_start3A_115 = arith.constant 0 : i32
      %dma_start3A_116 = arith.constant 0 : i32
      %dma_start3A_117 = tpu.memref_slice %dma_start3A_114[%dma_start3A_115, %dma_start3A_116] : memref<10000x64xf32, #tpu.memory_space<hbm>> -> memref<10000x64xf32, #tpu.memory_space<hbm>>
      tpu.enqueue_indirect_dma source(%dma_start3A_117 : memref<10000x64xf32, #tpu.memory_space<hbm>>) target(%dma_start3A_107 : memref<64x64xf32, #tpu.memory_space<vmem>>) offsets(%dma_start3A_110 : memref<64xi32, #tpu.memory_space<vmem>>) semaphore(%arg10 : memref<!tpu.dma_semaphore, #tpu.memory_space<semaphore_mem>>)
      %dma_start3A_118 = arith.constant 0 : i32
      %dma_start3A_119 = arith.constant 5 : i32
      %dma_start3A_120 = arith.constant 5 : i32
      %dma_start3A_121 = arith.constant 0 : i32
      %dma_start3A_122 = arith.constant 0 : i32
      %dma_start3A_123 = tpu.memref_slice %arg8[%dma_start3A_120, %dma_start3A_121, %dma_start3A_122] : memref<8x64x64xf32, #tpu.memory_space<vmem>> -> memref<1x64x64xf32, #tpu.memory_space<vmem>>
      %dma_start3A_124 = tpu.memref_squeeze %dma_start3A_123 : memref<1x64x64xf32, #tpu.memory_space<vmem>> -> memref<64x64xf32, #tpu.memory_space<vmem>>
      %dma_start3A_125 = arith.constant 0 : i32
      %dma_start3A_126 = tpu.memref_slice %arg6[%dma_start3A_119, %dma_start3A_125] : memref<313x64xi32, #tpu.memory_space<vmem>> -> memref<1x64xi32, #tpu.memory_space<vmem>>
      %dma_start3A_127 = tpu.memref_squeeze %dma_start3A_126 : memref<1x64xi32, #tpu.memory_space<vmem>> -> memref<64xi32, #tpu.memory_space<vmem>>
      %dma_start3A_128 = arith.constant 0 : i32
      %dma_start3A_129 = arith.constant 0 : i32
      %dma_start3A_130 = tpu.memref_slice %arg2[%dma_start3A_118, %dma_start3A_128, %dma_start3A_129] : memref<2x10000x64xf32, #tpu.memory_space<hbm>> -> memref<1x10000x64xf32, #tpu.memory_space<hbm>>
      %dma_start3A_131 = tpu.memref_squeeze %dma_start3A_130 : memref<1x10000x64xf32, #tpu.memory_space<hbm>> -> memref<10000x64xf32, #tpu.memory_space<hbm>>
      %dma_start3A_132 = arith.constant 0 : i32
      %dma_start3A_133 = arith.constant 0 : i32
      %dma_start3A_134 = tpu.memref_slice %dma_start3A_131[%dma_start3A_132, %dma_start3A_133] : memref<10000x64xf32, #tpu.memory_space<hbm>> -> memref<10000x64xf32, #tpu.memory_space<hbm>>
      tpu.enqueue_indirect_dma source(%dma_start3A_134 : memref<10000x64xf32, #tpu.memory_space<hbm>>) target(%dma_start3A_124 : memref<64x64xf32, #tpu.memory_space<vmem>>) offsets(%dma_start3A_127 : memref<64xi32, #tpu.memory_space<vmem>>) semaphore(%arg10 : memref<!tpu.dma_semaphore, #tpu.memory_space<semaphore_mem>>)
      %scan3A_135 = arith.constant 0 : i32
      %scan3A_136 = arith.constant 0 : i32
      %scan3A_137 = arith.constant 313 : i32
      %scan3A_138 = arith.addi %scan3A_136, %scan3A_137 : i32
      %scan3A_139 = arith.constant 1 : i32
      scf.for %scan3A_332 = %scan3A_136 to %scan3A_138 step %scan3A_139  : i32 {
        %mul3A = arith.constant 1 : i32
        %mul3A_333 = arith.muli %scan3A_332, %mul3A : i32
        %add3A = arith.constant 0 : i32
        %add3A_334 = arith.addi %add3A, %mul3A_333 : i32
        %dma_wait3A_335 = arith.constant 0 : i32
        %dma_wait3A_336 = arith.constant 0 : i32
        %dma_wait3A_337 = arith.constant 0 : i32
        %dma_wait3A_338 = tpu.memref_slice %arg8[%dma_wait3A_335, %dma_wait3A_336, %dma_wait3A_337] : memref<8x64x64xf32, #tpu.memory_space<vmem>> -> memref<1x64x64xf32, #tpu.memory_space<vmem>>
        %dma_wait3A_339 = tpu.memref_squeeze %dma_wait3A_338 : memref<1x64x64xf32, #tpu.memory_space<vmem>> -> memref<64x64xf32, #tpu.memory_space<vmem>>
        %dma_wait3A_340 = arith.constant 0 : i32
        %dma_wait3A_341 = arith.constant 0 : i32
        %dma_wait3A_342 = tpu.memref_slice %arg2[%scan3A_135, %dma_wait3A_340, %dma_wait3A_341] : memref<2x10000x64xf32, #tpu.memory_space<hbm>> -> memref<1x10000x64xf32, #tpu.memory_space<hbm>>
        %dma_wait3A_343 = tpu.memref_squeeze %dma_wait3A_342 : memref<1x10000x64xf32, #tpu.memory_space<hbm>> -> memref<10000x64xf32, #tpu.memory_space<hbm>>
        %dma_wait3A_344 = arith.constant 0 : i32
        %dma_wait3A_345 = arith.constant 0 : i32
        %dma_wait3A_346 = tpu.memref_slice %dma_wait3A_343[%dma_wait3A_344, %dma_wait3A_345] : memref<10000x64xf32, #tpu.memory_space<hbm>> -> memref<64x64xf32, #tpu.memory_space<hbm>>
        %dma_wait3A_347 = arith.constant 0 : i32
        %dma_wait3A_348 = arith.constant 0 : i32
        %dma_wait3A_349 = tpu.memref_slice %arg8[%dma_wait3A_335, %dma_wait3A_347, %dma_wait3A_348] : memref<8x64x64xf32, #tpu.memory_space<vmem>> -> memref<1x64x64xf32, #tpu.memory_space<vmem>>
        %dma_wait3A_350 = tpu.memref_squeeze %dma_wait3A_349 : memref<1x64x64xf32, #tpu.memory_space<vmem>> -> memref<64x64xf32, #tpu.memory_space<vmem>>
        %dma_wait3A_351 = arith.constant 0 : i32
        %dma_wait3A_352 = arith.constant 0 : i32
        %dma_wait3A_353 = tpu.memref_slice %arg2[%scan3A_135, %dma_wait3A_351, %dma_wait3A_352] : memref<2x10000x64xf32, #tpu.memory_space<hbm>> -> memref<1x10000x64xf32, #tpu.memory_space<hbm>>
        %dma_wait3A_354 = tpu.memref_squeeze %dma_wait3A_353 : memref<1x10000x64xf32, #tpu.memory_space<hbm>> -> memref<10000x64xf32, #tpu.memory_space<hbm>>
        %dma_wait3A_355 = arith.constant 0 : i32
        %dma_wait3A_356 = arith.constant 0 : i32
        %dma_wait3A_357 = tpu.memref_slice %dma_wait3A_354[%dma_wait3A_355, %dma_wait3A_356] : memref<10000x64xf32, #tpu.memory_space<hbm>> -> memref<64x64xf32, #tpu.memory_space<hbm>>
        tpu.wait_dma2 semaphore(%arg10 : memref<!tpu.dma_semaphore, #tpu.memory_space<semaphore_mem>>) src(%dma_wait3A_357 : memref<64x64xf32, #tpu.memory_space<hbm>>) dst(%dma_wait3A_350 : memref<64x64xf32, #tpu.memory_space<vmem>>)
        %rem3A = arith.constant 8 : i32
        %rem3A_358 = arith.remsi %add3A_334, %rem3A : i32
        %dma_start3A_359 = arith.constant 0 : i32
        %dma_start3A_360 = arith.constant 0 : i32
        %dma_start3A_361 = tpu.memref_slice %arg8[%rem3A_358, %dma_start3A_359, %dma_start3A_360] : memref<8x64x64xf32, #tpu.memory_space<vmem>> -> memref<1x64x64xf32, #tpu.memory_space<vmem>>
        %dma_start3A_362 = tpu.memref_squeeze %dma_start3A_361 : memref<1x64x64xf32, #tpu.memory_space<vmem>> -> memref<64x64xf32, #tpu.memory_space<vmem>>
        %dma_start3A_363 = arith.constant 0 : i32
        %dma_start3A_364 = tpu.memref_slice %arg7[%add3A_334, %dma_start3A_363] : memref<313x64xi32, #tpu.memory_space<vmem>> -> memref<1x64xi32, #tpu.memory_space<vmem>>
        %dma_start3A_365 = tpu.memref_squeeze %dma_start3A_364 : memref<1x64xi32, #tpu.memory_space<vmem>> -> memref<64xi32, #tpu.memory_space<vmem>>
        %dma_start3A_366 = arith.constant 0 : i32
        %dma_start3A_367 = arith.constant 0 : i32
        %dma_start3A_368 = tpu.memref_slice %arg9[%dma_start3A_366, %dma_start3A_367] : memref<10008x64xf32, #tpu.memory_space<vmem_shared>> -> memref<10008x64xf32, #tpu.memory_space<vmem_shared>>
        tpu.enqueue_indirect_dma source(%dma_start3A_362 : memref<64x64xf32, #tpu.memory_space<vmem>>) target(%dma_start3A_368 : memref<10008x64xf32, #tpu.memory_space<vmem_shared>>) offsets(%dma_start3A_365 : memref<64xi32, #tpu.memory_space<vmem>>) semaphore(%arg11 : memref<!tpu.dma_semaphore, #tpu.memory_space<semaphore_mem>>) {add = true}
        %add3A_369 = arith.constant 6 : i32
        %add3A_370 = arith.addi %add3A_334, %add3A_369 : i32
        %lt3A_371 = arith.constant 313 : i32
        %lt3A_372 = arith.cmpi slt, %add3A_370, %lt3A_371 : i32
        %convert_element_type3A_373 = arith.extui %lt3A_372 : i1 to i32
        %cond3A_374 = arith.constant 0 : i32
        %cond3A_375 = arith.cmpi ne, %convert_element_type3A_373, %cond3A_374 : i32
        scf.if %cond3A_375 {
          %ge3A = arith.constant 2 : i32
          %ge3A_376 = arith.cmpi sge, %add3A_334, %ge3A : i32
          %convert_element_type3A_377 = arith.extui %ge3A_376 : i1 to i32
          %cond3A_378 = arith.constant 0 : i32
          %cond3A_379 = arith.cmpi ne, %convert_element_type3A_377, %cond3A_378 : i32
          scf.if %cond3A_379 {
            %dma_wait3A_396 = arith.constant 0 : i32
            %dma_wait3A_397 = arith.constant 0 : i32
            %dma_wait3A_398 = arith.constant 0 : i32
            %dma_wait3A_399 = tpu.memref_slice %arg8[%dma_wait3A_396, %dma_wait3A_397, %dma_wait3A_398] : memref<8x64x64xf32, #tpu.memory_space<vmem>> -> memref<1x64x64xf32, #tpu.memory_space<vmem>>
            %dma_wait3A_400 = tpu.memref_squeeze %dma_wait3A_399 : memref<1x64x64xf32, #tpu.memory_space<vmem>> -> memref<64x64xf32, #tpu.memory_space<vmem>>
            %dma_wait3A_401 = arith.constant 0 : i32
            %dma_wait3A_402 = arith.constant 0 : i32
            %dma_wait3A_403 = tpu.memref_slice %arg2[%scan3A_135, %dma_wait3A_401, %dma_wait3A_402] : memref<2x10000x64xf32, #tpu.memory_space<hbm>> -> memref<1x10000x64xf32, #tpu.memory_space<hbm>>
            %dma_wait3A_404 = tpu.memref_squeeze %dma_wait3A_403 : memref<1x10000x64xf32, #tpu.memory_space<hbm>> -> memref<10000x64xf32, #tpu.memory_space<hbm>>
            %dma_wait3A_405 = arith.constant 0 : i32
            %dma_wait3A_406 = arith.constant 0 : i32
            %dma_wait3A_407 = tpu.memref_slice %dma_wait3A_404[%dma_wait3A_405, %dma_wait3A_406] : memref<10000x64xf32, #tpu.memory_space<hbm>> -> memref<64x64xf32, #tpu.memory_space<hbm>>
            %dma_wait3A_408 = arith.constant 0 : i32
            %dma_wait3A_409 = arith.constant 0 : i32
            %dma_wait3A_410 = tpu.memref_slice %arg8[%dma_wait3A_396, %dma_wait3A_408, %dma_wait3A_409] : memref<8x64x64xf32, #tpu.memory_space<vmem>> -> memref<1x64x64xf32, #tpu.memory_space<vmem>>
            %dma_wait3A_411 = tpu.memref_squeeze %dma_wait3A_410 : memref<1x64x64xf32, #tpu.memory_space<vmem>> -> memref<64x64xf32, #tpu.memory_space<vmem>>
            %dma_wait3A_412 = arith.constant 0 : i32
            %dma_wait3A_413 = arith.constant 0 : i32
            %dma_wait3A_414 = tpu.memref_slice %arg2[%scan3A_135, %dma_wait3A_412, %dma_wait3A_413] : memref<2x10000x64xf32, #tpu.memory_space<hbm>> -> memref<1x10000x64xf32, #tpu.memory_space<hbm>>
            %dma_wait3A_415 = tpu.memref_squeeze %dma_wait3A_414 : memref<1x10000x64xf32, #tpu.memory_space<hbm>> -> memref<10000x64xf32, #tpu.memory_space<hbm>>
            %dma_wait3A_416 = arith.constant 0 : i32
            %dma_wait3A_417 = arith.constant 0 : i32
            %dma_wait3A_418 = tpu.memref_slice %dma_wait3A_415[%dma_wait3A_416, %dma_wait3A_417] : memref<10000x64xf32, #tpu.memory_space<hbm>> -> memref<64x64xf32, #tpu.memory_space<hbm>>
            tpu.wait_dma2 semaphore(%arg11 : memref<!tpu.dma_semaphore, #tpu.memory_space<semaphore_mem>>) src(%dma_wait3A_418 : memref<64x64xf32, #tpu.memory_space<hbm>>) dst(%dma_wait3A_411 : memref<64x64xf32, #tpu.memory_space<vmem>>)
          } else {
          }
          %rem3A_380 = arith.constant 8 : i32
          %rem3A_381 = arith.remsi %add3A_370, %rem3A_380 : i32
          %dma_start3A_382 = arith.constant 0 : i32
          %dma_start3A_383 = arith.constant 0 : i32
          %dma_start3A_384 = tpu.memref_slice %arg8[%rem3A_381, %dma_start3A_382, %dma_start3A_383] : memref<8x64x64xf32, #tpu.memory_space<vmem>> -> memref<1x64x64xf32, #tpu.memory_space<vmem>>
          %dma_start3A_385 = tpu.memref_squeeze %dma_start3A_384 : memref<1x64x64xf32, #tpu.memory_space<vmem>> -> memref<64x64xf32, #tpu.memory_space<vmem>>
          %dma_start3A_386 = arith.constant 0 : i32
          %dma_start3A_387 = tpu.memref_slice %arg6[%add3A_370, %dma_start3A_386] : memref<313x64xi32, #tpu.memory_space<vmem>> -> memref<1x64xi32, #tpu.memory_space<vmem>>
          %dma_start3A_388 = tpu.memref_squeeze %dma_start3A_387 : memref<1x64xi32, #tpu.memory_space<vmem>> -> memref<64xi32, #tpu.memory_space<vmem>>
          %dma_start3A_389 = arith.constant 0 : i32
          %dma_start3A_390 = arith.constant 0 : i32
          %dma_start3A_391 = tpu.memref_slice %arg2[%scan3A_135, %dma_start3A_389, %dma_start3A_390] : memref<2x10000x64xf32, #tpu.memory_space<hbm>> -> memref<1x10000x64xf32, #tpu.memory_space<hbm>>
          %dma_start3A_392 = tpu.memref_squeeze %dma_start3A_391 : memref<1x10000x64xf32, #tpu.memory_space<hbm>> -> memref<10000x64xf32, #tpu.memory_space<hbm>>
          %dma_start3A_393 = arith.constant 0 : i32
          %dma_start3A_394 = arith.constant 0 : i32
          %dma_start3A_395 = tpu.memref_slice %dma_start3A_392[%dma_start3A_393, %dma_start3A_394] : memref<10000x64xf32, #tpu.memory_space<hbm>> -> memref<10000x64xf32, #tpu.memory_space<hbm>>
          tpu.enqueue_indirect_dma source(%dma_start3A_395 : memref<10000x64xf32, #tpu.memory_space<hbm>>) target(%dma_start3A_385 : memref<64x64xf32, #tpu.memory_space<vmem>>) offsets(%dma_start3A_388 : memref<64xi32, #tpu.memory_space<vmem>>) semaphore(%arg10 : memref<!tpu.dma_semaphore, #tpu.memory_space<semaphore_mem>>)
        } else {
        }
      }
      %scan3A_140 = arith.constant 313 : i32
      %dma_wait3A = arith.constant 0 : i32
      %dma_wait3A_141 = arith.constant 0 : i32
      %dma_wait3A_142 = arith.constant 0 : i32
      %dma_wait3A_143 = arith.constant 0 : i32
      %dma_wait3A_144 = tpu.memref_slice %arg8[%dma_wait3A_141, %dma_wait3A_142, %dma_wait3A_143] : memref<8x64x64xf32, #tpu.memory_space<vmem>> -> memref<1x64x64xf32, #tpu.memory_space<vmem>>
      %dma_wait3A_145 = tpu.memref_squeeze %dma_wait3A_144 : memref<1x64x64xf32, #tpu.memory_space<vmem>> -> memref<64x64xf32, #tpu.memory_space<vmem>>
      %dma_wait3A_146 = arith.constant 0 : i32
      %dma_wait3A_147 = arith.constant 0 : i32
      %dma_wait3A_148 = tpu.memref_slice %arg2[%dma_wait3A, %dma_wait3A_146, %dma_wait3A_147] : memref<2x10000x64xf32, #tpu.memory_space<hbm>> -> memref<1x10000x64xf32, #tpu.memory_space<hbm>>
      %dma_wait3A_149 = tpu.memref_squeeze %dma_wait3A_148 : memref<1x10000x64xf32, #tpu.memory_space<hbm>> -> memref<10000x64xf32, #tpu.memory_space<hbm>>
      %dma_wait3A_150 = arith.constant 0 : i32
      %dma_wait3A_151 = arith.constant 0 : i32
      %dma_wait3A_152 = tpu.memref_slice %dma_wait3A_149[%dma_wait3A_150, %dma_wait3A_151] : memref<10000x64xf32, #tpu.memory_space<hbm>> -> memref<64x64xf32, #tpu.memory_space<hbm>>
      %dma_wait3A_153 = arith.constant 0 : i32
      %dma_wait3A_154 = arith.constant 0 : i32
      %dma_wait3A_155 = tpu.memref_slice %arg8[%dma_wait3A_141, %dma_wait3A_153, %dma_wait3A_154] : memref<8x64x64xf32, #tpu.memory_space<vmem>> -> memref<1x64x64xf32, #tpu.memory_space<vmem>>
      %dma_wait3A_156 = tpu.memref_squeeze %dma_wait3A_155 : memref<1x64x64xf32, #tpu.memory_space<vmem>> -> memref<64x64xf32, #tpu.memory_space<vmem>>
      %dma_wait3A_157 = arith.constant 0 : i32
      %dma_wait3A_158 = arith.constant 0 : i32
      %dma_wait3A_159 = tpu.memref_slice %arg2[%dma_wait3A, %dma_wait3A_157, %dma_wait3A_158] : memref<2x10000x64xf32, #tpu.memory_space<hbm>> -> memref<1x10000x64xf32, #tpu.memory_space<hbm>>
      %dma_wait3A_160 = tpu.memref_squeeze %dma_wait3A_159 : memref<1x10000x64xf32, #tpu.memory_space<hbm>> -> memref<10000x64xf32, #tpu.memory_space<hbm>>
      %dma_wait3A_161 = arith.constant 0 : i32
      %dma_wait3A_162 = arith.constant 0 : i32
      %dma_wait3A_163 = tpu.memref_slice %dma_wait3A_160[%dma_wait3A_161, %dma_wait3A_162] : memref<10000x64xf32, #tpu.memory_space<hbm>> -> memref<64x64xf32, #tpu.memory_space<hbm>>
      tpu.wait_dma2 semaphore(%arg11 : memref<!tpu.dma_semaphore, #tpu.memory_space<semaphore_mem>>) src(%dma_wait3A_163 : memref<64x64xf32, #tpu.memory_space<hbm>>) dst(%dma_wait3A_156 : memref<64x64xf32, #tpu.memory_space<vmem>>)
      %dma_wait3A_164 = arith.constant 0 : i32
      %dma_wait3A_165 = arith.constant 0 : i32
      %dma_wait3A_166 = arith.constant 0 : i32
      %dma_wait3A_167 = arith.constant 0 : i32
      %dma_wait3A_168 = tpu.memref_slice %arg8[%dma_wait3A_165, %dma_wait3A_166, %dma_wait3A_167] : memref<8x64x64xf32, #tpu.memory_space<vmem>> -> memref<1x64x64xf32, #tpu.memory_space<vmem>>
      %dma_wait3A_169 = tpu.memref_squeeze %dma_wait3A_168 : memref<1x64x64xf32, #tpu.memory_space<vmem>> -> memref<64x64xf32, #tpu.memory_space<vmem>>
      %dma_wait3A_170 = arith.constant 0 : i32
      %dma_wait3A_171 = arith.constant 0 : i32
      %dma_wait3A_172 = tpu.memref_slice %arg2[%dma_wait3A_164, %dma_wait3A_170, %dma_wait3A_171] : memref<2x10000x64xf32, #tpu.memory_space<hbm>> -> memref<1x10000x64xf32, #tpu.memory_space<hbm>>
      %dma_wait3A_173 = tpu.memref_squeeze %dma_wait3A_172 : memref<1x10000x64xf32, #tpu.memory_space<hbm>> -> memref<10000x64xf32, #tpu.memory_space<hbm>>
      %dma_wait3A_174 = arith.constant 0 : i32
      %dma_wait3A_175 = arith.constant 0 : i32
      %dma_wait3A_176 = tpu.memref_slice %dma_wait3A_173[%dma_wait3A_174, %dma_wait3A_175] : memref<10000x64xf32, #tpu.memory_space<hbm>> -> memref<64x64xf32, #tpu.memory_space<hbm>>
      %dma_wait3A_177 = arith.constant 0 : i32
      %dma_wait3A_178 = arith.constant 0 : i32
      %dma_wait3A_179 = tpu.memref_slice %arg8[%dma_wait3A_165, %dma_wait3A_177, %dma_wait3A_178] : memref<8x64x64xf32, #tpu.memory_space<vmem>> -> memref<1x64x64xf32, #tpu.memory_space<vmem>>
      %dma_wait3A_180 = tpu.memref_squeeze %dma_wait3A_179 : memref<1x64x64xf32, #tpu.memory_space<vmem>> -> memref<64x64xf32, #tpu.memory_space<vmem>>
      %dma_wait3A_181 = arith.constant 0 : i32
      %dma_wait3A_182 = arith.constant 0 : i32
      %dma_wait3A_183 = tpu.memref_slice %arg2[%dma_wait3A_164, %dma_wait3A_181, %dma_wait3A_182] : memref<2x10000x64xf32, #tpu.memory_space<hbm>> -> memref<1x10000x64xf32, #tpu.memory_space<hbm>>
      %dma_wait3A_184 = tpu.memref_squeeze %dma_wait3A_183 : memref<1x10000x64xf32, #tpu.memory_space<hbm>> -> memref<10000x64xf32, #tpu.memory_space<hbm>>
      %dma_wait3A_185 = arith.constant 0 : i32
      %dma_wait3A_186 = arith.constant 0 : i32
      %dma_wait3A_187 = tpu.memref_slice %dma_wait3A_184[%dma_wait3A_185, %dma_wait3A_186] : memref<10000x64xf32, #tpu.memory_space<hbm>> -> memref<64x64xf32, #tpu.memory_space<hbm>>
      tpu.wait_dma2 semaphore(%arg11 : memref<!tpu.dma_semaphore, #tpu.memory_space<semaphore_mem>>) src(%dma_wait3A_187 : memref<64x64xf32, #tpu.memory_space<hbm>>) dst(%dma_wait3A_180 : memref<64x64xf32, #tpu.memory_space<vmem>>)
      %dma_wait3A_188 = arith.constant 0 : i32
      %dma_wait3A_189 = arith.constant 0 : i32
      %dma_wait3A_190 = arith.constant 0 : i32
      %dma_wait3A_191 = arith.constant 0 : i32
      %dma_wait3A_192 = tpu.memref_slice %arg8[%dma_wait3A_189, %dma_wait3A_190, %dma_wait3A_191] : memref<8x64x64xf32, #tpu.memory_space<vmem>> -> memref<1x64x64xf32, #tpu.memory_space<vmem>>
      %dma_wait3A_193 = tpu.memref_squeeze %dma_wait3A_192 : memref<1x64x64xf32, #tpu.memory_space<vmem>> -> memref<64x64xf32, #tpu.memory_space<vmem>>
      %dma_wait3A_194 = arith.constant 0 : i32
      %dma_wait3A_195 = arith.constant 0 : i32
      %dma_wait3A_196 = tpu.memref_slice %arg2[%dma_wait3A_188, %dma_wait3A_194, %dma_wait3A_195] : memref<2x10000x64xf32, #tpu.memory_space<hbm>> -> memref<1x10000x64xf32, #tpu.memory_space<hbm>>
      %dma_wait3A_197 = tpu.memref_squeeze %dma_wait3A_196 : memref<1x10000x64xf32, #tpu.memory_space<hbm>> -> memref<10000x64xf32, #tpu.memory_space<hbm>>
      %dma_wait3A_198 = arith.constant 0 : i32
      %dma_wait3A_199 = arith.constant 0 : i32
      %dma_wait3A_200 = tpu.memref_slice %dma_wait3A_197[%dma_wait3A_198, %dma_wait3A_199] : memref<10000x64xf32, #tpu.memory_space<hbm>> -> memref<64x64xf32, #tpu.memory_space<hbm>>
      %dma_wait3A_201 = arith.constant 0 : i32
      %dma_wait3A_202 = arith.constant 0 : i32
      %dma_wait3A_203 = tpu.memref_slice %arg8[%dma_wait3A_189, %dma_wait3A_201, %dma_wait3A_202] : memref<8x64x64xf32, #tpu.memory_space<vmem>> -> memref<1x64x64xf32, #tpu.memory_space<vmem>>
      %dma_wait3A_204 = tpu.memref_squeeze %dma_wait3A_203 : memref<1x64x64xf32, #tpu.memory_space<vmem>> -> memref<64x64xf32, #tpu.memory_space<vmem>>
      %dma_wait3A_205 = arith.constant 0 : i32
      %dma_wait3A_206 = arith.constant 0 : i32
      %dma_wait3A_207 = tpu.memref_slice %arg2[%dma_wait3A_188, %dma_wait3A_205, %dma_wait3A_206] : memref<2x10000x64xf32, #tpu.memory_space<hbm>> -> memref<1x10000x64xf32, #tpu.memory_space<hbm>>
      %dma_wait3A_208 = tpu.memref_squeeze %dma_wait3A_207 : memref<1x10000x64xf32, #tpu.memory_space<hbm>> -> memref<10000x64xf32, #tpu.memory_space<hbm>>
      %dma_wait3A_209 = arith.constant 0 : i32
      %dma_wait3A_210 = arith.constant 0 : i32
      %dma_wait3A_211 = tpu.memref_slice %dma_wait3A_208[%dma_wait3A_209, %dma_wait3A_210] : memref<10000x64xf32, #tpu.memory_space<hbm>> -> memref<64x64xf32, #tpu.memory_space<hbm>>
      tpu.wait_dma2 semaphore(%arg11 : memref<!tpu.dma_semaphore, #tpu.memory_space<semaphore_mem>>) src(%dma_wait3A_211 : memref<64x64xf32, #tpu.memory_space<hbm>>) dst(%dma_wait3A_204 : memref<64x64xf32, #tpu.memory_space<vmem>>)
      %dma_wait3A_212 = arith.constant 0 : i32
      %dma_wait3A_213 = arith.constant 0 : i32
      %dma_wait3A_214 = arith.constant 0 : i32
      %dma_wait3A_215 = arith.constant 0 : i32
      %dma_wait3A_216 = tpu.memref_slice %arg8[%dma_wait3A_213, %dma_wait3A_214, %dma_wait3A_215] : memref<8x64x64xf32, #tpu.memory_space<vmem>> -> memref<1x64x64xf32, #tpu.memory_space<vmem>>
      %dma_wait3A_217 = tpu.memref_squeeze %dma_wait3A_216 : memref<1x64x64xf32, #tpu.memory_space<vmem>> -> memref<64x64xf32, #tpu.memory_space<vmem>>
      %dma_wait3A_218 = arith.constant 0 : i32
      %dma_wait3A_219 = arith.constant 0 : i32
      %dma_wait3A_220 = tpu.memref_slice %arg2[%dma_wait3A_212, %dma_wait3A_218, %dma_wait3A_219] : memref<2x10000x64xf32, #tpu.memory_space<hbm>> -> memref<1x10000x64xf32, #tpu.memory_space<hbm>>
      %dma_wait3A_221 = tpu.memref_squeeze %dma_wait3A_220 : memref<1x10000x64xf32, #tpu.memory_space<hbm>> -> memref<10000x64xf32, #tpu.memory_space<hbm>>
      %dma_wait3A_222 = arith.constant 0 : i32
      %dma_wait3A_223 = arith.constant 0 : i32
      %dma_wait3A_224 = tpu.memref_slice %dma_wait3A_221[%dma_wait3A_222, %dma_wait3A_223] : memref<10000x64xf32, #tpu.memory_space<hbm>> -> memref<64x64xf32, #tpu.memory_space<hbm>>
      %dma_wait3A_225 = arith.constant 0 : i32
      %dma_wait3A_226 = arith.constant 0 : i32
      %dma_wait3A_227 = tpu.memref_slice %arg8[%dma_wait3A_213, %dma_wait3A_225, %dma_wait3A_226] : memref<8x64x64xf32, #tpu.memory_space<vmem>> -> memref<1x64x64xf32, #tpu.memory_space<vmem>>
      %dma_wait3A_228 = tpu.memref_squeeze %dma_wait3A_227 : memref<1x64x64xf32, #tpu.memory_space<vmem>> -> memref<64x64xf32, #tpu.memory_space<vmem>>
      %dma_wait3A_229 = arith.constant 0 : i32
      %dma_wait3A_230 = arith.constant 0 : i32
      %dma_wait3A_231 = tpu.memref_slice %arg2[%dma_wait3A_212, %dma_wait3A_229, %dma_wait3A_230] : memref<2x10000x64xf32, #tpu.memory_space<hbm>> -> memref<1x10000x64xf32, #tpu.memory_space<hbm>>
      %dma_wait3A_232 = tpu.memref_squeeze %dma_wait3A_231 : memref<1x10000x64xf32, #tpu.memory_space<hbm>> -> memref<10000x64xf32, #tpu.memory_space<hbm>>
      %dma_wait3A_233 = arith.constant 0 : i32
      %dma_wait3A_234 = arith.constant 0 : i32
      %dma_wait3A_235 = tpu.memref_slice %dma_wait3A_232[%dma_wait3A_233, %dma_wait3A_234] : memref<10000x64xf32, #tpu.memory_space<hbm>> -> memref<64x64xf32, #tpu.memory_space<hbm>>
      tpu.wait_dma2 semaphore(%arg11 : memref<!tpu.dma_semaphore, #tpu.memory_space<semaphore_mem>>) src(%dma_wait3A_235 : memref<64x64xf32, #tpu.memory_space<hbm>>) dst(%dma_wait3A_228 : memref<64x64xf32, #tpu.memory_space<vmem>>)
      %dma_wait3A_236 = arith.constant 0 : i32
      %dma_wait3A_237 = arith.constant 0 : i32
      %dma_wait3A_238 = arith.constant 0 : i32
      %dma_wait3A_239 = arith.constant 0 : i32
      %dma_wait3A_240 = tpu.memref_slice %arg8[%dma_wait3A_237, %dma_wait3A_238, %dma_wait3A_239] : memref<8x64x64xf32, #tpu.memory_space<vmem>> -> memref<1x64x64xf32, #tpu.memory_space<vmem>>
      %dma_wait3A_241 = tpu.memref_squeeze %dma_wait3A_240 : memref<1x64x64xf32, #tpu.memory_space<vmem>> -> memref<64x64xf32, #tpu.memory_space<vmem>>
      %dma_wait3A_242 = arith.constant 0 : i32
      %dma_wait3A_243 = arith.constant 0 : i32
      %dma_wait3A_244 = tpu.memref_slice %arg2[%dma_wait3A_236, %dma_wait3A_242, %dma_wait3A_243] : memref<2x10000x64xf32, #tpu.memory_space<hbm>> -> memref<1x10000x64xf32, #tpu.memory_space<hbm>>
      %dma_wait3A_245 = tpu.memref_squeeze %dma_wait3A_244 : memref<1x10000x64xf32, #tpu.memory_space<hbm>> -> memref<10000x64xf32, #tpu.memory_space<hbm>>
      %dma_wait3A_246 = arith.constant 0 : i32
      %dma_wait3A_247 = arith.constant 0 : i32
      %dma_wait3A_248 = tpu.memref_slice %dma_wait3A_245[%dma_wait3A_246, %dma_wait3A_247] : memref<10000x64xf32, #tpu.memory_space<hbm>> -> memref<64x64xf32, #tpu.memory_space<hbm>>
      %dma_wait3A_249 = arith.constant 0 : i32
      %dma_wait3A_250 = arith.constant 0 : i32
      %dma_wait3A_251 = tpu.memref_slice %arg8[%dma_wait3A_237, %dma_wait3A_249, %dma_wait3A_250] : memref<8x64x64xf32, #tpu.memory_space<vmem>> -> memref<1x64x64xf32, #tpu.memory_space<vmem>>
      %dma_wait3A_252 = tpu.memref_squeeze %dma_wait3A_251 : memref<1x64x64xf32, #tpu.memory_space<vmem>> -> memref<64x64xf32, #tpu.memory_space<vmem>>
      %dma_wait3A_253 = arith.constant 0 : i32
      %dma_wait3A_254 = arith.constant 0 : i32
      %dma_wait3A_255 = tpu.memref_slice %arg2[%dma_wait3A_236, %dma_wait3A_253, %dma_wait3A_254] : memref<2x10000x64xf32, #tpu.memory_space<hbm>> -> memref<1x10000x64xf32, #tpu.memory_space<hbm>>
      %dma_wait3A_256 = tpu.memref_squeeze %dma_wait3A_255 : memref<1x10000x64xf32, #tpu.memory_space<hbm>> -> memref<10000x64xf32, #tpu.memory_space<hbm>>
      %dma_wait3A_257 = arith.constant 0 : i32
      %dma_wait3A_258 = arith.constant 0 : i32
      %dma_wait3A_259 = tpu.memref_slice %dma_wait3A_256[%dma_wait3A_257, %dma_wait3A_258] : memref<10000x64xf32, #tpu.memory_space<hbm>> -> memref<64x64xf32, #tpu.memory_space<hbm>>
      tpu.wait_dma2 semaphore(%arg11 : memref<!tpu.dma_semaphore, #tpu.memory_space<semaphore_mem>>) src(%dma_wait3A_259 : memref<64x64xf32, #tpu.memory_space<hbm>>) dst(%dma_wait3A_252 : memref<64x64xf32, #tpu.memory_space<vmem>>)
      %dma_wait3A_260 = arith.constant 0 : i32
      %dma_wait3A_261 = arith.constant 0 : i32
      %dma_wait3A_262 = arith.constant 0 : i32
      %dma_wait3A_263 = arith.constant 0 : i32
      %dma_wait3A_264 = tpu.memref_slice %arg8[%dma_wait3A_261, %dma_wait3A_262, %dma_wait3A_263] : memref<8x64x64xf32, #tpu.memory_space<vmem>> -> memref<1x64x64xf32, #tpu.memory_space<vmem>>
      %dma_wait3A_265 = tpu.memref_squeeze %dma_wait3A_264 : memref<1x64x64xf32, #tpu.memory_space<vmem>> -> memref<64x64xf32, #tpu.memory_space<vmem>>
      %dma_wait3A_266 = arith.constant 0 : i32
      %dma_wait3A_267 = arith.constant 0 : i32
      %dma_wait3A_268 = tpu.memref_slice %arg2[%dma_wait3A_260, %dma_wait3A_266, %dma_wait3A_267] : memref<2x10000x64xf32, #tpu.memory_space<hbm>> -> memref<1x10000x64xf32, #tpu.memory_space<hbm>>
      %dma_wait3A_269 = tpu.memref_squeeze %dma_wait3A_268 : memref<1x10000x64xf32, #tpu.memory_space<hbm>> -> memref<10000x64xf32, #tpu.memory_space<hbm>>
      %dma_wait3A_270 = arith.constant 0 : i32
      %dma_wait3A_271 = arith.constant 0 : i32
      %dma_wait3A_272 = tpu.memref_slice %dma_wait3A_269[%dma_wait3A_270, %dma_wait3A_271] : memref<10000x64xf32, #tpu.memory_space<hbm>> -> memref<64x64xf32, #tpu.memory_space<hbm>>
      %dma_wait3A_273 = arith.constant 0 : i32
      %dma_wait3A_274 = arith.constant 0 : i32
      %dma_wait3A_275 = tpu.memref_slice %arg8[%dma_wait3A_261, %dma_wait3A_273, %dma_wait3A_274] : memref<8x64x64xf32, #tpu.memory_space<vmem>> -> memref<1x64x64xf32, #tpu.memory_space<vmem>>
      %dma_wait3A_276 = tpu.memref_squeeze %dma_wait3A_275 : memref<1x64x64xf32, #tpu.memory_space<vmem>> -> memref<64x64xf32, #tpu.memory_space<vmem>>
      %dma_wait3A_277 = arith.constant 0 : i32
      %dma_wait3A_278 = arith.constant 0 : i32
      %dma_wait3A_279 = tpu.memref_slice %arg2[%dma_wait3A_260, %dma_wait3A_277, %dma_wait3A_278] : memref<2x10000x64xf32, #tpu.memory_space<hbm>> -> memref<1x10000x64xf32, #tpu.memory_space<hbm>>
      %dma_wait3A_280 = tpu.memref_squeeze %dma_wait3A_279 : memref<1x10000x64xf32, #tpu.memory_space<hbm>> -> memref<10000x64xf32, #tpu.memory_space<hbm>>
      %dma_wait3A_281 = arith.constant 0 : i32
      %dma_wait3A_282 = arith.constant 0 : i32
      %dma_wait3A_283 = tpu.memref_slice %dma_wait3A_280[%dma_wait3A_281, %dma_wait3A_282] : memref<10000x64xf32, #tpu.memory_space<hbm>> -> memref<64x64xf32, #tpu.memory_space<hbm>>
      tpu.wait_dma2 semaphore(%arg11 : memref<!tpu.dma_semaphore, #tpu.memory_space<semaphore_mem>>) src(%dma_wait3A_283 : memref<64x64xf32, #tpu.memory_space<hbm>>) dst(%dma_wait3A_276 : memref<64x64xf32, #tpu.memory_space<vmem>>)
      %dma_wait3A_284 = arith.constant 0 : i32
      %dma_wait3A_285 = arith.constant 0 : i32
      %dma_wait3A_286 = arith.constant 0 : i32
      %dma_wait3A_287 = arith.constant 0 : i32
      %dma_wait3A_288 = tpu.memref_slice %arg8[%dma_wait3A_285, %dma_wait3A_286, %dma_wait3A_287] : memref<8x64x64xf32, #tpu.memory_space<vmem>> -> memref<1x64x64xf32, #tpu.memory_space<vmem>>
      %dma_wait3A_289 = tpu.memref_squeeze %dma_wait3A_288 : memref<1x64x64xf32, #tpu.memory_space<vmem>> -> memref<64x64xf32, #tpu.memory_space<vmem>>
      %dma_wait3A_290 = arith.constant 0 : i32
      %dma_wait3A_291 = arith.constant 0 : i32
      %dma_wait3A_292 = tpu.memref_slice %arg2[%dma_wait3A_284, %dma_wait3A_290, %dma_wait3A_291] : memref<2x10000x64xf32, #tpu.memory_space<hbm>> -> memref<1x10000x64xf32, #tpu.memory_space<hbm>>
      %dma_wait3A_293 = tpu.memref_squeeze %dma_wait3A_292 : memref<1x10000x64xf32, #tpu.memory_space<hbm>> -> memref<10000x64xf32, #tpu.memory_space<hbm>>
      %dma_wait3A_294 = arith.constant 0 : i32
      %dma_wait3A_295 = arith.constant 0 : i32
      %dma_wait3A_296 = tpu.memref_slice %dma_wait3A_293[%dma_wait3A_294, %dma_wait3A_295] : memref<10000x64xf32, #tpu.memory_space<hbm>> -> memref<64x64xf32, #tpu.memory_space<hbm>>
      %dma_wait3A_297 = arith.constant 0 : i32
      %dma_wait3A_298 = arith.constant 0 : i32
      %dma_wait3A_299 = tpu.memref_slice %arg8[%dma_wait3A_285, %dma_wait3A_297, %dma_wait3A_298] : memref<8x64x64xf32, #tpu.memory_space<vmem>> -> memref<1x64x64xf32, #tpu.memory_space<vmem>>
      %dma_wait3A_300 = tpu.memref_squeeze %dma_wait3A_299 : memref<1x64x64xf32, #tpu.memory_space<vmem>> -> memref<64x64xf32, #tpu.memory_space<vmem>>
      %dma_wait3A_301 = arith.constant 0 : i32
      %dma_wait3A_302 = arith.constant 0 : i32
      %dma_wait3A_303 = tpu.memref_slice %arg2[%dma_wait3A_284, %dma_wait3A_301, %dma_wait3A_302] : memref<2x10000x64xf32, #tpu.memory_space<hbm>> -> memref<1x10000x64xf32, #tpu.memory_space<hbm>>
      %dma_wait3A_304 = tpu.memref_squeeze %dma_wait3A_303 : memref<1x10000x64xf32, #tpu.memory_space<hbm>> -> memref<10000x64xf32, #tpu.memory_space<hbm>>
      %dma_wait3A_305 = arith.constant 0 : i32
      %dma_wait3A_306 = arith.constant 0 : i32
      %dma_wait3A_307 = tpu.memref_slice %dma_wait3A_304[%dma_wait3A_305, %dma_wait3A_306] : memref<10000x64xf32, #tpu.memory_space<hbm>> -> memref<64x64xf32, #tpu.memory_space<hbm>>
      tpu.wait_dma2 semaphore(%arg11 : memref<!tpu.dma_semaphore, #tpu.memory_space<semaphore_mem>>) src(%dma_wait3A_307 : memref<64x64xf32, #tpu.memory_space<hbm>>) dst(%dma_wait3A_300 : memref<64x64xf32, #tpu.memory_space<vmem>>)
      %dma_wait3A_308 = arith.constant 0 : i32
      %dma_wait3A_309 = arith.constant 0 : i32
      %dma_wait3A_310 = arith.constant 0 : i32
      %dma_wait3A_311 = arith.constant 0 : i32
      %dma_wait3A_312 = tpu.memref_slice %arg8[%dma_wait3A_309, %dma_wait3A_310, %dma_wait3A_311] : memref<8x64x64xf32, #tpu.memory_space<vmem>> -> memref<1x64x64xf32, #tpu.memory_space<vmem>>
      %dma_wait3A_313 = tpu.memref_squeeze %dma_wait3A_312 : memref<1x64x64xf32, #tpu.memory_space<vmem>> -> memref<64x64xf32, #tpu.memory_space<vmem>>
      %dma_wait3A_314 = arith.constant 0 : i32
      %dma_wait3A_315 = arith.constant 0 : i32
      %dma_wait3A_316 = tpu.memref_slice %arg2[%dma_wait3A_308, %dma_wait3A_314, %dma_wait3A_315] : memref<2x10000x64xf32, #tpu.memory_space<hbm>> -> memref<1x10000x64xf32, #tpu.memory_space<hbm>>
      %dma_wait3A_317 = tpu.memref_squeeze %dma_wait3A_316 : memref<1x10000x64xf32, #tpu.memory_space<hbm>> -> memref<10000x64xf32, #tpu.memory_space<hbm>>
      %dma_wait3A_318 = arith.constant 0 : i32
      %dma_wait3A_319 = arith.constant 0 : i32
      %dma_wait3A_320 = tpu.memref_slice %dma_wait3A_317[%dma_wait3A_318, %dma_wait3A_319] : memref<10000x64xf32, #tpu.memory_space<hbm>> -> memref<64x64xf32, #tpu.memory_space<hbm>>
      %dma_wait3A_321 = arith.constant 0 : i32
      %dma_wait3A_322 = arith.constant 0 : i32
      %dma_wait3A_323 = tpu.memref_slice %arg8[%dma_wait3A_309, %dma_wait3A_321, %dma_wait3A_322] : memref<8x64x64xf32, #tpu.memory_space<vmem>> -> memref<1x64x64xf32, #tpu.memory_space<vmem>>
      %dma_wait3A_324 = tpu.memref_squeeze %dma_wait3A_323 : memref<1x64x64xf32, #tpu.memory_space<vmem>> -> memref<64x64xf32, #tpu.memory_space<vmem>>
      %dma_wait3A_325 = arith.constant 0 : i32
      %dma_wait3A_326 = arith.constant 0 : i32
      %dma_wait3A_327 = tpu.memref_slice %arg2[%dma_wait3A_308, %dma_wait3A_325, %dma_wait3A_326] : memref<2x10000x64xf32, #tpu.memory_space<hbm>> -> memref<1x10000x64xf32, #tpu.memory_space<hbm>>
      %dma_wait3A_328 = tpu.memref_squeeze %dma_wait3A_327 : memref<1x10000x64xf32, #tpu.memory_space<hbm>> -> memref<10000x64xf32, #tpu.memory_space<hbm>>
      %dma_wait3A_329 = arith.constant 0 : i32
      %dma_wait3A_330 = arith.constant 0 : i32
      %dma_wait3A_331 = tpu.memref_slice %dma_wait3A_328[%dma_wait3A_329, %dma_wait3A_330] : memref<10000x64xf32, #tpu.memory_space<hbm>> -> memref<64x64xf32, #tpu.memory_space<hbm>>
      tpu.wait_dma2 semaphore(%arg11 : memref<!tpu.dma_semaphore, #tpu.memory_space<semaphore_mem>>) src(%dma_wait3A_331 : memref<64x64xf32, #tpu.memory_space<hbm>>) dst(%dma_wait3A_324 : memref<64x64xf32, #tpu.memory_space<vmem>>)
    } else {
    }
    %eq3A_18 = arith.constant 1 : i32
    %eq3A_19 = arith.cmpi eq, %arg0, %eq3A_18 : i32
    %convert_element_type3A_20 = arith.extui %eq3A_19 : i1 to i32
    %cond3A_21 = arith.constant 0 : i32
    %cond3A_22 = arith.cmpi ne, %convert_element_type3A_20, %cond3A_21 : i32
    scf.if %cond3A_22 {
      %dma_start3A = arith.constant 1 : i32
      %dma_start3A_34 = arith.constant 0 : i32
      %dma_start3A_35 = arith.constant 0 : i32
      %dma_start3A_36 = arith.constant 0 : i32
      %dma_start3A_37 = arith.constant 0 : i32
      %dma_start3A_38 = tpu.memref_slice %arg8[%dma_start3A_35, %dma_start3A_36, %dma_start3A_37] : memref<8x64x64xf32, #tpu.memory_space<vmem>> -> memref<1x64x64xf32, #tpu.memory_space<vmem>>
      %dma_start3A_39 = tpu.memref_squeeze %dma_start3A_38 : memref<1x64x64xf32, #tpu.memory_space<vmem>> -> memref<64x64xf32, #tpu.memory_space<vmem>>
      %dma_start3A_40 = arith.constant 0 : i32
      %dma_start3A_41 = tpu.memref_slice %arg6[%dma_start3A_34, %dma_start3A_40] : memref<313x64xi32, #tpu.memory_space<vmem>> -> memref<1x64xi32, #tpu.memory_space<vmem>>
      %dma_start3A_42 = tpu.memref_squeeze %dma_start3A_41 : memref<1x64xi32, #tpu.memory_space<vmem>> -> memref<64xi32, #tpu.memory_space<vmem>>
      %dma_start3A_43 = arith.constant 0 : i32
      %dma_start3A_44 = arith.constant 0 : i32
      %dma_start3A_45 = tpu.memref_slice %arg2[%dma_start3A, %dma_start3A_43, %dma_start3A_44] : memref<2x10000x64xf32, #tpu.memory_space<hbm>> -> memref<1x10000x64xf32, #tpu.memory_space<hbm>>
      %dma_start3A_46 = tpu.memref_squeeze %dma_start3A_45 : memref<1x10000x64xf32, #tpu.memory_space<hbm>> -> memref<10000x64xf32, #tpu.memory_space<hbm>>
      %dma_start3A_47 = arith.constant 0 : i32
      %dma_start3A_48 = arith.constant 0 : i32
      %dma_start3A_49 = tpu.memref_slice %dma_start3A_46[%dma_start3A_47, %dma_start3A_48] : memref<10000x64xf32, #tpu.memory_space<hbm>> -> memref<10000x64xf32, #tpu.memory_space<hbm>>
      tpu.enqueue_indirect_dma source(%dma_start3A_49 : memref<10000x64xf32, #tpu.memory_space<hbm>>) target(%dma_start3A_39 : memref<64x64xf32, #tpu.memory_space<vmem>>) offsets(%dma_start3A_42 : memref<64xi32, #tpu.memory_space<vmem>>) semaphore(%arg10 : memref<!tpu.dma_semaphore, #tpu.memory_space<semaphore_mem>>)
      %dma_start3A_50 = arith.constant 1 : i32
      %dma_start3A_51 = arith.constant 1 : i32
      %dma_start3A_52 = arith.constant 1 : i32
      %dma_start3A_53 = arith.constant 0 : i32
      %dma_start3A_54 = arith.constant 0 : i32
      %dma_start3A_55 = tpu.memref_slice %arg8[%dma_start3A_52, %dma_start3A_53, %dma_start3A_54] : memref<8x64x64xf32, #tpu.memory_space<vmem>> -> memref<1x64x64xf32, #tpu.memory_space<vmem>>
      %dma_start3A_56 = tpu.memref_squeeze %dma_start3A_55 : memref<1x64x64xf32, #tpu.memory_space<vmem>> -> memref<64x64xf32, #tpu.memory_space<vmem>>
      %dma_start3A_57 = arith.constant 0 : i32
      %dma_start3A_58 = tpu.memref_slice %arg6[%dma_start3A_51, %dma_start3A_57] : memref<313x64xi32, #tpu.memory_space<vmem>> -> memref<1x64xi32, #tpu.memory_space<vmem>>
      %dma_start3A_59 = tpu.memref_squeeze %dma_start3A_58 : memref<1x64xi32, #tpu.memory_space<vmem>> -> memref<64xi32, #tpu.memory_space<vmem>>
      %dma_start3A_60 = arith.constant 0 : i32
      %dma_start3A_61 = arith.constant 0 : i32
      %dma_start3A_62 = tpu.memref_slice %arg2[%dma_start3A_50, %dma_start3A_60, %dma_start3A_61] : memref<2x10000x64xf32, #tpu.memory_space<hbm>> -> memref<1x10000x64xf32, #tpu.memory_space<hbm>>
      %dma_start3A_63 = tpu.memref_squeeze %dma_start3A_62 : memref<1x10000x64xf32, #tpu.memory_space<hbm>> -> memref<10000x64xf32, #tpu.memory_space<hbm>>
      %dma_start3A_64 = arith.constant 0 : i32
      %dma_start3A_65 = arith.constant 0 : i32
      %dma_start3A_66 = tpu.memref_slice %dma_start3A_63[%dma_start3A_64, %dma_start3A_65] : memref<10000x64xf32, #tpu.memory_space<hbm>> -> memref<10000x64xf32, #tpu.memory_space<hbm>>
      tpu.enqueue_indirect_dma source(%dma_start3A_66 : memref<10000x64xf32, #tpu.memory_space<hbm>>) target(%dma_start3A_56 : memref<64x64xf32, #tpu.memory_space<vmem>>) offsets(%dma_start3A_59 : memref<64xi32, #tpu.memory_space<vmem>>) semaphore(%arg10 : memref<!tpu.dma_semaphore, #tpu.memory_space<semaphore_mem>>)
      %dma_start3A_67 = arith.constant 1 : i32
      %dma_start3A_68 = arith.constant 2 : i32
      %dma_start3A_69 = arith.constant 2 : i32
      %dma_start3A_70 = arith.constant 0 : i32
      %dma_start3A_71 = arith.constant 0 : i32
      %dma_start3A_72 = tpu.memref_slice %arg8[%dma_start3A_69, %dma_start3A_70, %dma_start3A_71] : memref<8x64x64xf32, #tpu.memory_space<vmem>> -> memref<1x64x64xf32, #tpu.memory_space<vmem>>
      %dma_start3A_73 = tpu.memref_squeeze %dma_start3A_72 : memref<1x64x64xf32, #tpu.memory_space<vmem>> -> memref<64x64xf32, #tpu.memory_space<vmem>>
      %dma_start3A_74 = arith.constant 0 : i32
      %dma_start3A_75 = tpu.memref_slice %arg6[%dma_start3A_68, %dma_start3A_74] : memref<313x64xi32, #tpu.memory_space<vmem>> -> memref<1x64xi32, #tpu.memory_space<vmem>>
      %dma_start3A_76 = tpu.memref_squeeze %dma_start3A_75 : memref<1x64xi32, #tpu.memory_space<vmem>> -> memref<64xi32, #tpu.memory_space<vmem>>
      %dma_start3A_77 = arith.constant 0 : i32
      %dma_start3A_78 = arith.constant 0 : i32
      %dma_start3A_79 = tpu.memref_slice %arg2[%dma_start3A_67, %dma_start3A_77, %dma_start3A_78] : memref<2x10000x64xf32, #tpu.memory_space<hbm>> -> memref<1x10000x64xf32, #tpu.memory_space<hbm>>
      %dma_start3A_80 = tpu.memref_squeeze %dma_start3A_79 : memref<1x10000x64xf32, #tpu.memory_space<hbm>> -> memref<10000x64xf32, #tpu.memory_space<hbm>>
      %dma_start3A_81 = arith.constant 0 : i32
      %dma_start3A_82 = arith.constant 0 : i32
      %dma_start3A_83 = tpu.memref_slice %dma_start3A_80[%dma_start3A_81, %dma_start3A_82] : memref<10000x64xf32, #tpu.memory_space<hbm>> -> memref<10000x64xf32, #tpu.memory_space<hbm>>
      tpu.enqueue_indirect_dma source(%dma_start3A_83 : memref<10000x64xf32, #tpu.memory_space<hbm>>) target(%dma_start3A_73 : memref<64x64xf32, #tpu.memory_space<vmem>>) offsets(%dma_start3A_76 : memref<64xi32, #tpu.memory_space<vmem>>) semaphore(%arg10 : memref<!tpu.dma_semaphore, #tpu.memory_space<semaphore_mem>>)
      %dma_start3A_84 = arith.constant 1 : i32
      %dma_start3A_85 = arith.constant 3 : i32
      %dma_start3A_86 = arith.constant 3 : i32
      %dma_start3A_87 = arith.constant 0 : i32
      %dma_start3A_88 = arith.constant 0 : i32
      %dma_start3A_89 = tpu.memref_slice %arg8[%dma_start3A_86, %dma_start3A_87, %dma_start3A_88] : memref<8x64x64xf32, #tpu.memory_space<vmem>> -> memref<1x64x64xf32, #tpu.memory_space<vmem>>
      %dma_start3A_90 = tpu.memref_squeeze %dma_start3A_89 : memref<1x64x64xf32, #tpu.memory_space<vmem>> -> memref<64x64xf32, #tpu.memory_space<vmem>>
      %dma_start3A_91 = arith.constant 0 : i32
      %dma_start3A_92 = tpu.memref_slice %arg6[%dma_start3A_85, %dma_start3A_91] : memref<313x64xi32, #tpu.memory_space<vmem>> -> memref<1x64xi32, #tpu.memory_space<vmem>>
      %dma_start3A_93 = tpu.memref_squeeze %dma_start3A_92 : memref<1x64xi32, #tpu.memory_space<vmem>> -> memref<64xi32, #tpu.memory_space<vmem>>
      %dma_start3A_94 = arith.constant 0 : i32
      %dma_start3A_95 = arith.constant 0 : i32
      %dma_start3A_96 = tpu.memref_slice %arg2[%dma_start3A_84, %dma_start3A_94, %dma_start3A_95] : memref<2x10000x64xf32, #tpu.memory_space<hbm>> -> memref<1x10000x64xf32, #tpu.memory_space<hbm>>
      %dma_start3A_97 = tpu.memref_squeeze %dma_start3A_96 : memref<1x10000x64xf32, #tpu.memory_space<hbm>> -> memref<10000x64xf32, #tpu.memory_space<hbm>>
      %dma_start3A_98 = arith.constant 0 : i32
      %dma_start3A_99 = arith.constant 0 : i32
      %dma_start3A_100 = tpu.memref_slice %dma_start3A_97[%dma_start3A_98, %dma_start3A_99] : memref<10000x64xf32, #tpu.memory_space<hbm>> -> memref<10000x64xf32, #tpu.memory_space<hbm>>
      tpu.enqueue_indirect_dma source(%dma_start3A_100 : memref<10000x64xf32, #tpu.memory_space<hbm>>) target(%dma_start3A_90 : memref<64x64xf32, #tpu.memory_space<vmem>>) offsets(%dma_start3A_93 : memref<64xi32, #tpu.memory_space<vmem>>) semaphore(%arg10 : memref<!tpu.dma_semaphore, #tpu.memory_space<semaphore_mem>>)
      %dma_start3A_101 = arith.constant 1 : i32
      %dma_start3A_102 = arith.constant 4 : i32
      %dma_start3A_103 = arith.constant 4 : i32
      %dma_start3A_104 = arith.constant 0 : i32
      %dma_start3A_105 = arith.constant 0 : i32
      %dma_start3A_106 = tpu.memref_slice %arg8[%dma_start3A_103, %dma_start3A_104, %dma_start3A_105] : memref<8x64x64xf32, #tpu.memory_space<vmem>> -> memref<1x64x64xf32, #tpu.memory_space<vmem>>
      %dma_start3A_107 = tpu.memref_squeeze %dma_start3A_106 : memref<1x64x64xf32, #tpu.memory_space<vmem>> -> memref<64x64xf32, #tpu.memory_space<vmem>>
      %dma_start3A_108 = arith.constant 0 : i32
      %dma_start3A_109 = tpu.memref_slice %arg6[%dma_start3A_102, %dma_start3A_108] : memref<313x64xi32, #tpu.memory_space<vmem>> -> memref<1x64xi32, #tpu.memory_space<vmem>>
      %dma_start3A_110 = tpu.memref_squeeze %dma_start3A_109 : memref<1x64xi32, #tpu.memory_space<vmem>> -> memref<64xi32, #tpu.memory_space<vmem>>
      %dma_start3A_111 = arith.constant 0 : i32
      %dma_start3A_112 = arith.constant 0 : i32
      %dma_start3A_113 = tpu.memref_slice %arg2[%dma_start3A_101, %dma_start3A_111, %dma_start3A_112] : memref<2x10000x64xf32, #tpu.memory_space<hbm>> -> memref<1x10000x64xf32, #tpu.memory_space<hbm>>
      %dma_start3A_114 = tpu.memref_squeeze %dma_start3A_113 : memref<1x10000x64xf32, #tpu.memory_space<hbm>> -> memref<10000x64xf32, #tpu.memory_space<hbm>>
      %dma_start3A_115 = arith.constant 0 : i32
      %dma_start3A_116 = arith.constant 0 : i32
      %dma_start3A_117 = tpu.memref_slice %dma_start3A_114[%dma_start3A_115, %dma_start3A_116] : memref<10000x64xf32, #tpu.memory_space<hbm>> -> memref<10000x64xf32, #tpu.memory_space<hbm>>
      tpu.enqueue_indirect_dma source(%dma_start3A_117 : memref<10000x64xf32, #tpu.memory_space<hbm>>) target(%dma_start3A_107 : memref<64x64xf32, #tpu.memory_space<vmem>>) offsets(%dma_start3A_110 : memref<64xi32, #tpu.memory_space<vmem>>) semaphore(%arg10 : memref<!tpu.dma_semaphore, #tpu.memory_space<semaphore_mem>>)
      %dma_start3A_118 = arith.constant 1 : i32
      %dma_start3A_119 = arith.constant 5 : i32
      %dma_start3A_120 = arith.constant 5 : i32
      %dma_start3A_121 = arith.constant 0 : i32
      %dma_start3A_122 = arith.constant 0 : i32
      %dma_start3A_123 = tpu.memref_slice %arg8[%dma_start3A_120, %dma_start3A_121, %dma_start3A_122] : memref<8x64x64xf32, #tpu.memory_space<vmem>> -> memref<1x64x64xf32, #tpu.memory_space<vmem>>
      %dma_start3A_124 = tpu.memref_squeeze %dma_start3A_123 : memref<1x64x64xf32, #tpu.memory_space<vmem>> -> memref<64x64xf32, #tpu.memory_space<vmem>>
      %dma_start3A_125 = arith.constant 0 : i32
      %dma_start3A_126 = tpu.memref_slice %arg6[%dma_start3A_119, %dma_start3A_125] : memref<313x64xi32, #tpu.memory_space<vmem>> -> memref<1x64xi32, #tpu.memory_space<vmem>>
      %dma_start3A_127 = tpu.memref_squeeze %dma_start3A_126 : memref<1x64xi32, #tpu.memory_space<vmem>> -> memref<64xi32, #tpu.memory_space<vmem>>
      %dma_start3A_128 = arith.constant 0 : i32
      %dma_start3A_129 = arith.constant 0 : i32
      %dma_start3A_130 = tpu.memref_slice %arg2[%dma_start3A_118, %dma_start3A_128, %dma_start3A_129] : memref<2x10000x64xf32, #tpu.memory_space<hbm>> -> memref<1x10000x64xf32, #tpu.memory_space<hbm>>
      %dma_start3A_131 = tpu.memref_squeeze %dma_start3A_130 : memref<1x10000x64xf32, #tpu.memory_space<hbm>> -> memref<10000x64xf32, #tpu.memory_space<hbm>>
      %dma_start3A_132 = arith.constant 0 : i32
      %dma_start3A_133 = arith.constant 0 : i32
      %dma_start3A_134 = tpu.memref_slice %dma_start3A_131[%dma_start3A_132, %dma_start3A_133] : memref<10000x64xf32, #tpu.memory_space<hbm>> -> memref<10000x64xf32, #tpu.memory_space<hbm>>
      tpu.enqueue_indirect_dma source(%dma_start3A_134 : memref<10000x64xf32, #tpu.memory_space<hbm>>) target(%dma_start3A_124 : memref<64x64xf32, #tpu.memory_space<vmem>>) offsets(%dma_start3A_127 : memref<64xi32, #tpu.memory_space<vmem>>) semaphore(%arg10 : memref<!tpu.dma_semaphore, #tpu.memory_space<semaphore_mem>>)
      %scan3A_135 = arith.constant 1 : i32
      %scan3A_136 = arith.constant 0 : i32
      %scan3A_137 = arith.constant 313 : i32
      %scan3A_138 = arith.addi %scan3A_136, %scan3A_137 : i32
      %scan3A_139 = arith.constant 1 : i32
      scf.for %scan3A_332 = %scan3A_136 to %scan3A_138 step %scan3A_139  : i32 {
        %mul3A = arith.constant 1 : i32
        %mul3A_333 = arith.muli %scan3A_332, %mul3A : i32
        %add3A = arith.constant 0 : i32
        %add3A_334 = arith.addi %add3A, %mul3A_333 : i32
        %dma_wait3A_335 = arith.constant 0 : i32
        %dma_wait3A_336 = arith.constant 0 : i32
        %dma_wait3A_337 = arith.constant 0 : i32
        %dma_wait3A_338 = tpu.memref_slice %arg8[%dma_wait3A_335, %dma_wait3A_336, %dma_wait3A_337] : memref<8x64x64xf32, #tpu.memory_space<vmem>> -> memref<1x64x64xf32, #tpu.memory_space<vmem>>
        %dma_wait3A_339 = tpu.memref_squeeze %dma_wait3A_338 : memref<1x64x64xf32, #tpu.memory_space<vmem>> -> memref<64x64xf32, #tpu.memory_space<vmem>>
        %dma_wait3A_340 = arith.constant 0 : i32
        %dma_wait3A_341 = arith.constant 0 : i32
        %dma_wait3A_342 = tpu.memref_slice %arg2[%scan3A_135, %dma_wait3A_340, %dma_wait3A_341] : memref<2x10000x64xf32, #tpu.memory_space<hbm>> -> memref<1x10000x64xf32, #tpu.memory_space<hbm>>
        %dma_wait3A_343 = tpu.memref_squeeze %dma_wait3A_342 : memref<1x10000x64xf32, #tpu.memory_space<hbm>> -> memref<10000x64xf32, #tpu.memory_space<hbm>>
        %dma_wait3A_344 = arith.constant 0 : i32
        %dma_wait3A_345 = arith.constant 0 : i32
        %dma_wait3A_346 = tpu.memref_slice %dma_wait3A_343[%dma_wait3A_344, %dma_wait3A_345] : memref<10000x64xf32, #tpu.memory_space<hbm>> -> memref<64x64xf32, #tpu.memory_space<hbm>>
        %dma_wait3A_347 = arith.constant 0 : i32
        %dma_wait3A_348 = arith.constant 0 : i32
        %dma_wait3A_349 = tpu.memref_slice %arg8[%dma_wait3A_335, %dma_wait3A_347, %dma_wait3A_348] : memref<8x64x64xf32, #tpu.memory_space<vmem>> -> memref<1x64x64xf32, #tpu.memory_space<vmem>>
        %dma_wait3A_350 = tpu.memref_squeeze %dma_wait3A_349 : memref<1x64x64xf32, #tpu.memory_space<vmem>> -> memref<64x64xf32, #tpu.memory_space<vmem>>
        %dma_wait3A_351 = arith.constant 0 : i32
        %dma_wait3A_352 = arith.constant 0 : i32
        %dma_wait3A_353 = tpu.memref_slice %arg2[%scan3A_135, %dma_wait3A_351, %dma_wait3A_352] : memref<2x10000x64xf32, #tpu.memory_space<hbm>> -> memref<1x10000x64xf32, #tpu.memory_space<hbm>>
        %dma_wait3A_354 = tpu.memref_squeeze %dma_wait3A_353 : memref<1x10000x64xf32, #tpu.memory_space<hbm>> -> memref<10000x64xf32, #tpu.memory_space<hbm>>
        %dma_wait3A_355 = arith.constant 0 : i32
        %dma_wait3A_356 = arith.constant 0 : i32
        %dma_wait3A_357 = tpu.memref_slice %dma_wait3A_354[%dma_wait3A_355, %dma_wait3A_356] : memref<10000x64xf32, #tpu.memory_space<hbm>> -> memref<64x64xf32, #tpu.memory_space<hbm>>
        tpu.wait_dma2 semaphore(%arg10 : memref<!tpu.dma_semaphore, #tpu.memory_space<semaphore_mem>>) src(%dma_wait3A_357 : memref<64x64xf32, #tpu.memory_space<hbm>>) dst(%dma_wait3A_350 : memref<64x64xf32, #tpu.memory_space<vmem>>)
        %rem3A = arith.constant 8 : i32
        %rem3A_358 = arith.remsi %add3A_334, %rem3A : i32
        %dma_start3A_359 = arith.constant 0 : i32
        %dma_start3A_360 = arith.constant 0 : i32
        %dma_start3A_361 = tpu.memref_slice %arg8[%rem3A_358, %dma_start3A_359, %dma_start3A_360] : memref<8x64x64xf32, #tpu.memory_space<vmem>> -> memref<1x64x64xf32, #tpu.memory_space<vmem>>
        %dma_start3A_362 = tpu.memref_squeeze %dma_start3A_361 : memref<1x64x64xf32, #tpu.memory_space<vmem>> -> memref<64x64xf32, #tpu.memory_space<vmem>>
        %dma_start3A_363 = arith.constant 0 : i32
        %dma_start3A_364 = tpu.memref_slice %arg7[%add3A_334, %dma_start3A_363] : memref<313x64xi32, #tpu.memory_space<vmem>> -> memref<1x64xi32, #tpu.memory_space<vmem>>
        %dma_start3A_365 = tpu.memref_squeeze %dma_start3A_364 : memref<1x64xi32, #tpu.memory_space<vmem>> -> memref<64xi32, #tpu.memory_space<vmem>>
        %dma_start3A_366 = arith.constant 0 : i32
        %dma_start3A_367 = arith.constant 0 : i32
        %dma_start3A_368 = tpu.memref_slice %arg9[%dma_start3A_366, %dma_start3A_367] : memref<10008x64xf32, #tpu.memory_space<vmem_shared>> -> memref<10008x64xf32, #tpu.memory_space<vmem_shared>>
        tpu.enqueue_indirect_dma source(%dma_start3A_362 : memref<64x64xf32, #tpu.memory_space<vmem>>) target(%dma_start3A_368 : memref<10008x64xf32, #tpu.memory_space<vmem_shared>>) offsets(%dma_start3A_365 : memref<64xi32, #tpu.memory_space<vmem>>) semaphore(%arg11 : memref<!tpu.dma_semaphore, #tpu.memory_space<semaphore_mem>>) {add = true}
        %add3A_369 = arith.constant 6 : i32
        %add3A_370 = arith.addi %add3A_334, %add3A_369 : i32
        %lt3A_371 = arith.constant 313 : i32
        %lt3A_372 = arith.cmpi slt, %add3A_370, %lt3A_371 : i32
        %convert_element_type3A_373 = arith.extui %lt3A_372 : i1 to i32
        %cond3A_374 = arith.constant 0 : i32
        %cond3A_375 = arith.cmpi ne, %convert_element_type3A_373, %cond3A_374 : i32
        scf.if %cond3A_375 {
          %ge3A = arith.constant 2 : i32
          %ge3A_376 = arith.cmpi sge, %add3A_334, %ge3A : i32
          %convert_element_type3A_377 = arith.extui %ge3A_376 : i1 to i32
          %cond3A_378 = arith.constant 0 : i32
          %cond3A_379 = arith.cmpi ne, %convert_element_type3A_377, %cond3A_378 : i32
          scf.if %cond3A_379 {
            %dma_wait3A_396 = arith.constant 0 : i32
            %dma_wait3A_397 = arith.constant 0 : i32
            %dma_wait3A_398 = arith.constant 0 : i32
            %dma_wait3A_399 = tpu.memref_slice %arg8[%dma_wait3A_396, %dma_wait3A_397, %dma_wait3A_398] : memref<8x64x64xf32, #tpu.memory_space<vmem>> -> memref<1x64x64xf32, #tpu.memory_space<vmem>>
            %dma_wait3A_400 = tpu.memref_squeeze %dma_wait3A_399 : memref<1x64x64xf32, #tpu.memory_space<vmem>> -> memref<64x64xf32, #tpu.memory_space<vmem>>
            %dma_wait3A_401 = arith.constant 0 : i32
            %dma_wait3A_402 = arith.constant 0 : i32
            %dma_wait3A_403 = tpu.memref_slice %arg2[%scan3A_135, %dma_wait3A_401, %dma_wait3A_402] : memref<2x10000x64xf32, #tpu.memory_space<hbm>> -> memref<1x10000x64xf32, #tpu.memory_space<hbm>>
            %dma_wait3A_404 = tpu.memref_squeeze %dma_wait3A_403 : memref<1x10000x64xf32, #tpu.memory_space<hbm>> -> memref<10000x64xf32, #tpu.memory_space<hbm>>
            %dma_wait3A_405 = arith.constant 0 : i32
            %dma_wait3A_406 = arith.constant 0 : i32
            %dma_wait3A_407 = tpu.memref_slice %dma_wait3A_404[%dma_wait3A_405, %dma_wait3A_406] : memref<10000x64xf32, #tpu.memory_space<hbm>> -> memref<64x64xf32, #tpu.memory_space<hbm>>
            %dma_wait3A_408 = arith.constant 0 : i32
            %dma_wait3A_409 = arith.constant 0 : i32
            %dma_wait3A_410 = tpu.memref_slice %arg8[%dma_wait3A_396, %dma_wait3A_408, %dma_wait3A_409] : memref<8x64x64xf32, #tpu.memory_space<vmem>> -> memref<1x64x64xf32, #tpu.memory_space<vmem>>
            %dma_wait3A_411 = tpu.memref_squeeze %dma_wait3A_410 : memref<1x64x64xf32, #tpu.memory_space<vmem>> -> memref<64x64xf32, #tpu.memory_space<vmem>>
            %dma_wait3A_412 = arith.constant 0 : i32
            %dma_wait3A_413 = arith.constant 0 : i32
            %dma_wait3A_414 = tpu.memref_slice %arg2[%scan3A_135, %dma_wait3A_412, %dma_wait3A_413] : memref<2x10000x64xf32, #tpu.memory_space<hbm>> -> memref<1x10000x64xf32, #tpu.memory_space<hbm>>
            %dma_wait3A_415 = tpu.memref_squeeze %dma_wait3A_414 : memref<1x10000x64xf32, #tpu.memory_space<hbm>> -> memref<10000x64xf32, #tpu.memory_space<hbm>>
            %dma_wait3A_416 = arith.constant 0 : i32
            %dma_wait3A_417 = arith.constant 0 : i32
            %dma_wait3A_418 = tpu.memref_slice %dma_wait3A_415[%dma_wait3A_416, %dma_wait3A_417] : memref<10000x64xf32, #tpu.memory_space<hbm>> -> memref<64x64xf32, #tpu.memory_space<hbm>>
            tpu.wait_dma2 semaphore(%arg11 : memref<!tpu.dma_semaphore, #tpu.memory_space<semaphore_mem>>) src(%dma_wait3A_418 : memref<64x64xf32, #tpu.memory_space<hbm>>) dst(%dma_wait3A_411 : memref<64x64xf32, #tpu.memory_space<vmem>>)
          } else {
          }
          %rem3A_380 = arith.constant 8 : i32
          %rem3A_381 = arith.remsi %add3A_370, %rem3A_380 : i32
          %dma_start3A_382 = arith.constant 0 : i32
          %dma_start3A_383 = arith.constant 0 : i32
          %dma_start3A_384 = tpu.memref_slice %arg8[%rem3A_381, %dma_start3A_382, %dma_start3A_383] : memref<8x64x64xf32, #tpu.memory_space<vmem>> -> memref<1x64x64xf32, #tpu.memory_space<vmem>>
          %dma_start3A_385 = tpu.memref_squeeze %dma_start3A_384 : memref<1x64x64xf32, #tpu.memory_space<vmem>> -> memref<64x64xf32, #tpu.memory_space<vmem>>
          %dma_start3A_386 = arith.constant 0 : i32
          %dma_start3A_387 = tpu.memref_slice %arg6[%add3A_370, %dma_start3A_386] : memref<313x64xi32, #tpu.memory_space<vmem>> -> memref<1x64xi32, #tpu.memory_space<vmem>>
          %dma_start3A_388 = tpu.memref_squeeze %dma_start3A_387 : memref<1x64xi32, #tpu.memory_space<vmem>> -> memref<64xi32, #tpu.memory_space<vmem>>
          %dma_start3A_389 = arith.constant 0 : i32
          %dma_start3A_390 = arith.constant 0 : i32
          %dma_start3A_391 = tpu.memref_slice %arg2[%scan3A_135, %dma_start3A_389, %dma_start3A_390] : memref<2x10000x64xf32, #tpu.memory_space<hbm>> -> memref<1x10000x64xf32, #tpu.memory_space<hbm>>
          %dma_start3A_392 = tpu.memref_squeeze %dma_start3A_391 : memref<1x10000x64xf32, #tpu.memory_space<hbm>> -> memref<10000x64xf32, #tpu.memory_space<hbm>>
          %dma_start3A_393 = arith.constant 0 : i32
          %dma_start3A_394 = arith.constant 0 : i32
          %dma_start3A_395 = tpu.memref_slice %dma_start3A_392[%dma_start3A_393, %dma_start3A_394] : memref<10000x64xf32, #tpu.memory_space<hbm>> -> memref<10000x64xf32, #tpu.memory_space<hbm>>
          tpu.enqueue_indirect_dma source(%dma_start3A_395 : memref<10000x64xf32, #tpu.memory_space<hbm>>) target(%dma_start3A_385 : memref<64x64xf32, #tpu.memory_space<vmem>>) offsets(%dma_start3A_388 : memref<64xi32, #tpu.memory_space<vmem>>) semaphore(%arg10 : memref<!tpu.dma_semaphore, #tpu.memory_space<semaphore_mem>>)
        } else {
        }
      }
      %scan3A_140 = arith.constant 313 : i32
      %dma_wait3A = arith.constant 1 : i32
      %dma_wait3A_141 = arith.constant 0 : i32
      %dma_wait3A_142 = arith.constant 0 : i32
      %dma_wait3A_143 = arith.constant 0 : i32
      %dma_wait3A_144 = tpu.memref_slice %arg8[%dma_wait3A_141, %dma_wait3A_142, %dma_wait3A_143] : memref<8x64x64xf32, #tpu.memory_space<vmem>> -> memref<1x64x64xf32, #tpu.memory_space<vmem>>
      %dma_wait3A_145 = tpu.memref_squeeze %dma_wait3A_144 : memref<1x64x64xf32, #tpu.memory_space<vmem>> -> memref<64x64xf32, #tpu.memory_space<vmem>>
      %dma_wait3A_146 = arith.constant 0 : i32
      %dma_wait3A_147 = arith.constant 0 : i32
      %dma_wait3A_148 = tpu.memref_slice %arg2[%dma_wait3A, %dma_wait3A_146, %dma_wait3A_147] : memref<2x10000x64xf32, #tpu.memory_space<hbm>> -> memref<1x10000x64xf32, #tpu.memory_space<hbm>>
      %dma_wait3A_149 = tpu.memref_squeeze %dma_wait3A_148 : memref<1x10000x64xf32, #tpu.memory_space<hbm>> -> memref<10000x64xf32, #tpu.memory_space<hbm>>
      %dma_wait3A_150 = arith.constant 0 : i32
      %dma_wait3A_151 = arith.constant 0 : i32
      %dma_wait3A_152 = tpu.memref_slice %dma_wait3A_149[%dma_wait3A_150, %dma_wait3A_151] : memref<10000x64xf32, #tpu.memory_space<hbm>> -> memref<64x64xf32, #tpu.memory_space<hbm>>
      %dma_wait3A_153 = arith.constant 0 : i32
      %dma_wait3A_154 = arith.constant 0 : i32
      %dma_wait3A_155 = tpu.memref_slice %arg8[%dma_wait3A_141, %dma_wait3A_153, %dma_wait3A_154] : memref<8x64x64xf32, #tpu.memory_space<vmem>> -> memref<1x64x64xf32, #tpu.memory_space<vmem>>
      %dma_wait3A_156 = tpu.memref_squeeze %dma_wait3A_155 : memref<1x64x64xf32, #tpu.memory_space<vmem>> -> memref<64x64xf32, #tpu.memory_space<vmem>>
      %dma_wait3A_157 = arith.constant 0 : i32
      %dma_wait3A_158 = arith.constant 0 : i32
      %dma_wait3A_159 = tpu.memref_slice %arg2[%dma_wait3A, %dma_wait3A_157, %dma_wait3A_158] : memref<2x10000x64xf32, #tpu.memory_space<hbm>> -> memref<1x10000x64xf32, #tpu.memory_space<hbm>>
      %dma_wait3A_160 = tpu.memref_squeeze %dma_wait3A_159 : memref<1x10000x64xf32, #tpu.memory_space<hbm>> -> memref<10000x64xf32, #tpu.memory_space<hbm>>
      %dma_wait3A_161 = arith.constant 0 : i32
      %dma_wait3A_162 = arith.constant 0 : i32
      %dma_wait3A_163 = tpu.memref_slice %dma_wait3A_160[%dma_wait3A_161, %dma_wait3A_162] : memref<10000x64xf32, #tpu.memory_space<hbm>> -> memref<64x64xf32, #tpu.memory_space<hbm>>
      tpu.wait_dma2 semaphore(%arg11 : memref<!tpu.dma_semaphore, #tpu.memory_space<semaphore_mem>>) src(%dma_wait3A_163 : memref<64x64xf32, #tpu.memory_space<hbm>>) dst(%dma_wait3A_156 : memref<64x64xf32, #tpu.memory_space<vmem>>)
      %dma_wait3A_164 = arith.constant 1 : i32
      %dma_wait3A_165 = arith.constant 0 : i32
      %dma_wait3A_166 = arith.constant 0 : i32
      %dma_wait3A_167 = arith.constant 0 : i32
      %dma_wait3A_168 = tpu.memref_slice %arg8[%dma_wait3A_165, %dma_wait3A_166, %dma_wait3A_167] : memref<8x64x64xf32, #tpu.memory_space<vmem>> -> memref<1x64x64xf32, #tpu.memory_space<vmem>>
      %dma_wait3A_169 = tpu.memref_squeeze %dma_wait3A_168 : memref<1x64x64xf32, #tpu.memory_space<vmem>> -> memref<64x64xf32, #tpu.memory_space<vmem>>
      %dma_wait3A_170 = arith.constant 0 : i32
      %dma_wait3A_171 = arith.constant 0 : i32
      %dma_wait3A_172 = tpu.memref_slice %arg2[%dma_wait3A_164, %dma_wait3A_170, %dma_wait3A_171] : memref<2x10000x64xf32, #tpu.memory_space<hbm>> -> memref<1x10000x64xf32, #tpu.memory_space<hbm>>
      %dma_wait3A_173 = tpu.memref_squeeze %dma_wait3A_172 : memref<1x10000x64xf32, #tpu.memory_space<hbm>> -> memref<10000x64xf32, #tpu.memory_space<hbm>>
      %dma_wait3A_174 = arith.constant 0 : i32
      %dma_wait3A_175 = arith.constant 0 : i32
      %dma_wait3A_176 = tpu.memref_slice %dma_wait3A_173[%dma_wait3A_174, %dma_wait3A_175] : memref<10000x64xf32, #tpu.memory_space<hbm>> -> memref<64x64xf32, #tpu.memory_space<hbm>>
      %dma_wait3A_177 = arith.constant 0 : i32
      %dma_wait3A_178 = arith.constant 0 : i32
      %dma_wait3A_179 = tpu.memref_slice %arg8[%dma_wait3A_165, %dma_wait3A_177, %dma_wait3A_178] : memref<8x64x64xf32, #tpu.memory_space<vmem>> -> memref<1x64x64xf32, #tpu.memory_space<vmem>>
      %dma_wait3A_180 = tpu.memref_squeeze %dma_wait3A_179 : memref<1x64x64xf32, #tpu.memory_space<vmem>> -> memref<64x64xf32, #tpu.memory_space<vmem>>
      %dma_wait3A_181 = arith.constant 0 : i32
      %dma_wait3A_182 = arith.constant 0 : i32
      %dma_wait3A_183 = tpu.memref_slice %arg2[%dma_wait3A_164, %dma_wait3A_181, %dma_wait3A_182] : memref<2x10000x64xf32, #tpu.memory_space<hbm>> -> memref<1x10000x64xf32, #tpu.memory_space<hbm>>
      %dma_wait3A_184 = tpu.memref_squeeze %dma_wait3A_183 : memref<1x10000x64xf32, #tpu.memory_space<hbm>> -> memref<10000x64xf32, #tpu.memory_space<hbm>>
      %dma_wait3A_185 = arith.constant 0 : i32
      %dma_wait3A_186 = arith.constant 0 : i32
      %dma_wait3A_187 = tpu.memref_slice %dma_wait3A_184[%dma_wait3A_185, %dma_wait3A_186] : memref<10000x64xf32, #tpu.memory_space<hbm>> -> memref<64x64xf32, #tpu.memory_space<hbm>>
      tpu.wait_dma2 semaphore(%arg11 : memref<!tpu.dma_semaphore, #tpu.memory_space<semaphore_mem>>) src(%dma_wait3A_187 : memref<64x64xf32, #tpu.memory_space<hbm>>) dst(%dma_wait3A_180 : memref<64x64xf32, #tpu.memory_space<vmem>>)
      %dma_wait3A_188 = arith.constant 1 : i32
      %dma_wait3A_189 = arith.constant 0 : i32
      %dma_wait3A_190 = arith.constant 0 : i32
      %dma_wait3A_191 = arith.constant 0 : i32
      %dma_wait3A_192 = tpu.memref_slice %arg8[%dma_wait3A_189, %dma_wait3A_190, %dma_wait3A_191] : memref<8x64x64xf32, #tpu.memory_space<vmem>> -> memref<1x64x64xf32, #tpu.memory_space<vmem>>
      %dma_wait3A_193 = tpu.memref_squeeze %dma_wait3A_192 : memref<1x64x64xf32, #tpu.memory_space<vmem>> -> memref<64x64xf32, #tpu.memory_space<vmem>>
      %dma_wait3A_194 = arith.constant 0 : i32
      %dma_wait3A_195 = arith.constant 0 : i32
      %dma_wait3A_196 = tpu.memref_slice %arg2[%dma_wait3A_188, %dma_wait3A_194, %dma_wait3A_195] : memref<2x10000x64xf32, #tpu.memory_space<hbm>> -> memref<1x10000x64xf32, #tpu.memory_space<hbm>>
      %dma_wait3A_197 = tpu.memref_squeeze %dma_wait3A_196 : memref<1x10000x64xf32, #tpu.memory_space<hbm>> -> memref<10000x64xf32, #tpu.memory_space<hbm>>
      %dma_wait3A_198 = arith.constant 0 : i32
      %dma_wait3A_199 = arith.constant 0 : i32
      %dma_wait3A_200 = tpu.memref_slice %dma_wait3A_197[%dma_wait3A_198, %dma_wait3A_199] : memref<10000x64xf32, #tpu.memory_space<hbm>> -> memref<64x64xf32, #tpu.memory_space<hbm>>
      %dma_wait3A_201 = arith.constant 0 : i32
      %dma_wait3A_202 = arith.constant 0 : i32
      %dma_wait3A_203 = tpu.memref_slice %arg8[%dma_wait3A_189, %dma_wait3A_201, %dma_wait3A_202] : memref<8x64x64xf32, #tpu.memory_space<vmem>> -> memref<1x64x64xf32, #tpu.memory_space<vmem>>
      %dma_wait3A_204 = tpu.memref_squeeze %dma_wait3A_203 : memref<1x64x64xf32, #tpu.memory_space<vmem>> -> memref<64x64xf32, #tpu.memory_space<vmem>>
      %dma_wait3A_205 = arith.constant 0 : i32
      %dma_wait3A_206 = arith.constant 0 : i32
      %dma_wait3A_207 = tpu.memref_slice %arg2[%dma_wait3A_188, %dma_wait3A_205, %dma_wait3A_206] : memref<2x10000x64xf32, #tpu.memory_space<hbm>> -> memref<1x10000x64xf32, #tpu.memory_space<hbm>>
      %dma_wait3A_208 = tpu.memref_squeeze %dma_wait3A_207 : memref<1x10000x64xf32, #tpu.memory_space<hbm>> -> memref<10000x64xf32, #tpu.memory_space<hbm>>
      %dma_wait3A_209 = arith.constant 0 : i32
      %dma_wait3A_210 = arith.constant 0 : i32
      %dma_wait3A_211 = tpu.memref_slice %dma_wait3A_208[%dma_wait3A_209, %dma_wait3A_210] : memref<10000x64xf32, #tpu.memory_space<hbm>> -> memref<64x64xf32, #tpu.memory_space<hbm>>
      tpu.wait_dma2 semaphore(%arg11 : memref<!tpu.dma_semaphore, #tpu.memory_space<semaphore_mem>>) src(%dma_wait3A_211 : memref<64x64xf32, #tpu.memory_space<hbm>>) dst(%dma_wait3A_204 : memref<64x64xf32, #tpu.memory_space<vmem>>)
      %dma_wait3A_212 = arith.constant 1 : i32
      %dma_wait3A_213 = arith.constant 0 : i32
      %dma_wait3A_214 = arith.constant 0 : i32
      %dma_wait3A_215 = arith.constant 0 : i32
      %dma_wait3A_216 = tpu.memref_slice %arg8[%dma_wait3A_213, %dma_wait3A_214, %dma_wait3A_215] : memref<8x64x64xf32, #tpu.memory_space<vmem>> -> memref<1x64x64xf32, #tpu.memory_space<vmem>>
      %dma_wait3A_217 = tpu.memref_squeeze %dma_wait3A_216 : memref<1x64x64xf32, #tpu.memory_space<vmem>> -> memref<64x64xf32, #tpu.memory_space<vmem>>
      %dma_wait3A_218 = arith.constant 0 : i32
      %dma_wait3A_219 = arith.constant 0 : i32
      %dma_wait3A_220 = tpu.memref_slice %arg2[%dma_wait3A_212, %dma_wait3A_218, %dma_wait3A_219] : memref<2x10000x64xf32, #tpu.memory_space<hbm>> -> memref<1x10000x64xf32, #tpu.memory_space<hbm>>
      %dma_wait3A_221 = tpu.memref_squeeze %dma_wait3A_220 : memref<1x10000x64xf32, #tpu.memory_space<hbm>> -> memref<10000x64xf32, #tpu.memory_space<hbm>>
      %dma_wait3A_222 = arith.constant 0 : i32
      %dma_wait3A_223 = arith.constant 0 : i32
      %dma_wait3A_224 = tpu.memref_slice %dma_wait3A_221[%dma_wait3A_222, %dma_wait3A_223] : memref<10000x64xf32, #tpu.memory_space<hbm>> -> memref<64x64xf32, #tpu.memory_space<hbm>>
      %dma_wait3A_225 = arith.constant 0 : i32
      %dma_wait3A_226 = arith.constant 0 : i32
      %dma_wait3A_227 = tpu.memref_slice %arg8[%dma_wait3A_213, %dma_wait3A_225, %dma_wait3A_226] : memref<8x64x64xf32, #tpu.memory_space<vmem>> -> memref<1x64x64xf32, #tpu.memory_space<vmem>>
      %dma_wait3A_228 = tpu.memref_squeeze %dma_wait3A_227 : memref<1x64x64xf32, #tpu.memory_space<vmem>> -> memref<64x64xf32, #tpu.memory_space<vmem>>
      %dma_wait3A_229 = arith.constant 0 : i32
      %dma_wait3A_230 = arith.constant 0 : i32
      %dma_wait3A_231 = tpu.memref_slice %arg2[%dma_wait3A_212, %dma_wait3A_229, %dma_wait3A_230] : memref<2x10000x64xf32, #tpu.memory_space<hbm>> -> memref<1x10000x64xf32, #tpu.memory_space<hbm>>
      %dma_wait3A_232 = tpu.memref_squeeze %dma_wait3A_231 : memref<1x10000x64xf32, #tpu.memory_space<hbm>> -> memref<10000x64xf32, #tpu.memory_space<hbm>>
      %dma_wait3A_233 = arith.constant 0 : i32
      %dma_wait3A_234 = arith.constant 0 : i32
      %dma_wait3A_235 = tpu.memref_slice %dma_wait3A_232[%dma_wait3A_233, %dma_wait3A_234] : memref<10000x64xf32, #tpu.memory_space<hbm>> -> memref<64x64xf32, #tpu.memory_space<hbm>>
      tpu.wait_dma2 semaphore(%arg11 : memref<!tpu.dma_semaphore, #tpu.memory_space<semaphore_mem>>) src(%dma_wait3A_235 : memref<64x64xf32, #tpu.memory_space<hbm>>) dst(%dma_wait3A_228 : memref<64x64xf32, #tpu.memory_space<vmem>>)
      %dma_wait3A_236 = arith.constant 1 : i32
      %dma_wait3A_237 = arith.constant 0 : i32
      %dma_wait3A_238 = arith.constant 0 : i32
      %dma_wait3A_239 = arith.constant 0 : i32
      %dma_wait3A_240 = tpu.memref_slice %arg8[%dma_wait3A_237, %dma_wait3A_238, %dma_wait3A_239] : memref<8x64x64xf32, #tpu.memory_space<vmem>> -> memref<1x64x64xf32, #tpu.memory_space<vmem>>
      %dma_wait3A_241 = tpu.memref_squeeze %dma_wait3A_240 : memref<1x64x64xf32, #tpu.memory_space<vmem>> -> memref<64x64xf32, #tpu.memory_space<vmem>>
      %dma_wait3A_242 = arith.constant 0 : i32
      %dma_wait3A_243 = arith.constant 0 : i32
      %dma_wait3A_244 = tpu.memref_slice %arg2[%dma_wait3A_236, %dma_wait3A_242, %dma_wait3A_243] : memref<2x10000x64xf32, #tpu.memory_space<hbm>> -> memref<1x10000x64xf32, #tpu.memory_space<hbm>>
      %dma_wait3A_245 = tpu.memref_squeeze %dma_wait3A_244 : memref<1x10000x64xf32, #tpu.memory_space<hbm>> -> memref<10000x64xf32, #tpu.memory_space<hbm>>
      %dma_wait3A_246 = arith.constant 0 : i32
      %dma_wait3A_247 = arith.constant 0 : i32
      %dma_wait3A_248 = tpu.memref_slice %dma_wait3A_245[%dma_wait3A_246, %dma_wait3A_247] : memref<10000x64xf32, #tpu.memory_space<hbm>> -> memref<64x64xf32, #tpu.memory_space<hbm>>
      %dma_wait3A_249 = arith.constant 0 : i32
      %dma_wait3A_250 = arith.constant 0 : i32
      %dma_wait3A_251 = tpu.memref_slice %arg8[%dma_wait3A_237, %dma_wait3A_249, %dma_wait3A_250] : memref<8x64x64xf32, #tpu.memory_space<vmem>> -> memref<1x64x64xf32, #tpu.memory_space<vmem>>
      %dma_wait3A_252 = tpu.memref_squeeze %dma_wait3A_251 : memref<1x64x64xf32, #tpu.memory_space<vmem>> -> memref<64x64xf32, #tpu.memory_space<vmem>>
      %dma_wait3A_253 = arith.constant 0 : i32
      %dma_wait3A_254 = arith.constant 0 : i32
      %dma_wait3A_255 = tpu.memref_slice %arg2[%dma_wait3A_236, %dma_wait3A_253, %dma_wait3A_254] : memref<2x10000x64xf32, #tpu.memory_space<hbm>> -> memref<1x10000x64xf32, #tpu.memory_space<hbm>>
      %dma_wait3A_256 = tpu.memref_squeeze %dma_wait3A_255 : memref<1x10000x64xf32, #tpu.memory_space<hbm>> -> memref<10000x64xf32, #tpu.memory_space<hbm>>
      %dma_wait3A_257 = arith.constant 0 : i32
      %dma_wait3A_258 = arith.constant 0 : i32
      %dma_wait3A_259 = tpu.memref_slice %dma_wait3A_256[%dma_wait3A_257, %dma_wait3A_258] : memref<10000x64xf32, #tpu.memory_space<hbm>> -> memref<64x64xf32, #tpu.memory_space<hbm>>
      tpu.wait_dma2 semaphore(%arg11 : memref<!tpu.dma_semaphore, #tpu.memory_space<semaphore_mem>>) src(%dma_wait3A_259 : memref<64x64xf32, #tpu.memory_space<hbm>>) dst(%dma_wait3A_252 : memref<64x64xf32, #tpu.memory_space<vmem>>)
      %dma_wait3A_260 = arith.constant 1 : i32
      %dma_wait3A_261 = arith.constant 0 : i32
      %dma_wait3A_262 = arith.constant 0 : i32
      %dma_wait3A_263 = arith.constant 0 : i32
      %dma_wait3A_264 = tpu.memref_slice %arg8[%dma_wait3A_261, %dma_wait3A_262, %dma_wait3A_263] : memref<8x64x64xf32, #tpu.memory_space<vmem>> -> memref<1x64x64xf32, #tpu.memory_space<vmem>>
      %dma_wait3A_265 = tpu.memref_squeeze %dma_wait3A_264 : memref<1x64x64xf32, #tpu.memory_space<vmem>> -> memref<64x64xf32, #tpu.memory_space<vmem>>
      %dma_wait3A_266 = arith.constant 0 : i32
      %dma_wait3A_267 = arith.constant 0 : i32
      %dma_wait3A_268 = tpu.memref_slice %arg2[%dma_wait3A_260, %dma_wait3A_266, %dma_wait3A_267] : memref<2x10000x64xf32, #tpu.memory_space<hbm>> -> memref<1x10000x64xf32, #tpu.memory_space<hbm>>
      %dma_wait3A_269 = tpu.memref_squeeze %dma_wait3A_268 : memref<1x10000x64xf32, #tpu.memory_space<hbm>> -> memref<10000x64xf32, #tpu.memory_space<hbm>>
      %dma_wait3A_270 = arith.constant 0 : i32
      %dma_wait3A_271 = arith.constant 0 : i32
      %dma_wait3A_272 = tpu.memref_slice %dma_wait3A_269[%dma_wait3A_270, %dma_wait3A_271] : memref<10000x64xf32, #tpu.memory_space<hbm>> -> memref<64x64xf32, #tpu.memory_space<hbm>>
      %dma_wait3A_273 = arith.constant 0 : i32
      %dma_wait3A_274 = arith.constant 0 : i32
      %dma_wait3A_275 = tpu.memref_slice %arg8[%dma_wait3A_261, %dma_wait3A_273, %dma_wait3A_274] : memref<8x64x64xf32, #tpu.memory_space<vmem>> -> memref<1x64x64xf32, #tpu.memory_space<vmem>>
      %dma_wait3A_276 = tpu.memref_squeeze %dma_wait3A_275 : memref<1x64x64xf32, #tpu.memory_space<vmem>> -> memref<64x64xf32, #tpu.memory_space<vmem>>
      %dma_wait3A_277 = arith.constant 0 : i32
      %dma_wait3A_278 = arith.constant 0 : i32
      %dma_wait3A_279 = tpu.memref_slice %arg2[%dma_wait3A_260, %dma_wait3A_277, %dma_wait3A_278] : memref<2x10000x64xf32, #tpu.memory_space<hbm>> -> memref<1x10000x64xf32, #tpu.memory_space<hbm>>
      %dma_wait3A_280 = tpu.memref_squeeze %dma_wait3A_279 : memref<1x10000x64xf32, #tpu.memory_space<hbm>> -> memref<10000x64xf32, #tpu.memory_space<hbm>>
      %dma_wait3A_281 = arith.constant 0 : i32
      %dma_wait3A_282 = arith.constant 0 : i32
      %dma_wait3A_283 = tpu.memref_slice %dma_wait3A_280[%dma_wait3A_281, %dma_wait3A_282] : memref<10000x64xf32, #tpu.memory_space<hbm>> -> memref<64x64xf32, #tpu.memory_space<hbm>>
      tpu.wait_dma2 semaphore(%arg11 : memref<!tpu.dma_semaphore, #tpu.memory_space<semaphore_mem>>) src(%dma_wait3A_283 : memref<64x64xf32, #tpu.memory_space<hbm>>) dst(%dma_wait3A_276 : memref<64x64xf32, #tpu.memory_space<vmem>>)
      %dma_wait3A_284 = arith.constant 1 : i32
      %dma_wait3A_285 = arith.constant 0 : i32
      %dma_wait3A_286 = arith.constant 0 : i32
      %dma_wait3A_287 = arith.constant 0 : i32
      %dma_wait3A_288 = tpu.memref_slice %arg8[%dma_wait3A_285, %dma_wait3A_286, %dma_wait3A_287] : memref<8x64x64xf32, #tpu.memory_space<vmem>> -> memref<1x64x64xf32, #tpu.memory_space<vmem>>
      %dma_wait3A_289 = tpu.memref_squeeze %dma_wait3A_288 : memref<1x64x64xf32, #tpu.memory_space<vmem>> -> memref<64x64xf32, #tpu.memory_space<vmem>>
      %dma_wait3A_290 = arith.constant 0 : i32
      %dma_wait3A_291 = arith.constant 0 : i32
      %dma_wait3A_292 = tpu.memref_slice %arg2[%dma_wait3A_284, %dma_wait3A_290, %dma_wait3A_291] : memref<2x10000x64xf32, #tpu.memory_space<hbm>> -> memref<1x10000x64xf32, #tpu.memory_space<hbm>>
      %dma_wait3A_293 = tpu.memref_squeeze %dma_wait3A_292 : memref<1x10000x64xf32, #tpu.memory_space<hbm>> -> memref<10000x64xf32, #tpu.memory_space<hbm>>
      %dma_wait3A_294 = arith.constant 0 : i32
      %dma_wait3A_295 = arith.constant 0 : i32
      %dma_wait3A_296 = tpu.memref_slice %dma_wait3A_293[%dma_wait3A_294, %dma_wait3A_295] : memref<10000x64xf32, #tpu.memory_space<hbm>> -> memref<64x64xf32, #tpu.memory_space<hbm>>
      %dma_wait3A_297 = arith.constant 0 : i32
      %dma_wait3A_298 = arith.constant 0 : i32
      %dma_wait3A_299 = tpu.memref_slice %arg8[%dma_wait3A_285, %dma_wait3A_297, %dma_wait3A_298] : memref<8x64x64xf32, #tpu.memory_space<vmem>> -> memref<1x64x64xf32, #tpu.memory_space<vmem>>
      %dma_wait3A_300 = tpu.memref_squeeze %dma_wait3A_299 : memref<1x64x64xf32, #tpu.memory_space<vmem>> -> memref<64x64xf32, #tpu.memory_space<vmem>>
      %dma_wait3A_301 = arith.constant 0 : i32
      %dma_wait3A_302 = arith.constant 0 : i32
      %dma_wait3A_303 = tpu.memref_slice %arg2[%dma_wait3A_284, %dma_wait3A_301, %dma_wait3A_302] : memref<2x10000x64xf32, #tpu.memory_space<hbm>> -> memref<1x10000x64xf32, #tpu.memory_space<hbm>>
      %dma_wait3A_304 = tpu.memref_squeeze %dma_wait3A_303 : memref<1x10000x64xf32, #tpu.memory_space<hbm>> -> memref<10000x64xf32, #tpu.memory_space<hbm>>
      %dma_wait3A_305 = arith.constant 0 : i32
      %dma_wait3A_306 = arith.constant 0 : i32
      %dma_wait3A_307 = tpu.memref_slice %dma_wait3A_304[%dma_wait3A_305, %dma_wait3A_306] : memref<10000x64xf32, #tpu.memory_space<hbm>> -> memref<64x64xf32, #tpu.memory_space<hbm>>
      tpu.wait_dma2 semaphore(%arg11 : memref<!tpu.dma_semaphore, #tpu.memory_space<semaphore_mem>>) src(%dma_wait3A_307 : memref<64x64xf32, #tpu.memory_space<hbm>>) dst(%dma_wait3A_300 : memref<64x64xf32, #tpu.memory_space<vmem>>)
      %dma_wait3A_308 = arith.constant 1 : i32
      %dma_wait3A_309 = arith.constant 0 : i32
      %dma_wait3A_310 = arith.constant 0 : i32
      %dma_wait3A_311 = arith.constant 0 : i32
      %dma_wait3A_312 = tpu.memref_slice %arg8[%dma_wait3A_309, %dma_wait3A_310, %dma_wait3A_311] : memref<8x64x64xf32, #tpu.memory_space<vmem>> -> memref<1x64x64xf32, #tpu.memory_space<vmem>>
      %dma_wait3A_313 = tpu.memref_squeeze %dma_wait3A_312 : memref<1x64x64xf32, #tpu.memory_space<vmem>> -> memref<64x64xf32, #tpu.memory_space<vmem>>
      %dma_wait3A_314 = arith.constant 0 : i32
      %dma_wait3A_315 = arith.constant 0 : i32
      %dma_wait3A_316 = tpu.memref_slice %arg2[%dma_wait3A_308, %dma_wait3A_314, %dma_wait3A_315] : memref<2x10000x64xf32, #tpu.memory_space<hbm>> -> memref<1x10000x64xf32, #tpu.memory_space<hbm>>
      %dma_wait3A_317 = tpu.memref_squeeze %dma_wait3A_316 : memref<1x10000x64xf32, #tpu.memory_space<hbm>> -> memref<10000x64xf32, #tpu.memory_space<hbm>>
      %dma_wait3A_318 = arith.constant 0 : i32
      %dma_wait3A_319 = arith.constant 0 : i32
      %dma_wait3A_320 = tpu.memref_slice %dma_wait3A_317[%dma_wait3A_318, %dma_wait3A_319] : memref<10000x64xf32, #tpu.memory_space<hbm>> -> memref<64x64xf32, #tpu.memory_space<hbm>>
      %dma_wait3A_321 = arith.constant 0 : i32
      %dma_wait3A_322 = arith.constant 0 : i32
      %dma_wait3A_323 = tpu.memref_slice %arg8[%dma_wait3A_309, %dma_wait3A_321, %dma_wait3A_322] : memref<8x64x64xf32, #tpu.memory_space<vmem>> -> memref<1x64x64xf32, #tpu.memory_space<vmem>>
      %dma_wait3A_324 = tpu.memref_squeeze %dma_wait3A_323 : memref<1x64x64xf32, #tpu.memory_space<vmem>> -> memref<64x64xf32, #tpu.memory_space<vmem>>
      %dma_wait3A_325 = arith.constant 0 : i32
      %dma_wait3A_326 = arith.constant 0 : i32
      %dma_wait3A_327 = tpu.memref_slice %arg2[%dma_wait3A_308, %dma_wait3A_325, %dma_wait3A_326] : memref<2x10000x64xf32, #tpu.memory_space<hbm>> -> memref<1x10000x64xf32, #tpu.memory_space<hbm>>
      %dma_wait3A_328 = tpu.memref_squeeze %dma_wait3A_327 : memref<1x10000x64xf32, #tpu.memory_space<hbm>> -> memref<10000x64xf32, #tpu.memory_space<hbm>>
      %dma_wait3A_329 = arith.constant 0 : i32
      %dma_wait3A_330 = arith.constant 0 : i32
      %dma_wait3A_331 = tpu.memref_slice %dma_wait3A_328[%dma_wait3A_329, %dma_wait3A_330] : memref<10000x64xf32, #tpu.memory_space<hbm>> -> memref<64x64xf32, #tpu.memory_space<hbm>>
      tpu.wait_dma2 semaphore(%arg11 : memref<!tpu.dma_semaphore, #tpu.memory_space<semaphore_mem>>) src(%dma_wait3A_331 : memref<64x64xf32, #tpu.memory_space<hbm>>) dst(%dma_wait3A_324 : memref<64x64xf32, #tpu.memory_space<vmem>>)
    } else {
    }
    %barrier3A_23 = arith.constant 0 : index
    tpu.barrier barrier_id(%barrier3A_23)
    %lt3A_24 = arith.constant 15 : i32
    %lt3A_25 = arith.cmpi slt, %arg1, %lt3A_24 : i32
    %convert_element_type3A_26 = arith.extui %lt3A_25 : i1 to i32
    %cond3A_27 = arith.constant 0 : i32
    %cond3A_28 = arith.cmpi ne, %convert_element_type3A_26, %cond3A_27 : i32
    scf.if %cond3A_28 {
      %mul3A = arith.constant 632 : i32
      %mul3A_34 = arith.muli %arg1, %mul3A : i32
      "tpu.region"() ({
        %run_scoped3A = tpu.sem_alloc : memref<!tpu.dma_semaphore, #tpu.memory_space<semaphore_mem>>
        %dma_start3A = arith.constant 0 : i32
        %dma_start3A_35 = tpu.memref_slice %arg5[%arg0, %mul3A_34, %dma_start3A] : memref<2x10000x64xf32, #tpu.memory_space<hbm>> -> memref<1x632x64xf32, #tpu.memory_space<hbm>>
        %dma_start3A_36 = tpu.memref_squeeze %dma_start3A_35 : memref<1x632x64xf32, #tpu.memory_space<hbm>> -> memref<632x64xf32, #tpu.memory_space<hbm>>
        %dma_start3A_37 = arith.constant 0 : i32
        %dma_start3A_38 = tpu.memref_slice %arg9[%mul3A_34, %dma_start3A_37] : memref<10008x64xf32, #tpu.memory_space<vmem_shared>> -> memref<632x64xf32, #tpu.memory_space<vmem_shared>>
        tpu.enqueue_dma source(%dma_start3A_38 : memref<632x64xf32, #tpu.memory_space<vmem_shared>>) target(%dma_start3A_36 : memref<632x64xf32, #tpu.memory_space<hbm>>) target_semaphore(%run_scoped3A : memref<!tpu.dma_semaphore, #tpu.memory_space<semaphore_mem>>)
        %dma_wait3A = arith.constant 0 : i32
        %dma_wait3A_39 = tpu.memref_slice %arg5[%arg0, %mul3A_34, %dma_wait3A] : memref<2x10000x64xf32, #tpu.memory_space<hbm>> -> memref<1x632x64xf32, #tpu.memory_space<hbm>>
        %dma_wait3A_40 = tpu.memref_squeeze %dma_wait3A_39 : memref<1x632x64xf32, #tpu.memory_space<hbm>> -> memref<632x64xf32, #tpu.memory_space<hbm>>
        %dma_wait3A_41 = arith.constant 0 : i32
        %dma_wait3A_42 = tpu.memref_slice %arg9[%mul3A_34, %dma_wait3A_41] : memref<10008x64xf32, #tpu.memory_space<vmem_shared>> -> memref<632x64xf32, #tpu.memory_space<vmem_shared>>
        tpu.wait_dma2 semaphore(%run_scoped3A : memref<!tpu.dma_semaphore, #tpu.memory_space<semaphore_mem>>) src(%dma_wait3A_42 : memref<632x64xf32, #tpu.memory_space<vmem_shared>>) dst(%dma_wait3A_40 : memref<632x64xf32, #tpu.memory_space<hbm>>)
        tpu.yield
      }) : () -> ()
    } else {
    }
    %eq3A_29 = arith.constant 15 : i32
    %eq3A_30 = arith.cmpi eq, %arg1, %eq3A_29 : i32
    %convert_element_type3A_31 = arith.extui %eq3A_30 : i1 to i32
    %cond3A_32 = arith.constant 0 : i32
    %cond3A_33 = arith.cmpi ne, %convert_element_type3A_31, %cond3A_32 : i32
    scf.if %cond3A_33 {
      "tpu.region"() ({
        %run_scoped3A = tpu.sem_alloc : memref<!tpu.dma_semaphore, #tpu.memory_space<semaphore_mem>>
        %dma_start3A = arith.constant 9480 : i32
        %dma_start3A_34 = arith.constant 0 : i32
        %dma_start3A_35 = tpu.memref_slice %arg5[%arg0, %dma_start3A, %dma_start3A_34] : memref<2x10000x64xf32, #tpu.memory_space<hbm>> -> memref<1x520x64xf32, #tpu.memory_space<hbm>>
        %dma_start3A_36 = tpu.memref_squeeze %dma_start3A_35 : memref<1x520x64xf32, #tpu.memory_space<hbm>> -> memref<520x64xf32, #tpu.memory_space<hbm>>
        %dma_start3A_37 = arith.constant 9480 : i32
        %dma_start3A_38 = arith.constant 0 : i32
        %dma_start3A_39 = tpu.memref_slice %arg9[%dma_start3A_37, %dma_start3A_38] : memref<10008x64xf32, #tpu.memory_space<vmem_shared>> -> memref<520x64xf32, #tpu.memory_space<vmem_shared>>
        tpu.enqueue_dma source(%dma_start3A_39 : memref<520x64xf32, #tpu.memory_space<vmem_shared>>) target(%dma_start3A_36 : memref<520x64xf32, #tpu.memory_space<hbm>>) target_semaphore(%run_scoped3A : memref<!tpu.dma_semaphore, #tpu.memory_space<semaphore_mem>>)
        %dma_wait3A = arith.constant 9480 : i32
        %dma_wait3A_40 = arith.constant 0 : i32
        %dma_wait3A_41 = tpu.memref_slice %arg5[%arg0, %dma_wait3A, %dma_wait3A_40] : memref<2x10000x64xf32, #tpu.memory_space<hbm>> -> memref<1x520x64xf32, #tpu.memory_space<hbm>>
        %dma_wait3A_42 = tpu.memref_squeeze %dma_wait3A_41 : memref<1x520x64xf32, #tpu.memory_space<hbm>> -> memref<520x64xf32, #tpu.memory_space<hbm>>
        %dma_wait3A_43 = arith.constant 9480 : i32
        %dma_wait3A_44 = arith.constant 0 : i32
        %dma_wait3A_45 = tpu.memref_slice %arg9[%dma_wait3A_43, %dma_wait3A_44] : memref<10008x64xf32, #tpu.memory_space<vmem_shared>> -> memref<520x64xf32, #tpu.memory_space<vmem_shared>>
        tpu.wait_dma2 semaphore(%run_scoped3A : memref<!tpu.dma_semaphore, #tpu.memory_space<semaphore_mem>>) src(%dma_wait3A_45 : memref<520x64xf32, #tpu.memory_space<vmem_shared>>) dst(%dma_wait3A_42 : memref<520x64xf32, #tpu.memory_space<hbm>>)
        tpu.yield
      }) : () -> ()
    } else {
    }
    return
  }
}

module attributes {stable_mosaic.version = 14 : i64} {
  func.func @_tc_self_body(%arg0: i32, %arg1: memref<2000x128xf32, #tpu.memory_space<vmem>>, %arg2: memref<128x128xf32, #tpu.memory_space<vmem>>, %arg3: memref<1x128xf32, #tpu.memory_space<vmem>>, %arg4: memref<2000x128xf32, #tpu.memory_space<vmem>>) attributes {dimension_semantics = [#tpu.dimension_semantics<arbitrary>], iteration_bounds = array<i64: 5>, scalar_prefetch = 0 : i64, scratch_operands = 0 : i64, tpu.core_type = #tpu.core_type<tc>, window_params = [{transform_indices = @transform_0, window_bounds = array<i64: 2000, 128>}, {pipeline_mode = #tpu.pipeline_mode<synchronous>, transform_indices = @transform_1, window_bounds = array<i64: 128, 128>}, {pipeline_mode = #tpu.pipeline_mode<synchronous>, transform_indices = @transform_2, window_bounds = array<i64: 1, 128>}, {transform_indices = @transform_3, window_bounds = array<i64: 2000, 128>}]} {
    %get3A = arith.constant 0 : index
    %get3A_0 = arith.constant 0 : index
    %get3A_1 = vector.load %arg1[%get3A, %get3A_0] : memref<2000x128xf32, #tpu.memory_space<vmem>>, vector<2000x128xf32>
    %get3A_2 = arith.constant 0 : index
    %get3A_3 = arith.constant 0 : index
    %get3A_4 = vector.load %arg2[%get3A_2, %get3A_3] : memref<128x128xf32, #tpu.memory_space<vmem>>, vector<128x128xf32>
    %dot_general3A = arith.constant dense<0.000000e+00> : vector<2000x128xf32>
    %dot_general3A_5 = tpu.matmul %get3A_1, %get3A_4, %dot_general3A {dimension_numbers = #tpu.dot_dimension_numbers<[1], [0], [0], [1], [0, 0, 1, 1], [], []>, transpose_lhs_hint = false} : vector<2000x128xf32>, vector<128x128xf32>, vector<2000x128xf32> -> vector<2000x128xf32>
    %get3A_6 = arith.constant 0 : index
    %get3A_7 = arith.constant 0 : index
    %get3A_8 = vector.load %arg3[%get3A_6, %get3A_7] : memref<1x128xf32, #tpu.memory_space<vmem>>, vector<1x128xf32>
    %add3A = vector.broadcast %get3A_8 : vector<1x128xf32> to vector<2000x128xf32>
    %add3A_9 = arith.addf %dot_general3A_5, %add3A : vector<2000x128xf32>
    %swap3A = arith.constant 0 : index
    %swap3A_10 = arith.constant 0 : index
    %swap3A_11 = vector.load %arg4[%swap3A, %swap3A_10] : memref<2000x128xf32, #tpu.memory_space<vmem>>, vector<2000x128xf32>
    tpu.vector_store %arg4[%swap3A, %swap3A_10], %add3A_9 {strides = array<i32>} : memref<2000x128xf32, #tpu.memory_space<vmem>>, vector<2000x128xf32>,
    return
  }
  func.func @transform_0(%arg0: i32) -> (i32, i32) {
    %c0_i32 = arith.constant 0 : i32
    %c0_i32_0 = arith.constant 0 : i32
    return %arg0, %c0_i32 : i32, i32
  }
  func.func @transform_1(%arg0: i32) -> (i32, i32) {
    %c0_i32 = arith.constant 0 : i32
    %c0_i32_0 = arith.constant 0 : i32
    %c0_i32_1 = arith.constant 0 : i32
    return %c0_i32, %c0_i32_0 : i32, i32
  }
  func.func @transform_2(%arg0: i32) -> (i32, i32) {
    %c0_i32 = arith.constant 0 : i32
    %c0_i32_0 = arith.constant 0 : i32
    %c0_i32_1 = arith.constant 0 : i32
    return %c0_i32, %c0_i32_0 : i32, i32
  }
  func.func @transform_3(%arg0: i32) -> (i32, i32) {
    %c0_i32 = arith.constant 0 : i32
    %c0_i32_0 = arith.constant 0 : i32
    return %arg0, %c0_i32 : i32, i32
  }
}

module attributes {stable_mosaic.version = 14 : i64} {
  func.func @_tc_neigh_body(%arg0: i32, %arg1: memref<2000x128xf32, #tpu.memory_space<vmem>>, %arg2: memref<2x2000x64xf32, #tpu.memory_space<vmem>>, %arg3: memref<2000x16xf32, #tpu.memory_space<vmem>>, %arg4: memref<128x128xf32, #tpu.memory_space<vmem>>, %arg5: memref<2x2000x64xf32, #tpu.memory_space<vmem>>) attributes {dimension_semantics = [#tpu.dimension_semantics<arbitrary>], iteration_bounds = array<i64: 5>, scalar_prefetch = 0 : i64, scratch_operands = 0 : i64, tpu.core_type = #tpu.core_type<tc>, window_params = [{transform_indices = @transform_0, window_bounds = array<i64: 2000, 128>}, {transform_indices = @transform_1, window_bounds = array<i64: 2, 2000, 64>}, {transform_indices = @transform_2, window_bounds = array<i64: 2000, 16>}, {pipeline_mode = #tpu.pipeline_mode<synchronous>, transform_indices = @transform_3, window_bounds = array<i64: 128, 128>}, {transform_indices = @transform_4, window_bounds = array<i64: 2, 2000, 64>}]} {
    %get3A = arith.constant 0 : index
    %get3A_0 = arith.constant 0 : index
    %get3A_1 = vector.load %arg3[%get3A, %get3A_0] : memref<2000x16xf32, #tpu.memory_space<vmem>>, vector<2000x16xf32>
    %reduce_sum3A = arith.constant dense<0.000000e+00> : vector<2000xf32>
    %reduce_sum3A_2 = vector.multi_reduction <add>, %get3A_1, %reduce_sum3A [1] : vector<2000x16xf32> to vector<2000xf32>
    %broadcast_in_dim3A = vector.shape_cast %reduce_sum3A_2 : vector<2000xf32> to vector<2000x1xf32>
    %max3A = arith.constant 1.000000e+00 : f32
    %max3A_3 = vector.broadcast %max3A : f32 to vector<2000x1xf32>
    %max3A_4 = arith.maximumf %broadcast_in_dim3A, %max3A_3 : vector<2000x1xf32>
    %div3A = arith.constant 1.000000e+00 : f32
    %div3A_5 = vector.broadcast %div3A : f32 to vector<2000x1xf32>
    %div3A_6 = arith.divf %div3A_5, %max3A_4 : vector<2000x1xf32>
    %get3A_7 = arith.constant 0 : index
    %get3A_8 = arith.constant 0 : index
    %get3A_9 = vector.load %arg1[%get3A_7, %get3A_8] : memref<2000x128xf32, #tpu.memory_space<vmem>>, vector<2000x128xf32>
    %get3A_10 = arith.constant 0 : index
    %get3A_11 = arith.constant 0 : index
    %get3A_12 = arith.constant 0 : index
    %get3A_13 = vector.load %arg2[%get3A_10, %get3A_11, %get3A_12] : memref<2x2000x64xf32, #tpu.memory_space<vmem>>, vector<1x2000x64xf32>
    %get3A_14 = vector.shape_cast %get3A_13 : vector<1x2000x64xf32> to vector<2000x64xf32>
    %mul3A = vector.broadcast %div3A_6 : vector<2000x1xf32> to vector<2000x64xf32>
    %mul3A_15 = arith.mulf %get3A_14, %mul3A : vector<2000x64xf32>
    %get3A_16 = arith.constant 0 : index
    %get3A_17 = arith.constant 0 : index
    %get3A_18 = vector.load %arg4[%get3A_16, %get3A_17] : memref<128x128xf32, #tpu.memory_space<vmem>>, vector<64x128xf32>
    %dot_general3A = arith.constant dense<0.000000e+00> : vector<2000x128xf32>
    %dot_general3A_19 = tpu.matmul %mul3A_15, %get3A_18, %dot_general3A {dimension_numbers = #tpu.dot_dimension_numbers<[1], [0], [0], [1], [0, 0, 1, 1], [], []>, transpose_lhs_hint = false} : vector<2000x64xf32>, vector<64x128xf32>, vector<2000x128xf32> -> vector<2000x128xf32>
    %add3A = arith.addf %get3A_9, %dot_general3A_19 : vector<2000x128xf32>
    %get3A_20 = arith.constant 1 : index
    %get3A_21 = arith.constant 0 : index
    %get3A_22 = arith.constant 0 : index
    %get3A_23 = vector.load %arg2[%get3A_20, %get3A_21, %get3A_22] : memref<2x2000x64xf32, #tpu.memory_space<vmem>>, vector<1x2000x64xf32>
    %get3A_24 = vector.shape_cast %get3A_23 : vector<1x2000x64xf32> to vector<2000x64xf32>
    %mul3A_25 = vector.broadcast %div3A_6 : vector<2000x1xf32> to vector<2000x64xf32>
    %mul3A_26 = arith.mulf %get3A_24, %mul3A_25 : vector<2000x64xf32>
    %get3A_27 = arith.constant 64 : index
    %get3A_28 = arith.constant 0 : index
    %get3A_29 = vector.load %arg4[%get3A_27, %get3A_28] : memref<128x128xf32, #tpu.memory_space<vmem>>, vector<64x128xf32>
    %dot_general3A_30 = arith.constant dense<0.000000e+00> : vector<2000x128xf32>
    %dot_general3A_31 = tpu.matmul %mul3A_26, %get3A_29, %dot_general3A_30 {dimension_numbers = #tpu.dot_dimension_numbers<[1], [0], [0], [1], [0, 0, 1, 1], [], []>, transpose_lhs_hint = false} : vector<2000x64xf32>, vector<64x128xf32>, vector<2000x128xf32> -> vector<2000x128xf32>
    %add3A_32 = arith.addf %add3A, %dot_general3A_31 : vector<2000x128xf32>
    %slice3A = vector.extract_strided_slice %add3A_32 {offsets = [0, 0], sizes = [2000, 64], strides = [1, 1]} : vector<2000x128xf32> to vector<2000x64xf32>
    %swap3A = arith.constant 0 : index
    %swap3A_33 = arith.constant 0 : index
    %swap3A_34 = arith.constant 0 : index
    %swap3A_35 = vector.load %arg5[%swap3A, %swap3A_33, %swap3A_34] : memref<2x2000x64xf32, #tpu.memory_space<vmem>>, vector<1x2000x64xf32>
    %swap3A_36 = vector.shape_cast %swap3A_35 : vector<1x2000x64xf32> to vector<2000x64xf32>
    %swap3A_37 = vector.shape_cast %slice3A : vector<2000x64xf32> to vector<1x2000x64xf32>
    tpu.vector_store %arg5[%swap3A, %swap3A_33, %swap3A_34], %swap3A_37 {strides = array<i32>} : memref<2x2000x64xf32, #tpu.memory_space<vmem>>, vector<1x2000x64xf32>,
    %slice3A_38 = vector.extract_strided_slice %add3A_32 {offsets = [0, 64], sizes = [2000, 64], strides = [1, 1]} : vector<2000x128xf32> to vector<2000x64xf32>
    %swap3A_39 = arith.constant 1 : index
    %swap3A_40 = arith.constant 0 : index
    %swap3A_41 = arith.constant 0 : index
    %swap3A_42 = vector.load %arg5[%swap3A_39, %swap3A_40, %swap3A_41] : memref<2x2000x64xf32, #tpu.memory_space<vmem>>, vector<1x2000x64xf32>
    %swap3A_43 = vector.shape_cast %swap3A_42 : vector<1x2000x64xf32> to vector<2000x64xf32>
    %swap3A_44 = vector.shape_cast %slice3A_38 : vector<2000x64xf32> to vector<1x2000x64xf32>
    tpu.vector_store %arg5[%swap3A_39, %swap3A_40, %swap3A_41], %swap3A_44 {strides = array<i32>} : memref<2x2000x64xf32, #tpu.memory_space<vmem>>, vector<1x2000x64xf32>,
    return
  }
  func.func @transform_0(%arg0: i32) -> (i32, i32) {
    %c0_i32 = arith.constant 0 : i32
    %c0_i32_0 = arith.constant 0 : i32
    return %arg0, %c0_i32 : i32, i32
  }
  func.func @transform_1(%arg0: i32) -> (i32, i32, i32) {
    %c0_i32 = arith.constant 0 : i32
    %c0_i32_0 = arith.constant 0 : i32
    %c0_i32_1 = arith.constant 0 : i32
    return %c0_i32, %arg0, %c0_i32_0 : i32, i32, i32
  }
  func.func @transform_2(%arg0: i32) -> (i32, i32) {
    %c0_i32 = arith.constant 0 : i32
    %c0_i32_0 = arith.constant 0 : i32
    return %arg0, %c0_i32 : i32, i32
  }
  func.func @transform_3(%arg0: i32) -> (i32, i32) {
    %c0_i32 = arith.constant 0 : i32
    %c0_i32_0 = arith.constant 0 : i32
    %c0_i32_1 = arith.constant 0 : i32
    return %c0_i32, %c0_i32_0 : i32, i32
  }
  func.func @transform_4(%arg0: i32) -> (i32, i32, i32) {
    %c0_i32 = arith.constant 0 : i32
    %c0_i32_0 = arith.constant 0 : i32
    %c0_i32_1 = arith.constant 0 : i32
    return %c0_i32, %arg0, %c0_i32_0 : i32, i32, i32
  }
}

module attributes {stable_mosaic.version = 14 : i64} {
  func.func @_tc_self_body(%arg0: i32, %arg1: memref<2x2000x64xf32, #tpu.memory_space<vmem>>, %arg2: memref<128x128xf32, #tpu.memory_space<vmem>>, %arg3: memref<1x128xf32, #tpu.memory_space<vmem>>, %arg4: memref<2000x128xf32, #tpu.memory_space<vmem>>) attributes {dimension_semantics = [#tpu.dimension_semantics<arbitrary>], iteration_bounds = array<i64: 5>, scalar_prefetch = 0 : i64, scratch_operands = 0 : i64, tpu.core_type = #tpu.core_type<tc>, window_params = [{transform_indices = @transform_0, window_bounds = array<i64: 2, 2000, 64>}, {pipeline_mode = #tpu.pipeline_mode<synchronous>, transform_indices = @transform_1, window_bounds = array<i64: 128, 128>}, {pipeline_mode = #tpu.pipeline_mode<synchronous>, transform_indices = @transform_2, window_bounds = array<i64: 1, 128>}, {transform_indices = @transform_3, window_bounds = array<i64: 2000, 128>}]} {
    %get3A = arith.constant 0 : index
    %get3A_0 = arith.constant 0 : index
    %get3A_1 = arith.constant 0 : index
    %get3A_2 = vector.load %arg1[%get3A, %get3A_0, %get3A_1] : memref<2x2000x64xf32, #tpu.memory_space<vmem>>, vector<1x2000x64xf32>
    %get3A_3 = vector.shape_cast %get3A_2 : vector<1x2000x64xf32> to vector<2000x64xf32>
    %get3A_4 = arith.constant 0 : index
    %get3A_5 = arith.constant 0 : index
    %get3A_6 = vector.load %arg2[%get3A_4, %get3A_5] : memref<128x128xf32, #tpu.memory_space<vmem>>, vector<64x128xf32>
    %dot_general3A = arith.constant dense<0.000000e+00> : vector<2000x128xf32>
    %dot_general3A_7 = tpu.matmul %get3A_3, %get3A_6, %dot_general3A {dimension_numbers = #tpu.dot_dimension_numbers<[1], [0], [0], [1], [0, 0, 1, 1], [], []>, transpose_lhs_hint = false} : vector<2000x64xf32>, vector<64x128xf32>, vector<2000x128xf32> -> vector<2000x128xf32>
    %get3A_8 = arith.constant 1 : index
    %get3A_9 = arith.constant 0 : index
    %get3A_10 = arith.constant 0 : index
    %get3A_11 = vector.load %arg1[%get3A_8, %get3A_9, %get3A_10] : memref<2x2000x64xf32, #tpu.memory_space<vmem>>, vector<1x2000x64xf32>
    %get3A_12 = vector.shape_cast %get3A_11 : vector<1x2000x64xf32> to vector<2000x64xf32>
    %get3A_13 = arith.constant 64 : index
    %get3A_14 = arith.constant 0 : index
    %get3A_15 = vector.load %arg2[%get3A_13, %get3A_14] : memref<128x128xf32, #tpu.memory_space<vmem>>, vector<64x128xf32>
    %dot_general3A_16 = arith.constant dense<0.000000e+00> : vector<2000x128xf32>
    %dot_general3A_17 = tpu.matmul %get3A_12, %get3A_15, %dot_general3A_16 {dimension_numbers = #tpu.dot_dimension_numbers<[1], [0], [0], [1], [0, 0, 1, 1], [], []>, transpose_lhs_hint = false} : vector<2000x64xf32>, vector<64x128xf32>, vector<2000x128xf32> -> vector<2000x128xf32>
    %add3A = arith.addf %dot_general3A_7, %dot_general3A_17 : vector<2000x128xf32>
    %get3A_18 = arith.constant 0 : index
    %get3A_19 = arith.constant 0 : index
    %get3A_20 = vector.load %arg3[%get3A_18, %get3A_19] : memref<1x128xf32, #tpu.memory_space<vmem>>, vector<1x128xf32>
    %add3A_21 = vector.broadcast %get3A_20 : vector<1x128xf32> to vector<2000x128xf32>
    %add3A_22 = arith.addf %add3A, %add3A_21 : vector<2000x128xf32>
    %swap3A = arith.constant 0 : index
    %swap3A_23 = arith.constant 0 : index
    %swap3A_24 = vector.load %arg4[%swap3A, %swap3A_23] : memref<2000x128xf32, #tpu.memory_space<vmem>>, vector<2000x128xf32>
    tpu.vector_store %arg4[%swap3A, %swap3A_23], %add3A_22 {strides = array<i32>} : memref<2000x128xf32, #tpu.memory_space<vmem>>, vector<2000x128xf32>,
    return
  }
  func.func @transform_0(%arg0: i32) -> (i32, i32, i32) {
    %c0_i32 = arith.constant 0 : i32
    %c0_i32_0 = arith.constant 0 : i32
    %c0_i32_1 = arith.constant 0 : i32
    return %c0_i32, %arg0, %c0_i32_0 : i32, i32, i32
  }
  func.func @transform_1(%arg0: i32) -> (i32, i32) {
    %c0_i32 = arith.constant 0 : i32
    %c0_i32_0 = arith.constant 0 : i32
    %c0_i32_1 = arith.constant 0 : i32
    return %c0_i32, %c0_i32_0 : i32, i32
  }
  func.func @transform_2(%arg0: i32) -> (i32, i32) {
    %c0_i32 = arith.constant 0 : i32
    %c0_i32_0 = arith.constant 0 : i32
    %c0_i32_1 = arith.constant 0 : i32
    return %c0_i32, %c0_i32_0 : i32, i32
  }
  func.func @transform_3(%arg0: i32) -> (i32, i32) {
    %c0_i32 = arith.constant 0 : i32
    %c0_i32_0 = arith.constant 0 : i32
    return %arg0, %c0_i32 : i32, i32
  }
}

module attributes {stable_mosaic.version = 14 : i64} {
  func.func @_tc_neigh_body(%arg0: i32, %arg1: memref<2000x128xf32, #tpu.memory_space<vmem>>, %arg2: memref<2x2000x64xf32, #tpu.memory_space<vmem>>, %arg3: memref<2000x16xf32, #tpu.memory_space<vmem>>, %arg4: memref<128x128xf32, #tpu.memory_space<vmem>>, %arg5: memref<2000x128xf32, #tpu.memory_space<vmem>>) attributes {dimension_semantics = [#tpu.dimension_semantics<arbitrary>], iteration_bounds = array<i64: 5>, scalar_prefetch = 0 : i64, scratch_operands = 0 : i64, tpu.core_type = #tpu.core_type<tc>, window_params = [{transform_indices = @transform_0, window_bounds = array<i64: 2000, 128>}, {transform_indices = @transform_1, window_bounds = array<i64: 2, 2000, 64>}, {transform_indices = @transform_2, window_bounds = array<i64: 2000, 16>}, {pipeline_mode = #tpu.pipeline_mode<synchronous>, transform_indices = @transform_3, window_bounds = array<i64: 128, 128>}, {transform_indices = @transform_4, window_bounds = array<i64: 2000, 128>}]} {
    %get3A = arith.constant 0 : index
    %get3A_0 = arith.constant 0 : index
    %get3A_1 = vector.load %arg3[%get3A, %get3A_0] : memref<2000x16xf32, #tpu.memory_space<vmem>>, vector<2000x16xf32>
    %reduce_sum3A = arith.constant dense<0.000000e+00> : vector<2000xf32>
    %reduce_sum3A_2 = vector.multi_reduction <add>, %get3A_1, %reduce_sum3A [1] : vector<2000x16xf32> to vector<2000xf32>
    %broadcast_in_dim3A = vector.shape_cast %reduce_sum3A_2 : vector<2000xf32> to vector<2000x1xf32>
    %max3A = arith.constant 1.000000e+00 : f32
    %max3A_3 = vector.broadcast %max3A : f32 to vector<2000x1xf32>
    %max3A_4 = arith.maximumf %broadcast_in_dim3A, %max3A_3 : vector<2000x1xf32>
    %div3A = arith.constant 1.000000e+00 : f32
    %div3A_5 = vector.broadcast %div3A : f32 to vector<2000x1xf32>
    %div3A_6 = arith.divf %div3A_5, %max3A_4 : vector<2000x1xf32>
    %get3A_7 = arith.constant 0 : index
    %get3A_8 = arith.constant 0 : index
    %get3A_9 = vector.load %arg1[%get3A_7, %get3A_8] : memref<2000x128xf32, #tpu.memory_space<vmem>>, vector<2000x128xf32>
    %get3A_10 = arith.constant 0 : index
    %get3A_11 = arith.constant 0 : index
    %get3A_12 = arith.constant 0 : index
    %get3A_13 = vector.load %arg2[%get3A_10, %get3A_11, %get3A_12] : memref<2x2000x64xf32, #tpu.memory_space<vmem>>, vector<1x2000x64xf32>
    %get3A_14 = vector.shape_cast %get3A_13 : vector<1x2000x64xf32> to vector<2000x64xf32>
    %mul3A = vector.broadcast %div3A_6 : vector<2000x1xf32> to vector<2000x64xf32>
    %mul3A_15 = arith.mulf %get3A_14, %mul3A : vector<2000x64xf32>
    %get3A_16 = arith.constant 0 : index
    %get3A_17 = arith.constant 0 : index
    %get3A_18 = vector.load %arg4[%get3A_16, %get3A_17] : memref<128x128xf32, #tpu.memory_space<vmem>>, vector<64x128xf32>
    %dot_general3A = arith.constant dense<0.000000e+00> : vector<2000x128xf32>
    %dot_general3A_19 = tpu.matmul %mul3A_15, %get3A_18, %dot_general3A {dimension_numbers = #tpu.dot_dimension_numbers<[1], [0], [0], [1], [0, 0, 1, 1], [], []>, transpose_lhs_hint = false} : vector<2000x64xf32>, vector<64x128xf32>, vector<2000x128xf32> -> vector<2000x128xf32>
    %add3A = arith.addf %get3A_9, %dot_general3A_19 : vector<2000x128xf32>
    %get3A_20 = arith.constant 1 : index
    %get3A_21 = arith.constant 0 : index
    %get3A_22 = arith.constant 0 : index
    %get3A_23 = vector.load %arg2[%get3A_20, %get3A_21, %get3A_22] : memref<2x2000x64xf32, #tpu.memory_space<vmem>>, vector<1x2000x64xf32>
    %get3A_24 = vector.shape_cast %get3A_23 : vector<1x2000x64xf32> to vector<2000x64xf32>
    %mul3A_25 = vector.broadcast %div3A_6 : vector<2000x1xf32> to vector<2000x64xf32>
    %mul3A_26 = arith.mulf %get3A_24, %mul3A_25 : vector<2000x64xf32>
    %get3A_27 = arith.constant 64 : index
    %get3A_28 = arith.constant 0 : index
    %get3A_29 = vector.load %arg4[%get3A_27, %get3A_28] : memref<128x128xf32, #tpu.memory_space<vmem>>, vector<64x128xf32>
    %dot_general3A_30 = arith.constant dense<0.000000e+00> : vector<2000x128xf32>
    %dot_general3A_31 = tpu.matmul %mul3A_26, %get3A_29, %dot_general3A_30 {dimension_numbers = #tpu.dot_dimension_numbers<[1], [0], [0], [1], [0, 0, 1, 1], [], []>, transpose_lhs_hint = false} : vector<2000x64xf32>, vector<64x128xf32>, vector<2000x128xf32> -> vector<2000x128xf32>
    %add3A_32 = arith.addf %add3A, %dot_general3A_31 : vector<2000x128xf32>
    %swap3A = arith.constant 0 : index
    %swap3A_33 = arith.constant 0 : index
    %swap3A_34 = vector.load %arg5[%swap3A, %swap3A_33] : memref<2000x128xf32, #tpu.memory_space<vmem>>, vector<2000x128xf32>
    tpu.vector_store %arg5[%swap3A, %swap3A_33], %add3A_32 {strides = array<i32>} : memref<2000x128xf32, #tpu.memory_space<vmem>>, vector<2000x128xf32>,
    return
  }
  func.func @transform_0(%arg0: i32) -> (i32, i32) {
    %c0_i32 = arith.constant 0 : i32
    %c0_i32_0 = arith.constant 0 : i32
    return %arg0, %c0_i32 : i32, i32
  }
  func.func @transform_1(%arg0: i32) -> (i32, i32, i32) {
    %c0_i32 = arith.constant 0 : i32
    %c0_i32_0 = arith.constant 0 : i32
    %c0_i32_1 = arith.constant 0 : i32
    return %c0_i32, %arg0, %c0_i32_0 : i32, i32, i32
  }
  func.func @transform_2(%arg0: i32) -> (i32, i32) {
    %c0_i32 = arith.constant 0 : i32
    %c0_i32_0 = arith.constant 0 : i32
    return %arg0, %c0_i32 : i32, i32
  }
  func.func @transform_3(%arg0: i32) -> (i32, i32) {
    %c0_i32 = arith.constant 0 : i32
    %c0_i32_0 = arith.constant 0 : i32
    %c0_i32_1 = arith.constant 0 : i32
    return %c0_i32, %c0_i32_0 : i32, i32
  }
  func.func @transform_4(%arg0: i32) -> (i32, i32) {
    %c0_i32 = arith.constant 0 : i32
    %c0_i32_0 = arith.constant 0 : i32
    return %arg0, %c0_i32 : i32, i32
  }
}

</mosaic_0001>

<sc_bundles>
// kernel: sage_scatter.3.cloned.1.call-start
scs
__scs_entry_jumppad:
0x0: {  	(pc) =	sbr.rel $0x88, $3  }
0x1: {  	(tag) =	ssettag $0x0;
	lr =	simm.s32 $0x1  }
0x2: {  	[smem:$0x3F99] =	sst lr;
	_ =	strace $0xD0000000  }
0x3: {  	_ = 	snop  }
0x4: {  	_ = 	snop  }
0x5: {  	_ = 	snop  }
0x6: {  	_ = 	snop  }
0x7: {  	_ = 	snop  }
__scs_overlays_trampoline_lowered:
0x8: {  	[smem:$0x3FA8] =	sst s0  }
0x9: {  	[smem:$0x3FA9] =	sst s1  }
0xa: {  	[smem:$0x3FAA] =	sst s2  }
0xb: {  	[smem:$0x3FAB] =	sst s3  }
0xc: {  	[smem:$0x3FAC] =	sst s4  }
0xd: {  	[smem:$0x3FAD] =	sst s5  }
0xe: {  	[smem:$0x3FAE] =	sst s6  }
0xf: {  	[smem:$0x3FAF] =	sst s7  }
0x10: {  	[smem:$0x3FB0] =	sst s8  }
0x11: {  	[smem:$0x3FB1] =	sst s9;
	s0 =	simm.s32 @!p0 $0x0  }
0x12: {  	s1 =	sld [smem:$0x3F97];
	s0 =	simm.s32 @p0 $0x1  }
0x13: {  	[smem:$0x3FB2] =	sst s0;
	s0 =	simm.s32 @!p1 $0x0  }
0x14: {  	s2 =	sld [smem:$0x3F96];
	s0 =	simm.s32 @p1 $0x1  }
0x15: {  	[smem:$0x3FB3] =	sst s0;
	s0 =	simm.s32 @!p2 $0x0  }
0x16: {  	s3 =	sld [smem:$0x3FDB];
	s0 =	simm.s32 @p2 $0x1  }
0x17: {  	s4 =	simm.s32 $0x1BF5;
	[smem:$0x3FB5] =	sst s0  }
0x18: {  	s0 =	sld [smem:$0x3F98];
	_ =	swait.ge [sflag:s4], $0x0  }
0x19: {  	s7 =	sld [smem:$0x3F99]  }
0x1a: {  	s8 =	sadd.s32 $0xFFFFE003, lr  }
0x1b: {  	s9 =	sadd.s32 $0xFFFFFEF7, lr;
	s5 =	simm.s32 $0xFFFFFFFF;
	p2 =	slt.u32 s8, $0xFFFFF086  }
0x1c: {  	p1 =	slt.u32 s9, $0xF7A;
	s5 =	simm.s32 @!p2 $0x0  }
0x1d: {  	s5 =	simm.s32 @p1 $0x1;
	p0 =	seq.s32 s7, s2  }
0x1e: {  	s7 =	smul.u32 @!p0 $0xF7A, s2;
	p2 =	seq.s32 @!p0 s5, $0x0  }
0x1f: {  	s9 =	smul.u32 $0xF7A, s1;
	s8 =	simm.s32 @!p0 $0x1BF5;
	p2 =	por !p2, p0  }
0x20: {  	[sflag:s8] =	ssyncset.s32 @!p0 $0xFFFFF086;
	s6 =	sadd.s32 @!p0 s3, s7;
	s7 =	simm.s32 @!p0 $0x108  }
0x21: {  	s3 =	sadd.s32 s3, s9;
	s6 =	sadd.s32 @!p0 $0x88, s6;
	s7 =	simm.s32 @p2 $0x1082  }
0x22: {  	[simem:s7], [sflag:s8] =	dma.local @!p0 [hbm:s6], $0xF7A  }
0x23: {  	s9 =	sor.u32 $0xD0000000, s2;
	s6 =	simm.s32 $0x108;
	_ =	swait.ge @!p0 [sflag:s8], $0x0  }
0x24: {  	s3 =	sadd.s32 $0x88, s3;
	s6 =	simm.s32 @!p1 $0x1082;
	[sflag:s4] =	ssyncset.s32 $0xFFFFF086  }
0x25: {  	[simem:s6], [sflag:s4] =	dma.local [hbm:s3], $0xF7A  }
0x26: {  	[smem:$0x3F99] =	sst s1;
	(tag) =	ssettag s2;
	_ =	strace s9  }
0x27: {  	s1 =	sld [smem:$0x3FA9]  }
0x28: {  	s2 =	sld [smem:$0x3FAA]  }
0x29: {  	s4 =	sld [smem:$0x3FAC]  }
0x2a: {  	p0 =	seq.s32 s5, $0x0;
	s5 =	sld [smem:$0x3FAD]  }
0x2b: {  	s6 =	sld [smem:$0x3FAE]  }
0x2c: {  	s7 =	sld [smem:$0x3FAF]  }
0x2d: {  	s3 =	simm.s32 $0x108;
	s8 =	sld [smem:$0x3FB0]  }
0x2e: {  	s3 =	simm.s32 @!p0 $0x1082;
	s9 =	sld [smem:$0x3FB1]  }
0x2f: {  	lr =	sadd.s32 s0, s3;
	s0 =	sld [smem:$0x3FA8]  }
0x30: {  	s3 =	sld [smem:$0x3FAB]  }
0x31: {  	[smem:$0x3FB4] =	sst s10  }
0x32: {  	s10 =	sld [smem:$0x3FB2];
	_ =	sdelay $0x3  }
0x33: {  	p0 =	seq.s32 s10, $0x1;
	s10 =	sld [smem:$0x3FB4];
	_ =	sdelay $0x3  }
0x34: {  	[smem:$0x3FB4] =	sst s10  }
0x35: {  	s10 =	sld [smem:$0x3FB3];
	_ =	sdelay $0x3  }
0x36: {  	p1 =	seq.s32 s10, $0x1;
	s10 =	sld [smem:$0x3FB4];
	_ =	sdelay $0x3  }
0x37: {  	[smem:$0x3FB4] =	sst s10  }
0x38: {  	s10 =	sld [smem:$0x3FB5]  }
0x39: {  	_ = 	snop;
	(pc) =	sbr.ind lr, $3  }
0x3a: {  	_ = 	snop  }
0x3b: {  	_ = 	snop  }
0x3c: {  	p2 =	seq.s32 s10, $0x1;
	s10 =	sld [smem:$0x3FB4]  }
0x3d: {  	_ =	shalt  }
0x3e: {  	_ =	shalt  }
0x3f: {  	_ =	shalt  }
0x40: {  	_ =	shalt  }
0x41: {  	_ =	shalt  }
0x42: {  	_ =	shalt  }
0x43: {  	_ =	shalt  }
0x44: {  	_ =	shalt  }
0x45: {  	_ =	shalt  }
0x46: {  	_ =	shalt  }
0x47: {  	_ =	shalt  }
0x48: {  	_ =	shalt  }
0x49: {  	_ =	shalt  }
0x4a: {  	_ =	shalt  }
0x4b: {  	_ =	shalt  }
0x4c: {  	_ =	shalt  }
0x4d: {  	_ =	shalt  }
0x4e: {  	_ =	shalt  }
0x4f: {  	_ =	shalt  }
0x50: {  	_ =	shalt  }
0x51: {  	_ =	shalt  }
0x52: {  	_ =	shalt  }
0x53: {  	_ =	shalt  }
0x54: {  	_ =	shalt  }
0x55: {  	_ =	shalt  }
0x56: {  	_ =	shalt  }
0x57: {  	_ =	shalt  }
0x58: {  	_ =	shalt  }
0x59: {  	_ =	shalt  }
0x5a: {  	_ =	shalt  }
0x5b: {  	_ =	shalt  }
0x5c: {  	_ =	shalt  }
0x5d: {  	_ =	shalt  }
0x5e: {  	_ =	shalt  }
0x5f: {  	_ =	shalt  }
0x60: {  	_ =	shalt  }
0x61: {  	_ =	shalt  }
0x62: {  	_ =	shalt  }
0x63: {  	_ =	shalt  }
0x64: {  	_ =	shalt  }
0x65: {  	_ =	shalt  }
0x66: {  	_ =	shalt  }
0x67: {  	_ =	shalt  }
0x68: {  	_ =	shalt  }
0x69: {  	_ =	shalt  }
0x6a: {  	_ =	shalt  }
0x6b: {  	_ =	shalt  }
0x6c: {  	_ =	shalt  }
0x6d: {  	_ =	shalt  }
0x6e: {  	_ =	shalt  }
0x6f: {  	_ =	shalt  }
0x70: {  	_ =	shalt  }
0x71: {  	_ =	shalt  }
0x72: {  	_ =	shalt  }
0x73: {  	_ =	shalt  }
0x74: {  	_ =	shalt  }
0x75: {  	_ =	shalt  }
0x76: {  	_ =	shalt  }
0x77: {  	_ =	shalt  }
0x78: {  	_ =	shalt  }
0x79: {  	_ =	shalt  }
0x7a: {  	_ =	shalt  }
0x7b: {  	_ =	shalt  }
0x7c: {  	_ =	shalt  }
0x7d: {  	_ =	shalt  }
0x7e: {  	_ =	shalt  }
0x7f: {  	_ =	shalt  }
0x80: {  	_ =	shalt  }
0x81: {  	_ =	shalt  }
0x82: {  	_ =	shalt  }
0x83: {  	_ =	shalt  }
0x84: {  	_ =	shalt  }
0x85: {  	_ =	shalt  }
0x86: {  	_ =	shalt  }
0x87: {  	_ =	shalt  }
.Lfunc_end0:
.L_simem_size_0:
called_computation.1_lowered:
.L_overlay_start_0:
0x88: {  	s2 =	sld [smem:$0x3FD9]  }
0x89: {  	s3 =	sld [smem:$0x3FFE];
	_ =	sdelay $0x1  }
0x8a: {  	s1 =	srdreg.scid  }
0x8b: {  	s0 =	sand.u32 $0x1, s1  }
0x8c: {  	s17 =	sshll.u32 s0, $0xA;
	s2 =	sadd.s32 s3, s2  }
0x8d: {  	s2 =	sadd.s32 s2, s17  }
0x8e: {  	[smem:$0x3FC0] =	sst s2  }
0x8f: {  	_ = 	snop  }
0x90: {  	s2 =	sld [smem:$0x3FD0];
	(tm) =	ssettm $0x1  }
0x91: {  	s18 =	sld [smem:$0x3FFB];
	_ =	sdelay $0x3  }
0x92: {  	_ =	strace s18  }
0x93: {  	s3 =	sld [smem:$0x3FFC];
	_ =	sdelay $0x3  }
0x94: {  	_ =	strace s3  }
0x95: {  	s3 =	sld [smem:$0x3FFD];
	_ =	sdelay $0x3  }
0x96: {  	_ =	strace s3  }
0x97: {  	_ =	strace $0x8FFFFFFF  }
0x98: {  	s19 =	sld [smem:$0x3FDB];
	_ =	sdelay $0x1  }
0x99: {  	s4 =	simm.s32 $_scs_section_size  }
0x9a: {  	s5 =	simm.s32 $_size__tile_overlayer_lowered;
	s6 =	simm.s32 $_tile_overlayer_lowered  }
0x9b: {  	s22 =	simm.s32 $0x1BFF;
	s21 =	sshll.u32 s6, $0x1;
	s3 =	sadd.s32 s4, s19  }
0x9c: {  	s7 =	simm.s32 $0x0;
	s20 =	sshll.u32 s5, $0x1;
	s5 =	sadd.s32 s21, s3  }
0x9d: {  	[timem:s7], [sflag:s22] =	dma.local [hbm:s5], s20  }
0x9e: {  	_ =	swait.ge [sflag:s22], s20  }
0x9f: {  	s4 =	ssub.s32 $0x0, s20;
	[sflag:s22] =	ssyncset.done $0x0  }
0xa0: {  	[sflag:s22] =	ssyncadd.s32 s4;
	_ =	sdelay $0x1  }
0xa1: {  	s23 =	simm.s32 $0x1B8B  }
0xa2: {  	_ =	swait.ge [sflag:s23], $0x1  }
0xa3: {  	[sflag:s23] =	ssyncset.done $0x0  }
0xa4: {  	s25 =	simm.s32 $0x1B8E;
	s24 =	sld [smem:$0x3FFE];
	[sflag:s23] =	ssyncadd.s32 $0xFFFFFFFF  }
0xa5: {  	s26 =	simm.s32 $execute0_lowered;
	[smem:$0x3FD2] =	sst s25  }
0xa6: {  	s5 =	sshll.u32 s26, $0x1;
	_ =	strace $0x80000049;
	[dreg:$0x1] =	wrdreg $0xFFFFFFFF  }
0xa7: {  	s28 =	simm.s32 $_size_execute0_lowered;
	s3 =	sadd.s32 s3, s5;
	[dreg:$0x0] =	wrdreg $0x0  }
0xa8: {  	s5 =	sshll.u32 s28, $0x1;
	[dreg:$0x2] =	wrdreg s3  }
0xa9: {  	[dreg:$0x3] =	wrdreg s5  }
0xaa: {  	[dreg:$0x4] =	wrdreg $0xC0  }
0xab: {  	_ =	task [dreg:s7], $0x5FFFF  }
0xac: {  	[dreg:$0x1] =	wrdreg $0xFFFFFFFF  }
0xad: {  	[dreg:$0x0] =	wrdreg $0x60  }
0xae: {  	[dreg:$0x2] =	wrdreg s2  }
0xaf: {  	[dreg:$0x3] =	wrdreg s24  }
0xb0: {  	[dreg:$0x4] =	wrdreg $0x11C800  }
0xb1: {  	[dreg:$0x5] =	wrdreg $0x9  }
0xb2: {  	_ =	task.clear_ibuf [dreg:s7], $0x6FFFF;
	_ =	strace $0x90000049  }
0xb3: {  	s29 =	simm.s32 $0x9;
	_ =	strace $0x8000004B  }
0xb4: {  	_ =	swait.ge [sflag:s29], $0x1  }
0xb5: {  	[sflag:s29] =	ssyncadd.s32 $0xFFFFFFFF  }
0xb6: {  	_ =	strace $0x9000004B  }
0xb7: {  	_ =	sfence  }
0xb8: {  	s30 =	sld [smem:$0x0];
	_ =	sdelay $0x2  }
0xb9: {  	s31 =	sshll.u32 s1, $0xD;
	s1 =	sshrl.u32 s1, $0x2  }
0xba: {  	s3 =	sand.u32 $0x4000, s31;
	s1 =	sadd.s32 s1, s30  }
0xbb: {  	s0 =	sor.u32 s3, s0;
	s1 =	sshll.u32 s1, $0x11  }
0xbc: {  	s0 =	sor.u32 s1, s0  }
0xbd: {  	s0 =	sadd.s32 $0x8F2B, s0  }
0xbe: {  	[sflag:s0] =	ssyncadd.remote.s32 $0x1  }
0xbf: {  	_ =	sfence.sel $0xFFFF  }
0xc0: {  	[dreg:$0x0] =	wrdreg $0xFFFFFFFF;
	(pc) =	sbr.abs _section_cstart, $3  }
0xc1: {  	[dreg:$0x1] =	wrdreg $0xFFFFFFFF  }
0xc2: {  	_ =	task.clear_ibuf [dreg:s7], $0x2FFFF;
	_ =	strace $0x9FFFFFFF  }
0xc3: {  	(tm) =	ssettm $0x7FFFFFFF  }
tec
execute0_lowered:
.L_overlay_start_1:
0x0: {  	(tag) =	ssettag $0x1  }
0x1: {  	s2 =	rddreg [dreg:$0x0]  }
0x2: {  	s0 =	rddreg [dreg:$0x1]  }
0x3: {  	s3 =	rddreg [dreg:$0x2];
	s10 =	stileid.u32  }
0x4: {  	s4 =	simm.s32 $0x0;
	s5 =	srdreg.scid;
	s1 =	smul.u32 $0x9C8, s10  }
0x5: {  	[smem:$0x7FF] =	sst s4;
	s6 =	smul.u32 $0x27800, s10  }
0x6: {  	s5 =	sand.u32 $0x1, s5;
	s20 =	smul.u32 $0x9E00, s10;
	s17 =	sadd.s32 $0x94200, s3  }
0x7: {  	s23 =	sadd.s32 $0x95200, s3;
	s26 =	sadd.s32 $0x97200, s3;
	p1 =	seq.s32 s10, $0xF  }
0x8: {  	s28 =	sadd.s32 $0x9A200, s3;
	s29 =	sadd.s32 $0x9B200, s3;
	s30 =	sadd.s32 $0x9C200, s3  }
0x9: {  	s31 =	sadd.s32 $0x13880, s2;
	s10 =	simm.s32 $0x2;
	_ =	strace $0x8000004A  }
0xa: {  	s7 =	ssub.s32 $0x2, s5;
	s16 =	smul.u32 $0x9C400, s5;
	[dreg:$0xf] =	wrdreg s23  }
0xb: {  	p0 =	seq.s32 s5, $0x1;
	[dreg:$0x11] =	wrdreg s26;
	s1 =	sadd.s32 s1, s0  }
0xc: {  	s26 =	sadd.s32 $0x99200, s3;
	s6 =	sshrl.u32 s6, $0x2;
	s11 =	sadd.s32 $0xB400, s1  }
0xd: {  	s6 =	sadd.s32 s6, s3;
	s1 =	sadd.s32 $0x1600, s1;
	[dreg:$0x4] =	wrdreg s11  }
0xe: {  	s5 =	simm.s32 $0x40;
	[dreg:$0x5] =	wrdreg s1;
	s12 =	sadd.s32 $0x1000, s6  }
0xf: {  	s0 =	sadd.s32 $0x15200, s0;
	s13 =	sadd.s32 $0x2000, s6;
	[dreg:$0x6] =	wrdreg s12  }
0x10: {  	s8 =	sshrl.u32 s7, $0x1;
	s14 =	sadd.s32 $0x3000, s6;
	[dreg:$0x7] =	wrdreg s13  }
0x11: {  	s7 =	ssub.s32 s7, s8;
	s15 =	sadd.s32 $0x4000, s6;
	[dreg:$0x8] =	wrdreg s14  }
0x12: {  	s24 =	sadd.s32 s20, s16;
	s18 =	sadd.s32 $0x5000, s6;
	[dreg:$0x9] =	wrdreg s15  }
0x13: {  	s8 =	simm.s32 $0xAC80;
	s19 =	sadd.s32 $0x6000, s6;
	[dreg:$0xa] =	wrdreg s18  }
0x14: {  	s9 =	sadd.s32 $0x7000, s6;
	s21 =	sadd.s32 $0x8000, s6;
	[dreg:$0xb] =	wrdreg s19  }
0x15: {  	s22 =	sadd.s32 $0x9000, s6;
	s11 =	sadd.s32 $0x96200, s3;
	[dreg:$0xc] =	wrdreg s9  }
0x16: {  	s25 =	sshrl.u32 s24, $0x3;
	s1 =	sshrl.u32 s16, $0x3;
	[dreg:$0xd] =	wrdreg s21  }
.Ltmp0:
0x17: {  	s24 =	smax.u32 s7, $0x1;
	[dreg:$0xe] =	wrdreg s22;
	(pc) =	sbr.rel .LBB2_1-.Ltmp0, $4  }
0x18: {  	s7 =	simm.s32 $0x9C80;
	[dreg:$0x10] =	wrdreg s11;
	s21 =	sadd.s32 s0, s25  }
0x19: {  	s0 =	sadd.s32 s0, s1;
	s22 =	sadd.s32 $0x98200, s3;
	s1 =	sadd.s32 s20, s3  }
0x1a: {  	s9 =	simm.s32 $0x1;
	s11 =	simm.s32 $0x0;
	s23 =	sadd.s32 $0x12840, s0  }
0x1b: {  	v0 =	vimm.f32 $0.0e+00;
	s25 =	sshrl.u32 @!p1 s1, $0x3;
	s0 =	simm.s32 $0x3;
	s1 =	simm.s32 $0x4E40  }
.LBB2_6:
0x1c: {  	[sflag:s18] =	ssyncadd.s32 @!p2 $0xFFFFF000  }
0x1d: {  	[tilespmem:s19], [sflag:$0x1] =	stream.indirect.gather @!p2 [hbm4b:s2+s20], $0x40, s13, s20, $0xb8;
	[tilespmem:$0x1B8E0] =	vst v63  }
.LBB2_10:
0x1e: {  	_ =	swait.ge [sflag:s10], $0x1000  }
0x1f: {  	[sflag:s10] =	ssyncset.done $0x0  }
0x20: {  	[sflag:s10] =	ssyncadd.s32 $0xFFFFF000  }
0x21: {  	_ =	swait.ge [sflag:s10], $0x1000  }
0x22: {  	[sflag:s10] =	ssyncset.done $0x0  }
0x23: {  	[sflag:s10] =	ssyncadd.s32 $0xFFFFF000  }
0x24: {  	_ =	swait.ge [sflag:s10], $0x1000  }
0x25: {  	[sflag:s10] =	ssyncset.done $0x0  }
0x26: {  	[sflag:s10] =	ssyncadd.s32 $0xFFFFF000  }
0x27: {  	_ =	swait.ge [sflag:s10], $0x1000  }
0x28: {  	[sflag:s10] =	ssyncset.done $0x0  }
0x29: {  	[sflag:s10] =	ssyncadd.s32 $0xFFFFF000  }
0x2a: {  	_ =	swait.ge [sflag:s10], $0x1000  }
0x2b: {  	[sflag:s10] =	ssyncset.done $0x0  }
0x2c: {  	[sflag:s10] =	ssyncadd.s32 $0xFFFFF000  }
0x2d: {  	_ =	swait.ge [sflag:s10], $0x1000  }
0x2e: {  	[sflag:s10] =	ssyncset.done $0x0  }
0x2f: {  	[sflag:s10] =	ssyncadd.s32 $0xFFFFF000  }
0x30: {  	_ =	swait.ge [sflag:s10], $0x1000  }
0x31: {  	[sflag:s10] =	ssyncset.done $0x0  }
0x32: {  	[sflag:s10] =	ssyncadd.s32 $0xFFFFF000  }
0x33: {  	_ =	swait.ge [sflag:s10], $0x1000  }
0x34: {  	[sflag:s10] =	ssyncset.done $0x0  }
0x35: {  	[sflag:s10] =	ssyncadd.s32 $0xFFFFF000  }
0x36: {  	s12 =	sshrl.u32 @p1 s17, $0x3;
	s13 =	simm.s32 @p1 $0x1FC3;
	[bflag:$0x0] =	sbarrier.arrive $0xFFFF  }
0x37: {  	[hbm:s23], [sflag:s13] =	dma.local @p1 [spmem:s12], $0x1040  }
0x38: {  	s12 =	simm.s32 @p1 $0x3  }
0x39: {  	s13 =	stileid.u32;
	_ =	swait.ge @p1 [sflag:s12], $0x1040  }
0x3a: {  	s11 =	sadd.s32 $0x1, s11;
	s13 =	sshll.u32 @!p1 s13, $0x6;
	[sflag:s12] =	ssyncset.done @p1 $0x0  }
0x3b: {  	p2 =	sne.s32 s11, s24;
	[sflag:s12] =	ssyncadd.s32 @p1 $0xFFFFEFC0;
	s12 =	sor.u32 @!p1 $0x1C03, s13  }
0x3c: {  	[hbm:s21], [sflag:s12] =	dma.local @!p1 [spmem:s25], $0x13C0  }
.Ltmp1:
0x3d: {  	_ = 	snop;
	(pc) =	sbr.rel @!p2 .LBB2_11-.Ltmp1, $4  }
0x3e: {  	s12 =	simm.s32 @!p1 $0x3  }
0x3f: {  	_ =	swait.ge @!p1 [sflag:s12], $0x13C0  }
0x40: {  	[sflag:s12] =	ssyncset.done @!p1 $0x0  }
0x41: {  	[sflag:s12] =	ssyncadd.s32 @!p1 $0xFFFFEC40  }
.LBB2_1:
0x42: {  	s13 =	simm.s32 $0x100;
	s12 =	simm.s32 $0x0  }
.LBB2_2:
0x43: {  	p2 =	sne.s32 s13, $0x3F00;
	[tilespmem:s12+$0x9CB0] =	vst v0;
	s14 =	smov.u32 s13;
	s13 =	sadd.s32 $0x100, s13  }
.Ltmp2:
0x44: {  	[tilespmem:s12+$0x9CA0] =	vst v0;
	(pc) =	sbr.rel @p2 .LBB2_2-.Ltmp2, $3  }
0x45: {  	[tilespmem:s12+$0x9C80] =	vst v0  }
0x46: {  	[tilespmem:s12+$0x9C90] =	vst v0;
	_ =	sdelay $0x1  }
0x47: {  	s12 =	sshra.s32 s14, $0x2  }
0x48: {  	[tilespmem:s12+$0x9CB0] =	vst v0  }
0x49: {  	[tilespmem:s12+$0x9CA0] =	vst v0  }
0x4a: {  	[tilespmem:s12+$0x9C80] =	vst v0  }
0x4b: {  	[tilespmem:s12+$0x9C90] =	vst v0;
	s19 =	rddreg [dreg:$0x4]  }
0x4c: {  	[tilespmem:s4], [sflag:$0x3] =	stream.linear.gather [hbm4b:s19+s4], $0x4E40, $0x38;
	[tilespmem:$0x1B8E0] =	vst v63  }
0x4d: {  	_ =	swait.ge [sflag:s0], $0x4E40  }
0x4e: {  	[sflag:s0] =	ssyncset.done $0x0  }
0x4f: {  	s20 =	rddreg [dreg:$0x5];
	[sflag:s0] =	ssyncadd.s32 $0xFFFFB1C0  }
0x50: {  	[tilespmem:s1], [sflag:$0x3] =	stream.linear.gather [hbm4b:s20+s4], $0x4E40, $0x38;
	[tilespmem:$0x1B8E0] =	vst v63  }
0x51: {  	_ =	swait.ge [sflag:s0], $0x4E40  }
0x52: {  	[sflag:s0] =	ssyncset.done $0x0  }
0x53: {  	s12 =	simm.s32 @p1 $0x9C80;
	s13 =	simm.s32 @p1 $0x3;
	[sflag:s0] =	ssyncadd.s32 $0xFFFFB1C0  }
0x54: {  	[spmem:s17] =	stream.linear.scatter @p1 [tilespmem:s12], [sflag:$0x3], $0x1000, $0x38;
	[tilespmem:$0x1B8E0] =	vst v63  }
0x55: {  	_ =	swait.ge @p1 [sflag:s13], $0x1000  }
0x56: {  	[sflag:s13] =	ssyncset.done @p1 $0x0  }
0x57: {  	s14 =	rddreg [dreg:$0xf];
	[sflag:s13] =	ssyncadd.s32 @p1 $0xFFFFF000  }
0x58: {  	[spmem:s14] =	stream.linear.scatter @p1 [tilespmem:s12], [sflag:$0x3], $0x1000, $0x38;
	[tilespmem:$0x1B8E0] =	vst v63  }
0x59: {  	_ =	swait.ge @p1 [sflag:s13], $0x1000  }
0x5a: {  	[sflag:s13] =	ssyncset.done @p1 $0x0  }
0x5b: {  	s14 =	rddreg [dreg:$0x10];
	[sflag:s13] =	ssyncadd.s32 @p1 $0xFFFFF000  }
0x5c: {  	[spmem:s14] =	stream.linear.scatter @p1 [tilespmem:s12], [sflag:$0x3], $0x1000, $0x38;
	[tilespmem:$0x1B8E0] =	vst v63  }
0x5d: {  	_ =	swait.ge @p1 [sflag:s13], $0x1000  }
0x5e: {  	[sflag:s13] =	ssyncset.done @p1 $0x0  }
0x5f: {  	s14 =	rddreg [dreg:$0x11];
	[sflag:s13] =	ssyncadd.s32 @p1 $0xFFFFF000  }
0x60: {  	[spmem:s14] =	stream.linear.scatter @p1 [tilespmem:s12], [sflag:$0x3], $0x1000, $0x38;
	[tilespmem:$0x1B8E0] =	vst v63  }
0x61: {  	_ =	swait.ge @p1 [sflag:s13], $0x1000  }
0x62: {  	[sflag:s13] =	ssyncset.done @p1 $0x0  }
0x63: {  	[sflag:s13] =	ssyncadd.s32 @p1 $0xFFFFF000  }
0x64: {  	[spmem:s22] =	stream.linear.scatter @p1 [tilespmem:s12], [sflag:$0x3], $0x1000, $0x38;
	[tilespmem:$0x1B8E0] =	vst v63  }
0x65: {  	_ =	swait.ge @p1 [sflag:s13], $0x1000  }
0x66: {  	[sflag:s13] =	ssyncset.done @p1 $0x0  }
0x67: {  	[sflag:s13] =	ssyncadd.s32 @p1 $0xFFFFF000  }
0x68: {  	[spmem:s26] =	stream.linear.scatter @p1 [tilespmem:s12], [sflag:$0x3], $0x1000, $0x38;
	[tilespmem:$0x1B8E0] =	vst v63  }
0x69: {  	_ =	swait.ge @p1 [sflag:s13], $0x1000  }
0x6a: {  	[sflag:s13] =	ssyncset.done @p1 $0x0  }
0x6b: {  	[sflag:s13] =	ssyncadd.s32 @p1 $0xFFFFF000  }
0x6c: {  	[spmem:s28] =	stream.linear.scatter @p1 [tilespmem:s12], [sflag:$0x3], $0x1000, $0x38;
	[tilespmem:$0x1B8E0] =	vst v63  }
0x6d: {  	_ =	swait.ge @p1 [sflag:s13], $0x1000  }
0x6e: {  	[sflag:s13] =	ssyncset.done @p1 $0x0  }
0x6f: {  	[sflag:s13] =	ssyncadd.s32 @p1 $0xFFFFF000  }
0x70: {  	[spmem:s29] =	stream.linear.scatter @p1 [tilespmem:s12], [sflag:$0x3], $0x1000, $0x38;
	[tilespmem:$0x1B8E0] =	vst v63  }
0x71: {  	_ =	swait.ge @p1 [sflag:s13], $0x1000  }
0x72: {  	[sflag:s13] =	ssyncset.done @p1 $0x0  }
0x73: {  	[sflag:s13] =	ssyncadd.s32 @p1 $0xFFFFF000  }
0x74: {  	[spmem:s30] =	stream.linear.scatter @p1 [tilespmem:s12], [sflag:$0x3], $0x400, $0x38;
	[tilespmem:$0x1B8E0] =	vst v63  }
0x75: {  	_ =	swait.ge @p1 [sflag:s13], $0x400  }
0x76: {  	[sflag:s13] =	ssyncset.done @p1 $0x0  }
0x77: {  	s12 =	simm.s32 @!p1 $0x9C80;
	[sflag:s13] =	ssyncadd.s32 @p1 $0xFFFFFC00;
	s13 =	simm.s32 @!p1 $0x3  }
0x78: {  	[spmem:s6] =	stream.linear.scatter @!p1 [tilespmem:s12], [sflag:$0x3], $0x1000, $0x38;
	[tilespmem:$0x1B8E0] =	vst v63  }
0x79: {  	_ =	swait.ge @!p1 [sflag:s13], $0x1000  }
0x7a: {  	[sflag:s13] =	ssyncset.done @!p1 $0x0  }
0x7b: {  	s14 =	rddreg [dreg:$0x6];
	[sflag:s13] =	ssyncadd.s32 @!p1 $0xFFFFF000  }
0x7c: {  	[spmem:s14] =	stream.linear.scatter @!p1 [tilespmem:s12], [sflag:$0x3], $0x1000, $0x38;
	[tilespmem:$0x1B8E0] =	vst v63  }
0x7d: {  	_ =	swait.ge @!p1 [sflag:s13], $0x1000  }
0x7e: {  	[sflag:s13] =	ssyncset.done @!p1 $0x0  }
0x7f: {  	s14 =	rddreg [dreg:$0x7];
	[sflag:s13] =	ssyncadd.s32 @!p1 $0xFFFFF000  }
0x80: {  	[spmem:s14] =	stream.linear.scatter @!p1 [tilespmem:s12], [sflag:$0x3], $0x1000, $0x38;
	[tilespmem:$0x1B8E0] =	vst v63  }
0x81: {  	_ =	swait.ge @!p1 [sflag:s13], $0x1000  }
0x82: {  	[sflag:s13] =	ssyncset.done @!p1 $0x0  }
0x83: {  	s14 =	rddreg [dreg:$0x8];
	[sflag:s13] =	ssyncadd.s32 @!p1 $0xFFFFF000  }
0x84: {  	[spmem:s14] =	stream.linear.scatter @!p1 [tilespmem:s12], [sflag:$0x3], $0x1000, $0x38;
	[tilespmem:$0x1B8E0] =	vst v63  }
0x85: {  	_ =	swait.ge @!p1 [sflag:s13], $0x1000  }
0x86: {  	[sflag:s13] =	ssyncset.done @!p1 $0x0  }
0x87: {  	s14 =	rddreg [dreg:$0x9];
	[sflag:s13] =	ssyncadd.s32 @!p1 $0xFFFFF000  }
0x88: {  	[spmem:s14] =	stream.linear.scatter @!p1 [tilespmem:s12], [sflag:$0x3], $0x1000, $0x38;
	[tilespmem:$0x1B8E0] =	vst v63  }
0x89: {  	_ =	swait.ge @!p1 [sflag:s13], $0x1000  }
0x8a: {  	[sflag:s13] =	ssyncset.done @!p1 $0x0  }
0x8b: {  	s14 =	rddreg [dreg:$0xa];
	[sflag:s13] =	ssyncadd.s32 @!p1 $0xFFFFF000  }
0x8c: {  	[spmem:s14] =	stream.linear.scatter @!p1 [tilespmem:s12], [sflag:$0x3], $0x1000, $0x38;
	[tilespmem:$0x1B8E0] =	vst v63  }
0x8d: {  	_ =	swait.ge @!p1 [sflag:s13], $0x1000  }
0x8e: {  	[sflag:s13] =	ssyncset.done @!p1 $0x0  }
0x8f: {  	s14 =	rddreg [dreg:$0xb];
	[sflag:s13] =	ssyncadd.s32 @!p1 $0xFFFFF000  }
0x90: {  	[spmem:s14] =	stream.linear.scatter @!p1 [tilespmem:s12], [sflag:$0x3], $0x1000, $0x38;
	[tilespmem:$0x1B8E0] =	vst v63  }
0x91: {  	_ =	swait.ge @!p1 [sflag:s13], $0x1000  }
0x92: {  	[sflag:s13] =	ssyncset.done @!p1 $0x0  }
0x93: {  	s14 =	rddreg [dreg:$0xc];
	[sflag:s13] =	ssyncadd.s32 @!p1 $0xFFFFF000  }
0x94: {  	[spmem:s14] =	stream.linear.scatter @!p1 [tilespmem:s12], [sflag:$0x3], $0x1000, $0x38;
	[tilespmem:$0x1B8E0] =	vst v63  }
0x95: {  	_ =	swait.ge @!p1 [sflag:s13], $0x1000  }
0x96: {  	[sflag:s13] =	ssyncset.done @!p1 $0x0  }
0x97: {  	s14 =	rddreg [dreg:$0xd];
	[sflag:s13] =	ssyncadd.s32 @!p1 $0xFFFFF000  }
0x98: {  	[spmem:s14] =	stream.linear.scatter @!p1 [tilespmem:s12], [sflag:$0x3], $0x1000, $0x38;
	[tilespmem:$0x1B8E0] =	vst v63  }
0x99: {  	_ =	swait.ge @!p1 [sflag:s13], $0x1000  }
0x9a: {  	[sflag:s13] =	ssyncset.done @!p1 $0x0  }
0x9b: {  	s14 =	rddreg [dreg:$0xe];
	[sflag:s13] =	ssyncadd.s32 @!p1 $0xFFFFF000  }
0x9c: {  	[spmem:s14] =	stream.linear.scatter @!p1 [tilespmem:s12], [sflag:$0x3], $0xE00, $0x38;
	[tilespmem:$0x1B8E0] =	vst v63  }
.Ltmp3:
0x9d: {  	_ =	swait.ge @!p1 [sflag:s13], $0xE00;
	(pc) =	sbr.rel @!p0 .LBB2_4-.Ltmp3, $3  }
0x9e: {  	[sflag:s13] =	ssyncset.done @!p1 $0x0  }
0x9f: {  	[sflag:s13] =	ssyncadd.s32 @!p1 $0xFFFFF200  }
0xa0: {  	[bflag:$0x0] =	sbarrier.arrive $0xFFFF;
	_ =	sdelay $0x1  }
0xa1: {  	[tilespmem:s7], [sflag:$0x1] =	stream.indirect.gather [hbm4b:s31+s5], $0x40, s4, s5, $0xb8;
	[tilespmem:$0x1B8E0] =	vst v63  }
0xa2: {  	_ = 	snop  }
0xa3: {  	[tilespmem:s8], [sflag:$0x1] =	stream.indirect.gather [hbm4b:s31+s5], $0x40, s5, s5, $0xb8;
	[tilespmem:$0x1B8E0] =	vst v63  }
0xa4: {  	s12 =	simm.s32 $0x80;
	s13 =	simm.s32 $0xBC80  }
0xa5: {  	[tilespmem:s13], [sflag:$0x1] =	stream.indirect.gather [hbm4b:s31+s5], $0x40, s12, s5, $0xb8;
	[tilespmem:$0x1B8E0] =	vst v63  }
0xa6: {  	s16 =	simm.s32 $0xC0;
	s18 =	simm.s32 $0xCC80  }
0xa7: {  	[tilespmem:s18], [sflag:$0x1] =	stream.indirect.gather [hbm4b:s31+s5], $0x40, s16, s5, $0xb8;
	[tilespmem:$0x1B8E0] =	vst v63  }
0xa8: {  	s19 =	simm.s32 $0x100;
	s20 =	simm.s32 $0xDC80  }
0xa9: {  	[tilespmem:s20], [sflag:$0x1] =	stream.indirect.gather [hbm4b:s31+s5], $0x40, s19, s5, $0xb8;
	[tilespmem:$0x1B8E0] =	vst v63  }
0xaa: {  	s14 =	simm.s32 $0xEC80;
	s13 =	simm.s32 $0x140  }
0xab: {  	[tilespmem:s14], [sflag:$0x1] =	stream.indirect.gather [hbm4b:s31+s5], $0x40, s13, s5, $0xb8;
	[tilespmem:$0x1B8E0] =	vst v63  }
0xac: {  	_ =	swait.ge [sflag:s9], $0x1000  }
0xad: {  	[sflag:s9] =	ssyncset.done $0x0  }
0xae: {  	[sflag:s9] =	ssyncadd.s32 $0xFFFFF000  }
0xaf: {  	[spmem:s3] =	stream.indirect.scatter.add.f32 [tilespmem:s7], [sflag:$0x2], $0x40, s1, s5, $0xb8;
	[tilespmem:$0x1B8E0] =	vst v63  }
0xb0: {  	s15 =	simm.s32 $0x180;
	s16 =	simm.s32 $0xFC80  }
0xb1: {  	[tilespmem:s16], [sflag:$0x1] =	stream.indirect.gather [hbm4b:s31+s5], $0x40, s15, s5, $0xb8;
	[tilespmem:$0x1B8E0] =	vst v63  }
0xb2: {  	_ =	swait.ge [sflag:s9], $0x1000  }
0xb3: {  	p2 =	por $0x0, $0x0;
	[sflag:s9] =	ssyncset.done $0x0  }
0xb4: {  	s12 =	simm.s32 $0x20000;
	s18 =	simm.s32 $0x4E80;
	[sflag:s9] =	ssyncadd.s32 $0xFFFFF000  }
0xb5: {  	[spmem:s3] =	stream.indirect.scatter.add.f32 [tilespmem:s8], [sflag:$0x2], $0x40, s18, s5, $0xb8;
	[tilespmem:$0x1B8E0] =	vst v63  }
0xb6: {  	s19 =	simm.s32 $0x1C0;
	s20 =	simm.s32 $0x10C80;
	s14 =	simm.s32 $0x8000  }
0xb7: {  	[tilespmem:s20], [sflag:$0x1] =	stream.indirect.gather [hbm4b:s31+s5], $0x40, s19, s5, $0xb8;
	[tilespmem:$0x1B8E0] =	vst v63  }
0xb8: {  	s13 =	simm.s32 $0x200;
	s16 =	sand.u32 $0x1C000, s14;
	_ =	swait.ge [sflag:s9], $0x1000  }
0xb9: {  	s15 =	simm.s32 $0x4EC0;
	s16 =	sshrl.u32 s16, $0x2;
	[sflag:s9] =	ssyncset.done $0x0  }
0xba: {  	s14 =	simm.s32 $0x3;
	s16 =	sadd.s32 $0x9C80, s16;
	[sflag:s9] =	ssyncadd.s32 $0xFFFFF000  }
0xbb: {  	[spmem:s3] =	stream.indirect.scatter.add.f32 [tilespmem:s16], [sflag:$0x2], $0x40, s15, s5, $0xb8;
	[tilespmem:$0x1B8E0] =	vst v63  }
0xbc: {  	s18 =	simm.s32 @!p2 $0x2;
	s20 =	simm.s32 @!p2 $0x40;
	s16 =	sand.u32 @!p2 $0x1C000, s12  }
0xbd: {  	s15 =	simm.s32 $0x4F00;
	_ =	swait.ge @!p2 [sflag:s18], $0x1000;
	s19 =	sshrl.u32 @!p2 s16, $0x2  }
0xbe: {  	s16 =	simm.s32 $0x240;
	[sflag:s18] =	ssyncset.done @!p2 $0x0;
	s19 =	sadd.s32 @!p2 $0x9C80, s19  }
.LBB2_8:
0xbf: {  	[sflag:s18] =	ssyncadd.s32 @!p2 $0xFFFFF000  }
0xc0: {  	s12 =	sadd.s32 $0x4000, s12;
	s18 =	smov.u32 s14;
	s14 =	sadd.s32 $0x1, s14  }
0xc1: {  	[tilespmem:s19], [sflag:$0x1] =	stream.indirect.gather @!p2 [hbm4b:s31+s20], $0x40, s13, s20, $0xb8;
	[tilespmem:$0x1B8E0] =	vst v63  }
0xc2: {  	p3 =	sne.s32 s14, $0x139;
	s13 =	smov.u32 s16  }
0xc3: {  	s19 =	sadd.s32 $0xFFFE8000, s12  }
0xc4: {  	s19 =	sand.u32 $0x1C000, s19;
	_ =	swait.ge [sflag:s9], $0x1000  }
0xc5: {  	p2 =	sgt.u32 s18, $0x132;
	s19 =	sshrl.u32 s19, $0x2;
	[sflag:s9] =	ssyncset.done $0x0  }
.Ltmp4:
0xc6: {  	s19 =	sadd.s32 $0x9C80, s19;
	[sflag:s9] =	ssyncadd.s32 $0xFFFFF000;
	(pc) =	sbr.rel @p3 .LBB2_8-.Ltmp4, $4  }
0xc7: {  	[spmem:s3] =	stream.indirect.scatter.add.f32 [tilespmem:s19], [sflag:$0x2], $0x40, s15, s5, $0xb8;
	[tilespmem:$0x1B8E0] =	vst v63  }
0xc8: {  	s18 =	simm.s32 @!p2 $0x2;
	s19 =	sand.u32 @!p2 $0x1C000, s12;
	s15 =	sadd.s32 $0x40, s15  }
0xc9: {  	s16 =	sadd.s32 $0x40, s16;
	s19 =	sshrl.u32 @!p2 s19, $0x2;
	_ =	swait.ge @!p2 [sflag:s18], $0x1000  }
0xca: {  	s20 =	simm.s32 @!p2 $0x40;
	s19 =	sadd.s32 @!p2 $0x9C80, s19;
	[sflag:s18] =	ssyncset.done @!p2 $0x0  }
.Ltmp5:
0xcb: {  	(pc) =	sbr.rel .LBB2_10-.Ltmp5, $3  }
0xcc: {  	_ =	sdelay $0x1  }
0xcd: {  	[sflag:s18] =	ssyncadd.s32 @!p2 $0xFFFFF000  }
0xce: {  	[tilespmem:s19], [sflag:$0x1] =	stream.indirect.gather @!p2 [hbm4b:s31+s20], $0x40, s13, s20, $0xb8;
	[tilespmem:$0x1B8E0] =	vst v63  }
.LBB2_4:
0xcf: {  	[tilespmem:s7], [sflag:$0x1] =	stream.indirect.gather [hbm4b:s2+s5], $0x40, s4, s5, $0xb8;
	[tilespmem:$0x1B8E0] =	vst v63  }
0xd0: {  	_ = 	snop  }
0xd1: {  	[tilespmem:s8], [sflag:$0x1] =	stream.indirect.gather [hbm4b:s2+s5], $0x40, s5, s5, $0xb8;
	[tilespmem:$0x1B8E0] =	vst v63  }
0xd2: {  	s12 =	simm.s32 $0x80;
	s13 =	simm.s32 $0xBC80  }
0xd3: {  	[tilespmem:s13], [sflag:$0x1] =	stream.indirect.gather [hbm4b:s2+s5], $0x40, s12, s5, $0xb8;
	[tilespmem:$0x1B8E0] =	vst v63  }
0xd4: {  	s16 =	simm.s32 $0xC0;
	s18 =	simm.s32 $0xCC80  }
0xd5: {  	[tilespmem:s18], [sflag:$0x1] =	stream.indirect.gather [hbm4b:s2+s5], $0x40, s16, s5, $0xb8;
	[tilespmem:$0x1B8E0] =	vst v63  }
0xd6: {  	s19 =	simm.s32 $0x100;
	s20 =	simm.s32 $0xDC80  }
0xd7: {  	[tilespmem:s20], [sflag:$0x1] =	stream.indirect.gather [hbm4b:s2+s5], $0x40, s19, s5, $0xb8;
	[tilespmem:$0x1B8E0] =	vst v63  }
0xd8: {  	s14 =	simm.s32 $0xEC80;
	s13 =	simm.s32 $0x140  }
0xd9: {  	[tilespmem:s14], [sflag:$0x1] =	stream.indirect.gather [hbm4b:s2+s5], $0x40, s13, s5, $0xb8;
	[tilespmem:$0x1B8E0] =	vst v63  }
0xda: {  	_ =	swait.ge [sflag:s9], $0x1000  }
0xdb: {  	[sflag:s9] =	ssyncset.done $0x0  }
0xdc: {  	[sflag:s9] =	ssyncadd.s32 $0xFFFFF000  }
0xdd: {  	[spmem:s3] =	stream.indirect.scatter.add.f32 [tilespmem:s7], [sflag:$0x2], $0x40, s1, s5, $0xb8;
	[tilespmem:$0x1B8E0] =	vst v63  }
0xde: {  	s15 =	simm.s32 $0x180;
	s16 =	simm.s32 $0xFC80  }
0xdf: {  	[tilespmem:s16], [sflag:$0x1] =	stream.indirect.gather [hbm4b:s2+s5], $0x40, s15, s5, $0xb8;
	[tilespmem:$0x1B8E0] =	vst v63  }
0xe0: {  	_ =	swait.ge [sflag:s9], $0x1000  }
0xe1: {  	p2 =	por $0x0, $0x0;
	[sflag:s9] =	ssyncset.done $0x0  }
0xe2: {  	s12 =	simm.s32 $0x20000;
	s18 =	simm.s32 $0x4E80;
	[sflag:s9] =	ssyncadd.s32 $0xFFFFF000  }
0xe3: {  	[spmem:s3] =	stream.indirect.scatter.add.f32 [tilespmem:s8], [sflag:$0x2], $0x40, s18, s5, $0xb8;
	[tilespmem:$0x1B8E0] =	vst v63  }
0xe4: {  	s19 =	simm.s32 $0x1C0;
	s20 =	simm.s32 $0x10C80;
	s14 =	simm.s32 $0x8000  }
0xe5: {  	[tilespmem:s20], [sflag:$0x1] =	stream.indirect.gather [hbm4b:s2+s5], $0x40, s19, s5, $0xb8;
	[tilespmem:$0x1B8E0] =	vst v63  }
0xe6: {  	s13 =	simm.s32 $0x200;
	s16 =	sand.u32 $0x1C000, s14;
	_ =	swait.ge [sflag:s9], $0x1000  }
0xe7: {  	s15 =	simm.s32 $0x4EC0;
	s16 =	sshrl.u32 s16, $0x2;
	[sflag:s9] =	ssyncset.done $0x0  }
0xe8: {  	s14 =	simm.s32 $0x3;
	s16 =	sadd.s32 $0x9C80, s16;
	[sflag:s9] =	ssyncadd.s32 $0xFFFFF000  }
0xe9: {  	[spmem:s3] =	stream.indirect.scatter.add.f32 [tilespmem:s16], [sflag:$0x2], $0x40, s15, s5, $0xb8;
	[tilespmem:$0x1B8E0] =	vst v63  }
0xea: {  	s18 =	simm.s32 @!p2 $0x2;
	s20 =	simm.s32 @!p2 $0x40;
	s16 =	sand.u32 @!p2 $0x1C000, s12  }
0xeb: {  	s15 =	simm.s32 $0x4F00;
	_ =	swait.ge @!p2 [sflag:s18], $0x1000;
	s19 =	sshrl.u32 @!p2 s16, $0x2  }
0xec: {  	s16 =	simm.s32 $0x240;
	[sflag:s18] =	ssyncset.done @!p2 $0x0;
	s19 =	sadd.s32 @!p2 $0x9C80, s19  }
.LBB2_5:
0xed: {  	[sflag:s18] =	ssyncadd.s32 @!p2 $0xFFFFF000  }
0xee: {  	s12 =	sadd.s32 $0x4000, s12;
	s18 =	smov.u32 s14;
	s14 =	sadd.s32 $0x1, s14  }
0xef: {  	[tilespmem:s19], [sflag:$0x1] =	stream.indirect.gather @!p2 [hbm4b:s2+s20], $0x40, s13, s20, $0xb8;
	[tilespmem:$0x1B8E0] =	vst v63  }
0xf0: {  	p3 =	seq.s32 s14, $0x139;
	s13 =	smov.u32 s16  }
0xf1: {  	s19 =	sadd.s32 $0xFFFE8000, s12  }
0xf2: {  	s19 =	sand.u32 $0x1C000, s19;
	_ =	swait.ge [sflag:s9], $0x1000  }
0xf3: {  	p2 =	sgt.u32 s18, $0x132;
	s19 =	sshrl.u32 s19, $0x2;
	[sflag:s9] =	ssyncset.done $0x0  }
.Ltmp6:
0xf4: {  	s19 =	sadd.s32 $0x9C80, s19;
	[sflag:s9] =	ssyncadd.s32 $0xFFFFF000;
	(pc) =	sbr.rel @!p3 .LBB2_5-.Ltmp6, $4  }
0xf5: {  	[spmem:s3] =	stream.indirect.scatter.add.f32 [tilespmem:s19], [sflag:$0x2], $0x40, s15, s5, $0xb8;
	[tilespmem:$0x1B8E0] =	vst v63  }
0xf6: {  	s18 =	simm.s32 @!p2 $0x2;
	s19 =	sand.u32 @!p2 $0x1C000, s12;
	s15 =	sadd.s32 $0x40, s15  }
0xf7: {  	s16 =	sadd.s32 $0x40, s16;
	s19 =	sshrl.u32 @!p2 s19, $0x2;
	_ =	swait.ge @!p2 [sflag:s18], $0x1000  }
0xf8: {  	s20 =	simm.s32 @!p2 $0x40;
	s19 =	sadd.s32 @!p2 $0x9C80, s19;
	[sflag:s18] =	ssyncset.done @!p2 $0x0  }
.Ltmp7:
0xf9: {  	_ = 	snop;
	(pc) =	sbr.rel .LBB2_6-.Ltmp7, $1  }
0xfa: {  	_ =	sdelay $0x3  }
.LBB2_11:
0xfb: {  	_ =	sfence.sel $0x180000  }
0xfc: {  	[bflag:$0x0] =	sbarrier.arrive $0xFFFF  }
0xfd: {  	_ =	strace $0x9000004A  }
0xfe: {  	s0 =	stileid.u32;
	[bflag:$0x2] =	sbarrier.arrive $0xFFFF  }
0xff: {  	p0 =	sne.s32 s0, $0x0;
	s0 =	rddreg [dreg:$0x3]  }
0x100: {  	s0 =	sadd.s32 @!p0 $0x100000, s0  }
0x101: {  	[sflag:s0] =	ssyncadd.tile.s32 @!p0 $0x1;
	_ =	shalt  }
.Lfunc_end2:
_tile_overlayer_lowered:
.L_overlay_start_2:
0x102: {  	(tag) =	ssettag $0x2  }
0x103: {  	s0 =	rddreg [dreg:$0x0];
	s2 =	stileid.u32  }
0x104: {  	s1 =	rddreg [dreg:$0x1];
	p0 =	sne.s32 s2, $0x0  }
0x105: {  	s3 =	rddreg [dreg:$0x2];
	[bflag:$0x3] =	sbarrier.arrive $0xFFFF;
	s2 =	simm.s32 @!p0 $0x1C03  }
0x106: {  	[timem:s3], [sflag:s2] =	dma.local @!p0 [hbm:s0], s1  }
0x107: {  	s0 =	simm.s32 @!p0 $0x3  }
0x108: {  	_ =	swait.ge @!p0 [sflag:s0], s1  }
0x109: {  	s1 =	ssub.s32 @!p0 $0x0, s1;
	[sflag:s0] =	ssyncset.done @!p0 $0x0  }
0x10a: {  	[sflag:s0] =	ssyncadd.s32 @!p0 s1  }
0x10b: {  	[bflag:$0x3] =	sbarrier.arrive $0xFFFF  }
0x10c: {  	_ =	shalt  }

// kernel: sage_scatter_deg.3.cloned.1.call-start
scs
__scs_entry_jumppad:
0x0: {  	(pc) =	sbr.rel $0x88, $3  }
0x1: {  	(tag) =	ssettag $0x0;
	lr =	simm.s32 $0x1  }
0x2: {  	[smem:$0x3F99] =	sst lr;
	_ =	strace $0xD0000000  }
0x3: {  	_ = 	snop  }
0x4: {  	_ = 	snop  }
0x5: {  	_ = 	snop  }
0x6: {  	_ = 	snop  }
0x7: {  	_ = 	snop  }
__scs_overlays_trampoline_lowered:
0x8: {  	[smem:$0x3FA8] =	sst s0  }
0x9: {  	[smem:$0x3FA9] =	sst s1  }
0xa: {  	[smem:$0x3FAA] =	sst s2  }
0xb: {  	[smem:$0x3FAB] =	sst s3  }
0xc: {  	[smem:$0x3FAC] =	sst s4  }
0xd: {  	[smem:$0x3FAD] =	sst s5  }
0xe: {  	[smem:$0x3FAE] =	sst s6  }
0xf: {  	[smem:$0x3FAF] =	sst s7  }
0x10: {  	[smem:$0x3FB0] =	sst s8  }
0x11: {  	[smem:$0x3FB1] =	sst s9;
	s0 =	simm.s32 @!p0 $0x0  }
0x12: {  	s1 =	sld [smem:$0x3F97];
	s0 =	simm.s32 @p0 $0x1  }
0x13: {  	[smem:$0x3FB2] =	sst s0;
	s0 =	simm.s32 @!p1 $0x0  }
0x14: {  	s2 =	sld [smem:$0x3F96];
	s0 =	simm.s32 @p1 $0x1  }
0x15: {  	[smem:$0x3FB3] =	sst s0;
	s0 =	simm.s32 @!p2 $0x0  }
0x16: {  	s3 =	sld [smem:$0x3FDB];
	s0 =	simm.s32 @p2 $0x1  }
0x17: {  	s4 =	simm.s32 $0x1BF5;
	[smem:$0x3FB5] =	sst s0  }
0x18: {  	s0 =	sld [smem:$0x3F98];
	_ =	swait.ge [sflag:s4], $0x0  }
0x19: {  	s7 =	sld [smem:$0x3F99]  }
0x1a: {  	s8 =	sadd.s32 $0xFFFFE003, lr  }
0x1b: {  	s9 =	sadd.s32 $0xFFFFFEF7, lr;
	s5 =	simm.s32 $0xFFFFFFFF;
	p2 =	slt.u32 s8, $0xFFFFF086  }
0x1c: {  	p1 =	slt.u32 s9, $0xF7A;
	s5 =	simm.s32 @!p2 $0x0  }
0x1d: {  	s5 =	simm.s32 @p1 $0x1;
	p0 =	seq.s32 s7, s2  }
0x1e: {  	s7 =	smul.u32 @!p0 $0xF7A, s2;
	p2 =	seq.s32 @!p0 s5, $0x0  }
0x1f: {  	s9 =	smul.u32 $0xF7A, s1;
	s8 =	simm.s32 @!p0 $0x1BF5;
	p2 =	por !p2, p0  }
0x20: {  	[sflag:s8] =	ssyncset.s32 @!p0 $0xFFFFF086;
	s6 =	sadd.s32 @!p0 s3, s7;
	s7 =	simm.s32 @!p0 $0x108  }
0x21: {  	s3 =	sadd.s32 s3, s9;
	s6 =	sadd.s32 @!p0 $0x88, s6;
	s7 =	simm.s32 @p2 $0x1082  }
0x22: {  	[simem:s7], [sflag:s8] =	dma.local @!p0 [hbm:s6], $0xF7A  }
0x23: {  	s9 =	sor.u32 $0xD0000000, s2;
	s6 =	simm.s32 $0x108;
	_ =	swait.ge @!p0 [sflag:s8], $0x0  }
0x24: {  	s3 =	sadd.s32 $0x88, s3;
	s6 =	simm.s32 @!p1 $0x1082;
	[sflag:s4] =	ssyncset.s32 $0xFFFFF086  }
0x25: {  	[simem:s6], [sflag:s4] =	dma.local [hbm:s3], $0xF7A  }
0x26: {  	[smem:$0x3F99] =	sst s1;
	(tag) =	ssettag s2;
	_ =	strace s9  }
0x27: {  	s1 =	sld [smem:$0x3FA9]  }
0x28: {  	s2 =	sld [smem:$0x3FAA]  }
0x29: {  	s4 =	sld [smem:$0x3FAC]  }
0x2a: {  	p0 =	seq.s32 s5, $0x0;
	s5 =	sld [smem:$0x3FAD]  }
0x2b: {  	s6 =	sld [smem:$0x3FAE]  }
0x2c: {  	s7 =	sld [smem:$0x3FAF]  }
0x2d: {  	s3 =	simm.s32 $0x108;
	s8 =	sld [smem:$0x3FB0]  }
0x2e: {  	s3 =	simm.s32 @!p0 $0x1082;
	s9 =	sld [smem:$0x3FB1]  }
0x2f: {  	lr =	sadd.s32 s0, s3;
	s0 =	sld [smem:$0x3FA8]  }
0x30: {  	s3 =	sld [smem:$0x3FAB]  }
0x31: {  	[smem:$0x3FB4] =	sst s10  }
0x32: {  	s10 =	sld [smem:$0x3FB2];
	_ =	sdelay $0x3  }
0x33: {  	p0 =	seq.s32 s10, $0x1;
	s10 =	sld [smem:$0x3FB4];
	_ =	sdelay $0x3  }
0x34: {  	[smem:$0x3FB4] =	sst s10  }
0x35: {  	s10 =	sld [smem:$0x3FB3];
	_ =	sdelay $0x3  }
0x36: {  	p1 =	seq.s32 s10, $0x1;
	s10 =	sld [smem:$0x3FB4];
	_ =	sdelay $0x3  }
0x37: {  	[smem:$0x3FB4] =	sst s10  }
0x38: {  	s10 =	sld [smem:$0x3FB5]  }
0x39: {  	_ = 	snop;
	(pc) =	sbr.ind lr, $3  }
0x3a: {  	_ = 	snop  }
0x3b: {  	_ = 	snop  }
0x3c: {  	p2 =	seq.s32 s10, $0x1;
	s10 =	sld [smem:$0x3FB4]  }
0x3d: {  	_ =	shalt  }
0x3e: {  	_ =	shalt  }
0x3f: {  	_ =	shalt  }
0x40: {  	_ =	shalt  }
0x41: {  	_ =	shalt  }
0x42: {  	_ =	shalt  }
0x43: {  	_ =	shalt  }
0x44: {  	_ =	shalt  }
0x45: {  	_ =	shalt  }
0x46: {  	_ =	shalt  }
0x47: {  	_ =	shalt  }
0x48: {  	_ =	shalt  }
0x49: {  	_ =	shalt  }
0x4a: {  	_ =	shalt  }
0x4b: {  	_ =	shalt  }
0x4c: {  	_ =	shalt  }
0x4d: {  	_ =	shalt  }
0x4e: {  	_ =	shalt  }
0x4f: {  	_ =	shalt  }
0x50: {  	_ =	shalt  }
0x51: {  	_ =	shalt  }
0x52: {  	_ =	shalt  }
0x53: {  	_ =	shalt  }
0x54: {  	_ =	shalt  }
0x55: {  	_ =	shalt  }
0x56: {  	_ =	shalt  }
0x57: {  	_ =	shalt  }
0x58: {  	_ =	shalt  }
0x59: {  	_ =	shalt  }
0x5a: {  	_ =	shalt  }
0x5b: {  	_ =	shalt  }
0x5c: {  	_ =	shalt  }
0x5d: {  	_ =	shalt  }
0x5e: {  	_ =	shalt  }
0x5f: {  	_ =	shalt  }
0x60: {  	_ =	shalt  }
0x61: {  	_ =	shalt  }
0x62: {  	_ =	shalt  }
0x63: {  	_ =	shalt  }
0x64: {  	_ =	shalt  }
0x65: {  	_ =	shalt  }
0x66: {  	_ =	shalt  }
0x67: {  	_ =	shalt  }
0x68: {  	_ =	shalt  }
0x69: {  	_ =	shalt  }
0x6a: {  	_ =	shalt  }
0x6b: {  	_ =	shalt  }
0x6c: {  	_ =	shalt  }
0x6d: {  	_ =	shalt  }
0x6e: {  	_ =	shalt  }
0x6f: {  	_ =	shalt  }
0x70: {  	_ =	shalt  }
0x71: {  	_ =	shalt  }
0x72: {  	_ =	shalt  }
0x73: {  	_ =	shalt  }
0x74: {  	_ =	shalt  }
0x75: {  	_ =	shalt  }
0x76: {  	_ =	shalt  }
0x77: {  	_ =	shalt  }
0x78: {  	_ =	shalt  }
0x79: {  	_ =	shalt  }
0x7a: {  	_ =	shalt  }
0x7b: {  	_ =	shalt  }
0x7c: {  	_ =	shalt  }
0x7d: {  	_ =	shalt  }
0x7e: {  	_ =	shalt  }
0x7f: {  	_ =	shalt  }
0x80: {  	_ =	shalt  }
0x81: {  	_ =	shalt  }
0x82: {  	_ =	shalt  }
0x83: {  	_ =	shalt  }
0x84: {  	_ =	shalt  }
0x85: {  	_ =	shalt  }
0x86: {  	_ =	shalt  }
0x87: {  	_ =	shalt  }
.Lfunc_end0:
.L_simem_size_0:
called_computation_lowered:
.L_overlay_start_0:
0x88: {  	s2 =	sld [smem:$0x3FD9]  }
0x89: {  	s3 =	sld [smem:$0x3FFE];
	_ =	sdelay $0x1  }
0x8a: {  	s1 =	srdreg.scid  }
0x8b: {  	s0 =	sand.u32 $0x1, s1  }
0x8c: {  	s17 =	sshll.u32 s0, $0xA;
	s2 =	sadd.s32 s3, s2  }
0x8d: {  	s2 =	sadd.s32 s2, s17  }
0x8e: {  	[smem:$0x3FC0] =	sst s2  }
0x8f: {  	_ = 	snop  }
0x90: {  	s2 =	sld [smem:$0x3FD0];
	(tm) =	ssettm $0x1  }
0x91: {  	s18 =	sld [smem:$0x3FFB];
	_ =	sdelay $0x3  }
0x92: {  	_ =	strace s18  }
0x93: {  	s3 =	sld [smem:$0x3FFC];
	_ =	sdelay $0x3  }
0x94: {  	_ =	strace s3  }
0x95: {  	s3 =	sld [smem:$0x3FFD];
	_ =	sdelay $0x3  }
0x96: {  	_ =	strace s3  }
0x97: {  	_ =	strace $0x8FFFFFFF  }
0x98: {  	s19 =	sld [smem:$0x3FDB];
	_ =	sdelay $0x1  }
0x99: {  	s4 =	simm.s32 $_scs_section_size  }
0x9a: {  	s5 =	simm.s32 $_size__tile_overlayer_lowered;
	s6 =	simm.s32 $_tile_overlayer_lowered  }
0x9b: {  	s22 =	simm.s32 $0x1BFF;
	s21 =	sshll.u32 s6, $0x1;
	s3 =	sadd.s32 s4, s19  }
0x9c: {  	s7 =	simm.s32 $0x0;
	s20 =	sshll.u32 s5, $0x1;
	s5 =	sadd.s32 s21, s3  }
0x9d: {  	[timem:s7], [sflag:s22] =	dma.local [hbm:s5], s20  }
0x9e: {  	_ =	swait.ge [sflag:s22], s20  }
0x9f: {  	s4 =	ssub.s32 $0x0, s20;
	[sflag:s22] =	ssyncset.done $0x0  }
0xa0: {  	[sflag:s22] =	ssyncadd.s32 s4;
	_ =	sdelay $0x1  }
0xa1: {  	s23 =	simm.s32 $0x1B8B  }
0xa2: {  	_ =	swait.ge [sflag:s23], $0x1  }
0xa3: {  	[sflag:s23] =	ssyncset.done $0x0  }
0xa4: {  	s25 =	simm.s32 $0x1B8E;
	s24 =	sld [smem:$0x3FFE];
	[sflag:s23] =	ssyncadd.s32 $0xFFFFFFFF  }
0xa5: {  	s26 =	simm.s32 $execute0_lowered;
	[smem:$0x3FD2] =	sst s25  }
0xa6: {  	s5 =	sshll.u32 s26, $0x1;
	_ =	strace $0x80000046;
	[dreg:$0x1] =	wrdreg $0xFFFFFFFF  }
0xa7: {  	s28 =	simm.s32 $_size_execute0_lowered;
	s3 =	sadd.s32 s3, s5;
	[dreg:$0x0] =	wrdreg $0x0  }
0xa8: {  	s5 =	sshll.u32 s28, $0x1;
	[dreg:$0x2] =	wrdreg s3  }
0xa9: {  	[dreg:$0x3] =	wrdreg s5  }
0xaa: {  	[dreg:$0x4] =	wrdreg $0xC0  }
0xab: {  	_ =	task [dreg:s7], $0x5FFFF  }
0xac: {  	[dreg:$0x1] =	wrdreg $0xFFFFFFFF  }
0xad: {  	[dreg:$0x0] =	wrdreg $0x60  }
0xae: {  	[dreg:$0x2] =	wrdreg s2  }
0xaf: {  	[dreg:$0x3] =	wrdreg s24  }
0xb0: {  	[dreg:$0x4] =	wrdreg $0x143A00  }
0xb1: {  	[dreg:$0x5] =	wrdreg $0x9  }
0xb2: {  	_ =	task.clear_ibuf [dreg:s7], $0x6FFFF;
	_ =	strace $0x90000046  }
0xb3: {  	s29 =	simm.s32 $0x9;
	_ =	strace $0x80000048  }
0xb4: {  	_ =	swait.ge [sflag:s29], $0x1  }
0xb5: {  	[sflag:s29] =	ssyncadd.s32 $0xFFFFFFFF  }
0xb6: {  	_ =	strace $0x90000048  }
0xb7: {  	_ =	sfence  }
0xb8: {  	s30 =	sld [smem:$0x0];
	_ =	sdelay $0x2  }
0xb9: {  	s31 =	sshll.u32 s1, $0xD;
	s1 =	sshrl.u32 s1, $0x2  }
0xba: {  	s3 =	sand.u32 $0x4000, s31;
	s1 =	sadd.s32 s1, s30  }
0xbb: {  	s0 =	sor.u32 s3, s0;
	s1 =	sshll.u32 s1, $0x11  }
0xbc: {  	s0 =	sor.u32 s1, s0  }
0xbd: {  	s0 =	sadd.s32 $0x8F2B, s0  }
0xbe: {  	[sflag:s0] =	ssyncadd.remote.s32 $0x1  }
0xbf: {  	_ =	sfence.sel $0xFFFF  }
0xc0: {  	[dreg:$0x0] =	wrdreg $0xFFFFFFFF;
	(pc) =	sbr.abs _section_cstart, $3  }
0xc1: {  	[dreg:$0x1] =	wrdreg $0xFFFFFFFF  }
0xc2: {  	_ =	task.clear_ibuf [dreg:s7], $0x2FFFF;
	_ =	strace $0x9FFFFFFF  }
0xc3: {  	(tm) =	ssettm $0x7FFFFFFF  }
tec
execute0_lowered:
.L_overlay_start_1:
0x0: {  	(tag) =	ssettag $0x1  }
0x1: {  	s1 =	rddreg [dreg:$0x0]  }
0x2: {  	s0 =	rddreg [dreg:$0x1];
	s21 =	stileid.u32  }
0x3: {  	s3 =	rddreg [dreg:$0x2];
	s2 =	smul.u32 $0x9C8, s21  }
0x4: {  	s4 =	simm.s32 $0x0;
	s5 =	srdreg.scid;
	s15 =	smul.u32 $0x27800, s21  }
0x5: {  	[smem:$0x7FF] =	sst s4;
	s6 =	sand.u32 $0x1, s5;
	s7 =	smul.u32 $0x4E2, s21  }
0x6: {  	s9 =	sadd.s32 $0x1A200, s0;
	s19 =	smul.u32 $0x9E00, s21;
	s17 =	sadd.s32 $0x94200, s3  }
0x7: {  	p1 =	seq.s32 s21, $0xF;
	s29 =	sadd.s32 $0x9A200, s3;
	s30 =	sadd.s32 $0x9B200, s3  }
0x8: {  	s31 =	sadd.s32 $0x9C200, s3;
	_ =	strace $0x80000047;
	s8 =	ssub.s32 $0x2, s6  }
0x9: {  	s16 =	smul.u32 $0x9C400, s6;
	p0 =	sne.s32 s6, $0x0;
	s2 =	sadd.s32 s2, s0  }
0xa: {  	s10 =	sshrl.u32 s8, $0x1;
	s5 =	sshrl.u32 s15, $0x2;
	s0 =	sadd.s32 s7, s0  }
0xb: {  	s15 =	sadd.s32 $0x96200, s3;
	s6 =	sadd.s32 s19, s3;
	s7 =	ssub.s32 s8, s10  }
0xc: {  	s22 =	sadd.s32 $0xB400, s2;
	s23 =	sadd.s32 $0x1600, s2;
	s14 =	sadd.s32 s19, s16  }
0xd: {  	s2 =	sshrl.u32 s16, $0x3;
	[dreg:$0xb] =	wrdreg s15;
	s16 =	sadd.s32 $0x97200, s3  }
0xe: {  	s5 =	sadd.s32 s5, s3;
	s0 =	sadd.s32 $0x15200, s0;
	[dreg:$0xc] =	wrdreg s16  }
0xf: {  	s19 =	sadd.s32 $0x98200, s3;
	s8 =	simm.s32 $0x9C80;
	[dreg:$0xe] =	wrdreg s0  }
0x10: {  	s24 =	sadd.s32 $0x1000, s5;
	s18 =	sadd.s32 $0x5000, s5;
	[dreg:$0x11] =	wrdreg s19  }
0x11: {  	s25 =	sadd.s32 $0x2000, s5;
	s20 =	sadd.s32 $0x6000, s5;
	[dreg:$0x4] =	wrdreg s18  }
0x12: {  	s26 =	sadd.s32 $0x3000, s5;
	s11 =	sadd.s32 $0x7000, s5;
	[dreg:$0x5] =	wrdreg s20  }
0x13: {  	s28 =	sadd.s32 $0x4000, s5;
	s12 =	sadd.s32 $0x8000, s5;
	[dreg:$0x6] =	wrdreg s11  }
0x14: {  	s13 =	sadd.s32 $0x9000, s5;
	s10 =	sshrl.u32 s14, $0x3;
	[dreg:$0x7] =	wrdreg s12  }
0x15: {  	s2 =	sadd.s32 s9, s2;
	s0 =	sshrl.u32 @!p1 s6, $0x3;
	[dreg:$0x8] =	wrdreg s13  }
0x16: {  	s16 =	simm.s32 $0x4E40;
	s11 =	sadd.s32 $0x95200, s3;
	[dreg:$0x10] =	wrdreg s0  }
0x17: {  	s10 =	sadd.s32 s9, s10;
	s2 =	sadd.s32 $0x12840, s2;
	[dreg:$0x9] =	wrdreg s11  }
.Ltmp0:
0x18: {  	s18 =	smax.u32 s7, $0x1;
	[dreg:$0xa] =	wrdreg s10;
	(pc) =	sbr.rel .LBB2_1-.Ltmp0, $4  }
0x19: {  	s20 =	sadd.s32 $0x99200, s3;
	s0 =	sadd.s32 $0x13880, s1;
	[dreg:$0xd] =	wrdreg s2  }
0x1a: {  	s7 =	simm.s32 $0x40;
	s9 =	simm.s32 $0xAC80;
	[dreg:$0xf] =	wrdreg s18  }
0x1b: {  	s12 =	simm.s32 $0x2;
	s13 =	simm.s32 $0x0;
	[dreg:$0x12] =	wrdreg s20  }
0x1c: {  	v0 =	vimm.f32 $0.0e+00;
	v1 =	vimm.f32 $1.000000000e+00;
	s2 =	simm.s32 $0x3;
	s10 =	simm.s32 $0x1;
	s11 =	simm.s32 $0x11C80  }
.LBB2_10:
0x1d: {  	[sflag:s20] =	ssyncadd.s32 @!p2 $0xFFFFF000  }
0x1e: {  	[tilespmem:s21], [sflag:$0x1] =	stream.indirect.gather @!p2 [hbm4b:s0+s22], $0x40, s15, s22, $0xb8;
	[tilespmem:$0x1E000] =	vst v63  }
0x1f: {  	s21 =	stileid.u32  }
0x20: {  	s22 =	smov.u32 s23;
	s23 =	smov.u32 s24;
	s24 =	smov.u32 s25  }
0x21: {  	s25 =	smov.u32 s26;
	s26 =	smov.u32 s28;
	s28 =	smov.u32 s6  }
.LBB2_11:
0x22: {  	_ =	swait.ge [sflag:s12], $0x1000  }
0x23: {  	[sflag:s12] =	ssyncset.done $0x0  }
0x24: {  	[sflag:s12] =	ssyncadd.s32 $0xFFFFF000  }
0x25: {  	_ =	swait.ge [sflag:s12], $0x1000  }
0x26: {  	[sflag:s12] =	ssyncset.done $0x0  }
0x27: {  	[sflag:s12] =	ssyncadd.s32 $0xFFFFF000  }
0x28: {  	_ =	swait.ge [sflag:s12], $0x1000  }
0x29: {  	[sflag:s12] =	ssyncset.done $0x0  }
0x2a: {  	[sflag:s12] =	ssyncadd.s32 $0xFFFFF000  }
0x2b: {  	_ =	swait.ge [sflag:s12], $0x1000  }
0x2c: {  	[sflag:s12] =	ssyncset.done $0x0  }
0x2d: {  	[sflag:s12] =	ssyncadd.s32 $0xFFFFF000  }
0x2e: {  	_ =	swait.ge [sflag:s12], $0x1000  }
0x2f: {  	[sflag:s12] =	ssyncset.done $0x0  }
0x30: {  	[sflag:s12] =	ssyncadd.s32 $0xFFFFF000  }
0x31: {  	_ =	swait.ge [sflag:s12], $0x1000  }
0x32: {  	[sflag:s12] =	ssyncset.done $0x0  }
0x33: {  	[sflag:s12] =	ssyncadd.s32 $0xFFFFF000  }
0x34: {  	_ =	swait.ge [sflag:s12], $0x1000  }
0x35: {  	[sflag:s12] =	ssyncset.done $0x0  }
0x36: {  	[sflag:s12] =	ssyncadd.s32 $0xFFFFF000  }
0x37: {  	_ =	swait.ge [sflag:s12], $0x1000  }
0x38: {  	[sflag:s12] =	ssyncset.done $0x0  }
0x39: {  	[sflag:s12] =	ssyncadd.s32 $0xFFFFF000  }
0x3a: {  	[bflag:$0x0] =	sbarrier.arrive $0xFFFF  }
0x3b: {  	s14 =	sshrl.u32 @p1 s17, $0x3;
	s15 =	simm.s32 @p1 $0x1FC3;
	s6 =	rddreg [dreg:$0xd]  }
0x3c: {  	[hbm:s6], [sflag:s15] =	dma.local @p1 [spmem:s14], $0x1040  }
0x3d: {  	s14 =	simm.s32 @p1 $0x3  }
0x3e: {  	_ =	swait.ge @p1 [sflag:s14], $0x1040  }
0x3f: {  	s15 =	sshll.u32 @!p1 s21, $0x6;
	[sflag:s14] =	ssyncset.done @p1 $0x0;
	s6 =	rddreg [dreg:$0xa]  }
0x40: {  	[sflag:s14] =	ssyncadd.s32 @p1 $0xFFFFEFC0;
	s14 =	sor.u32 @!p1 $0x1C03, s15;
	s15 =	rddreg [dreg:$0x10]  }
0x41: {  	[hbm:s6], [sflag:s14] =	dma.local @!p1 [spmem:s15], $0x13C0  }
0x42: {  	s14 =	simm.s32 @!p1 $0x3  }
0x43: {  	_ =	swait.ge @!p1 [sflag:s14], $0x13C0  }
0x44: {  	s15 =	simm.s32 @!p0 $0x11C80;
	[sflag:s14] =	ssyncset.done @!p1 $0x0  }
0x45: {  	s6 =	rddreg [dreg:$0xe];
	[sflag:s14] =	ssyncadd.s32 @!p1 $0xFFFFEC40;
	s14 =	simm.s32 @!p0 $0x0  }
0x46: {  	[hbm4b:s6+s14] =	stream.linear.scatter @!p0 [tilespmem:s15], [sflag:$0x3], $0x2710, $0x38;
	[tilespmem:$0x1E000] =	vst v63  }
0x47: {  	s14 =	simm.s32 @!p0 $0x3  }
0x48: {  	_ =	swait.ge @!p0 [sflag:s14], $0x2710  }
0x49: {  	s13 =	sadd.s32 $0x1, s13;
	s20 =	rddreg [dreg:$0xf]  }
0x4a: {  	p2 =	sne.s32 s13, s20  }
.Ltmp1:
0x4b: {  	_ = 	snop;
	(pc) =	sbr.rel @!p2 .LBB2_12-.Ltmp1, $3  }
0x4c: {  	_ =	sdelay $0x1  }
0x4d: {  	[sflag:s14] =	ssyncset.done @!p0 $0x0  }
0x4e: {  	s16 =	simm.s32 $0x4E40;
	[sflag:s14] =	ssyncadd.s32 @!p0 $0xFFFFD8F0  }
.LBB2_1:
0x4f: {  	s14 =	simm.s32 $0x0  }
.LBB2_2:
0x50: {  	p2 =	sne.s32 s14, $0x3F00  }
.Ltmp2:
0x51: {  	s15 =	sshra.s32 s14, $0x2;
	(pc) =	sbr.rel @p2 .LBB2_2-.Ltmp2, $4  }
0x52: {  	[tilespmem:s15+$0x9C80] =	vst v0  }
0x53: {  	[tilespmem:s15+$0x9C90] =	vst v0  }
0x54: {  	[tilespmem:s15+$0x9CA0] =	vst v0  }
0x55: {  	s14 =	sadd.s32 $0x100, s14;
	[tilespmem:s15+$0x9CB0] =	vst v0  }
0x56: {  	s14 =	simm.s32 $0x40;
	s15 =	simm.s32 $0x0  }
.LBB2_4:
0x57: {  	p2 =	sne.s32 s14, $0x9C40;
	[tilespmem:s15+$0x11C80] =	vst v0;
	s15 =	smov.u32 s14;
	s14 =	sadd.s32 $0x40, s14  }
.Ltmp3:
0x58: {  	(pc) =	sbr.rel @p2 .LBB2_4-.Ltmp3, $2  }
0x59: {  	_ =	sdelay $0x2  }
0x5a: {  	s15 =	sshra.s32 s15, $0x2  }
0x5b: {  	[tilespmem:s15+$0x11C80] =	vst v0  }
0x5c: {  	[tilespmem:s4], [sflag:$0x3] =	stream.linear.gather [hbm4b:s22+s4], $0x4E40, $0x38;
	[tilespmem:$0x1E000] =	vst v63  }
0x5d: {  	_ =	swait.ge [sflag:s2], $0x4E40  }
0x5e: {  	[sflag:s2] =	ssyncset.done $0x0  }
0x5f: {  	[sflag:s2] =	ssyncadd.s32 $0xFFFFB1C0  }
0x60: {  	[tilespmem:s16], [sflag:$0x3] =	stream.linear.gather [hbm4b:s23+s4], $0x4E40, $0x38;
	[tilespmem:$0x1E000] =	vst v63  }
0x61: {  	_ =	swait.ge [sflag:s2], $0x4E40  }
0x62: {  	[sflag:s2] =	ssyncset.done $0x0  }
0x63: {  	s14 =	simm.s32 @p1 $0x9C80;
	s15 =	simm.s32 @p1 $0x3;
	[sflag:s2] =	ssyncadd.s32 $0xFFFFB1C0  }
0x64: {  	[spmem:s17] =	stream.linear.scatter @p1 [tilespmem:s14], [sflag:$0x3], $0x1000, $0x38;
	[tilespmem:$0x1E000] =	vst v63  }
0x65: {  	_ =	swait.ge @p1 [sflag:s15], $0x1000  }
0x66: {  	[sflag:s15] =	ssyncset.done @p1 $0x0  }
0x67: {  	s6 =	rddreg [dreg:$0x9];
	[sflag:s15] =	ssyncadd.s32 @p1 $0xFFFFF000  }
0x68: {  	[spmem:s6] =	stream.linear.scatter @p1 [tilespmem:s14], [sflag:$0x3], $0x1000, $0x38;
	[tilespmem:$0x1E000] =	vst v63  }
0x69: {  	_ =	swait.ge @p1 [sflag:s15], $0x1000  }
0x6a: {  	[sflag:s15] =	ssyncset.done @p1 $0x0  }
0x6b: {  	s6 =	rddreg [dreg:$0xb];
	[sflag:s15] =	ssyncadd.s32 @p1 $0xFFFFF000  }
0x6c: {  	[spmem:s6] =	stream.linear.scatter @p1 [tilespmem:s14], [sflag:$0x3], $0x1000, $0x38;
	[tilespmem:$0x1E000] =	vst v63  }
0x6d: {  	_ =	swait.ge @p1 [sflag:s15], $0x1000  }
0x6e: {  	[sflag:s15] =	ssyncset.done @p1 $0x0  }
0x6f: {  	s6 =	rddreg [dreg:$0xc];
	[sflag:s15] =	ssyncadd.s32 @p1 $0xFFFFF000  }
0x70: {  	[spmem:s6] =	stream.linear.scatter @p1 [tilespmem:s14], [sflag:$0x3], $0x1000, $0x38;
	[tilespmem:$0x1E000] =	vst v63  }
0x71: {  	_ =	swait.ge @p1 [sflag:s15], $0x1000  }
0x72: {  	[sflag:s15] =	ssyncset.done @p1 $0x0  }
0x73: {  	s6 =	rddreg [dreg:$0x11];
	[sflag:s15] =	ssyncadd.s32 @p1 $0xFFFFF000  }
0x74: {  	[spmem:s6] =	stream.linear.scatter @p1 [tilespmem:s14], [sflag:$0x3], $0x1000, $0x38;
	[tilespmem:$0x1E000] =	vst v63  }
0x75: {  	_ =	swait.ge @p1 [sflag:s15], $0x1000  }
0x76: {  	[sflag:s15] =	ssyncset.done @p1 $0x0  }
0x77: {  	s6 =	rddreg [dreg:$0x12];
	[sflag:s15] =	ssyncadd.s32 @p1 $0xFFFFF000  }
0x78: {  	[spmem:s6] =	stream.linear.scatter @p1 [tilespmem:s14], [sflag:$0x3], $0x1000, $0x38;
	[tilespmem:$0x1E000] =	vst v63  }
0x79: {  	_ =	swait.ge @p1 [sflag:s15], $0x1000  }
0x7a: {  	[sflag:s15] =	ssyncset.done @p1 $0x0  }
0x7b: {  	[sflag:s15] =	ssyncadd.s32 @p1 $0xFFFFF000  }
0x7c: {  	[spmem:s29] =	stream.linear.scatter @p1 [tilespmem:s14], [sflag:$0x3], $0x1000, $0x38;
	[tilespmem:$0x1E000] =	vst v63  }
0x7d: {  	_ =	swait.ge @p1 [sflag:s15], $0x1000  }
0x7e: {  	[sflag:s15] =	ssyncset.done @p1 $0x0  }
0x7f: {  	[sflag:s15] =	ssyncadd.s32 @p1 $0xFFFFF000  }
0x80: {  	[spmem:s30] =	stream.linear.scatter @p1 [tilespmem:s14], [sflag:$0x3], $0x1000, $0x38;
	[tilespmem:$0x1E000] =	vst v63  }
0x81: {  	_ =	swait.ge @p1 [sflag:s15], $0x1000  }
0x82: {  	[sflag:s15] =	ssyncset.done @p1 $0x0  }
0x83: {  	[sflag:s15] =	ssyncadd.s32 @p1 $0xFFFFF000  }
0x84: {  	[spmem:s31] =	stream.linear.scatter @p1 [tilespmem:s14], [sflag:$0x3], $0x400, $0x38;
	[tilespmem:$0x1E000] =	vst v63  }
0x85: {  	_ =	swait.ge @p1 [sflag:s15], $0x400  }
0x86: {  	[sflag:s15] =	ssyncset.done @p1 $0x0  }
0x87: {  	s14 =	simm.s32 @!p1 $0x9C80;
	[sflag:s15] =	ssyncadd.s32 @p1 $0xFFFFFC00;
	s15 =	simm.s32 @!p1 $0x3  }
0x88: {  	[spmem:s5] =	stream.linear.scatter @!p1 [tilespmem:s14], [sflag:$0x3], $0x1000, $0x38;
	[tilespmem:$0x1E000] =	vst v63  }
0x89: {  	_ =	swait.ge @!p1 [sflag:s15], $0x1000  }
0x8a: {  	[sflag:s15] =	ssyncset.done @!p1 $0x0  }
0x8b: {  	[sflag:s15] =	ssyncadd.s32 @!p1 $0xFFFFF000  }
0x8c: {  	[spmem:s24] =	stream.linear.scatter @!p1 [tilespmem:s14], [sflag:$0x3], $0x1000, $0x38;
	[tilespmem:$0x1E000] =	vst v63  }
0x8d: {  	_ =	swait.ge @!p1 [sflag:s15], $0x1000  }
0x8e: {  	[sflag:s15] =	ssyncset.done @!p1 $0x0  }
0x8f: {  	[sflag:s15] =	ssyncadd.s32 @!p1 $0xFFFFF000  }
0x90: {  	[spmem:s25] =	stream.linear.scatter @!p1 [tilespmem:s14], [sflag:$0x3], $0x1000, $0x38;
	[tilespmem:$0x1E000] =	vst v63  }
0x91: {  	_ =	swait.ge @!p1 [sflag:s15], $0x1000  }
0x92: {  	[sflag:s15] =	ssyncset.done @!p1 $0x0  }
0x93: {  	[sflag:s15] =	ssyncadd.s32 @!p1 $0xFFFFF000  }
0x94: {  	[spmem:s26] =	stream.linear.scatter @!p1 [tilespmem:s14], [sflag:$0x3], $0x1000, $0x38;
	[tilespmem:$0x1E000] =	vst v63  }
0x95: {  	_ =	swait.ge @!p1 [sflag:s15], $0x1000  }
0x96: {  	[sflag:s15] =	ssyncset.done @!p1 $0x0  }
0x97: {  	[sflag:s15] =	ssyncadd.s32 @!p1 $0xFFFFF000  }
0x98: {  	[spmem:s28] =	stream.linear.scatter @!p1 [tilespmem:s14], [sflag:$0x3], $0x1000, $0x38;
	[tilespmem:$0x1E000] =	vst v63  }
0x99: {  	_ =	swait.ge @!p1 [sflag:s15], $0x1000  }
0x9a: {  	[sflag:s15] =	ssyncset.done @!p1 $0x0  }
0x9b: {  	s6 =	rddreg [dreg:$0x4];
	[sflag:s15] =	ssyncadd.s32 @!p1 $0xFFFFF000  }
0x9c: {  	[spmem:s6] =	stream.linear.scatter @!p1 [tilespmem:s14], [sflag:$0x3], $0x1000, $0x38;
	[tilespmem:$0x1E000] =	vst v63  }
0x9d: {  	_ =	swait.ge @!p1 [sflag:s15], $0x1000  }
0x9e: {  	[sflag:s15] =	ssyncset.done @!p1 $0x0  }
0x9f: {  	s6 =	rddreg [dreg:$0x5];
	[sflag:s15] =	ssyncadd.s32 @!p1 $0xFFFFF000  }
0xa0: {  	[spmem:s6] =	stream.linear.scatter @!p1 [tilespmem:s14], [sflag:$0x3], $0x1000, $0x38;
	[tilespmem:$0x1E000] =	vst v63  }
0xa1: {  	_ =	swait.ge @!p1 [sflag:s15], $0x1000  }
0xa2: {  	[sflag:s15] =	ssyncset.done @!p1 $0x0  }
0xa3: {  	s6 =	rddreg [dreg:$0x6];
	[sflag:s15] =	ssyncadd.s32 @!p1 $0xFFFFF000  }
0xa4: {  	[spmem:s6] =	stream.linear.scatter @!p1 [tilespmem:s14], [sflag:$0x3], $0x1000, $0x38;
	[tilespmem:$0x1E000] =	vst v63  }
0xa5: {  	_ =	swait.ge @!p1 [sflag:s15], $0x1000  }
0xa6: {  	[sflag:s15] =	ssyncset.done @!p1 $0x0  }
0xa7: {  	s6 =	rddreg [dreg:$0x7];
	[sflag:s15] =	ssyncadd.s32 @!p1 $0xFFFFF000  }
0xa8: {  	[spmem:s6] =	stream.linear.scatter @!p1 [tilespmem:s14], [sflag:$0x3], $0x1000, $0x38;
	[tilespmem:$0x1E000] =	vst v63  }
0xa9: {  	_ =	swait.ge @!p1 [sflag:s15], $0x1000  }
0xaa: {  	[sflag:s15] =	ssyncset.done @!p1 $0x0  }
0xab: {  	s6 =	rddreg [dreg:$0x8];
	[sflag:s15] =	ssyncadd.s32 @!p1 $0xFFFFF000  }
0xac: {  	[spmem:s6] =	stream.linear.scatter @!p1 [tilespmem:s14], [sflag:$0x3], $0xE00, $0x38;
	[tilespmem:$0x1E000] =	vst v63  }
.Ltmp4:
0xad: {  	_ =	swait.ge @!p1 [sflag:s15], $0xE00;
	(pc) =	sbr.rel @p0 .LBB2_8-.Ltmp4, $3  }
0xae: {  	[sflag:s15] =	ssyncset.done @!p1 $0x0  }
0xaf: {  	[sflag:s15] =	ssyncadd.s32 @!p1 $0xFFFFF200  }
0xb0: {  	[bflag:$0x0] =	sbarrier.arrive $0xFFFF;
	_ =	sdelay $0x1  }
0xb1: {  	s14 =	simm.s32 $0x0  }
0xb2: {  	[tilespmem:s8], [sflag:$0x1] =	stream.indirect.gather [hbm4b:s1+s7], $0x40, s14, s7, $0xb8;
	[tilespmem:$0x1E000] =	vst v63  }
0xb3: {  	_ = 	snop  }
0xb4: {  	[tilespmem:s9], [sflag:$0x1] =	stream.indirect.gather [hbm4b:s1+s7], $0x40, s7, s7, $0xb8;
	[tilespmem:$0x1E000] =	vst v63  }
0xb5: {  	s6 =	simm.s32 $0x80;
	s15 =	simm.s32 $0xBC80  }
0xb6: {  	[tilespmem:s15], [sflag:$0x1] =	stream.indirect.gather [hbm4b:s1+s7], $0x40, s6, s7, $0xb8;
	[tilespmem:$0x1E000] =	vst v63  }
0xb7: {  	s19 =	simm.s32 $0xC0;
	s20 =	simm.s32 $0xCC80  }
0xb8: {  	[tilespmem:s20], [sflag:$0x1] =	stream.indirect.gather [hbm4b:s1+s7], $0x40, s19, s7, $0xb8;
	[tilespmem:$0x1E000] =	vst v63  }
0xb9: {  	s18 =	simm.s32 $0xDC80;
	s15 =	simm.s32 $0x100  }
0xba: {  	[tilespmem:s18], [sflag:$0x1] =	stream.indirect.gather [hbm4b:s1+s7], $0x40, s15, s7, $0xb8;
	[tilespmem:$0x1E000] =	vst v63  }
0xbb: {  	s19 =	simm.s32 $0x140;
	s20 =	simm.s32 $0xEC80  }
0xbc: {  	[tilespmem:s20], [sflag:$0x1] =	stream.indirect.gather [hbm4b:s1+s7], $0x40, s19, s7, $0xb8;
	[tilespmem:$0x1E000] =	vst v63  }
0xbd: {  	_ =	swait.ge [sflag:s10], $0x1000  }
0xbe: {  	[sflag:s10] =	ssyncset.done $0x0  }
0xbf: {  	[sflag:s10] =	ssyncadd.s32 $0xFFFFF000  }
0xc0: {  	[spmem:s3] =	stream.indirect.scatter.add.f32 [tilespmem:s8], [sflag:$0x2], $0x40, s16, s7, $0xb8;
	[tilespmem:$0x1E000] =	vst v63  }
0xc1: {  	v2 =	vld [tilespmem:$0x4E40];
	_ =	sdelay $0x7  }
0xc2: {  	[tilespmem:v2+s11+$0x0] =	vst.idx.add.f32.msk $0xffff, v1  }
0xc3: {  	v2 =	vld [tilespmem:$0x4E50];
	_ =	sdelay $0x7  }
0xc4: {  	[tilespmem:v2+s11+$0x0] =	vst.idx.add.f32.msk $0xffff, v1  }
0xc5: {  	v2 =	vld [tilespmem:$0x4E60];
	_ =	sdelay $0x7  }
0xc6: {  	[tilespmem:v2+s11+$0x0] =	vst.idx.add.f32.msk $0xffff, v1  }
0xc7: {  	v2 =	vld [tilespmem:$0x4E70];
	_ =	sdelay $0x7  }
0xc8: {  	s15 =	simm.s32 $0x180;
	s16 =	simm.s32 $0xFC80;
	[tilespmem:v2+s11+$0x0] =	vst.idx.add.f32.msk $0xffff, v1  }
0xc9: {  	[tilespmem:s16], [sflag:$0x1] =	stream.indirect.gather [hbm4b:s1+s7], $0x40, s15, s7, $0xb8;
	[tilespmem:$0x1E000] =	vst v63  }
0xca: {  	_ =	swait.ge [sflag:s10], $0x1000  }
0xcb: {  	[sflag:s10] =	ssyncset.done $0x0  }
0xcc: {  	s18 =	simm.s32 $0x4E80;
	[sflag:s10] =	ssyncadd.s32 $0xFFFFF000  }
0xcd: {  	[spmem:s3] =	stream.indirect.scatter.add.f32 [tilespmem:s9], [sflag:$0x2], $0x40, s18, s7, $0xb8;
	[tilespmem:$0x1E000] =	vst v63  }
0xce: {  	v2 =	vld [tilespmem:$0x4E80];
	_ =	sdelay $0x7  }
0xcf: {  	[tilespmem:v2+s11+$0x0] =	vst.idx.add.f32.msk $0xffff, v1  }
0xd0: {  	v2 =	vld [tilespmem:$0x4E90];
	_ =	sdelay $0x7  }
0xd1: {  	[tilespmem:v2+s11+$0x0] =	vst.idx.add.f32.msk $0xffff, v1  }
0xd2: {  	v2 =	vld [tilespmem:$0x4EA0];
	_ =	sdelay $0x7  }
0xd3: {  	[tilespmem:v2+s11+$0x0] =	vst.idx.add.f32.msk $0xffff, v1  }
0xd4: {  	v2 =	vld [tilespmem:$0x4EB0];
	_ =	sdelay $0x6  }
0xd5: {  	s19 =	simm.s32 $0x1C0  }
0xd6: {  	s20 =	simm.s32 $0x10C80;
	s15 =	simm.s32 $0x2;
	s16 =	simm.s32 $0x20000;
	[tilespmem:v2+s11+$0x0] =	vst.idx.add.f32.msk $0xffff, v1  }
0xd7: {  	[tilespmem:s20], [sflag:$0x1] =	stream.indirect.gather [hbm4b:s1+s7], $0x40, s19, s7, $0xb8;
	[tilespmem:$0x1E000] =	vst v63  }
.LBB2_7:
0xd8: {  	s18 =	sadd.s32 $0xFFFE8000, s16  }
0xd9: {  	_ =	swait.ge [sflag:s10], $0x1000;
	s18 =	sand.u32 $0x1C000, s18  }
0xda: {  	s19 =	sshra.s32 s14, $0x2;
	[sflag:s10] =	ssyncset.done $0x0;
	s18 =	sshrl.u32 s18, $0x2  }
0xdb: {  	s20 =	sadd.s32 $0x4EC0, s19;
	[sflag:s10] =	ssyncadd.s32 $0xFFFFF000;
	s18 =	sadd.s32 $0x9C80, s18  }
0xdc: {  	[spmem:s3] =	stream.indirect.scatter.add.f32 [tilespmem:s18], [sflag:$0x2], $0x40, s20, s7, $0xb8;
	[tilespmem:$0x1E000] =	vst v63  }
0xdd: {  	v2 =	vld [tilespmem:s19+$0x4EC0];
	_ =	sdelay $0x7  }
0xde: {  	[tilespmem:v2+s11+$0x0] =	vst.idx.add.f32.msk $0xffff, v1  }
0xdf: {  	v2 =	vld [tilespmem:s19+$0x4ED0];
	_ =	sdelay $0x7  }
0xe0: {  	[tilespmem:v2+s11+$0x0] =	vst.idx.add.f32.msk $0xffff, v1  }
0xe1: {  	v2 =	vld [tilespmem:s19+$0x4EE0];
	_ =	sdelay $0x7  }
0xe2: {  	[tilespmem:v2+s11+$0x0] =	vst.idx.add.f32.msk $0xffff, v1  }
0xe3: {  	v2 =	vld [tilespmem:s19+$0x4EF0];
	_ =	sdelay $0x6  }
0xe4: {  	p2 =	sgt.u32 s15, $0x132  }
0xe5: {  	s18 =	simm.s32 @!p2 $0x2;
	[tilespmem:v2+s11+$0x0] =	vst.idx.add.f32.msk $0xffff, v1  }
0xe6: {  	_ =	swait.ge @!p2 [sflag:s18], $0x1000  }
0xe7: {  	s20 =	simm.s32 @!p2 $0x40;
	s19 =	sand.u32 @!p2 $0x1C000, s16;
	[sflag:s18] =	ssyncset.done @!p2 $0x0  }
0xe8: {  	[sflag:s18] =	ssyncadd.s32 @!p2 $0xFFFFF000;
	s18 =	sshrl.u32 @!p2 s19, $0x2;
	s19 =	sshra.s32 @!p2 s14, $0x2  }
0xe9: {  	s14 =	sadd.s32 $0x100, s14;
	s18 =	sadd.s32 @!p2 $0x9C80, s18;
	s19 =	sadd.s32 @!p2 $0x200, s19  }
0xea: {  	[tilespmem:s18], [sflag:$0x1] =	stream.indirect.gather @!p2 [hbm4b:s1+s20], $0x40, s19, s20, $0xb8;
	[tilespmem:$0x1E000] =	vst v63  }
0xeb: {  	p2 =	seq.s32 s14, $0x13700  }
.Ltmp5:
0xec: {  	_ = 	snop;
	(pc) =	sbr.rel @!p2 .LBB2_7-.Ltmp5, $2  }
0xed: {  	_ =	sdelay $0x2  }
0xee: {  	s15 =	sadd.s32 $0x1, s15;
	s16 =	sadd.s32 $0x4000, s16  }
.Ltmp6:
0xef: {  	_ = 	snop;
	(pc) =	sbr.rel .LBB2_11-.Ltmp6, $1  }
0xf0: {  	_ =	sdelay $0x3  }
.LBB2_8:
0xf1: {  	[tilespmem:s8], [sflag:$0x1] =	stream.indirect.gather [hbm4b:s0+s7], $0x40, s4, s7, $0xb8;
	[tilespmem:$0x1E000] =	vst v63  }
0xf2: {  	s6 =	smov.u32 s28;
	s28 =	smov.u32 s26  }
0xf3: {  	[tilespmem:s9], [sflag:$0x1] =	stream.indirect.gather [hbm4b:s0+s7], $0x40, s7, s7, $0xb8;
	[tilespmem:$0x1E000] =	vst v63  }
0xf4: {  	s26 =	smov.u32 s25;
	s14 =	simm.s32 $0x80;
	s15 =	simm.s32 $0xBC80  }
0xf5: {  	[tilespmem:s15], [sflag:$0x1] =	stream.indirect.gather [hbm4b:s0+s7], $0x40, s14, s7, $0xb8;
	[tilespmem:$0x1E000] =	vst v63  }
0xf6: {  	s25 =	smov.u32 s24;
	s18 =	simm.s32 $0xCC80;
	s15 =	simm.s32 $0xC0  }
0xf7: {  	[tilespmem:s18], [sflag:$0x1] =	stream.indirect.gather [hbm4b:s0+s7], $0x40, s15, s7, $0xb8;
	[tilespmem:$0x1E000] =	vst v63  }
0xf8: {  	s24 =	smov.u32 s23;
	s19 =	simm.s32 $0x100;
	s20 =	simm.s32 $0xDC80  }
0xf9: {  	[tilespmem:s20], [sflag:$0x1] =	stream.indirect.gather [hbm4b:s0+s7], $0x40, s19, s7, $0xb8;
	[tilespmem:$0x1E000] =	vst v63  }
0xfa: {  	s23 =	smov.u32 s22;
	s21 =	simm.s32 $0x140;
	s22 =	simm.s32 $0xEC80  }
0xfb: {  	[tilespmem:s22], [sflag:$0x1] =	stream.indirect.gather [hbm4b:s0+s7], $0x40, s21, s7, $0xb8;
	[tilespmem:$0x1E000] =	vst v63  }
0xfc: {  	_ =	swait.ge [sflag:s10], $0x1000  }
0xfd: {  	[sflag:s10] =	ssyncset.done $0x0  }
0xfe: {  	[sflag:s10] =	ssyncadd.s32 $0xFFFFF000  }
0xff: {  	[spmem:s3] =	stream.indirect.scatter.add.f32 [tilespmem:s8], [sflag:$0x2], $0x40, s16, s7, $0xb8;
	[tilespmem:$0x1E000] =	vst v63  }
0x100: {  	s18 =	simm.s32 $0xFC80;
	s16 =	simm.s32 $0x180  }
0x101: {  	[tilespmem:s18], [sflag:$0x1] =	stream.indirect.gather [hbm4b:s0+s7], $0x40, s16, s7, $0xb8;
	[tilespmem:$0x1E000] =	vst v63  }
0x102: {  	_ =	swait.ge [sflag:s10], $0x1000  }
0x103: {  	p2 =	por $0x0, $0x0;
	[sflag:s10] =	ssyncset.done $0x0  }
0x104: {  	s14 =	simm.s32 $0x20000;
	s19 =	simm.s32 $0x4E80;
	[sflag:s10] =	ssyncadd.s32 $0xFFFFF000  }
0x105: {  	[spmem:s3] =	stream.indirect.scatter.add.f32 [tilespmem:s9], [sflag:$0x2], $0x40, s19, s7, $0xb8;
	[tilespmem:$0x1E000] =	vst v63  }
0x106: {  	s20 =	simm.s32 $0x1C0;
	s21 =	simm.s32 $0x10C80;
	s22 =	simm.s32 $0x8000  }
0x107: {  	[tilespmem:s21], [sflag:$0x1] =	stream.indirect.gather [hbm4b:s0+s7], $0x40, s20, s7, $0xb8;
	[tilespmem:$0x1E000] =	vst v63  }
0x108: {  	s15 =	simm.s32 $0x200;
	s19 =	sand.u32 $0x1C000, s22;
	_ =	swait.ge [sflag:s10], $0x1000  }
0x109: {  	s18 =	simm.s32 $0x4EC0;
	s19 =	sshrl.u32 s19, $0x2;
	[sflag:s10] =	ssyncset.done $0x0  }
0x10a: {  	s16 =	simm.s32 $0x3;
	s19 =	sadd.s32 $0x9C80, s19;
	[sflag:s10] =	ssyncadd.s32 $0xFFFFF000  }
0x10b: {  	[spmem:s3] =	stream.indirect.scatter.add.f32 [tilespmem:s19], [sflag:$0x2], $0x40, s18, s7, $0xb8;
	[tilespmem:$0x1E000] =	vst v63  }
0x10c: {  	s22 =	simm.s32 @!p2 $0x40;
	s20 =	simm.s32 @!p2 $0x2;
	s19 =	sand.u32 @!p2 $0x1C000, s14  }
0x10d: {  	s18 =	simm.s32 $0x4F00;
	_ =	swait.ge @!p2 [sflag:s20], $0x1000;
	s21 =	sshrl.u32 @!p2 s19, $0x2  }
0x10e: {  	s19 =	simm.s32 $0x240;
	[sflag:s20] =	ssyncset.done @!p2 $0x0;
	s21 =	sadd.s32 @!p2 $0x9C80, s21  }
.LBB2_9:
0x10f: {  	[sflag:s20] =	ssyncadd.s32 @!p2 $0xFFFFF000  }
0x110: {  	s14 =	sadd.s32 $0x4000, s14;
	s20 =	smov.u32 s16;
	s16 =	sadd.s32 $0x1, s16  }
0x111: {  	[tilespmem:s21], [sflag:$0x1] =	stream.indirect.gather @!p2 [hbm4b:s0+s22], $0x40, s15, s22, $0xb8;
	[tilespmem:$0x1E000] =	vst v63  }
0x112: {  	p3 =	sne.s32 s16, $0x139;
	s15 =	smov.u32 s19  }
0x113: {  	s21 =	sadd.s32 $0xFFFE8000, s14  }
0x114: {  	s21 =	sand.u32 $0x1C000, s21;
	_ =	swait.ge [sflag:s10], $0x1000  }
0x115: {  	p2 =	sgt.u32 s20, $0x132;
	s21 =	sshrl.u32 s21, $0x2;
	[sflag:s10] =	ssyncset.done $0x0  }
.Ltmp7:
0x116: {  	s21 =	sadd.s32 $0x9C80, s21;
	[sflag:s10] =	ssyncadd.s32 $0xFFFFF000;
	(pc) =	sbr.rel @p3 .LBB2_9-.Ltmp7, $4  }
0x117: {  	[spmem:s3] =	stream.indirect.scatter.add.f32 [tilespmem:s21], [sflag:$0x2], $0x40, s18, s7, $0xb8;
	[tilespmem:$0x1E000] =	vst v63  }
0x118: {  	s20 =	simm.s32 @!p2 $0x2;
	s21 =	sand.u32 @!p2 $0x1C000, s14;
	s18 =	sadd.s32 $0x40, s18  }
0x119: {  	s19 =	sadd.s32 $0x40, s19;
	s21 =	sshrl.u32 @!p2 s21, $0x2;
	_ =	swait.ge @!p2 [sflag:s20], $0x1000  }
0x11a: {  	s22 =	simm.s32 @!p2 $0x40;
	s21 =	sadd.s32 @!p2 $0x9C80, s21;
	[sflag:s20] =	ssyncset.done @!p2 $0x0  }
.Ltmp8:
0x11b: {  	_ = 	snop;
	(pc) =	sbr.rel .LBB2_10-.Ltmp8, $1  }
0x11c: {  	_ =	sdelay $0x3  }
.LBB2_12:
0x11d: {  	_ =	sfence.sel $0x180000  }
0x11e: {  	[bflag:$0x0] =	sbarrier.arrive $0xFFFF  }
0x11f: {  	_ =	strace $0x90000047  }
0x120: {  	[bflag:$0x2] =	sbarrier.arrive $0xFFFF  }
0x121: {  	p0 =	sne.s32 s21, $0x0;
	s0 =	rddreg [dreg:$0x3]  }
0x122: {  	s0 =	sadd.s32 @!p0 $0x100000, s0  }
0x123: {  	[sflag:s0] =	ssyncadd.tile.s32 @!p0 $0x1;
	_ =	shalt  }
.Lfunc_end2:
_tile_overlayer_lowered:
.L_overlay_start_2:
0x124: {  	(tag) =	ssettag $0x2  }
0x125: {  	s0 =	rddreg [dreg:$0x0];
	s2 =	stileid.u32  }
0x126: {  	s1 =	rddreg [dreg:$0x1];
	p0 =	sne.s32 s2, $0x0  }
0x127: {  	s3 =	rddreg [dreg:$0x2];
	[bflag:$0x3] =	sbarrier.arrive $0xFFFF;
	s2 =	simm.s32 @!p0 $0x1C03  }
0x128: {  	[timem:s3], [sflag:s2] =	dma.local @!p0 [hbm:s0], s1  }
0x129: {  	s0 =	simm.s32 @!p0 $0x3  }
0x12a: {  	_ =	swait.ge @!p0 [sflag:s0], s1  }
0x12b: {  	s1 =	ssub.s32 @!p0 $0x0, s1;
	[sflag:s0] =	ssyncset.done @!p0 $0x0  }
0x12c: {  	[sflag:s0] =	ssyncadd.s32 @!p0 s1  }
0x12d: {  	[bflag:$0x3] =	sbarrier.arrive $0xFFFF  }
0x12e: {  	_ =	shalt  }

</sc_bundles>
